<compile_context>
chip_gen: v7x
topology: tpu7x:2x2x1
jax: 0.10.2.dev20260603
libtpu: 0.0.44.dev20260713+nightly
codegen_flags: <defaults>
</compile_context>

<pallas_src>
import jax
import jax.numpy as jnp
from jax import lax
from jax.experimental import pallas as pl
from jax.experimental.pallas import tpu as pltpu
from jax.experimental.pallas import tpu_sc as plsc

B, D, H, W = 16, 8, 56, 56
M = D * H * W
WA = H * W
HW = WA // 2
PATHS = ((4, 2), (8, 3), (12, 4))
NPG = sum(p for p, _ in PATHS)
NOUT = NPG * WA
LMAX = 4

_PATH_OF = []
_row = 0
for _t, (_P, _L) in enumerate(PATHS):
    for _p in range(_P):
        _PATH_OF.append((_L, _row))
        _row += _L


def _sc_body(x_hbm, idx_hbm, out_hbm,
             tab_v, idx_v, out_v, sem_t, sem_i0, sem_i1, sem_i2, sem_i3,
             sem_o):
    sem_i = (sem_i0, sem_i1, sem_i2, sem_i3)
    b = lax.axis_index("s")
    h = lax.axis_index("c")
    w0 = h * HW

    tab_h = pltpu.async_copy(x_hbm.at[pl.ds(b * M, M)], tab_v, sem_t)

    def fire_idx(pg):
        L, row = _PATH_OF[pg]
        pk = pg % 4
        return pltpu.async_copy(
            idx_hbm.at[pl.ds(row, L), pl.ds(w0, HW)],
            idx_v.at[pk, pl.ds(0, L)], sem_i[pk])

    def compute(pg):
        L, row = _PATH_OF[pg]
        pk = pg % 4

        @plsc.parallel_loop(0, HW, 16, unroll=7)
        def body(g):
            s = pl.ds(g, 16)
            v = plsc.load_gather(tab_v, [idx_v[pk, 0, s]])
            for l in range(1, L):
                v = jnp.maximum(v, plsc.load_gather(tab_v, [idx_v[pk, l, s]]))
            out_v[pk, s] = 1.0 - v

    def fire_out(pg):
        pk = pg % 4
        return pltpu.async_copy(out_v.at[pk],
                                out_hbm.at[b, pg, pl.ds(w0, HW)], sem_o)

    idx_h = {pg: fire_idx(pg) for pg in range(3)}
    out_h = {}
    tab_waited = False
    for pg in range(NPG):
        if pg + 3 < NPG:
            idx_h[pg + 3] = fire_idx(pg + 3)
        idx_h.pop(pg).wait()
        if not tab_waited:
            tab_h.wait()
            tab_waited = True
        if pg - 4 in out_h:
            out_h.pop(pg - 4).wait()
        compute(pg)
        out_h[pg] = fire_out(pg)
    for hnd in out_h.values():
        hnd.wait()


@jax.jit
def _sc_call(x_flat, idx_all):
    mesh = plsc.VectorSubcoreMesh(core_axis_name="c", subcore_axis_name="s")
    return pl.kernel(
        _sc_body,
        out_type=jax.ShapeDtypeStruct((B, NPG, WA), jnp.float32),
        mesh=mesh,
        scratch_types=[
            pltpu.VMEM((M,), jnp.float32),
            pltpu.VMEM((4, LMAX, HW), jnp.int32),
            pltpu.VMEM((4, HW), jnp.float32),
            pltpu.SemaphoreType.DMA,
            pltpu.SemaphoreType.DMA,
            pltpu.SemaphoreType.DMA,
            pltpu.SemaphoreType.DMA,
            pltpu.SemaphoreType.DMA,
            pltpu.SemaphoreType.DMA,
        ],
        compiler_params=pltpu.CompilerParams(
            use_tc_tiling_on_sc=False, needs_layout_passes=False),
    )(x_flat, idx_all)


def kernel(x, path_indices_0, path_indices_1, path_indices_2):
    idx_all = jnp.concatenate(
        [path_indices_0.reshape(-1, WA),
         path_indices_1.reshape(-1, WA),
         path_indices_2.reshape(-1, WA)], axis=0)
    return _sc_call(x.reshape(-1), idx_all)

# --- scband reference (transcript-rebuilt; emitter-appended) ---
"""Pipeline reference for scband-affinity-displacement-54090818125897 (READ-ONLY COPY).

The authoritative reference and input builder live on the scoring server;
editing this copy changes nothing except your own understanding.
"""

import jax, jax.numpy as jnp
import numpy as np

# PSA-style affinity: 448x448 image -> 56x56 feature map, D=8 displacement channels.
B, D, H, W = 16, 8, 56, 56
M = D * H * W          # 25088 flattened edge entries per sample
WA = H * W             # 3136 affinity positions
PATH_SHAPES = [(4, 2, WA), (8, 3, WA), (12, 4, WA)]  # (n_paths, path_len, W_aff) per path type


def setup_inputs(seed: int = 0) -> dict:
    key = jax.random.key(seed)
    kx, k0, k1, k2 = jax.random.split(key, 4)
    x = jax.random.normal(kx, (B, D, H, W), dtype=jnp.float32)
    p0 = jax.random.randint(k0, PATH_SHAPES[0], 0, M)
    p1 = jax.random.randint(k1, PATH_SHAPES[1], 0, M)
    p2 = jax.random.randint(k2, PATH_SHAPES[2], 0, M)
    return {"x": x, "path_indices_0": p0, "path_indices_1": p1, "path_indices_2": p2}


def reference(x, path_indices_0, path_indices_1, path_indices_2):
    # edge_to_affinity: flatten, gather along paths, max-reduce over path length, 1 - max.
    edge = x.reshape(x.shape[0], -1)  # [B, M]
    aff_list = []
    for ind in (path_indices_0, path_indices_1, path_indices_2):
        P, L, Wa = ind.shape
        dist = jnp.take(edge, ind.reshape(-1), axis=1)          # gather: [B, P*L*Wa]
        dist = dist.reshape(edge.shape[0], P, L, Wa)            # [B, P, L, Wa]
        # F.max_pool2d with kernel (L, 1) == max over axis 2 (segment max over path length)
        aff = 1.0 - jnp.max(dist, axis=2)                        # [B, P, Wa]
        aff_list.append(aff)
    return jnp.concatenate(aff_list, axis=1)                    # [B, sum(P_i)=24, 3136]

if __name__ == "__main__":
    import jax
    _d = setup_inputs()
    print(jax.jit(kernel)(*tuple(_d.values())))

</pallas_src>

<mosaic_0001>
#map = affine_map<(d0, d1) -> (0)>
#map1 = affine_map<(d0, d1) -> (0, 0)>
#map2 = affine_map<(d0, d1) -> (0, 0, 0)>
module attributes {stable_mosaic.version = 14 : i64} {
  func.func @_sc_body(%arg0: i32, %arg1: i32, %arg2: memref<401408xf32, #tpu.memory_space<hbm>>, %arg3: memref<80x3136xi32, #tpu.memory_space<hbm>>, %arg4: memref<16x24x3136xf32, #tpu.memory_space<hbm>>, %arg5: memref<25088xf32, #tpu.memory_space<vmem>>, %arg6: memref<4x4x1568xi32, #tpu.memory_space<vmem>>, %arg7: memref<4x1568xf32, #tpu.memory_space<vmem>>, %arg8: memref<!tpu.dma_semaphore, #tpu.memory_space<semaphore_mem>>, %arg9: memref<!tpu.dma_semaphore, #tpu.memory_space<semaphore_mem>>, %arg10: memref<!tpu.dma_semaphore, #tpu.memory_space<semaphore_mem>>, %arg11: memref<!tpu.dma_semaphore, #tpu.memory_space<semaphore_mem>>, %arg12: memref<!tpu.dma_semaphore, #tpu.memory_space<semaphore_mem>>, %arg13: memref<!tpu.dma_semaphore, #tpu.memory_space<semaphore_mem>>) attributes {dimension_semantics = [#tpu.dimension_semantics<core_parallel>, #tpu.dimension_semantics<subcore_parallel>], iteration_bounds = array<i64: 2, 16>, scalar_prefetch = 0 : i64, scratch_operands = 9 : i64, tpu.core_type = #tpu.core_type<sc_vector_subcore>, window_params = [{transform_indices = #map}, {transform_indices = #map1}, {transform_indices = #map2}]} {
    %mul3A = arith.constant 1568 : i32
    %mul3A_0 = arith.muli %arg0, %mul3A : i32
    %mul3A_1 = arith.constant 25088 : i32
    %mul3A_2 = arith.muli %arg1, %mul3A_1 : i32
    %dma_start3A = tpu.memref_slice %arg2[%mul3A_2] : memref<401408xf32, #tpu.memory_space<hbm>> -> memref<25088xf32, #tpu.memory_space<hbm>>
    %dma_start3A_3 = tpu.memref_slice %arg2[%mul3A_2] : memref<401408xf32, #tpu.memory_space<hbm>> -> memref<25088xf32, #tpu.memory_space<hbm>>
    tpu.enqueue_dma source(%dma_start3A_3 : memref<25088xf32, #tpu.memory_space<hbm>>) target(%arg5 : memref<25088xf32, #tpu.memory_space<vmem>>) target_semaphore(%arg8 : memref<!tpu.dma_semaphore, #tpu.memory_space<semaphore_mem>>)
    %dma_start3A_4 = arith.constant 0 : i32
    %dma_start3A_5 = arith.constant 0 : i32
    %dma_start3A_6 = arith.constant 0 : i32
    %dma_start3A_7 = tpu.memref_slice %arg6[%dma_start3A_4, %dma_start3A_5, %dma_start3A_6] : memref<4x4x1568xi32, #tpu.memory_space<vmem>> -> memref<1x2x1568xi32, #tpu.memory_space<vmem>>
    %dma_start3A_8 = tpu.memref_squeeze %dma_start3A_7 : memref<1x2x1568xi32, #tpu.memory_space<vmem>> -> memref<2x1568xi32, #tpu.memory_space<vmem>>
    %dma_start3A_9 = arith.constant 0 : i32
    %dma_start3A_10 = tpu.memref_slice %arg3[%dma_start3A_9, %mul3A_0] : memref<80x3136xi32, #tpu.memory_space<hbm>> -> memref<2x1568xi32, #tpu.memory_space<hbm>>
    %dma_start3A_11 = arith.constant 0 : i32
    %dma_start3A_12 = arith.constant 0 : i32
    %dma_start3A_13 = tpu.memref_slice %arg6[%dma_start3A_4, %dma_start3A_11, %dma_start3A_12] : memref<4x4x1568xi32, #tpu.memory_space<vmem>> -> memref<1x2x1568xi32, #tpu.memory_space<vmem>>
    %dma_start3A_14 = tpu.memref_squeeze %dma_start3A_13 : memref<1x2x1568xi32, #tpu.memory_space<vmem>> -> memref<2x1568xi32, #tpu.memory_space<vmem>>
    %dma_start3A_15 = arith.constant 0 : i32
    %dma_start3A_16 = tpu.memref_slice %arg3[%dma_start3A_15, %mul3A_0] : memref<80x3136xi32, #tpu.memory_space<hbm>> -> memref<2x1568xi32, #tpu.memory_space<hbm>>
    tpu.enqueue_dma source(%dma_start3A_16 : memref<2x1568xi32, #tpu.memory_space<hbm>>) target(%dma_start3A_14 : memref<2x1568xi32, #tpu.memory_space<vmem>>) target_semaphore(%arg9 : memref<!tpu.dma_semaphore, #tpu.memory_space<semaphore_mem>>)
    %dma_start3A_17 = arith.constant 1 : i32
    %dma_start3A_18 = arith.constant 0 : i32
    %dma_start3A_19 = arith.constant 0 : i32
    %dma_start3A_20 = tpu.memref_slice %arg6[%dma_start3A_17, %dma_start3A_18, %dma_start3A_19] : memref<4x4x1568xi32, #tpu.memory_space<vmem>> -> memref<1x2x1568xi32, #tpu.memory_space<vmem>>
    %dma_start3A_21 = tpu.memref_squeeze %dma_start3A_20 : memref<1x2x1568xi32, #tpu.memory_space<vmem>> -> memref<2x1568xi32, #tpu.memory_space<vmem>>
    %dma_start3A_22 = arith.constant 2 : i32
    %dma_start3A_23 = tpu.memref_slice %arg3[%dma_start3A_22, %mul3A_0] : memref<80x3136xi32, #tpu.memory_space<hbm>> -> memref<2x1568xi32, #tpu.memory_space<hbm>>
    %dma_start3A_24 = arith.constant 0 : i32
    %dma_start3A_25 = arith.constant 0 : i32
    %dma_start3A_26 = tpu.memref_slice %arg6[%dma_start3A_17, %dma_start3A_24, %dma_start3A_25] : memref<4x4x1568xi32, #tpu.memory_space<vmem>> -> memref<1x2x1568xi32, #tpu.memory_space<vmem>>
    %dma_start3A_27 = tpu.memref_squeeze %dma_start3A_26 : memref<1x2x1568xi32, #tpu.memory_space<vmem>> -> memref<2x1568xi32, #tpu.memory_space<vmem>>
    %dma_start3A_28 = arith.constant 2 : i32
    %dma_start3A_29 = tpu.memref_slice %arg3[%dma_start3A_28, %mul3A_0] : memref<80x3136xi32, #tpu.memory_space<hbm>> -> memref<2x1568xi32, #tpu.memory_space<hbm>>
    tpu.enqueue_dma source(%dma_start3A_29 : memref<2x1568xi32, #tpu.memory_space<hbm>>) target(%dma_start3A_27 : memref<2x1568xi32, #tpu.memory_space<vmem>>) target_semaphore(%arg10 : memref<!tpu.dma_semaphore, #tpu.memory_space<semaphore_mem>>)
    %dma_start3A_30 = arith.constant 2 : i32
    %dma_start3A_31 = arith.constant 0 : i32
    %dma_start3A_32 = arith.constant 0 : i32
    %dma_start3A_33 = tpu.memref_slice %arg6[%dma_start3A_30, %dma_start3A_31, %dma_start3A_32] : memref<4x4x1568xi32, #tpu.memory_space<vmem>> -> memref<1x2x1568xi32, #tpu.memory_space<vmem>>
    %dma_start3A_34 = tpu.memref_squeeze %dma_start3A_33 : memref<1x2x1568xi32, #tpu.memory_space<vmem>> -> memref<2x1568xi32, #tpu.memory_space<vmem>>
    %dma_start3A_35 = arith.constant 4 : i32
    %dma_start3A_36 = tpu.memref_slice %arg3[%dma_start3A_35, %mul3A_0] : memref<80x3136xi32, #tpu.memory_space<hbm>> -> memref<2x1568xi32, #tpu.memory_space<hbm>>
    %dma_start3A_37 = arith.constant 0 : i32
    %dma_start3A_38 = arith.constant 0 : i32
    %dma_start3A_39 = tpu.memref_slice %arg6[%dma_start3A_30, %dma_start3A_37, %dma_start3A_38] : memref<4x4x1568xi32, #tpu.memory_space<vmem>> -> memref<1x2x1568xi32, #tpu.memory_space<vmem>>
    %dma_start3A_40 = tpu.memref_squeeze %dma_start3A_39 : memref<1x2x1568xi32, #tpu.memory_space<vmem>> -> memref<2x1568xi32, #tpu.memory_space<vmem>>
    %dma_start3A_41 = arith.constant 4 : i32
    %dma_start3A_42 = tpu.memref_slice %arg3[%dma_start3A_41, %mul3A_0] : memref<80x3136xi32, #tpu.memory_space<hbm>> -> memref<2x1568xi32, #tpu.memory_space<hbm>>
    tpu.enqueue_dma source(%dma_start3A_42 : memref<2x1568xi32, #tpu.memory_space<hbm>>) target(%dma_start3A_40 : memref<2x1568xi32, #tpu.memory_space<vmem>>) target_semaphore(%arg11 : memref<!tpu.dma_semaphore, #tpu.memory_space<semaphore_mem>>)
    %dma_start3A_43 = arith.constant 3 : i32
    %dma_start3A_44 = arith.constant 0 : i32
    %dma_start3A_45 = arith.constant 0 : i32
    %dma_start3A_46 = tpu.memref_slice %arg6[%dma_start3A_43, %dma_start3A_44, %dma_start3A_45] : memref<4x4x1568xi32, #tpu.memory_space<vmem>> -> memref<1x2x1568xi32, #tpu.memory_space<vmem>>
    %dma_start3A_47 = tpu.memref_squeeze %dma_start3A_46 : memref<1x2x1568xi32, #tpu.memory_space<vmem>> -> memref<2x1568xi32, #tpu.memory_space<vmem>>
    %dma_start3A_48 = arith.constant 6 : i32
    %dma_start3A_49 = tpu.memref_slice %arg3[%dma_start3A_48, %mul3A_0] : memref<80x3136xi32, #tpu.memory_space<hbm>> -> memref<2x1568xi32, #tpu.memory_space<hbm>>
    %dma_start3A_50 = arith.constant 0 : i32
    %dma_start3A_51 = arith.constant 0 : i32
    %dma_start3A_52 = tpu.memref_slice %arg6[%dma_start3A_43, %dma_start3A_50, %dma_start3A_51] : memref<4x4x1568xi32, #tpu.memory_space<vmem>> -> memref<1x2x1568xi32, #tpu.memory_space<vmem>>
    %dma_start3A_53 = tpu.memref_squeeze %dma_start3A_52 : memref<1x2x1568xi32, #tpu.memory_space<vmem>> -> memref<2x1568xi32, #tpu.memory_space<vmem>>
    %dma_start3A_54 = arith.constant 6 : i32
    %dma_start3A_55 = tpu.memref_slice %arg3[%dma_start3A_54, %mul3A_0] : memref<80x3136xi32, #tpu.memory_space<hbm>> -> memref<2x1568xi32, #tpu.memory_space<hbm>>
    tpu.enqueue_dma source(%dma_start3A_55 : memref<2x1568xi32, #tpu.memory_space<hbm>>) target(%dma_start3A_53 : memref<2x1568xi32, #tpu.memory_space<vmem>>) target_semaphore(%arg12 : memref<!tpu.dma_semaphore, #tpu.memory_space<semaphore_mem>>)
    %dma_wait3A = arith.constant 0 : i32
    %dma_wait3A_56 = arith.constant 0 : i32
    %dma_wait3A_57 = arith.constant 0 : i32
    %dma_wait3A_58 = tpu.memref_slice %arg6[%dma_wait3A, %dma_wait3A_56, %dma_wait3A_57] : memref<4x4x1568xi32, #tpu.memory_space<vmem>> -> memref<1x2x1568xi32, #tpu.memory_space<vmem>>
    %dma_wait3A_59 = tpu.memref_squeeze %dma_wait3A_58 : memref<1x2x1568xi32, #tpu.memory_space<vmem>> -> memref<2x1568xi32, #tpu.memory_space<vmem>>
    %dma_wait3A_60 = arith.constant 0 : i32
    %dma_wait3A_61 = tpu.memref_slice %arg3[%dma_wait3A_60, %mul3A_0] : memref<80x3136xi32, #tpu.memory_space<hbm>> -> memref<2x1568xi32, #tpu.memory_space<hbm>>
    %dma_wait3A_62 = arith.constant 0 : i32
    %dma_wait3A_63 = arith.constant 0 : i32
    %dma_wait3A_64 = tpu.memref_slice %arg6[%dma_wait3A, %dma_wait3A_62, %dma_wait3A_63] : memref<4x4x1568xi32, #tpu.memory_space<vmem>> -> memref<1x2x1568xi32, #tpu.memory_space<vmem>>
    %dma_wait3A_65 = tpu.memref_squeeze %dma_wait3A_64 : memref<1x2x1568xi32, #tpu.memory_space<vmem>> -> memref<2x1568xi32, #tpu.memory_space<vmem>>
    %dma_wait3A_66 = arith.constant 0 : i32
    %dma_wait3A_67 = tpu.memref_slice %arg3[%dma_wait3A_66, %mul3A_0] : memref<80x3136xi32, #tpu.memory_space<hbm>> -> memref<2x1568xi32, #tpu.memory_space<hbm>>
    tpu.wait_dma2 semaphore(%arg9 : memref<!tpu.dma_semaphore, #tpu.memory_space<semaphore_mem>>) src(%dma_wait3A_67 : memref<2x1568xi32, #tpu.memory_space<hbm>>) dst(%dma_wait3A_65 : memref<2x1568xi32, #tpu.memory_space<vmem>>)
    %dma_wait3A_68 = tpu.memref_slice %arg2[%mul3A_2] : memref<401408xf32, #tpu.memory_space<hbm>> -> memref<25088xf32, #tpu.memory_space<hbm>>
    %dma_wait3A_69 = tpu.memref_slice %arg2[%mul3A_2] : memref<401408xf32, #tpu.memory_space<hbm>> -> memref<25088xf32, #tpu.memory_space<hbm>>
    tpu.wait_dma2 semaphore(%arg8 : memref<!tpu.dma_semaphore, #tpu.memory_space<semaphore_mem>>) src(%dma_wait3A_69 : memref<25088xf32, #tpu.memory_space<hbm>>) dst(%arg5 : memref<25088xf32, #tpu.memory_space<vmem>>)
    %parallel_loop3A = arith.constant 0 : i32
    %parallel_loop3A_70 = arith.constant 1568 : i32
    %parallel_loop3A_71 = arith.constant 16 : i32
    scf.for %parallel_loop3A_1276 = %parallel_loop3A to %parallel_loop3A_70 step %parallel_loop3A_71  : i32 {
      %parallel_loop3A_1277 = arith.constant 0 : i32
      %parallel_loop3A_1278 = arith.constant 0 : i32
      %parallel_loop3A_1279 = arith.index_cast %parallel_loop3A_1277 : i32 to index
      %parallel_loop3A_1280 = arith.index_cast %parallel_loop3A_1278 : i32 to index
      %parallel_loop3A_1281 = arith.index_cast %parallel_loop3A_1276 : i32 to index
      %parallel_loop3A_1282 = tpu.vector_load %arg6[%parallel_loop3A_1279, %parallel_loop3A_1280, %parallel_loop3A_1281] {strides = array<i32>} : memref<4x4x1568xi32, #tpu.memory_space<vmem>>, vector<16xi32>,
      %parallel_loop3A_1283 = tpu.vector_load_idx %arg5[%parallel_loop3A_1282] : memref<25088xf32, #tpu.memory_space<vmem>>[vector<16xi32>], vector<16xf32>,
      %parallel_loop3A_1284 = arith.constant 0 : i32
      %parallel_loop3A_1285 = arith.constant 1 : i32
      %parallel_loop3A_1286 = arith.index_cast %parallel_loop3A_1284 : i32 to index
      %parallel_loop3A_1287 = arith.index_cast %parallel_loop3A_1285 : i32 to index
      %parallel_loop3A_1288 = arith.index_cast %parallel_loop3A_1276 : i32 to index
      %parallel_loop3A_1289 = tpu.vector_load %arg6[%parallel_loop3A_1286, %parallel_loop3A_1287, %parallel_loop3A_1288] {strides = array<i32>} : memref<4x4x1568xi32, #tpu.memory_space<vmem>>, vector<16xi32>,
      %parallel_loop3A_1290 = tpu.vector_load_idx %arg5[%parallel_loop3A_1289] : memref<25088xf32, #tpu.memory_space<vmem>>[vector<16xi32>], vector<16xf32>,
      %parallel_loop3A_1291 = arith.maximumf %parallel_loop3A_1283, %parallel_loop3A_1290 : vector<16xf32>
      %parallel_loop3A_1292 = arith.constant 1.000000e+00 : f32
      %parallel_loop3A_1293 = vector.broadcast %parallel_loop3A_1292 : f32 to vector<16xf32>
      %parallel_loop3A_1294 = arith.subf %parallel_loop3A_1293, %parallel_loop3A_1291 : vector<16xf32>
      %parallel_loop3A_1295 = arith.constant 0 : i32
      %parallel_loop3A_1296 = arith.index_cast %parallel_loop3A_1295 : i32 to index
      %parallel_loop3A_1297 = arith.index_cast %parallel_loop3A_1276 : i32 to index
      %parallel_loop3A_1298 = tpu.vector_load %arg7[%parallel_loop3A_1296, %parallel_loop3A_1297] {strides = array<i32>} : memref<4x1568xf32, #tpu.memory_space<vmem>>, vector<16xf32>,
      tpu.vector_store %arg7[%parallel_loop3A_1296, %parallel_loop3A_1297], %parallel_loop3A_1294 {strides = array<i32>} : memref<4x1568xf32, #tpu.memory_space<vmem>>, vector<16xf32>,
    } {sc.loop_unroll_factor = 7 : i64, sc.parallel_access}
    %dma_start3A_72 = arith.constant 0 : i32
    %dma_start3A_73 = arith.constant 0 : i32
    %dma_start3A_74 = arith.constant 0 : i32
    %dma_start3A_75 = tpu.memref_slice %arg7[%dma_start3A_72, %dma_start3A_74] : memref<4x1568xf32, #tpu.memory_space<vmem>> -> memref<1x1568xf32, #tpu.memory_space<vmem>>
    %dma_start3A_76 = tpu.memref_squeeze %dma_start3A_75 : memref<1x1568xf32, #tpu.memory_space<vmem>> -> memref<1568xf32, #tpu.memory_space<vmem>>
    %dma_start3A_77 = tpu.memref_slice %arg4[%arg1, %dma_start3A_73, %mul3A_0] : memref<16x24x3136xf32, #tpu.memory_space<hbm>> -> memref<1x1x1568xf32, #tpu.memory_space<hbm>>
    %dma_start3A_78 = tpu.memref_squeeze %dma_start3A_77 : memref<1x1x1568xf32, #tpu.memory_space<hbm>> -> memref<1568xf32, #tpu.memory_space<hbm>>
    %dma_start3A_79 = tpu.memref_slice %arg4[%arg1, %dma_start3A_73, %mul3A_0] : memref<16x24x3136xf32, #tpu.memory_space<hbm>> -> memref<1x1x1568xf32, #tpu.memory_space<hbm>>
    %dma_start3A_80 = tpu.memref_squeeze %dma_start3A_79 : memref<1x1x1568xf32, #tpu.memory_space<hbm>> -> memref<1568xf32, #tpu.memory_space<hbm>>
    %dma_start3A_81 = arith.constant 0 : i32
    %dma_start3A_82 = tpu.memref_slice %arg7[%dma_start3A_72, %dma_start3A_81] : memref<4x1568xf32, #tpu.memory_space<vmem>> -> memref<1x1568xf32, #tpu.memory_space<vmem>>
    %dma_start3A_83 = tpu.memref_squeeze %dma_start3A_82 : memref<1x1568xf32, #tpu.memory_space<vmem>> -> memref<1568xf32, #tpu.memory_space<vmem>>
    tpu.enqueue_dma source(%dma_start3A_83 : memref<1568xf32, #tpu.memory_space<vmem>>) target(%dma_start3A_80 : memref<1568xf32, #tpu.memory_space<hbm>>) target_semaphore(%arg13 : memref<!tpu.dma_semaphore, #tpu.memory_space<semaphore_mem>>)
    %dma_start3A_84 = arith.constant 0 : i32
    %dma_start3A_85 = arith.constant 0 : i32
    %dma_start3A_86 = arith.constant 0 : i32
    %dma_start3A_87 = tpu.memref_slice %arg6[%dma_start3A_84, %dma_start3A_85, %dma_start3A_86] : memref<4x4x1568xi32, #tpu.memory_space<vmem>> -> memref<1x3x1568xi32, #tpu.memory_space<vmem>>
    %dma_start3A_88 = tpu.memref_squeeze %dma_start3A_87 : memref<1x3x1568xi32, #tpu.memory_space<vmem>> -> memref<3x1568xi32, #tpu.memory_space<vmem>>
    %dma_start3A_89 = arith.constant 8 : i32
    %dma_start3A_90 = tpu.memref_slice %arg3[%dma_start3A_89, %mul3A_0] : memref<80x3136xi32, #tpu.memory_space<hbm>> -> memref<3x1568xi32, #tpu.memory_space<hbm>>
    %dma_start3A_91 = arith.constant 0 : i32
    %dma_start3A_92 = arith.constant 0 : i32
    %dma_start3A_93 = tpu.memref_slice %arg6[%dma_start3A_84, %dma_start3A_91, %dma_start3A_92] : memref<4x4x1568xi32, #tpu.memory_space<vmem>> -> memref<1x3x1568xi32, #tpu.memory_space<vmem>>
    %dma_start3A_94 = tpu.memref_squeeze %dma_start3A_93 : memref<1x3x1568xi32, #tpu.memory_space<vmem>> -> memref<3x1568xi32, #tpu.memory_space<vmem>>
    %dma_start3A_95 = arith.constant 8 : i32
    %dma_start3A_96 = tpu.memref_slice %arg3[%dma_start3A_95, %mul3A_0] : memref<80x3136xi32, #tpu.memory_space<hbm>> -> memref<3x1568xi32, #tpu.memory_space<hbm>>
    tpu.enqueue_dma source(%dma_start3A_96 : memref<3x1568xi32, #tpu.memory_space<hbm>>) target(%dma_start3A_94 : memref<3x1568xi32, #tpu.memory_space<vmem>>) target_semaphore(%arg9 : memref<!tpu.dma_semaphore, #tpu.memory_space<semaphore_mem>>)
    %dma_wait3A_97 = arith.constant 1 : i32
    %dma_wait3A_98 = arith.constant 0 : i32
    %dma_wait3A_99 = arith.constant 0 : i32
    %dma_wait3A_100 = tpu.memref_slice %arg6[%dma_wait3A_97, %dma_wait3A_98, %dma_wait3A_99] : memref<4x4x1568xi32, #tpu.memory_space<vmem>> -> memref<1x2x1568xi32, #tpu.memory_space<vmem>>
    %dma_wait3A_101 = tpu.memref_squeeze %dma_wait3A_100 : memref<1x2x1568xi32, #tpu.memory_space<vmem>> -> memref<2x1568xi32, #tpu.memory_space<vmem>>
    %dma_wait3A_102 = arith.constant 2 : i32
    %dma_wait3A_103 = tpu.memref_slice %arg3[%dma_wait3A_102, %mul3A_0] : memref<80x3136xi32, #tpu.memory_space<hbm>> -> memref<2x1568xi32, #tpu.memory_space<hbm>>
    %dma_wait3A_104 = arith.constant 0 : i32
    %dma_wait3A_105 = arith.constant 0 : i32
    %dma_wait3A_106 = tpu.memref_slice %arg6[%dma_wait3A_97, %dma_wait3A_104, %dma_wait3A_105] : memref<4x4x1568xi32, #tpu.memory_space<vmem>> -> memref<1x2x1568xi32, #tpu.memory_space<vmem>>
    %dma_wait3A_107 = tpu.memref_squeeze %dma_wait3A_106 : memref<1x2x1568xi32, #tpu.memory_space<vmem>> -> memref<2x1568xi32, #tpu.memory_space<vmem>>
    %dma_wait3A_108 = arith.constant 2 : i32
    %dma_wait3A_109 = tpu.memref_slice %arg3[%dma_wait3A_108, %mul3A_0] : memref<80x3136xi32, #tpu.memory_space<hbm>> -> memref<2x1568xi32, #tpu.memory_space<hbm>>
    tpu.wait_dma2 semaphore(%arg10 : memref<!tpu.dma_semaphore, #tpu.memory_space<semaphore_mem>>) src(%dma_wait3A_109 : memref<2x1568xi32, #tpu.memory_space<hbm>>) dst(%dma_wait3A_107 : memref<2x1568xi32, #tpu.memory_space<vmem>>)
    %parallel_loop3A_110 = arith.constant 0 : i32
    %parallel_loop3A_111 = arith.constant 1568 : i32
    %parallel_loop3A_112 = arith.constant 16 : i32
    scf.for %parallel_loop3A_1276 = %parallel_loop3A_110 to %parallel_loop3A_111 step %parallel_loop3A_112  : i32 {
      %parallel_loop3A_1277 = arith.constant 1 : i32
      %parallel_loop3A_1278 = arith.constant 0 : i32
      %parallel_loop3A_1279 = arith.index_cast %parallel_loop3A_1277 : i32 to index
      %parallel_loop3A_1280 = arith.index_cast %parallel_loop3A_1278 : i32 to index
      %parallel_loop3A_1281 = arith.index_cast %parallel_loop3A_1276 : i32 to index
      %parallel_loop3A_1282 = tpu.vector_load %arg6[%parallel_loop3A_1279, %parallel_loop3A_1280, %parallel_loop3A_1281] {strides = array<i32>} : memref<4x4x1568xi32, #tpu.memory_space<vmem>>, vector<16xi32>,
      %parallel_loop3A_1283 = tpu.vector_load_idx %arg5[%parallel_loop3A_1282] : memref<25088xf32, #tpu.memory_space<vmem>>[vector<16xi32>], vector<16xf32>,
      %parallel_loop3A_1284 = arith.constant 1 : i32
      %parallel_loop3A_1285 = arith.constant 1 : i32
      %parallel_loop3A_1286 = arith.index_cast %parallel_loop3A_1284 : i32 to index
      %parallel_loop3A_1287 = arith.index_cast %parallel_loop3A_1285 : i32 to index
      %parallel_loop3A_1288 = arith.index_cast %parallel_loop3A_1276 : i32 to index
      %parallel_loop3A_1289 = tpu.vector_load %arg6[%parallel_loop3A_1286, %parallel_loop3A_1287, %parallel_loop3A_1288] {strides = array<i32>} : memref<4x4x1568xi32, #tpu.memory_space<vmem>>, vector<16xi32>,
      %parallel_loop3A_1290 = tpu.vector_load_idx %arg5[%parallel_loop3A_1289] : memref<25088xf32, #tpu.memory_space<vmem>>[vector<16xi32>], vector<16xf32>,
      %parallel_loop3A_1291 = arith.maximumf %parallel_loop3A_1283, %parallel_loop3A_1290 : vector<16xf32>
      %parallel_loop3A_1292 = arith.constant 1.000000e+00 : f32
      %parallel_loop3A_1293 = vector.broadcast %parallel_loop3A_1292 : f32 to vector<16xf32>
      %parallel_loop3A_1294 = arith.subf %parallel_loop3A_1293, %parallel_loop3A_1291 : vector<16xf32>
      %parallel_loop3A_1295 = arith.constant 1 : i32
      %parallel_loop3A_1296 = arith.index_cast %parallel_loop3A_1295 : i32 to index
      %parallel_loop3A_1297 = arith.index_cast %parallel_loop3A_1276 : i32 to index
      %parallel_loop3A_1298 = tpu.vector_load %arg7[%parallel_loop3A_1296, %parallel_loop3A_1297] {strides = array<i32>} : memref<4x1568xf32, #tpu.memory_space<vmem>>, vector<16xf32>,
      tpu.vector_store %arg7[%parallel_loop3A_1296, %parallel_loop3A_1297], %parallel_loop3A_1294 {strides = array<i32>} : memref<4x1568xf32, #tpu.memory_space<vmem>>, vector<16xf32>,
    } {sc.loop_unroll_factor = 7 : i64, sc.parallel_access}
    %dma_start3A_113 = arith.constant 1 : i32
    %dma_start3A_114 = arith.constant 1 : i32
    %dma_start3A_115 = arith.constant 0 : i32
    %dma_start3A_116 = tpu.memref_slice %arg7[%dma_start3A_113, %dma_start3A_115] : memref<4x1568xf32, #tpu.memory_space<vmem>> -> memref<1x1568xf32, #tpu.memory_space<vmem>>
    %dma_start3A_117 = tpu.memref_squeeze %dma_start3A_116 : memref<1x1568xf32, #tpu.memory_space<vmem>> -> memref<1568xf32, #tpu.memory_space<vmem>>
    %dma_start3A_118 = tpu.memref_slice %arg4[%arg1, %dma_start3A_114, %mul3A_0] : memref<16x24x3136xf32, #tpu.memory_space<hbm>> -> memref<1x1x1568xf32, #tpu.memory_space<hbm>>
    %dma_start3A_119 = tpu.memref_squeeze %dma_start3A_118 : memref<1x1x1568xf32, #tpu.memory_space<hbm>> -> memref<1568xf32, #tpu.memory_space<hbm>>
    %dma_start3A_120 = tpu.memref_slice %arg4[%arg1, %dma_start3A_114, %mul3A_0] : memref<16x24x3136xf32, #tpu.memory_space<hbm>> -> memref<1x1x1568xf32, #tpu.memory_space<hbm>>
    %dma_start3A_121 = tpu.memref_squeeze %dma_start3A_120 : memref<1x1x1568xf32, #tpu.memory_space<hbm>> -> memref<1568xf32, #tpu.memory_space<hbm>>
    %dma_start3A_122 = arith.constant 0 : i32
    %dma_start3A_123 = tpu.memref_slice %arg7[%dma_start3A_113, %dma_start3A_122] : memref<4x1568xf32, #tpu.memory_space<vmem>> -> memref<1x1568xf32, #tpu.memory_space<vmem>>
    %dma_start3A_124 = tpu.memref_squeeze %dma_start3A_123 : memref<1x1568xf32, #tpu.memory_space<vmem>> -> memref<1568xf32, #tpu.memory_space<vmem>>
    tpu.enqueue_dma source(%dma_start3A_124 : memref<1568xf32, #tpu.memory_space<vmem>>) target(%dma_start3A_121 : memref<1568xf32, #tpu.memory_space<hbm>>) target_semaphore(%arg13 : memref<!tpu.dma_semaphore, #tpu.memory_space<semaphore_mem>>)
    %dma_start3A_125 = arith.constant 1 : i32
    %dma_start3A_126 = arith.constant 0 : i32
    %dma_start3A_127 = arith.constant 0 : i32
    %dma_start3A_128 = tpu.memref_slice %arg6[%dma_start3A_125, %dma_start3A_126, %dma_start3A_127] : memref<4x4x1568xi32, #tpu.memory_space<vmem>> -> memref<1x3x1568xi32, #tpu.memory_space<vmem>>
    %dma_start3A_129 = tpu.memref_squeeze %dma_start3A_128 : memref<1x3x1568xi32, #tpu.memory_space<vmem>> -> memref<3x1568xi32, #tpu.memory_space<vmem>>
    %dma_start3A_130 = arith.constant 11 : i32
    %dma_start3A_131 = tpu.memref_slice %arg3[%dma_start3A_130, %mul3A_0] : memref<80x3136xi32, #tpu.memory_space<hbm>> -> memref<3x1568xi32, #tpu.memory_space<hbm>>
    %dma_start3A_132 = arith.constant 0 : i32
    %dma_start3A_133 = arith.constant 0 : i32
    %dma_start3A_134 = tpu.memref_slice %arg6[%dma_start3A_125, %dma_start3A_132, %dma_start3A_133] : memref<4x4x1568xi32, #tpu.memory_space<vmem>> -> memref<1x3x1568xi32, #tpu.memory_space<vmem>>
    %dma_start3A_135 = tpu.memref_squeeze %dma_start3A_134 : memref<1x3x1568xi32, #tpu.memory_space<vmem>> -> memref<3x1568xi32, #tpu.memory_space<vmem>>
    %dma_start3A_136 = arith.constant 11 : i32
    %dma_start3A_137 = tpu.memref_slice %arg3[%dma_start3A_136, %mul3A_0] : memref<80x3136xi32, #tpu.memory_space<hbm>> -> memref<3x1568xi32, #tpu.memory_space<hbm>>
    tpu.enqueue_dma source(%dma_start3A_137 : memref<3x1568xi32, #tpu.memory_space<hbm>>) target(%dma_start3A_135 : memref<3x1568xi32, #tpu.memory_space<vmem>>) target_semaphore(%arg10 : memref<!tpu.dma_semaphore, #tpu.memory_space<semaphore_mem>>)
    %dma_wait3A_138 = arith.constant 2 : i32
    %dma_wait3A_139 = arith.constant 0 : i32
    %dma_wait3A_140 = arith.constant 0 : i32
    %dma_wait3A_141 = tpu.memref_slice %arg6[%dma_wait3A_138, %dma_wait3A_139, %dma_wait3A_140] : memref<4x4x1568xi32, #tpu.memory_space<vmem>> -> memref<1x2x1568xi32, #tpu.memory_space<vmem>>
    %dma_wait3A_142 = tpu.memref_squeeze %dma_wait3A_141 : memref<1x2x1568xi32, #tpu.memory_space<vmem>> -> memref<2x1568xi32, #tpu.memory_space<vmem>>
    %dma_wait3A_143 = arith.constant 4 : i32
    %dma_wait3A_144 = tpu.memref_slice %arg3[%dma_wait3A_143, %mul3A_0] : memref<80x3136xi32, #tpu.memory_space<hbm>> -> memref<2x1568xi32, #tpu.memory_space<hbm>>
    %dma_wait3A_145 = arith.constant 0 : i32
    %dma_wait3A_146 = arith.constant 0 : i32
    %dma_wait3A_147 = tpu.memref_slice %arg6[%dma_wait3A_138, %dma_wait3A_145, %dma_wait3A_146] : memref<4x4x1568xi32, #tpu.memory_space<vmem>> -> memref<1x2x1568xi32, #tpu.memory_space<vmem>>
    %dma_wait3A_148 = tpu.memref_squeeze %dma_wait3A_147 : memref<1x2x1568xi32, #tpu.memory_space<vmem>> -> memref<2x1568xi32, #tpu.memory_space<vmem>>
    %dma_wait3A_149 = arith.constant 4 : i32
    %dma_wait3A_150 = tpu.memref_slice %arg3[%dma_wait3A_149, %mul3A_0] : memref<80x3136xi32, #tpu.memory_space<hbm>> -> memref<2x1568xi32, #tpu.memory_space<hbm>>
    tpu.wait_dma2 semaphore(%arg11 : memref<!tpu.dma_semaphore, #tpu.memory_space<semaphore_mem>>) src(%dma_wait3A_150 : memref<2x1568xi32, #tpu.memory_space<hbm>>) dst(%dma_wait3A_148 : memref<2x1568xi32, #tpu.memory_space<vmem>>)
    %parallel_loop3A_151 = arith.constant 0 : i32
    %parallel_loop3A_152 = arith.constant 1568 : i32
    %parallel_loop3A_153 = arith.constant 16 : i32
    scf.for %parallel_loop3A_1276 = %parallel_loop3A_151 to %parallel_loop3A_152 step %parallel_loop3A_153  : i32 {
      %parallel_loop3A_1277 = arith.constant 2 : i32
      %parallel_loop3A_1278 = arith.constant 0 : i32
      %parallel_loop3A_1279 = arith.index_cast %parallel_loop3A_1277 : i32 to index
      %parallel_loop3A_1280 = arith.index_cast %parallel_loop3A_1278 : i32 to index
      %parallel_loop3A_1281 = arith.index_cast %parallel_loop3A_1276 : i32 to index
      %parallel_loop3A_1282 = tpu.vector_load %arg6[%parallel_loop3A_1279, %parallel_loop3A_1280, %parallel_loop3A_1281] {strides = array<i32>} : memref<4x4x1568xi32, #tpu.memory_space<vmem>>, vector<16xi32>,
      %parallel_loop3A_1283 = tpu.vector_load_idx %arg5[%parallel_loop3A_1282] : memref<25088xf32, #tpu.memory_space<vmem>>[vector<16xi32>], vector<16xf32>,
      %parallel_loop3A_1284 = arith.constant 2 : i32
      %parallel_loop3A_1285 = arith.constant 1 : i32
      %parallel_loop3A_1286 = arith.index_cast %parallel_loop3A_1284 : i32 to index
      %parallel_loop3A_1287 = arith.index_cast %parallel_loop3A_1285 : i32 to index
      %parallel_loop3A_1288 = arith.index_cast %parallel_loop3A_1276 : i32 to index
      %parallel_loop3A_1289 = tpu.vector_load %arg6[%parallel_loop3A_1286, %parallel_loop3A_1287, %parallel_loop3A_1288] {strides = array<i32>} : memref<4x4x1568xi32, #tpu.memory_space<vmem>>, vector<16xi32>,
      %parallel_loop3A_1290 = tpu.vector_load_idx %arg5[%parallel_loop3A_1289] : memref<25088xf32, #tpu.memory_space<vmem>>[vector<16xi32>], vector<16xf32>,
      %parallel_loop3A_1291 = arith.maximumf %parallel_loop3A_1283, %parallel_loop3A_1290 : vector<16xf32>
      %parallel_loop3A_1292 = arith.constant 1.000000e+00 : f32
      %parallel_loop3A_1293 = vector.broadcast %parallel_loop3A_1292 : f32 to vector<16xf32>
      %parallel_loop3A_1294 = arith.subf %parallel_loop3A_1293, %parallel_loop3A_1291 : vector<16xf32>
      %parallel_loop3A_1295 = arith.constant 2 : i32
      %parallel_loop3A_1296 = arith.index_cast %parallel_loop3A_1295 : i32 to index
      %parallel_loop3A_1297 = arith.index_cast %parallel_loop3A_1276 : i32 to index
      %parallel_loop3A_1298 = tpu.vector_load %arg7[%parallel_loop3A_1296, %parallel_loop3A_1297] {strides = array<i32>} : memref<4x1568xf32, #tpu.memory_space<vmem>>, vector<16xf32>,
      tpu.vector_store %arg7[%parallel_loop3A_1296, %parallel_loop3A_1297], %parallel_loop3A_1294 {strides = array<i32>} : memref<4x1568xf32, #tpu.memory_space<vmem>>, vector<16xf32>,
    } {sc.loop_unroll_factor = 7 : i64, sc.parallel_access}
    %dma_start3A_154 = arith.constant 2 : i32
    %dma_start3A_155 = arith.constant 2 : i32
    %dma_start3A_156 = arith.constant 0 : i32
    %dma_start3A_157 = tpu.memref_slice %arg7[%dma_start3A_154, %dma_start3A_156] : memref<4x1568xf32, #tpu.memory_space<vmem>> -> memref<1x1568xf32, #tpu.memory_space<vmem>>
    %dma_start3A_158 = tpu.memref_squeeze %dma_start3A_157 : memref<1x1568xf32, #tpu.memory_space<vmem>> -> memref<1568xf32, #tpu.memory_space<vmem>>
    %dma_start3A_159 = tpu.memref_slice %arg4[%arg1, %dma_start3A_155, %mul3A_0] : memref<16x24x3136xf32, #tpu.memory_space<hbm>> -> memref<1x1x1568xf32, #tpu.memory_space<hbm>>
    %dma_start3A_160 = tpu.memref_squeeze %dma_start3A_159 : memref<1x1x1568xf32, #tpu.memory_space<hbm>> -> memref<1568xf32, #tpu.memory_space<hbm>>
    %dma_start3A_161 = tpu.memref_slice %arg4[%arg1, %dma_start3A_155, %mul3A_0] : memref<16x24x3136xf32, #tpu.memory_space<hbm>> -> memref<1x1x1568xf32, #tpu.memory_space<hbm>>
    %dma_start3A_162 = tpu.memref_squeeze %dma_start3A_161 : memref<1x1x1568xf32, #tpu.memory_space<hbm>> -> memref<1568xf32, #tpu.memory_space<hbm>>
    %dma_start3A_163 = arith.constant 0 : i32
    %dma_start3A_164 = tpu.memref_slice %arg7[%dma_start3A_154, %dma_start3A_163] : memref<4x1568xf32, #tpu.memory_space<vmem>> -> memref<1x1568xf32, #tpu.memory_space<vmem>>
    %dma_start3A_165 = tpu.memref_squeeze %dma_start3A_164 : memref<1x1568xf32, #tpu.memory_space<vmem>> -> memref<1568xf32, #tpu.memory_space<vmem>>
    tpu.enqueue_dma source(%dma_start3A_165 : memref<1568xf32, #tpu.memory_space<vmem>>) target(%dma_start3A_162 : memref<1568xf32, #tpu.memory_space<hbm>>) target_semaphore(%arg13 : memref<!tpu.dma_semaphore, #tpu.memory_space<semaphore_mem>>)
    %dma_start3A_166 = arith.constant 2 : i32
    %dma_start3A_167 = arith.constant 0 : i32
    %dma_start3A_168 = arith.constant 0 : i32
    %dma_start3A_169 = tpu.memref_slice %arg6[%dma_start3A_166, %dma_start3A_167, %dma_start3A_168] : memref<4x4x1568xi32, #tpu.memory_space<vmem>> -> memref<1x3x1568xi32, #tpu.memory_space<vmem>>
    %dma_start3A_170 = tpu.memref_squeeze %dma_start3A_169 : memref<1x3x1568xi32, #tpu.memory_space<vmem>> -> memref<3x1568xi32, #tpu.memory_space<vmem>>
    %dma_start3A_171 = arith.constant 14 : i32
    %dma_start3A_172 = tpu.memref_slice %arg3[%dma_start3A_171, %mul3A_0] : memref<80x3136xi32, #tpu.memory_space<hbm>> -> memref<3x1568xi32, #tpu.memory_space<hbm>>
    %dma_start3A_173 = arith.constant 0 : i32
    %dma_start3A_174 = arith.constant 0 : i32
    %dma_start3A_175 = tpu.memref_slice %arg6[%dma_start3A_166, %dma_start3A_173, %dma_start3A_174] : memref<4x4x1568xi32, #tpu.memory_space<vmem>> -> memref<1x3x1568xi32, #tpu.memory_space<vmem>>
    %dma_start3A_176 = tpu.memref_squeeze %dma_start3A_175 : memref<1x3x1568xi32, #tpu.memory_space<vmem>> -> memref<3x1568xi32, #tpu.memory_space<vmem>>
    %dma_start3A_177 = arith.constant 14 : i32
    %dma_start3A_178 = tpu.memref_slice %arg3[%dma_start3A_177, %mul3A_0] : memref<80x3136xi32, #tpu.memory_space<hbm>> -> memref<3x1568xi32, #tpu.memory_space<hbm>>
    tpu.enqueue_dma source(%dma_start3A_178 : memref<3x1568xi32, #tpu.memory_space<hbm>>) target(%dma_start3A_176 : memref<3x1568xi32, #tpu.memory_space<vmem>>) target_semaphore(%arg11 : memref<!tpu.dma_semaphore, #tpu.memory_space<semaphore_mem>>)
    %dma_wait3A_179 = arith.constant 3 : i32
    %dma_wait3A_180 = arith.constant 0 : i32
    %dma_wait3A_181 = arith.constant 0 : i32
    %dma_wait3A_182 = tpu.memref_slice %arg6[%dma_wait3A_179, %dma_wait3A_180, %dma_wait3A_181] : memref<4x4x1568xi32, #tpu.memory_space<vmem>> -> memref<1x2x1568xi32, #tpu.memory_space<vmem>>
    %dma_wait3A_183 = tpu.memref_squeeze %dma_wait3A_182 : memref<1x2x1568xi32, #tpu.memory_space<vmem>> -> memref<2x1568xi32, #tpu.memory_space<vmem>>
    %dma_wait3A_184 = arith.constant 6 : i32
    %dma_wait3A_185 = tpu.memref_slice %arg3[%dma_wait3A_184, %mul3A_0] : memref<80x3136xi32, #tpu.memory_space<hbm>> -> memref<2x1568xi32, #tpu.memory_space<hbm>>
    %dma_wait3A_186 = arith.constant 0 : i32
    %dma_wait3A_187 = arith.constant 0 : i32
    %dma_wait3A_188 = tpu.memref_slice %arg6[%dma_wait3A_179, %dma_wait3A_186, %dma_wait3A_187] : memref<4x4x1568xi32, #tpu.memory_space<vmem>> -> memref<1x2x1568xi32, #tpu.memory_space<vmem>>
    %dma_wait3A_189 = tpu.memref_squeeze %dma_wait3A_188 : memref<1x2x1568xi32, #tpu.memory_space<vmem>> -> memref<2x1568xi32, #tpu.memory_space<vmem>>
    %dma_wait3A_190 = arith.constant 6 : i32
    %dma_wait3A_191 = tpu.memref_slice %arg3[%dma_wait3A_190, %mul3A_0] : memref<80x3136xi32, #tpu.memory_space<hbm>> -> memref<2x1568xi32, #tpu.memory_space<hbm>>
    tpu.wait_dma2 semaphore(%arg12 : memref<!tpu.dma_semaphore, #tpu.memory_space<semaphore_mem>>) src(%dma_wait3A_191 : memref<2x1568xi32, #tpu.memory_space<hbm>>) dst(%dma_wait3A_189 : memref<2x1568xi32, #tpu.memory_space<vmem>>)
    %parallel_loop3A_192 = arith.constant 0 : i32
    %parallel_loop3A_193 = arith.constant 1568 : i32
    %parallel_loop3A_194 = arith.constant 16 : i32
    scf.for %parallel_loop3A_1276 = %parallel_loop3A_192 to %parallel_loop3A_193 step %parallel_loop3A_194  : i32 {
      %parallel_loop3A_1277 = arith.constant 3 : i32
      %parallel_loop3A_1278 = arith.constant 0 : i32
      %parallel_loop3A_1279 = arith.index_cast %parallel_loop3A_1277 : i32 to index
      %parallel_loop3A_1280 = arith.index_cast %parallel_loop3A_1278 : i32 to index
      %parallel_loop3A_1281 = arith.index_cast %parallel_loop3A_1276 : i32 to index
      %parallel_loop3A_1282 = tpu.vector_load %arg6[%parallel_loop3A_1279, %parallel_loop3A_1280, %parallel_loop3A_1281] {strides = array<i32>} : memref<4x4x1568xi32, #tpu.memory_space<vmem>>, vector<16xi32>,
      %parallel_loop3A_1283 = tpu.vector_load_idx %arg5[%parallel_loop3A_1282] : memref<25088xf32, #tpu.memory_space<vmem>>[vector<16xi32>], vector<16xf32>,
      %parallel_loop3A_1284 = arith.constant 3 : i32
      %parallel_loop3A_1285 = arith.constant 1 : i32
      %parallel_loop3A_1286 = arith.index_cast %parallel_loop3A_1284 : i32 to index
      %parallel_loop3A_1287 = arith.index_cast %parallel_loop3A_1285 : i32 to index
      %parallel_loop3A_1288 = arith.index_cast %parallel_loop3A_1276 : i32 to index
      %parallel_loop3A_1289 = tpu.vector_load %arg6[%parallel_loop3A_1286, %parallel_loop3A_1287, %parallel_loop3A_1288] {strides = array<i32>} : memref<4x4x1568xi32, #tpu.memory_space<vmem>>, vector<16xi32>,
      %parallel_loop3A_1290 = tpu.vector_load_idx %arg5[%parallel_loop3A_1289] : memref<25088xf32, #tpu.memory_space<vmem>>[vector<16xi32>], vector<16xf32>,
      %parallel_loop3A_1291 = arith.maximumf %parallel_loop3A_1283, %parallel_loop3A_1290 : vector<16xf32>
      %parallel_loop3A_1292 = arith.constant 1.000000e+00 : f32
      %parallel_loop3A_1293 = vector.broadcast %parallel_loop3A_1292 : f32 to vector<16xf32>
      %parallel_loop3A_1294 = arith.subf %parallel_loop3A_1293, %parallel_loop3A_1291 : vector<16xf32>
      %parallel_loop3A_1295 = arith.constant 3 : i32
      %parallel_loop3A_1296 = arith.index_cast %parallel_loop3A_1295 : i32 to index
      %parallel_loop3A_1297 = arith.index_cast %parallel_loop3A_1276 : i32 to index
      %parallel_loop3A_1298 = tpu.vector_load %arg7[%parallel_loop3A_1296, %parallel_loop3A_1297] {strides = array<i32>} : memref<4x1568xf32, #tpu.memory_space<vmem>>, vector<16xf32>,
      tpu.vector_store %arg7[%parallel_loop3A_1296, %parallel_loop3A_1297], %parallel_loop3A_1294 {strides = array<i32>} : memref<4x1568xf32, #tpu.memory_space<vmem>>, vector<16xf32>,
    } {sc.loop_unroll_factor = 7 : i64, sc.parallel_access}
    %dma_start3A_195 = arith.constant 3 : i32
    %dma_start3A_196 = arith.constant 3 : i32
    %dma_start3A_197 = arith.constant 0 : i32
    %dma_start3A_198 = tpu.memref_slice %arg7[%dma_start3A_195, %dma_start3A_197] : memref<4x1568xf32, #tpu.memory_space<vmem>> -> memref<1x1568xf32, #tpu.memory_space<vmem>>
    %dma_start3A_199 = tpu.memref_squeeze %dma_start3A_198 : memref<1x1568xf32, #tpu.memory_space<vmem>> -> memref<1568xf32, #tpu.memory_space<vmem>>
    %dma_start3A_200 = tpu.memref_slice %arg4[%arg1, %dma_start3A_196, %mul3A_0] : memref<16x24x3136xf32, #tpu.memory_space<hbm>> -> memref<1x1x1568xf32, #tpu.memory_space<hbm>>
    %dma_start3A_201 = tpu.memref_squeeze %dma_start3A_200 : memref<1x1x1568xf32, #tpu.memory_space<hbm>> -> memref<1568xf32, #tpu.memory_space<hbm>>
    %dma_start3A_202 = tpu.memref_slice %arg4[%arg1, %dma_start3A_196, %mul3A_0] : memref<16x24x3136xf32, #tpu.memory_space<hbm>> -> memref<1x1x1568xf32, #tpu.memory_space<hbm>>
    %dma_start3A_203 = tpu.memref_squeeze %dma_start3A_202 : memref<1x1x1568xf32, #tpu.memory_space<hbm>> -> memref<1568xf32, #tpu.memory_space<hbm>>
    %dma_start3A_204 = arith.constant 0 : i32
    %dma_start3A_205 = tpu.memref_slice %arg7[%dma_start3A_195, %dma_start3A_204] : memref<4x1568xf32, #tpu.memory_space<vmem>> -> memref<1x1568xf32, #tpu.memory_space<vmem>>
    %dma_start3A_206 = tpu.memref_squeeze %dma_start3A_205 : memref<1x1568xf32, #tpu.memory_space<vmem>> -> memref<1568xf32, #tpu.memory_space<vmem>>
    tpu.enqueue_dma source(%dma_start3A_206 : memref<1568xf32, #tpu.memory_space<vmem>>) target(%dma_start3A_203 : memref<1568xf32, #tpu.memory_space<hbm>>) target_semaphore(%arg13 : memref<!tpu.dma_semaphore, #tpu.memory_space<semaphore_mem>>)
    %dma_start3A_207 = arith.constant 3 : i32
    %dma_start3A_208 = arith.constant 0 : i32
    %dma_start3A_209 = arith.constant 0 : i32
    %dma_start3A_210 = tpu.memref_slice %arg6[%dma_start3A_207, %dma_start3A_208, %dma_start3A_209] : memref<4x4x1568xi32, #tpu.memory_space<vmem>> -> memref<1x3x1568xi32, #tpu.memory_space<vmem>>
    %dma_start3A_211 = tpu.memref_squeeze %dma_start3A_210 : memref<1x3x1568xi32, #tpu.memory_space<vmem>> -> memref<3x1568xi32, #tpu.memory_space<vmem>>
    %dma_start3A_212 = arith.constant 17 : i32
    %dma_start3A_213 = tpu.memref_slice %arg3[%dma_start3A_212, %mul3A_0] : memref<80x3136xi32, #tpu.memory_space<hbm>> -> memref<3x1568xi32, #tpu.memory_space<hbm>>
    %dma_start3A_214 = arith.constant 0 : i32
    %dma_start3A_215 = arith.constant 0 : i32
    %dma_start3A_216 = tpu.memref_slice %arg6[%dma_start3A_207, %dma_start3A_214, %dma_start3A_215] : memref<4x4x1568xi32, #tpu.memory_space<vmem>> -> memref<1x3x1568xi32, #tpu.memory_space<vmem>>
    %dma_start3A_217 = tpu.memref_squeeze %dma_start3A_216 : memref<1x3x1568xi32, #tpu.memory_space<vmem>> -> memref<3x1568xi32, #tpu.memory_space<vmem>>
    %dma_start3A_218 = arith.constant 17 : i32
    %dma_start3A_219 = tpu.memref_slice %arg3[%dma_start3A_218, %mul3A_0] : memref<80x3136xi32, #tpu.memory_space<hbm>> -> memref<3x1568xi32, #tpu.memory_space<hbm>>
    tpu.enqueue_dma source(%dma_start3A_219 : memref<3x1568xi32, #tpu.memory_space<hbm>>) target(%dma_start3A_217 : memref<3x1568xi32, #tpu.memory_space<vmem>>) target_semaphore(%arg12 : memref<!tpu.dma_semaphore, #tpu.memory_space<semaphore_mem>>)
    %dma_wait3A_220 = arith.constant 0 : i32
    %dma_wait3A_221 = arith.constant 0 : i32
    %dma_wait3A_222 = arith.constant 0 : i32
    %dma_wait3A_223 = tpu.memref_slice %arg6[%dma_wait3A_220, %dma_wait3A_221, %dma_wait3A_222] : memref<4x4x1568xi32, #tpu.memory_space<vmem>> -> memref<1x3x1568xi32, #tpu.memory_space<vmem>>
    %dma_wait3A_224 = tpu.memref_squeeze %dma_wait3A_223 : memref<1x3x1568xi32, #tpu.memory_space<vmem>> -> memref<3x1568xi32, #tpu.memory_space<vmem>>
    %dma_wait3A_225 = arith.constant 8 : i32
    %dma_wait3A_226 = tpu.memref_slice %arg3[%dma_wait3A_225, %mul3A_0] : memref<80x3136xi32, #tpu.memory_space<hbm>> -> memref<3x1568xi32, #tpu.memory_space<hbm>>
    %dma_wait3A_227 = arith.constant 0 : i32
    %dma_wait3A_228 = arith.constant 0 : i32
    %dma_wait3A_229 = tpu.memref_slice %arg6[%dma_wait3A_220, %dma_wait3A_227, %dma_wait3A_228] : memref<4x4x1568xi32, #tpu.memory_space<vmem>> -> memref<1x3x1568xi32, #tpu.memory_space<vmem>>
    %dma_wait3A_230 = tpu.memref_squeeze %dma_wait3A_229 : memref<1x3x1568xi32, #tpu.memory_space<vmem>> -> memref<3x1568xi32, #tpu.memory_space<vmem>>
    %dma_wait3A_231 = arith.constant 8 : i32
    %dma_wait3A_232 = tpu.memref_slice %arg3[%dma_wait3A_231, %mul3A_0] : memref<80x3136xi32, #tpu.memory_space<hbm>> -> memref<3x1568xi32, #tpu.memory_space<hbm>>
    tpu.wait_dma2 semaphore(%arg9 : memref<!tpu.dma_semaphore, #tpu.memory_space<semaphore_mem>>) src(%dma_wait3A_232 : memref<3x1568xi32, #tpu.memory_space<hbm>>) dst(%dma_wait3A_230 : memref<3x1568xi32, #tpu.memory_space<vmem>>)
    %dma_wait3A_233 = arith.constant 0 : i32
    %dma_wait3A_234 = arith.constant 0 : i32
    %dma_wait3A_235 = arith.constant 0 : i32
    %dma_wait3A_236 = tpu.memref_slice %arg7[%dma_wait3A_233, %dma_wait3A_235] : memref<4x1568xf32, #tpu.memory_space<vmem>> -> memref<1x1568xf32, #tpu.memory_space<vmem>>
    %dma_wait3A_237 = tpu.memref_squeeze %dma_wait3A_236 : memref<1x1568xf32, #tpu.memory_space<vmem>> -> memref<1568xf32, #tpu.memory_space<vmem>>
    %dma_wait3A_238 = tpu.memref_slice %arg4[%arg1, %dma_wait3A_234, %mul3A_0] : memref<16x24x3136xf32, #tpu.memory_space<hbm>> -> memref<1x1x1568xf32, #tpu.memory_space<hbm>>
    %dma_wait3A_239 = tpu.memref_squeeze %dma_wait3A_238 : memref<1x1x1568xf32, #tpu.memory_space<hbm>> -> memref<1568xf32, #tpu.memory_space<hbm>>
    %dma_wait3A_240 = tpu.memref_slice %arg4[%arg1, %dma_wait3A_234, %mul3A_0] : memref<16x24x3136xf32, #tpu.memory_space<hbm>> -> memref<1x1x1568xf32, #tpu.memory_space<hbm>>
    %dma_wait3A_241 = tpu.memref_squeeze %dma_wait3A_240 : memref<1x1x1568xf32, #tpu.memory_space<hbm>> -> memref<1568xf32, #tpu.memory_space<hbm>>
    %dma_wait3A_242 = arith.constant 0 : i32
    %dma_wait3A_243 = tpu.memref_slice %arg7[%dma_wait3A_233, %dma_wait3A_242] : memref<4x1568xf32, #tpu.memory_space<vmem>> -> memref<1x1568xf32, #tpu.memory_space<vmem>>
    %dma_wait3A_244 = tpu.memref_squeeze %dma_wait3A_243 : memref<1x1568xf32, #tpu.memory_space<vmem>> -> memref<1568xf32, #tpu.memory_space<vmem>>
    tpu.wait_dma2 semaphore(%arg13 : memref<!tpu.dma_semaphore, #tpu.memory_space<semaphore_mem>>) src(%dma_wait3A_244 : memref<1568xf32, #tpu.memory_space<vmem>>) dst(%dma_wait3A_241 : memref<1568xf32, #tpu.memory_space<hbm>>)
    %parallel_loop3A_245 = arith.constant 0 : i32
    %parallel_loop3A_246 = arith.constant 1568 : i32
    %parallel_loop3A_247 = arith.constant 16 : i32
    scf.for %parallel_loop3A_1276 = %parallel_loop3A_245 to %parallel_loop3A_246 step %parallel_loop3A_247  : i32 {
      %parallel_loop3A_1277 = arith.constant 0 : i32
      %parallel_loop3A_1278 = arith.constant 0 : i32
      %parallel_loop3A_1279 = arith.index_cast %parallel_loop3A_1277 : i32 to index
      %parallel_loop3A_1280 = arith.index_cast %parallel_loop3A_1278 : i32 to index
      %parallel_loop3A_1281 = arith.index_cast %parallel_loop3A_1276 : i32 to index
      %parallel_loop3A_1282 = tpu.vector_load %arg6[%parallel_loop3A_1279, %parallel_loop3A_1280, %parallel_loop3A_1281] {strides = array<i32>} : memref<4x4x1568xi32, #tpu.memory_space<vmem>>, vector<16xi32>,
      %parallel_loop3A_1283 = tpu.vector_load_idx %arg5[%parallel_loop3A_1282] : memref<25088xf32, #tpu.memory_space<vmem>>[vector<16xi32>], vector<16xf32>,
      %parallel_loop3A_1284 = arith.constant 0 : i32
      %parallel_loop3A_1285 = arith.constant 1 : i32
      %parallel_loop3A_1286 = arith.index_cast %parallel_loop3A_1284 : i32 to index
      %parallel_loop3A_1287 = arith.index_cast %parallel_loop3A_1285 : i32 to index
      %parallel_loop3A_1288 = arith.index_cast %parallel_loop3A_1276 : i32 to index
      %parallel_loop3A_1289 = tpu.vector_load %arg6[%parallel_loop3A_1286, %parallel_loop3A_1287, %parallel_loop3A_1288] {strides = array<i32>} : memref<4x4x1568xi32, #tpu.memory_space<vmem>>, vector<16xi32>,
      %parallel_loop3A_1290 = tpu.vector_load_idx %arg5[%parallel_loop3A_1289] : memref<25088xf32, #tpu.memory_space<vmem>>[vector<16xi32>], vector<16xf32>,
      %parallel_loop3A_1291 = arith.maximumf %parallel_loop3A_1283, %parallel_loop3A_1290 : vector<16xf32>
      %parallel_loop3A_1292 = arith.constant 0 : i32
      %parallel_loop3A_1293 = arith.constant 2 : i32
      %parallel_loop3A_1294 = arith.index_cast %parallel_loop3A_1292 : i32 to index
      %parallel_loop3A_1295 = arith.index_cast %parallel_loop3A_1293 : i32 to index
      %parallel_loop3A_1296 = arith.index_cast %parallel_loop3A_1276 : i32 to index
      %parallel_loop3A_1297 = tpu.vector_load %arg6[%parallel_loop3A_1294, %parallel_loop3A_1295, %parallel_loop3A_1296] {strides = array<i32>} : memref<4x4x1568xi32, #tpu.memory_space<vmem>>, vector<16xi32>,
      %parallel_loop3A_1298 = tpu.vector_load_idx %arg5[%parallel_loop3A_1297] : memref<25088xf32, #tpu.memory_space<vmem>>[vector<16xi32>], vector<16xf32>,
      %parallel_loop3A_1299 = arith.maximumf %parallel_loop3A_1291, %parallel_loop3A_1298 : vector<16xf32>
      %parallel_loop3A_1300 = arith.constant 1.000000e+00 : f32
      %parallel_loop3A_1301 = vector.broadcast %parallel_loop3A_1300 : f32 to vector<16xf32>
      %parallel_loop3A_1302 = arith.subf %parallel_loop3A_1301, %parallel_loop3A_1299 : vector<16xf32>
      %parallel_loop3A_1303 = arith.constant 0 : i32
      %parallel_loop3A_1304 = arith.index_cast %parallel_loop3A_1303 : i32 to index
      %parallel_loop3A_1305 = arith.index_cast %parallel_loop3A_1276 : i32 to index
      %parallel_loop3A_1306 = tpu.vector_load %arg7[%parallel_loop3A_1304, %parallel_loop3A_1305] {strides = array<i32>} : memref<4x1568xf32, #tpu.memory_space<vmem>>, vector<16xf32>,
      tpu.vector_store %arg7[%parallel_loop3A_1304, %parallel_loop3A_1305], %parallel_loop3A_1302 {strides = array<i32>} : memref<4x1568xf32, #tpu.memory_space<vmem>>, vector<16xf32>,
    } {sc.loop_unroll_factor = 7 : i64, sc.parallel_access}
    %dma_start3A_248 = arith.constant 0 : i32
    %dma_start3A_249 = arith.constant 4 : i32
    %dma_start3A_250 = arith.constant 0 : i32
    %dma_start3A_251 = tpu.memref_slice %arg7[%dma_start3A_248, %dma_start3A_250] : memref<4x1568xf32, #tpu.memory_space<vmem>> -> memref<1x1568xf32, #tpu.memory_space<vmem>>
    %dma_start3A_252 = tpu.memref_squeeze %dma_start3A_251 : memref<1x1568xf32, #tpu.memory_space<vmem>> -> memref<1568xf32, #tpu.memory_space<vmem>>
    %dma_start3A_253 = tpu.memref_slice %arg4[%arg1, %dma_start3A_249, %mul3A_0] : memref<16x24x3136xf32, #tpu.memory_space<hbm>> -> memref<1x1x1568xf32, #tpu.memory_space<hbm>>
    %dma_start3A_254 = tpu.memref_squeeze %dma_start3A_253 : memref<1x1x1568xf32, #tpu.memory_space<hbm>> -> memref<1568xf32, #tpu.memory_space<hbm>>
    %dma_start3A_255 = tpu.memref_slice %arg4[%arg1, %dma_start3A_249, %mul3A_0] : memref<16x24x3136xf32, #tpu.memory_space<hbm>> -> memref<1x1x1568xf32, #tpu.memory_space<hbm>>
    %dma_start3A_256 = tpu.memref_squeeze %dma_start3A_255 : memref<1x1x1568xf32, #tpu.memory_space<hbm>> -> memref<1568xf32, #tpu.memory_space<hbm>>
    %dma_start3A_257 = arith.constant 0 : i32
    %dma_start3A_258 = tpu.memref_slice %arg7[%dma_start3A_248, %dma_start3A_257] : memref<4x1568xf32, #tpu.memory_space<vmem>> -> memref<1x1568xf32, #tpu.memory_space<vmem>>
    %dma_start3A_259 = tpu.memref_squeeze %dma_start3A_258 : memref<1x1568xf32, #tpu.memory_space<vmem>> -> memref<1568xf32, #tpu.memory_space<vmem>>
    tpu.enqueue_dma source(%dma_start3A_259 : memref<1568xf32, #tpu.memory_space<vmem>>) target(%dma_start3A_256 : memref<1568xf32, #tpu.memory_space<hbm>>) target_semaphore(%arg13 : memref<!tpu.dma_semaphore, #tpu.memory_space<semaphore_mem>>)
    %dma_start3A_260 = arith.constant 0 : i32
    %dma_start3A_261 = arith.constant 0 : i32
    %dma_start3A_262 = arith.constant 0 : i32
    %dma_start3A_263 = tpu.memref_slice %arg6[%dma_start3A_260, %dma_start3A_261, %dma_start3A_262] : memref<4x4x1568xi32, #tpu.memory_space<vmem>> -> memref<1x3x1568xi32, #tpu.memory_space<vmem>>
    %dma_start3A_264 = tpu.memref_squeeze %dma_start3A_263 : memref<1x3x1568xi32, #tpu.memory_space<vmem>> -> memref<3x1568xi32, #tpu.memory_space<vmem>>
    %dma_start3A_265 = arith.constant 20 : i32
    %dma_start3A_266 = tpu.memref_slice %arg3[%dma_start3A_265, %mul3A_0] : memref<80x3136xi32, #tpu.memory_space<hbm>> -> memref<3x1568xi32, #tpu.memory_space<hbm>>
    %dma_start3A_267 = arith.constant 0 : i32
    %dma_start3A_268 = arith.constant 0 : i32
    %dma_start3A_269 = tpu.memref_slice %arg6[%dma_start3A_260, %dma_start3A_267, %dma_start3A_268] : memref<4x4x1568xi32, #tpu.memory_space<vmem>> -> memref<1x3x1568xi32, #tpu.memory_space<vmem>>
    %dma_start3A_270 = tpu.memref_squeeze %dma_start3A_269 : memref<1x3x1568xi32, #tpu.memory_space<vmem>> -> memref<3x1568xi32, #tpu.memory_space<vmem>>
    %dma_start3A_271 = arith.constant 20 : i32
    %dma_start3A_272 = tpu.memref_slice %arg3[%dma_start3A_271, %mul3A_0] : memref<80x3136xi32, #tpu.memory_space<hbm>> -> memref<3x1568xi32, #tpu.memory_space<hbm>>
    tpu.enqueue_dma source(%dma_start3A_272 : memref<3x1568xi32, #tpu.memory_space<hbm>>) target(%dma_start3A_270 : memref<3x1568xi32, #tpu.memory_space<vmem>>) target_semaphore(%arg9 : memref<!tpu.dma_semaphore, #tpu.memory_space<semaphore_mem>>)
    %dma_wait3A_273 = arith.constant 1 : i32
    %dma_wait3A_274 = arith.constant 0 : i32
    %dma_wait3A_275 = arith.constant 0 : i32
    %dma_wait3A_276 = tpu.memref_slice %arg6[%dma_wait3A_273, %dma_wait3A_274, %dma_wait3A_275] : memref<4x4x1568xi32, #tpu.memory_space<vmem>> -> memref<1x3x1568xi32, #tpu.memory_space<vmem>>
    %dma_wait3A_277 = tpu.memref_squeeze %dma_wait3A_276 : memref<1x3x1568xi32, #tpu.memory_space<vmem>> -> memref<3x1568xi32, #tpu.memory_space<vmem>>
    %dma_wait3A_278 = arith.constant 11 : i32
    %dma_wait3A_279 = tpu.memref_slice %arg3[%dma_wait3A_278, %mul3A_0] : memref<80x3136xi32, #tpu.memory_space<hbm>> -> memref<3x1568xi32, #tpu.memory_space<hbm>>
    %dma_wait3A_280 = arith.constant 0 : i32
    %dma_wait3A_281 = arith.constant 0 : i32
    %dma_wait3A_282 = tpu.memref_slice %arg6[%dma_wait3A_273, %dma_wait3A_280, %dma_wait3A_281] : memref<4x4x1568xi32, #tpu.memory_space<vmem>> -> memref<1x3x1568xi32, #tpu.memory_space<vmem>>
    %dma_wait3A_283 = tpu.memref_squeeze %dma_wait3A_282 : memref<1x3x1568xi32, #tpu.memory_space<vmem>> -> memref<3x1568xi32, #tpu.memory_space<vmem>>
    %dma_wait3A_284 = arith.constant 11 : i32
    %dma_wait3A_285 = tpu.memref_slice %arg3[%dma_wait3A_284, %mul3A_0] : memref<80x3136xi32, #tpu.memory_space<hbm>> -> memref<3x1568xi32, #tpu.memory_space<hbm>>
    tpu.wait_dma2 semaphore(%arg10 : memref<!tpu.dma_semaphore, #tpu.memory_space<semaphore_mem>>) src(%dma_wait3A_285 : memref<3x1568xi32, #tpu.memory_space<hbm>>) dst(%dma_wait3A_283 : memref<3x1568xi32, #tpu.memory_space<vmem>>)
    %dma_wait3A_286 = arith.constant 1 : i32
    %dma_wait3A_287 = arith.constant 1 : i32
    %dma_wait3A_288 = arith.constant 0 : i32
    %dma_wait3A_289 = tpu.memref_slice %arg7[%dma_wait3A_286, %dma_wait3A_288] : memref<4x1568xf32, #tpu.memory_space<vmem>> -> memref<1x1568xf32, #tpu.memory_space<vmem>>
    %dma_wait3A_290 = tpu.memref_squeeze %dma_wait3A_289 : memref<1x1568xf32, #tpu.memory_space<vmem>> -> memref<1568xf32, #tpu.memory_space<vmem>>
    %dma_wait3A_291 = tpu.memref_slice %arg4[%arg1, %dma_wait3A_287, %mul3A_0] : memref<16x24x3136xf32, #tpu.memory_space<hbm>> -> memref<1x1x1568xf32, #tpu.memory_space<hbm>>
    %dma_wait3A_292 = tpu.memref_squeeze %dma_wait3A_291 : memref<1x1x1568xf32, #tpu.memory_space<hbm>> -> memref<1568xf32, #tpu.memory_space<hbm>>
    %dma_wait3A_293 = tpu.memref_slice %arg4[%arg1, %dma_wait3A_287, %mul3A_0] : memref<16x24x3136xf32, #tpu.memory_space<hbm>> -> memref<1x1x1568xf32, #tpu.memory_space<hbm>>
    %dma_wait3A_294 = tpu.memref_squeeze %dma_wait3A_293 : memref<1x1x1568xf32, #tpu.memory_space<hbm>> -> memref<1568xf32, #tpu.memory_space<hbm>>
    %dma_wait3A_295 = arith.constant 0 : i32
    %dma_wait3A_296 = tpu.memref_slice %arg7[%dma_wait3A_286, %dma_wait3A_295] : memref<4x1568xf32, #tpu.memory_space<vmem>> -> memref<1x1568xf32, #tpu.memory_space<vmem>>
    %dma_wait3A_297 = tpu.memref_squeeze %dma_wait3A_296 : memref<1x1568xf32, #tpu.memory_space<vmem>> -> memref<1568xf32, #tpu.memory_space<vmem>>
    tpu.wait_dma2 semaphore(%arg13 : memref<!tpu.dma_semaphore, #tpu.memory_space<semaphore_mem>>) src(%dma_wait3A_297 : memref<1568xf32, #tpu.memory_space<vmem>>) dst(%dma_wait3A_294 : memref<1568xf32, #tpu.memory_space<hbm>>)
    %parallel_loop3A_298 = arith.constant 0 : i32
    %parallel_loop3A_299 = arith.constant 1568 : i32
    %parallel_loop3A_300 = arith.constant 16 : i32
    scf.for %parallel_loop3A_1276 = %parallel_loop3A_298 to %parallel_loop3A_299 step %parallel_loop3A_300  : i32 {
      %parallel_loop3A_1277 = arith.constant 1 : i32
      %parallel_loop3A_1278 = arith.constant 0 : i32
      %parallel_loop3A_1279 = arith.index_cast %parallel_loop3A_1277 : i32 to index
      %parallel_loop3A_1280 = arith.index_cast %parallel_loop3A_1278 : i32 to index
      %parallel_loop3A_1281 = arith.index_cast %parallel_loop3A_1276 : i32 to index
      %parallel_loop3A_1282 = tpu.vector_load %arg6[%parallel_loop3A_1279, %parallel_loop3A_1280, %parallel_loop3A_1281] {strides = array<i32>} : memref<4x4x1568xi32, #tpu.memory_space<vmem>>, vector<16xi32>,
      %parallel_loop3A_1283 = tpu.vector_load_idx %arg5[%parallel_loop3A_1282] : memref<25088xf32, #tpu.memory_space<vmem>>[vector<16xi32>], vector<16xf32>,
      %parallel_loop3A_1284 = arith.constant 1 : i32
      %parallel_loop3A_1285 = arith.constant 1 : i32
      %parallel_loop3A_1286 = arith.index_cast %parallel_loop3A_1284 : i32 to index
      %parallel_loop3A_1287 = arith.index_cast %parallel_loop3A_1285 : i32 to index
      %parallel_loop3A_1288 = arith.index_cast %parallel_loop3A_1276 : i32 to index
      %parallel_loop3A_1289 = tpu.vector_load %arg6[%parallel_loop3A_1286, %parallel_loop3A_1287, %parallel_loop3A_1288] {strides = array<i32>} : memref<4x4x1568xi32, #tpu.memory_space<vmem>>, vector<16xi32>,
      %parallel_loop3A_1290 = tpu.vector_load_idx %arg5[%parallel_loop3A_1289] : memref<25088xf32, #tpu.memory_space<vmem>>[vector<16xi32>], vector<16xf32>,
      %parallel_loop3A_1291 = arith.maximumf %parallel_loop3A_1283, %parallel_loop3A_1290 : vector<16xf32>
      %parallel_loop3A_1292 = arith.constant 1 : i32
      %parallel_loop3A_1293 = arith.constant 2 : i32
      %parallel_loop3A_1294 = arith.index_cast %parallel_loop3A_1292 : i32 to index
      %parallel_loop3A_1295 = arith.index_cast %parallel_loop3A_1293 : i32 to index
      %parallel_loop3A_1296 = arith.index_cast %parallel_loop3A_1276 : i32 to index
      %parallel_loop3A_1297 = tpu.vector_load %arg6[%parallel_loop3A_1294, %parallel_loop3A_1295, %parallel_loop3A_1296] {strides = array<i32>} : memref<4x4x1568xi32, #tpu.memory_space<vmem>>, vector<16xi32>,
      %parallel_loop3A_1298 = tpu.vector_load_idx %arg5[%parallel_loop3A_1297] : memref<25088xf32, #tpu.memory_space<vmem>>[vector<16xi32>], vector<16xf32>,
      %parallel_loop3A_1299 = arith.maximumf %parallel_loop3A_1291, %parallel_loop3A_1298 : vector<16xf32>
      %parallel_loop3A_1300 = arith.constant 1.000000e+00 : f32
      %parallel_loop3A_1301 = vector.broadcast %parallel_loop3A_1300 : f32 to vector<16xf32>
      %parallel_loop3A_1302 = arith.subf %parallel_loop3A_1301, %parallel_loop3A_1299 : vector<16xf32>
      %parallel_loop3A_1303 = arith.constant 1 : i32
      %parallel_loop3A_1304 = arith.index_cast %parallel_loop3A_1303 : i32 to index
      %parallel_loop3A_1305 = arith.index_cast %parallel_loop3A_1276 : i32 to index
      %parallel_loop3A_1306 = tpu.vector_load %arg7[%parallel_loop3A_1304, %parallel_loop3A_1305] {strides = array<i32>} : memref<4x1568xf32, #tpu.memory_space<vmem>>, vector<16xf32>,
      tpu.vector_store %arg7[%parallel_loop3A_1304, %parallel_loop3A_1305], %parallel_loop3A_1302 {strides = array<i32>} : memref<4x1568xf32, #tpu.memory_space<vmem>>, vector<16xf32>,
    } {sc.loop_unroll_factor = 7 : i64, sc.parallel_access}
    %dma_start3A_301 = arith.constant 1 : i32
    %dma_start3A_302 = arith.constant 5 : i32
    %dma_start3A_303 = arith.constant 0 : i32
    %dma_start3A_304 = tpu.memref_slice %arg7[%dma_start3A_301, %dma_start3A_303] : memref<4x1568xf32, #tpu.memory_space<vmem>> -> memref<1x1568xf32, #tpu.memory_space<vmem>>
    %dma_start3A_305 = tpu.memref_squeeze %dma_start3A_304 : memref<1x1568xf32, #tpu.memory_space<vmem>> -> memref<1568xf32, #tpu.memory_space<vmem>>
    %dma_start3A_306 = tpu.memref_slice %arg4[%arg1, %dma_start3A_302, %mul3A_0] : memref<16x24x3136xf32, #tpu.memory_space<hbm>> -> memref<1x1x1568xf32, #tpu.memory_space<hbm>>
    %dma_start3A_307 = tpu.memref_squeeze %dma_start3A_306 : memref<1x1x1568xf32, #tpu.memory_space<hbm>> -> memref<1568xf32, #tpu.memory_space<hbm>>
    %dma_start3A_308 = tpu.memref_slice %arg4[%arg1, %dma_start3A_302, %mul3A_0] : memref<16x24x3136xf32, #tpu.memory_space<hbm>> -> memref<1x1x1568xf32, #tpu.memory_space<hbm>>
    %dma_start3A_309 = tpu.memref_squeeze %dma_start3A_308 : memref<1x1x1568xf32, #tpu.memory_space<hbm>> -> memref<1568xf32, #tpu.memory_space<hbm>>
    %dma_start3A_310 = arith.constant 0 : i32
    %dma_start3A_311 = tpu.memref_slice %arg7[%dma_start3A_301, %dma_start3A_310] : memref<4x1568xf32, #tpu.memory_space<vmem>> -> memref<1x1568xf32, #tpu.memory_space<vmem>>
    %dma_start3A_312 = tpu.memref_squeeze %dma_start3A_311 : memref<1x1568xf32, #tpu.memory_space<vmem>> -> memref<1568xf32, #tpu.memory_space<vmem>>
    tpu.enqueue_dma source(%dma_start3A_312 : memref<1568xf32, #tpu.memory_space<vmem>>) target(%dma_start3A_309 : memref<1568xf32, #tpu.memory_space<hbm>>) target_semaphore(%arg13 : memref<!tpu.dma_semaphore, #tpu.memory_space<semaphore_mem>>)
    %dma_start3A_313 = arith.constant 1 : i32
    %dma_start3A_314 = arith.constant 0 : i32
    %dma_start3A_315 = arith.constant 0 : i32
    %dma_start3A_316 = tpu.memref_slice %arg6[%dma_start3A_313, %dma_start3A_314, %dma_start3A_315] : memref<4x4x1568xi32, #tpu.memory_space<vmem>> -> memref<1x3x1568xi32, #tpu.memory_space<vmem>>
    %dma_start3A_317 = tpu.memref_squeeze %dma_start3A_316 : memref<1x3x1568xi32, #tpu.memory_space<vmem>> -> memref<3x1568xi32, #tpu.memory_space<vmem>>
    %dma_start3A_318 = arith.constant 23 : i32
    %dma_start3A_319 = tpu.memref_slice %arg3[%dma_start3A_318, %mul3A_0] : memref<80x3136xi32, #tpu.memory_space<hbm>> -> memref<3x1568xi32, #tpu.memory_space<hbm>>
    %dma_start3A_320 = arith.constant 0 : i32
    %dma_start3A_321 = arith.constant 0 : i32
    %dma_start3A_322 = tpu.memref_slice %arg6[%dma_start3A_313, %dma_start3A_320, %dma_start3A_321] : memref<4x4x1568xi32, #tpu.memory_space<vmem>> -> memref<1x3x1568xi32, #tpu.memory_space<vmem>>
    %dma_start3A_323 = tpu.memref_squeeze %dma_start3A_322 : memref<1x3x1568xi32, #tpu.memory_space<vmem>> -> memref<3x1568xi32, #tpu.memory_space<vmem>>
    %dma_start3A_324 = arith.constant 23 : i32
    %dma_start3A_325 = tpu.memref_slice %arg3[%dma_start3A_324, %mul3A_0] : memref<80x3136xi32, #tpu.memory_space<hbm>> -> memref<3x1568xi32, #tpu.memory_space<hbm>>
    tpu.enqueue_dma source(%dma_start3A_325 : memref<3x1568xi32, #tpu.memory_space<hbm>>) target(%dma_start3A_323 : memref<3x1568xi32, #tpu.memory_space<vmem>>) target_semaphore(%arg10 : memref<!tpu.dma_semaphore, #tpu.memory_space<semaphore_mem>>)
    %dma_wait3A_326 = arith.constant 2 : i32
    %dma_wait3A_327 = arith.constant 0 : i32
    %dma_wait3A_328 = arith.constant 0 : i32
    %dma_wait3A_329 = tpu.memref_slice %arg6[%dma_wait3A_326, %dma_wait3A_327, %dma_wait3A_328] : memref<4x4x1568xi32, #tpu.memory_space<vmem>> -> memref<1x3x1568xi32, #tpu.memory_space<vmem>>
    %dma_wait3A_330 = tpu.memref_squeeze %dma_wait3A_329 : memref<1x3x1568xi32, #tpu.memory_space<vmem>> -> memref<3x1568xi32, #tpu.memory_space<vmem>>
    %dma_wait3A_331 = arith.constant 14 : i32
    %dma_wait3A_332 = tpu.memref_slice %arg3[%dma_wait3A_331, %mul3A_0] : memref<80x3136xi32, #tpu.memory_space<hbm>> -> memref<3x1568xi32, #tpu.memory_space<hbm>>
    %dma_wait3A_333 = arith.constant 0 : i32
    %dma_wait3A_334 = arith.constant 0 : i32
    %dma_wait3A_335 = tpu.memref_slice %arg6[%dma_wait3A_326, %dma_wait3A_333, %dma_wait3A_334] : memref<4x4x1568xi32, #tpu.memory_space<vmem>> -> memref<1x3x1568xi32, #tpu.memory_space<vmem>>
    %dma_wait3A_336 = tpu.memref_squeeze %dma_wait3A_335 : memref<1x3x1568xi32, #tpu.memory_space<vmem>> -> memref<3x1568xi32, #tpu.memory_space<vmem>>
    %dma_wait3A_337 = arith.constant 14 : i32
    %dma_wait3A_338 = tpu.memref_slice %arg3[%dma_wait3A_337, %mul3A_0] : memref<80x3136xi32, #tpu.memory_space<hbm>> -> memref<3x1568xi32, #tpu.memory_space<hbm>>
    tpu.wait_dma2 semaphore(%arg11 : memref<!tpu.dma_semaphore, #tpu.memory_space<semaphore_mem>>) src(%dma_wait3A_338 : memref<3x1568xi32, #tpu.memory_space<hbm>>) dst(%dma_wait3A_336 : memref<3x1568xi32, #tpu.memory_space<vmem>>)
    %dma_wait3A_339 = arith.constant 2 : i32
    %dma_wait3A_340 = arith.constant 2 : i32
    %dma_wait3A_341 = arith.constant 0 : i32
    %dma_wait3A_342 = tpu.memref_slice %arg7[%dma_wait3A_339, %dma_wait3A_341] : memref<4x1568xf32, #tpu.memory_space<vmem>> -> memref<1x1568xf32, #tpu.memory_space<vmem>>
    %dma_wait3A_343 = tpu.memref_squeeze %dma_wait3A_342 : memref<1x1568xf32, #tpu.memory_space<vmem>> -> memref<1568xf32, #tpu.memory_space<vmem>>
    %dma_wait3A_344 = tpu.memref_slice %arg4[%arg1, %dma_wait3A_340, %mul3A_0] : memref<16x24x3136xf32, #tpu.memory_space<hbm>> -> memref<1x1x1568xf32, #tpu.memory_space<hbm>>
    %dma_wait3A_345 = tpu.memref_squeeze %dma_wait3A_344 : memref<1x1x1568xf32, #tpu.memory_space<hbm>> -> memref<1568xf32, #tpu.memory_space<hbm>>
    %dma_wait3A_346 = tpu.memref_slice %arg4[%arg1, %dma_wait3A_340, %mul3A_0] : memref<16x24x3136xf32, #tpu.memory_space<hbm>> -> memref<1x1x1568xf32, #tpu.memory_space<hbm>>
    %dma_wait3A_347 = tpu.memref_squeeze %dma_wait3A_346 : memref<1x1x1568xf32, #tpu.memory_space<hbm>> -> memref<1568xf32, #tpu.memory_space<hbm>>
    %dma_wait3A_348 = arith.constant 0 : i32
    %dma_wait3A_349 = tpu.memref_slice %arg7[%dma_wait3A_339, %dma_wait3A_348] : memref<4x1568xf32, #tpu.memory_space<vmem>> -> memref<1x1568xf32, #tpu.memory_space<vmem>>
    %dma_wait3A_350 = tpu.memref_squeeze %dma_wait3A_349 : memref<1x1568xf32, #tpu.memory_space<vmem>> -> memref<1568xf32, #tpu.memory_space<vmem>>
    tpu.wait_dma2 semaphore(%arg13 : memref<!tpu.dma_semaphore, #tpu.memory_space<semaphore_mem>>) src(%dma_wait3A_350 : memref<1568xf32, #tpu.memory_space<vmem>>) dst(%dma_wait3A_347 : memref<1568xf32, #tpu.memory_space<hbm>>)
    %parallel_loop3A_351 = arith.constant 0 : i32
    %parallel_loop3A_352 = arith.constant 1568 : i32
    %parallel_loop3A_353 = arith.constant 16 : i32
    scf.for %parallel_loop3A_1276 = %parallel_loop3A_351 to %parallel_loop3A_352 step %parallel_loop3A_353  : i32 {
      %parallel_loop3A_1277 = arith.constant 2 : i32
      %parallel_loop3A_1278 = arith.constant 0 : i32
      %parallel_loop3A_1279 = arith.index_cast %parallel_loop3A_1277 : i32 to index
      %parallel_loop3A_1280 = arith.index_cast %parallel_loop3A_1278 : i32 to index
      %parallel_loop3A_1281 = arith.index_cast %parallel_loop3A_1276 : i32 to index
      %parallel_loop3A_1282 = tpu.vector_load %arg6[%parallel_loop3A_1279, %parallel_loop3A_1280, %parallel_loop3A_1281] {strides = array<i32>} : memref<4x4x1568xi32, #tpu.memory_space<vmem>>, vector<16xi32>,
      %parallel_loop3A_1283 = tpu.vector_load_idx %arg5[%parallel_loop3A_1282] : memref<25088xf32, #tpu.memory_space<vmem>>[vector<16xi32>], vector<16xf32>,
      %parallel_loop3A_1284 = arith.constant 2 : i32
      %parallel_loop3A_1285 = arith.constant 1 : i32
      %parallel_loop3A_1286 = arith.index_cast %parallel_loop3A_1284 : i32 to index
      %parallel_loop3A_1287 = arith.index_cast %parallel_loop3A_1285 : i32 to index
      %parallel_loop3A_1288 = arith.index_cast %parallel_loop3A_1276 : i32 to index
      %parallel_loop3A_1289 = tpu.vector_load %arg6[%parallel_loop3A_1286, %parallel_loop3A_1287, %parallel_loop3A_1288] {strides = array<i32>} : memref<4x4x1568xi32, #tpu.memory_space<vmem>>, vector<16xi32>,
      %parallel_loop3A_1290 = tpu.vector_load_idx %arg5[%parallel_loop3A_1289] : memref<25088xf32, #tpu.memory_space<vmem>>[vector<16xi32>], vector<16xf32>,
      %parallel_loop3A_1291 = arith.maximumf %parallel_loop3A_1283, %parallel_loop3A_1290 : vector<16xf32>
      %parallel_loop3A_1292 = arith.constant 2 : i32
      %parallel_loop3A_1293 = arith.constant 2 : i32
      %parallel_loop3A_1294 = arith.index_cast %parallel_loop3A_1292 : i32 to index
      %parallel_loop3A_1295 = arith.index_cast %parallel_loop3A_1293 : i32 to index
      %parallel_loop3A_1296 = arith.index_cast %parallel_loop3A_1276 : i32 to index
      %parallel_loop3A_1297 = tpu.vector_load %arg6[%parallel_loop3A_1294, %parallel_loop3A_1295, %parallel_loop3A_1296] {strides = array<i32>} : memref<4x4x1568xi32, #tpu.memory_space<vmem>>, vector<16xi32>,
      %parallel_loop3A_1298 = tpu.vector_load_idx %arg5[%parallel_loop3A_1297] : memref<25088xf32, #tpu.memory_space<vmem>>[vector<16xi32>], vector<16xf32>,
      %parallel_loop3A_1299 = arith.maximumf %parallel_loop3A_1291, %parallel_loop3A_1298 : vector<16xf32>
      %parallel_loop3A_1300 = arith.constant 1.000000e+00 : f32
      %parallel_loop3A_1301 = vector.broadcast %parallel_loop3A_1300 : f32 to vector<16xf32>
      %parallel_loop3A_1302 = arith.subf %parallel_loop3A_1301, %parallel_loop3A_1299 : vector<16xf32>
      %parallel_loop3A_1303 = arith.constant 2 : i32
      %parallel_loop3A_1304 = arith.index_cast %parallel_loop3A_1303 : i32 to index
      %parallel_loop3A_1305 = arith.index_cast %parallel_loop3A_1276 : i32 to index
      %parallel_loop3A_1306 = tpu.vector_load %arg7[%parallel_loop3A_1304, %parallel_loop3A_1305] {strides = array<i32>} : memref<4x1568xf32, #tpu.memory_space<vmem>>, vector<16xf32>,
      tpu.vector_store %arg7[%parallel_loop3A_1304, %parallel_loop3A_1305], %parallel_loop3A_1302 {strides = array<i32>} : memref<4x1568xf32, #tpu.memory_space<vmem>>, vector<16xf32>,
    } {sc.loop_unroll_factor = 7 : i64, sc.parallel_access}
    %dma_start3A_354 = arith.constant 2 : i32
    %dma_start3A_355 = arith.constant 6 : i32
    %dma_start3A_356 = arith.constant 0 : i32
    %dma_start3A_357 = tpu.memref_slice %arg7[%dma_start3A_354, %dma_start3A_356] : memref<4x1568xf32, #tpu.memory_space<vmem>> -> memref<1x1568xf32, #tpu.memory_space<vmem>>
    %dma_start3A_358 = tpu.memref_squeeze %dma_start3A_357 : memref<1x1568xf32, #tpu.memory_space<vmem>> -> memref<1568xf32, #tpu.memory_space<vmem>>
    %dma_start3A_359 = tpu.memref_slice %arg4[%arg1, %dma_start3A_355, %mul3A_0] : memref<16x24x3136xf32, #tpu.memory_space<hbm>> -> memref<1x1x1568xf32, #tpu.memory_space<hbm>>
    %dma_start3A_360 = tpu.memref_squeeze %dma_start3A_359 : memref<1x1x1568xf32, #tpu.memory_space<hbm>> -> memref<1568xf32, #tpu.memory_space<hbm>>
    %dma_start3A_361 = tpu.memref_slice %arg4[%arg1, %dma_start3A_355, %mul3A_0] : memref<16x24x3136xf32, #tpu.memory_space<hbm>> -> memref<1x1x1568xf32, #tpu.memory_space<hbm>>
    %dma_start3A_362 = tpu.memref_squeeze %dma_start3A_361 : memref<1x1x1568xf32, #tpu.memory_space<hbm>> -> memref<1568xf32, #tpu.memory_space<hbm>>
    %dma_start3A_363 = arith.constant 0 : i32
    %dma_start3A_364 = tpu.memref_slice %arg7[%dma_start3A_354, %dma_start3A_363] : memref<4x1568xf32, #tpu.memory_space<vmem>> -> memref<1x1568xf32, #tpu.memory_space<vmem>>
    %dma_start3A_365 = tpu.memref_squeeze %dma_start3A_364 : memref<1x1568xf32, #tpu.memory_space<vmem>> -> memref<1568xf32, #tpu.memory_space<vmem>>
    tpu.enqueue_dma source(%dma_start3A_365 : memref<1568xf32, #tpu.memory_space<vmem>>) target(%dma_start3A_362 : memref<1568xf32, #tpu.memory_space<hbm>>) target_semaphore(%arg13 : memref<!tpu.dma_semaphore, #tpu.memory_space<semaphore_mem>>)
    %dma_start3A_366 = arith.constant 2 : i32
    %dma_start3A_367 = arith.constant 0 : i32
    %dma_start3A_368 = arith.constant 0 : i32
    %dma_start3A_369 = tpu.memref_slice %arg6[%dma_start3A_366, %dma_start3A_367, %dma_start3A_368] : memref<4x4x1568xi32, #tpu.memory_space<vmem>> -> memref<1x3x1568xi32, #tpu.memory_space<vmem>>
    %dma_start3A_370 = tpu.memref_squeeze %dma_start3A_369 : memref<1x3x1568xi32, #tpu.memory_space<vmem>> -> memref<3x1568xi32, #tpu.memory_space<vmem>>
    %dma_start3A_371 = arith.constant 26 : i32
    %dma_start3A_372 = tpu.memref_slice %arg3[%dma_start3A_371, %mul3A_0] : memref<80x3136xi32, #tpu.memory_space<hbm>> -> memref<3x1568xi32, #tpu.memory_space<hbm>>
    %dma_start3A_373 = arith.constant 0 : i32
    %dma_start3A_374 = arith.constant 0 : i32
    %dma_start3A_375 = tpu.memref_slice %arg6[%dma_start3A_366, %dma_start3A_373, %dma_start3A_374] : memref<4x4x1568xi32, #tpu.memory_space<vmem>> -> memref<1x3x1568xi32, #tpu.memory_space<vmem>>
    %dma_start3A_376 = tpu.memref_squeeze %dma_start3A_375 : memref<1x3x1568xi32, #tpu.memory_space<vmem>> -> memref<3x1568xi32, #tpu.memory_space<vmem>>
    %dma_start3A_377 = arith.constant 26 : i32
    %dma_start3A_378 = tpu.memref_slice %arg3[%dma_start3A_377, %mul3A_0] : memref<80x3136xi32, #tpu.memory_space<hbm>> -> memref<3x1568xi32, #tpu.memory_space<hbm>>
    tpu.enqueue_dma source(%dma_start3A_378 : memref<3x1568xi32, #tpu.memory_space<hbm>>) target(%dma_start3A_376 : memref<3x1568xi32, #tpu.memory_space<vmem>>) target_semaphore(%arg11 : memref<!tpu.dma_semaphore, #tpu.memory_space<semaphore_mem>>)
    %dma_wait3A_379 = arith.constant 3 : i32
    %dma_wait3A_380 = arith.constant 0 : i32
    %dma_wait3A_381 = arith.constant 0 : i32
    %dma_wait3A_382 = tpu.memref_slice %arg6[%dma_wait3A_379, %dma_wait3A_380, %dma_wait3A_381] : memref<4x4x1568xi32, #tpu.memory_space<vmem>> -> memref<1x3x1568xi32, #tpu.memory_space<vmem>>
    %dma_wait3A_383 = tpu.memref_squeeze %dma_wait3A_382 : memref<1x3x1568xi32, #tpu.memory_space<vmem>> -> memref<3x1568xi32, #tpu.memory_space<vmem>>
    %dma_wait3A_384 = arith.constant 17 : i32
    %dma_wait3A_385 = tpu.memref_slice %arg3[%dma_wait3A_384, %mul3A_0] : memref<80x3136xi32, #tpu.memory_space<hbm>> -> memref<3x1568xi32, #tpu.memory_space<hbm>>
    %dma_wait3A_386 = arith.constant 0 : i32
    %dma_wait3A_387 = arith.constant 0 : i32
    %dma_wait3A_388 = tpu.memref_slice %arg6[%dma_wait3A_379, %dma_wait3A_386, %dma_wait3A_387] : memref<4x4x1568xi32, #tpu.memory_space<vmem>> -> memref<1x3x1568xi32, #tpu.memory_space<vmem>>
    %dma_wait3A_389 = tpu.memref_squeeze %dma_wait3A_388 : memref<1x3x1568xi32, #tpu.memory_space<vmem>> -> memref<3x1568xi32, #tpu.memory_space<vmem>>
    %dma_wait3A_390 = arith.constant 17 : i32
    %dma_wait3A_391 = tpu.memref_slice %arg3[%dma_wait3A_390, %mul3A_0] : memref<80x3136xi32, #tpu.memory_space<hbm>> -> memref<3x1568xi32, #tpu.memory_space<hbm>>
    tpu.wait_dma2 semaphore(%arg12 : memref<!tpu.dma_semaphore, #tpu.memory_space<semaphore_mem>>) src(%dma_wait3A_391 : memref<3x1568xi32, #tpu.memory_space<hbm>>) dst(%dma_wait3A_389 : memref<3x1568xi32, #tpu.memory_space<vmem>>)
    %dma_wait3A_392 = arith.constant 3 : i32
    %dma_wait3A_393 = arith.constant 3 : i32
    %dma_wait3A_394 = arith.constant 0 : i32
    %dma_wait3A_395 = tpu.memref_slice %arg7[%dma_wait3A_392, %dma_wait3A_394] : memref<4x1568xf32, #tpu.memory_space<vmem>> -> memref<1x1568xf32, #tpu.memory_space<vmem>>
    %dma_wait3A_396 = tpu.memref_squeeze %dma_wait3A_395 : memref<1x1568xf32, #tpu.memory_space<vmem>> -> memref<1568xf32, #tpu.memory_space<vmem>>
    %dma_wait3A_397 = tpu.memref_slice %arg4[%arg1, %dma_wait3A_393, %mul3A_0] : memref<16x24x3136xf32, #tpu.memory_space<hbm>> -> memref<1x1x1568xf32, #tpu.memory_space<hbm>>
    %dma_wait3A_398 = tpu.memref_squeeze %dma_wait3A_397 : memref<1x1x1568xf32, #tpu.memory_space<hbm>> -> memref<1568xf32, #tpu.memory_space<hbm>>
    %dma_wait3A_399 = tpu.memref_slice %arg4[%arg1, %dma_wait3A_393, %mul3A_0] : memref<16x24x3136xf32, #tpu.memory_space<hbm>> -> memref<1x1x1568xf32, #tpu.memory_space<hbm>>
    %dma_wait3A_400 = tpu.memref_squeeze %dma_wait3A_399 : memref<1x1x1568xf32, #tpu.memory_space<hbm>> -> memref<1568xf32, #tpu.memory_space<hbm>>
    %dma_wait3A_401 = arith.constant 0 : i32
    %dma_wait3A_402 = tpu.memref_slice %arg7[%dma_wait3A_392, %dma_wait3A_401] : memref<4x1568xf32, #tpu.memory_space<vmem>> -> memref<1x1568xf32, #tpu.memory_space<vmem>>
    %dma_wait3A_403 = tpu.memref_squeeze %dma_wait3A_402 : memref<1x1568xf32, #tpu.memory_space<vmem>> -> memref<1568xf32, #tpu.memory_space<vmem>>
    tpu.wait_dma2 semaphore(%arg13 : memref<!tpu.dma_semaphore, #tpu.memory_space<semaphore_mem>>) src(%dma_wait3A_403 : memref<1568xf32, #tpu.memory_space<vmem>>) dst(%dma_wait3A_400 : memref<1568xf32, #tpu.memory_space<hbm>>)
    %parallel_loop3A_404 = arith.constant 0 : i32
    %parallel_loop3A_405 = arith.constant 1568 : i32
    %parallel_loop3A_406 = arith.constant 16 : i32
    scf.for %parallel_loop3A_1276 = %parallel_loop3A_404 to %parallel_loop3A_405 step %parallel_loop3A_406  : i32 {
      %parallel_loop3A_1277 = arith.constant 3 : i32
      %parallel_loop3A_1278 = arith.constant 0 : i32
      %parallel_loop3A_1279 = arith.index_cast %parallel_loop3A_1277 : i32 to index
      %parallel_loop3A_1280 = arith.index_cast %parallel_loop3A_1278 : i32 to index
      %parallel_loop3A_1281 = arith.index_cast %parallel_loop3A_1276 : i32 to index
      %parallel_loop3A_1282 = tpu.vector_load %arg6[%parallel_loop3A_1279, %parallel_loop3A_1280, %parallel_loop3A_1281] {strides = array<i32>} : memref<4x4x1568xi32, #tpu.memory_space<vmem>>, vector<16xi32>,
      %parallel_loop3A_1283 = tpu.vector_load_idx %arg5[%parallel_loop3A_1282] : memref<25088xf32, #tpu.memory_space<vmem>>[vector<16xi32>], vector<16xf32>,
      %parallel_loop3A_1284 = arith.constant 3 : i32
      %parallel_loop3A_1285 = arith.constant 1 : i32
      %parallel_loop3A_1286 = arith.index_cast %parallel_loop3A_1284 : i32 to index
      %parallel_loop3A_1287 = arith.index_cast %parallel_loop3A_1285 : i32 to index
      %parallel_loop3A_1288 = arith.index_cast %parallel_loop3A_1276 : i32 to index
      %parallel_loop3A_1289 = tpu.vector_load %arg6[%parallel_loop3A_1286, %parallel_loop3A_1287, %parallel_loop3A_1288] {strides = array<i32>} : memref<4x4x1568xi32, #tpu.memory_space<vmem>>, vector<16xi32>,
      %parallel_loop3A_1290 = tpu.vector_load_idx %arg5[%parallel_loop3A_1289] : memref<25088xf32, #tpu.memory_space<vmem>>[vector<16xi32>], vector<16xf32>,
      %parallel_loop3A_1291 = arith.maximumf %parallel_loop3A_1283, %parallel_loop3A_1290 : vector<16xf32>
      %parallel_loop3A_1292 = arith.constant 3 : i32
      %parallel_loop3A_1293 = arith.constant 2 : i32
      %parallel_loop3A_1294 = arith.index_cast %parallel_loop3A_1292 : i32 to index
      %parallel_loop3A_1295 = arith.index_cast %parallel_loop3A_1293 : i32 to index
      %parallel_loop3A_1296 = arith.index_cast %parallel_loop3A_1276 : i32 to index
      %parallel_loop3A_1297 = tpu.vector_load %arg6[%parallel_loop3A_1294, %parallel_loop3A_1295, %parallel_loop3A_1296] {strides = array<i32>} : memref<4x4x1568xi32, #tpu.memory_space<vmem>>, vector<16xi32>,
      %parallel_loop3A_1298 = tpu.vector_load_idx %arg5[%parallel_loop3A_1297] : memref<25088xf32, #tpu.memory_space<vmem>>[vector<16xi32>], vector<16xf32>,
      %parallel_loop3A_1299 = arith.maximumf %parallel_loop3A_1291, %parallel_loop3A_1298 : vector<16xf32>
      %parallel_loop3A_1300 = arith.constant 1.000000e+00 : f32
      %parallel_loop3A_1301 = vector.broadcast %parallel_loop3A_1300 : f32 to vector<16xf32>
      %parallel_loop3A_1302 = arith.subf %parallel_loop3A_1301, %parallel_loop3A_1299 : vector<16xf32>
      %parallel_loop3A_1303 = arith.constant 3 : i32
      %parallel_loop3A_1304 = arith.index_cast %parallel_loop3A_1303 : i32 to index
      %parallel_loop3A_1305 = arith.index_cast %parallel_loop3A_1276 : i32 to index
      %parallel_loop3A_1306 = tpu.vector_load %arg7[%parallel_loop3A_1304, %parallel_loop3A_1305] {strides = array<i32>} : memref<4x1568xf32, #tpu.memory_space<vmem>>, vector<16xf32>,
      tpu.vector_store %arg7[%parallel_loop3A_1304, %parallel_loop3A_1305], %parallel_loop3A_1302 {strides = array<i32>} : memref<4x1568xf32, #tpu.memory_space<vmem>>, vector<16xf32>,
    } {sc.loop_unroll_factor = 7 : i64, sc.parallel_access}
    %dma_start3A_407 = arith.constant 3 : i32
    %dma_start3A_408 = arith.constant 7 : i32
    %dma_start3A_409 = arith.constant 0 : i32
    %dma_start3A_410 = tpu.memref_slice %arg7[%dma_start3A_407, %dma_start3A_409] : memref<4x1568xf32, #tpu.memory_space<vmem>> -> memref<1x1568xf32, #tpu.memory_space<vmem>>
    %dma_start3A_411 = tpu.memref_squeeze %dma_start3A_410 : memref<1x1568xf32, #tpu.memory_space<vmem>> -> memref<1568xf32, #tpu.memory_space<vmem>>
    %dma_start3A_412 = tpu.memref_slice %arg4[%arg1, %dma_start3A_408, %mul3A_0] : memref<16x24x3136xf32, #tpu.memory_space<hbm>> -> memref<1x1x1568xf32, #tpu.memory_space<hbm>>
    %dma_start3A_413 = tpu.memref_squeeze %dma_start3A_412 : memref<1x1x1568xf32, #tpu.memory_space<hbm>> -> memref<1568xf32, #tpu.memory_space<hbm>>
    %dma_start3A_414 = tpu.memref_slice %arg4[%arg1, %dma_start3A_408, %mul3A_0] : memref<16x24x3136xf32, #tpu.memory_space<hbm>> -> memref<1x1x1568xf32, #tpu.memory_space<hbm>>
    %dma_start3A_415 = tpu.memref_squeeze %dma_start3A_414 : memref<1x1x1568xf32, #tpu.memory_space<hbm>> -> memref<1568xf32, #tpu.memory_space<hbm>>
    %dma_start3A_416 = arith.constant 0 : i32
    %dma_start3A_417 = tpu.memref_slice %arg7[%dma_start3A_407, %dma_start3A_416] : memref<4x1568xf32, #tpu.memory_space<vmem>> -> memref<1x1568xf32, #tpu.memory_space<vmem>>
    %dma_start3A_418 = tpu.memref_squeeze %dma_start3A_417 : memref<1x1568xf32, #tpu.memory_space<vmem>> -> memref<1568xf32, #tpu.memory_space<vmem>>
    tpu.enqueue_dma source(%dma_start3A_418 : memref<1568xf32, #tpu.memory_space<vmem>>) target(%dma_start3A_415 : memref<1568xf32, #tpu.memory_space<hbm>>) target_semaphore(%arg13 : memref<!tpu.dma_semaphore, #tpu.memory_space<semaphore_mem>>)
    %dma_start3A_419 = arith.constant 3 : i32
    %dma_start3A_420 = arith.constant 0 : i32
    %dma_start3A_421 = arith.constant 0 : i32
    %dma_start3A_422 = tpu.memref_slice %arg6[%dma_start3A_419, %dma_start3A_420, %dma_start3A_421] : memref<4x4x1568xi32, #tpu.memory_space<vmem>> -> memref<1x3x1568xi32, #tpu.memory_space<vmem>>
    %dma_start3A_423 = tpu.memref_squeeze %dma_start3A_422 : memref<1x3x1568xi32, #tpu.memory_space<vmem>> -> memref<3x1568xi32, #tpu.memory_space<vmem>>
    %dma_start3A_424 = arith.constant 29 : i32
    %dma_start3A_425 = tpu.memref_slice %arg3[%dma_start3A_424, %mul3A_0] : memref<80x3136xi32, #tpu.memory_space<hbm>> -> memref<3x1568xi32, #tpu.memory_space<hbm>>
    %dma_start3A_426 = arith.constant 0 : i32
    %dma_start3A_427 = arith.constant 0 : i32
    %dma_start3A_428 = tpu.memref_slice %arg6[%dma_start3A_419, %dma_start3A_426, %dma_start3A_427] : memref<4x4x1568xi32, #tpu.memory_space<vmem>> -> memref<1x3x1568xi32, #tpu.memory_space<vmem>>
    %dma_start3A_429 = tpu.memref_squeeze %dma_start3A_428 : memref<1x3x1568xi32, #tpu.memory_space<vmem>> -> memref<3x1568xi32, #tpu.memory_space<vmem>>
    %dma_start3A_430 = arith.constant 29 : i32
    %dma_start3A_431 = tpu.memref_slice %arg3[%dma_start3A_430, %mul3A_0] : memref<80x3136xi32, #tpu.memory_space<hbm>> -> memref<3x1568xi32, #tpu.memory_space<hbm>>
    tpu.enqueue_dma source(%dma_start3A_431 : memref<3x1568xi32, #tpu.memory_space<hbm>>) target(%dma_start3A_429 : memref<3x1568xi32, #tpu.memory_space<vmem>>) target_semaphore(%arg12 : memref<!tpu.dma_semaphore, #tpu.memory_space<semaphore_mem>>)
    %dma_wait3A_432 = arith.constant 0 : i32
    %dma_wait3A_433 = arith.constant 0 : i32
    %dma_wait3A_434 = arith.constant 0 : i32
    %dma_wait3A_435 = tpu.memref_slice %arg6[%dma_wait3A_432, %dma_wait3A_433, %dma_wait3A_434] : memref<4x4x1568xi32, #tpu.memory_space<vmem>> -> memref<1x3x1568xi32, #tpu.memory_space<vmem>>
    %dma_wait3A_436 = tpu.memref_squeeze %dma_wait3A_435 : memref<1x3x1568xi32, #tpu.memory_space<vmem>> -> memref<3x1568xi32, #tpu.memory_space<vmem>>
    %dma_wait3A_437 = arith.constant 20 : i32
    %dma_wait3A_438 = tpu.memref_slice %arg3[%dma_wait3A_437, %mul3A_0] : memref<80x3136xi32, #tpu.memory_space<hbm>> -> memref<3x1568xi32, #tpu.memory_space<hbm>>
    %dma_wait3A_439 = arith.constant 0 : i32
    %dma_wait3A_440 = arith.constant 0 : i32
    %dma_wait3A_441 = tpu.memref_slice %arg6[%dma_wait3A_432, %dma_wait3A_439, %dma_wait3A_440] : memref<4x4x1568xi32, #tpu.memory_space<vmem>> -> memref<1x3x1568xi32, #tpu.memory_space<vmem>>
    %dma_wait3A_442 = tpu.memref_squeeze %dma_wait3A_441 : memref<1x3x1568xi32, #tpu.memory_space<vmem>> -> memref<3x1568xi32, #tpu.memory_space<vmem>>
    %dma_wait3A_443 = arith.constant 20 : i32
    %dma_wait3A_444 = tpu.memref_slice %arg3[%dma_wait3A_443, %mul3A_0] : memref<80x3136xi32, #tpu.memory_space<hbm>> -> memref<3x1568xi32, #tpu.memory_space<hbm>>
    tpu.wait_dma2 semaphore(%arg9 : memref<!tpu.dma_semaphore, #tpu.memory_space<semaphore_mem>>) src(%dma_wait3A_444 : memref<3x1568xi32, #tpu.memory_space<hbm>>) dst(%dma_wait3A_442 : memref<3x1568xi32, #tpu.memory_space<vmem>>)
    %dma_wait3A_445 = arith.constant 0 : i32
    %dma_wait3A_446 = arith.constant 4 : i32
    %dma_wait3A_447 = arith.constant 0 : i32
    %dma_wait3A_448 = tpu.memref_slice %arg7[%dma_wait3A_445, %dma_wait3A_447] : memref<4x1568xf32, #tpu.memory_space<vmem>> -> memref<1x1568xf32, #tpu.memory_space<vmem>>
    %dma_wait3A_449 = tpu.memref_squeeze %dma_wait3A_448 : memref<1x1568xf32, #tpu.memory_space<vmem>> -> memref<1568xf32, #tpu.memory_space<vmem>>
    %dma_wait3A_450 = tpu.memref_slice %arg4[%arg1, %dma_wait3A_446, %mul3A_0] : memref<16x24x3136xf32, #tpu.memory_space<hbm>> -> memref<1x1x1568xf32, #tpu.memory_space<hbm>>
    %dma_wait3A_451 = tpu.memref_squeeze %dma_wait3A_450 : memref<1x1x1568xf32, #tpu.memory_space<hbm>> -> memref<1568xf32, #tpu.memory_space<hbm>>
    %dma_wait3A_452 = tpu.memref_slice %arg4[%arg1, %dma_wait3A_446, %mul3A_0] : memref<16x24x3136xf32, #tpu.memory_space<hbm>> -> memref<1x1x1568xf32, #tpu.memory_space<hbm>>
    %dma_wait3A_453 = tpu.memref_squeeze %dma_wait3A_452 : memref<1x1x1568xf32, #tpu.memory_space<hbm>> -> memref<1568xf32, #tpu.memory_space<hbm>>
    %dma_wait3A_454 = arith.constant 0 : i32
    %dma_wait3A_455 = tpu.memref_slice %arg7[%dma_wait3A_445, %dma_wait3A_454] : memref<4x1568xf32, #tpu.memory_space<vmem>> -> memref<1x1568xf32, #tpu.memory_space<vmem>>
    %dma_wait3A_456 = tpu.memref_squeeze %dma_wait3A_455 : memref<1x1568xf32, #tpu.memory_space<vmem>> -> memref<1568xf32, #tpu.memory_space<vmem>>
    tpu.wait_dma2 semaphore(%arg13 : memref<!tpu.dma_semaphore, #tpu.memory_space<semaphore_mem>>) src(%dma_wait3A_456 : memref<1568xf32, #tpu.memory_space<vmem>>) dst(%dma_wait3A_453 : memref<1568xf32, #tpu.memory_space<hbm>>)
    %parallel_loop3A_457 = arith.constant 0 : i32
    %parallel_loop3A_458 = arith.constant 1568 : i32
    %parallel_loop3A_459 = arith.constant 16 : i32
    scf.for %parallel_loop3A_1276 = %parallel_loop3A_457 to %parallel_loop3A_458 step %parallel_loop3A_459  : i32 {
      %parallel_loop3A_1277 = arith.constant 0 : i32
      %parallel_loop3A_1278 = arith.constant 0 : i32
      %parallel_loop3A_1279 = arith.index_cast %parallel_loop3A_1277 : i32 to index
      %parallel_loop3A_1280 = arith.index_cast %parallel_loop3A_1278 : i32 to index
      %parallel_loop3A_1281 = arith.index_cast %parallel_loop3A_1276 : i32 to index
      %parallel_loop3A_1282 = tpu.vector_load %arg6[%parallel_loop3A_1279, %parallel_loop3A_1280, %parallel_loop3A_1281] {strides = array<i32>} : memref<4x4x1568xi32, #tpu.memory_space<vmem>>, vector<16xi32>,
      %parallel_loop3A_1283 = tpu.vector_load_idx %arg5[%parallel_loop3A_1282] : memref<25088xf32, #tpu.memory_space<vmem>>[vector<16xi32>], vector<16xf32>,
      %parallel_loop3A_1284 = arith.constant 0 : i32
      %parallel_loop3A_1285 = arith.constant 1 : i32
      %parallel_loop3A_1286 = arith.index_cast %parallel_loop3A_1284 : i32 to index
      %parallel_loop3A_1287 = arith.index_cast %parallel_loop3A_1285 : i32 to index
      %parallel_loop3A_1288 = arith.index_cast %parallel_loop3A_1276 : i32 to index
      %parallel_loop3A_1289 = tpu.vector_load %arg6[%parallel_loop3A_1286, %parallel_loop3A_1287, %parallel_loop3A_1288] {strides = array<i32>} : memref<4x4x1568xi32, #tpu.memory_space<vmem>>, vector<16xi32>,
      %parallel_loop3A_1290 = tpu.vector_load_idx %arg5[%parallel_loop3A_1289] : memref<25088xf32, #tpu.memory_space<vmem>>[vector<16xi32>], vector<16xf32>,
      %parallel_loop3A_1291 = arith.maximumf %parallel_loop3A_1283, %parallel_loop3A_1290 : vector<16xf32>
      %parallel_loop3A_1292 = arith.constant 0 : i32
      %parallel_loop3A_1293 = arith.constant 2 : i32
      %parallel_loop3A_1294 = arith.index_cast %parallel_loop3A_1292 : i32 to index
      %parallel_loop3A_1295 = arith.index_cast %parallel_loop3A_1293 : i32 to index
      %parallel_loop3A_1296 = arith.index_cast %parallel_loop3A_1276 : i32 to index
      %parallel_loop3A_1297 = tpu.vector_load %arg6[%parallel_loop3A_1294, %parallel_loop3A_1295, %parallel_loop3A_1296] {strides = array<i32>} : memref<4x4x1568xi32, #tpu.memory_space<vmem>>, vector<16xi32>,
      %parallel_loop3A_1298 = tpu.vector_load_idx %arg5[%parallel_loop3A_1297] : memref<25088xf32, #tpu.memory_space<vmem>>[vector<16xi32>], vector<16xf32>,
      %parallel_loop3A_1299 = arith.maximumf %parallel_loop3A_1291, %parallel_loop3A_1298 : vector<16xf32>
      %parallel_loop3A_1300 = arith.constant 1.000000e+00 : f32
      %parallel_loop3A_1301 = vector.broadcast %parallel_loop3A_1300 : f32 to vector<16xf32>
      %parallel_loop3A_1302 = arith.subf %parallel_loop3A_1301, %parallel_loop3A_1299 : vector<16xf32>
      %parallel_loop3A_1303 = arith.constant 0 : i32
      %parallel_loop3A_1304 = arith.index_cast %parallel_loop3A_1303 : i32 to index
      %parallel_loop3A_1305 = arith.index_cast %parallel_loop3A_1276 : i32 to index
      %parallel_loop3A_1306 = tpu.vector_load %arg7[%parallel_loop3A_1304, %parallel_loop3A_1305] {strides = array<i32>} : memref<4x1568xf32, #tpu.memory_space<vmem>>, vector<16xf32>,
      tpu.vector_store %arg7[%parallel_loop3A_1304, %parallel_loop3A_1305], %parallel_loop3A_1302 {strides = array<i32>} : memref<4x1568xf32, #tpu.memory_space<vmem>>, vector<16xf32>,
    } {sc.loop_unroll_factor = 7 : i64, sc.parallel_access}
    %dma_start3A_460 = arith.constant 0 : i32
    %dma_start3A_461 = arith.constant 8 : i32
    %dma_start3A_462 = arith.constant 0 : i32
    %dma_start3A_463 = tpu.memref_slice %arg7[%dma_start3A_460, %dma_start3A_462] : memref<4x1568xf32, #tpu.memory_space<vmem>> -> memref<1x1568xf32, #tpu.memory_space<vmem>>
    %dma_start3A_464 = tpu.memref_squeeze %dma_start3A_463 : memref<1x1568xf32, #tpu.memory_space<vmem>> -> memref<1568xf32, #tpu.memory_space<vmem>>
    %dma_start3A_465 = tpu.memref_slice %arg4[%arg1, %dma_start3A_461, %mul3A_0] : memref<16x24x3136xf32, #tpu.memory_space<hbm>> -> memref<1x1x1568xf32, #tpu.memory_space<hbm>>
    %dma_start3A_466 = tpu.memref_squeeze %dma_start3A_465 : memref<1x1x1568xf32, #tpu.memory_space<hbm>> -> memref<1568xf32, #tpu.memory_space<hbm>>
    %dma_start3A_467 = tpu.memref_slice %arg4[%arg1, %dma_start3A_461, %mul3A_0] : memref<16x24x3136xf32, #tpu.memory_space<hbm>> -> memref<1x1x1568xf32, #tpu.memory_space<hbm>>
    %dma_start3A_468 = tpu.memref_squeeze %dma_start3A_467 : memref<1x1x1568xf32, #tpu.memory_space<hbm>> -> memref<1568xf32, #tpu.memory_space<hbm>>
    %dma_start3A_469 = arith.constant 0 : i32
    %dma_start3A_470 = tpu.memref_slice %arg7[%dma_start3A_460, %dma_start3A_469] : memref<4x1568xf32, #tpu.memory_space<vmem>> -> memref<1x1568xf32, #tpu.memory_space<vmem>>
    %dma_start3A_471 = tpu.memref_squeeze %dma_start3A_470 : memref<1x1568xf32, #tpu.memory_space<vmem>> -> memref<1568xf32, #tpu.memory_space<vmem>>
    tpu.enqueue_dma source(%dma_start3A_471 : memref<1568xf32, #tpu.memory_space<vmem>>) target(%dma_start3A_468 : memref<1568xf32, #tpu.memory_space<hbm>>) target_semaphore(%arg13 : memref<!tpu.dma_semaphore, #tpu.memory_space<semaphore_mem>>)
    %dma_start3A_472 = arith.constant 0 : i32
    %dma_start3A_473 = arith.constant 0 : i32
    %dma_start3A_474 = arith.constant 0 : i32
    %dma_start3A_475 = tpu.memref_slice %arg6[%dma_start3A_472, %dma_start3A_473, %dma_start3A_474] : memref<4x4x1568xi32, #tpu.memory_space<vmem>> -> memref<1x4x1568xi32, #tpu.memory_space<vmem>>
    %dma_start3A_476 = tpu.memref_squeeze %dma_start3A_475 : memref<1x4x1568xi32, #tpu.memory_space<vmem>> -> memref<4x1568xi32, #tpu.memory_space<vmem>>
    %dma_start3A_477 = arith.constant 32 : i32
    %dma_start3A_478 = tpu.memref_slice %arg3[%dma_start3A_477, %mul3A_0] : memref<80x3136xi32, #tpu.memory_space<hbm>> -> memref<4x1568xi32, #tpu.memory_space<hbm>>
    %dma_start3A_479 = arith.constant 0 : i32
    %dma_start3A_480 = arith.constant 0 : i32
    %dma_start3A_481 = tpu.memref_slice %arg6[%dma_start3A_472, %dma_start3A_479, %dma_start3A_480] : memref<4x4x1568xi32, #tpu.memory_space<vmem>> -> memref<1x4x1568xi32, #tpu.memory_space<vmem>>
    %dma_start3A_482 = tpu.memref_squeeze %dma_start3A_481 : memref<1x4x1568xi32, #tpu.memory_space<vmem>> -> memref<4x1568xi32, #tpu.memory_space<vmem>>
    %dma_start3A_483 = arith.constant 32 : i32
    %dma_start3A_484 = tpu.memref_slice %arg3[%dma_start3A_483, %mul3A_0] : memref<80x3136xi32, #tpu.memory_space<hbm>> -> memref<4x1568xi32, #tpu.memory_space<hbm>>
    tpu.enqueue_dma source(%dma_start3A_484 : memref<4x1568xi32, #tpu.memory_space<hbm>>) target(%dma_start3A_482 : memref<4x1568xi32, #tpu.memory_space<vmem>>) target_semaphore(%arg9 : memref<!tpu.dma_semaphore, #tpu.memory_space<semaphore_mem>>)
    %dma_wait3A_485 = arith.constant 1 : i32
    %dma_wait3A_486 = arith.constant 0 : i32
    %dma_wait3A_487 = arith.constant 0 : i32
    %dma_wait3A_488 = tpu.memref_slice %arg6[%dma_wait3A_485, %dma_wait3A_486, %dma_wait3A_487] : memref<4x4x1568xi32, #tpu.memory_space<vmem>> -> memref<1x3x1568xi32, #tpu.memory_space<vmem>>
    %dma_wait3A_489 = tpu.memref_squeeze %dma_wait3A_488 : memref<1x3x1568xi32, #tpu.memory_space<vmem>> -> memref<3x1568xi32, #tpu.memory_space<vmem>>
    %dma_wait3A_490 = arith.constant 23 : i32
    %dma_wait3A_491 = tpu.memref_slice %arg3[%dma_wait3A_490, %mul3A_0] : memref<80x3136xi32, #tpu.memory_space<hbm>> -> memref<3x1568xi32, #tpu.memory_space<hbm>>
    %dma_wait3A_492 = arith.constant 0 : i32
    %dma_wait3A_493 = arith.constant 0 : i32
    %dma_wait3A_494 = tpu.memref_slice %arg6[%dma_wait3A_485, %dma_wait3A_492, %dma_wait3A_493] : memref<4x4x1568xi32, #tpu.memory_space<vmem>> -> memref<1x3x1568xi32, #tpu.memory_space<vmem>>
    %dma_wait3A_495 = tpu.memref_squeeze %dma_wait3A_494 : memref<1x3x1568xi32, #tpu.memory_space<vmem>> -> memref<3x1568xi32, #tpu.memory_space<vmem>>
    %dma_wait3A_496 = arith.constant 23 : i32
    %dma_wait3A_497 = tpu.memref_slice %arg3[%dma_wait3A_496, %mul3A_0] : memref<80x3136xi32, #tpu.memory_space<hbm>> -> memref<3x1568xi32, #tpu.memory_space<hbm>>
    tpu.wait_dma2 semaphore(%arg10 : memref<!tpu.dma_semaphore, #tpu.memory_space<semaphore_mem>>) src(%dma_wait3A_497 : memref<3x1568xi32, #tpu.memory_space<hbm>>) dst(%dma_wait3A_495 : memref<3x1568xi32, #tpu.memory_space<vmem>>)
    %dma_wait3A_498 = arith.constant 1 : i32
    %dma_wait3A_499 = arith.constant 5 : i32
    %dma_wait3A_500 = arith.constant 0 : i32
    %dma_wait3A_501 = tpu.memref_slice %arg7[%dma_wait3A_498, %dma_wait3A_500] : memref<4x1568xf32, #tpu.memory_space<vmem>> -> memref<1x1568xf32, #tpu.memory_space<vmem>>
    %dma_wait3A_502 = tpu.memref_squeeze %dma_wait3A_501 : memref<1x1568xf32, #tpu.memory_space<vmem>> -> memref<1568xf32, #tpu.memory_space<vmem>>
    %dma_wait3A_503 = tpu.memref_slice %arg4[%arg1, %dma_wait3A_499, %mul3A_0] : memref<16x24x3136xf32, #tpu.memory_space<hbm>> -> memref<1x1x1568xf32, #tpu.memory_space<hbm>>
    %dma_wait3A_504 = tpu.memref_squeeze %dma_wait3A_503 : memref<1x1x1568xf32, #tpu.memory_space<hbm>> -> memref<1568xf32, #tpu.memory_space<hbm>>
    %dma_wait3A_505 = tpu.memref_slice %arg4[%arg1, %dma_wait3A_499, %mul3A_0] : memref<16x24x3136xf32, #tpu.memory_space<hbm>> -> memref<1x1x1568xf32, #tpu.memory_space<hbm>>
    %dma_wait3A_506 = tpu.memref_squeeze %dma_wait3A_505 : memref<1x1x1568xf32, #tpu.memory_space<hbm>> -> memref<1568xf32, #tpu.memory_space<hbm>>
    %dma_wait3A_507 = arith.constant 0 : i32
    %dma_wait3A_508 = tpu.memref_slice %arg7[%dma_wait3A_498, %dma_wait3A_507] : memref<4x1568xf32, #tpu.memory_space<vmem>> -> memref<1x1568xf32, #tpu.memory_space<vmem>>
    %dma_wait3A_509 = tpu.memref_squeeze %dma_wait3A_508 : memref<1x1568xf32, #tpu.memory_space<vmem>> -> memref<1568xf32, #tpu.memory_space<vmem>>
    tpu.wait_dma2 semaphore(%arg13 : memref<!tpu.dma_semaphore, #tpu.memory_space<semaphore_mem>>) src(%dma_wait3A_509 : memref<1568xf32, #tpu.memory_space<vmem>>) dst(%dma_wait3A_506 : memref<1568xf32, #tpu.memory_space<hbm>>)
    %parallel_loop3A_510 = arith.constant 0 : i32
    %parallel_loop3A_511 = arith.constant 1568 : i32
    %parallel_loop3A_512 = arith.constant 16 : i32
    scf.for %parallel_loop3A_1276 = %parallel_loop3A_510 to %parallel_loop3A_511 step %parallel_loop3A_512  : i32 {
      %parallel_loop3A_1277 = arith.constant 1 : i32
      %parallel_loop3A_1278 = arith.constant 0 : i32
      %parallel_loop3A_1279 = arith.index_cast %parallel_loop3A_1277 : i32 to index
      %parallel_loop3A_1280 = arith.index_cast %parallel_loop3A_1278 : i32 to index
      %parallel_loop3A_1281 = arith.index_cast %parallel_loop3A_1276 : i32 to index
      %parallel_loop3A_1282 = tpu.vector_load %arg6[%parallel_loop3A_1279, %parallel_loop3A_1280, %parallel_loop3A_1281] {strides = array<i32>} : memref<4x4x1568xi32, #tpu.memory_space<vmem>>, vector<16xi32>,
      %parallel_loop3A_1283 = tpu.vector_load_idx %arg5[%parallel_loop3A_1282] : memref<25088xf32, #tpu.memory_space<vmem>>[vector<16xi32>], vector<16xf32>,
      %parallel_loop3A_1284 = arith.constant 1 : i32
      %parallel_loop3A_1285 = arith.constant 1 : i32
      %parallel_loop3A_1286 = arith.index_cast %parallel_loop3A_1284 : i32 to index
      %parallel_loop3A_1287 = arith.index_cast %parallel_loop3A_1285 : i32 to index
      %parallel_loop3A_1288 = arith.index_cast %parallel_loop3A_1276 : i32 to index
      %parallel_loop3A_1289 = tpu.vector_load %arg6[%parallel_loop3A_1286, %parallel_loop3A_1287, %parallel_loop3A_1288] {strides = array<i32>} : memref<4x4x1568xi32, #tpu.memory_space<vmem>>, vector<16xi32>,
      %parallel_loop3A_1290 = tpu.vector_load_idx %arg5[%parallel_loop3A_1289] : memref<25088xf32, #tpu.memory_space<vmem>>[vector<16xi32>], vector<16xf32>,
      %parallel_loop3A_1291 = arith.maximumf %parallel_loop3A_1283, %parallel_loop3A_1290 : vector<16xf32>
      %parallel_loop3A_1292 = arith.constant 1 : i32
      %parallel_loop3A_1293 = arith.constant 2 : i32
      %parallel_loop3A_1294 = arith.index_cast %parallel_loop3A_1292 : i32 to index
      %parallel_loop3A_1295 = arith.index_cast %parallel_loop3A_1293 : i32 to index
      %parallel_loop3A_1296 = arith.index_cast %parallel_loop3A_1276 : i32 to index
      %parallel_loop3A_1297 = tpu.vector_load %arg6[%parallel_loop3A_1294, %parallel_loop3A_1295, %parallel_loop3A_1296] {strides = array<i32>} : memref<4x4x1568xi32, #tpu.memory_space<vmem>>, vector<16xi32>,
      %parallel_loop3A_1298 = tpu.vector_load_idx %arg5[%parallel_loop3A_1297] : memref<25088xf32, #tpu.memory_space<vmem>>[vector<16xi32>], vector<16xf32>,
      %parallel_loop3A_1299 = arith.maximumf %parallel_loop3A_1291, %parallel_loop3A_1298 : vector<16xf32>
      %parallel_loop3A_1300 = arith.constant 1.000000e+00 : f32
      %parallel_loop3A_1301 = vector.broadcast %parallel_loop3A_1300 : f32 to vector<16xf32>
      %parallel_loop3A_1302 = arith.subf %parallel_loop3A_1301, %parallel_loop3A_1299 : vector<16xf32>
      %parallel_loop3A_1303 = arith.constant 1 : i32
      %parallel_loop3A_1304 = arith.index_cast %parallel_loop3A_1303 : i32 to index
      %parallel_loop3A_1305 = arith.index_cast %parallel_loop3A_1276 : i32 to index
      %parallel_loop3A_1306 = tpu.vector_load %arg7[%parallel_loop3A_1304, %parallel_loop3A_1305] {strides = array<i32>} : memref<4x1568xf32, #tpu.memory_space<vmem>>, vector<16xf32>,
      tpu.vector_store %arg7[%parallel_loop3A_1304, %parallel_loop3A_1305], %parallel_loop3A_1302 {strides = array<i32>} : memref<4x1568xf32, #tpu.memory_space<vmem>>, vector<16xf32>,
    } {sc.loop_unroll_factor = 7 : i64, sc.parallel_access}
    %dma_start3A_513 = arith.constant 1 : i32
    %dma_start3A_514 = arith.constant 9 : i32
    %dma_start3A_515 = arith.constant 0 : i32
    %dma_start3A_516 = tpu.memref_slice %arg7[%dma_start3A_513, %dma_start3A_515] : memref<4x1568xf32, #tpu.memory_space<vmem>> -> memref<1x1568xf32, #tpu.memory_space<vmem>>
    %dma_start3A_517 = tpu.memref_squeeze %dma_start3A_516 : memref<1x1568xf32, #tpu.memory_space<vmem>> -> memref<1568xf32, #tpu.memory_space<vmem>>
    %dma_start3A_518 = tpu.memref_slice %arg4[%arg1, %dma_start3A_514, %mul3A_0] : memref<16x24x3136xf32, #tpu.memory_space<hbm>> -> memref<1x1x1568xf32, #tpu.memory_space<hbm>>
    %dma_start3A_519 = tpu.memref_squeeze %dma_start3A_518 : memref<1x1x1568xf32, #tpu.memory_space<hbm>> -> memref<1568xf32, #tpu.memory_space<hbm>>
    %dma_start3A_520 = tpu.memref_slice %arg4[%arg1, %dma_start3A_514, %mul3A_0] : memref<16x24x3136xf32, #tpu.memory_space<hbm>> -> memref<1x1x1568xf32, #tpu.memory_space<hbm>>
    %dma_start3A_521 = tpu.memref_squeeze %dma_start3A_520 : memref<1x1x1568xf32, #tpu.memory_space<hbm>> -> memref<1568xf32, #tpu.memory_space<hbm>>
    %dma_start3A_522 = arith.constant 0 : i32
    %dma_start3A_523 = tpu.memref_slice %arg7[%dma_start3A_513, %dma_start3A_522] : memref<4x1568xf32, #tpu.memory_space<vmem>> -> memref<1x1568xf32, #tpu.memory_space<vmem>>
    %dma_start3A_524 = tpu.memref_squeeze %dma_start3A_523 : memref<1x1568xf32, #tpu.memory_space<vmem>> -> memref<1568xf32, #tpu.memory_space<vmem>>
    tpu.enqueue_dma source(%dma_start3A_524 : memref<1568xf32, #tpu.memory_space<vmem>>) target(%dma_start3A_521 : memref<1568xf32, #tpu.memory_space<hbm>>) target_semaphore(%arg13 : memref<!tpu.dma_semaphore, #tpu.memory_space<semaphore_mem>>)
    %dma_start3A_525 = arith.constant 1 : i32
    %dma_start3A_526 = arith.constant 0 : i32
    %dma_start3A_527 = arith.constant 0 : i32
    %dma_start3A_528 = tpu.memref_slice %arg6[%dma_start3A_525, %dma_start3A_526, %dma_start3A_527] : memref<4x4x1568xi32, #tpu.memory_space<vmem>> -> memref<1x4x1568xi32, #tpu.memory_space<vmem>>
    %dma_start3A_529 = tpu.memref_squeeze %dma_start3A_528 : memref<1x4x1568xi32, #tpu.memory_space<vmem>> -> memref<4x1568xi32, #tpu.memory_space<vmem>>
    %dma_start3A_530 = arith.constant 36 : i32
    %dma_start3A_531 = tpu.memref_slice %arg3[%dma_start3A_530, %mul3A_0] : memref<80x3136xi32, #tpu.memory_space<hbm>> -> memref<4x1568xi32, #tpu.memory_space<hbm>>
    %dma_start3A_532 = arith.constant 0 : i32
    %dma_start3A_533 = arith.constant 0 : i32
    %dma_start3A_534 = tpu.memref_slice %arg6[%dma_start3A_525, %dma_start3A_532, %dma_start3A_533] : memref<4x4x1568xi32, #tpu.memory_space<vmem>> -> memref<1x4x1568xi32, #tpu.memory_space<vmem>>
    %dma_start3A_535 = tpu.memref_squeeze %dma_start3A_534 : memref<1x4x1568xi32, #tpu.memory_space<vmem>> -> memref<4x1568xi32, #tpu.memory_space<vmem>>
    %dma_start3A_536 = arith.constant 36 : i32
    %dma_start3A_537 = tpu.memref_slice %arg3[%dma_start3A_536, %mul3A_0] : memref<80x3136xi32, #tpu.memory_space<hbm>> -> memref<4x1568xi32, #tpu.memory_space<hbm>>
    tpu.enqueue_dma source(%dma_start3A_537 : memref<4x1568xi32, #tpu.memory_space<hbm>>) target(%dma_start3A_535 : memref<4x1568xi32, #tpu.memory_space<vmem>>) target_semaphore(%arg10 : memref<!tpu.dma_semaphore, #tpu.memory_space<semaphore_mem>>)
    %dma_wait3A_538 = arith.constant 2 : i32
    %dma_wait3A_539 = arith.constant 0 : i32
    %dma_wait3A_540 = arith.constant 0 : i32
    %dma_wait3A_541 = tpu.memref_slice %arg6[%dma_wait3A_538, %dma_wait3A_539, %dma_wait3A_540] : memref<4x4x1568xi32, #tpu.memory_space<vmem>> -> memref<1x3x1568xi32, #tpu.memory_space<vmem>>
    %dma_wait3A_542 = tpu.memref_squeeze %dma_wait3A_541 : memref<1x3x1568xi32, #tpu.memory_space<vmem>> -> memref<3x1568xi32, #tpu.memory_space<vmem>>
    %dma_wait3A_543 = arith.constant 26 : i32
    %dma_wait3A_544 = tpu.memref_slice %arg3[%dma_wait3A_543, %mul3A_0] : memref<80x3136xi32, #tpu.memory_space<hbm>> -> memref<3x1568xi32, #tpu.memory_space<hbm>>
    %dma_wait3A_545 = arith.constant 0 : i32
    %dma_wait3A_546 = arith.constant 0 : i32
    %dma_wait3A_547 = tpu.memref_slice %arg6[%dma_wait3A_538, %dma_wait3A_545, %dma_wait3A_546] : memref<4x4x1568xi32, #tpu.memory_space<vmem>> -> memref<1x3x1568xi32, #tpu.memory_space<vmem>>
    %dma_wait3A_548 = tpu.memref_squeeze %dma_wait3A_547 : memref<1x3x1568xi32, #tpu.memory_space<vmem>> -> memref<3x1568xi32, #tpu.memory_space<vmem>>
    %dma_wait3A_549 = arith.constant 26 : i32
    %dma_wait3A_550 = tpu.memref_slice %arg3[%dma_wait3A_549, %mul3A_0] : memref<80x3136xi32, #tpu.memory_space<hbm>> -> memref<3x1568xi32, #tpu.memory_space<hbm>>
    tpu.wait_dma2 semaphore(%arg11 : memref<!tpu.dma_semaphore, #tpu.memory_space<semaphore_mem>>) src(%dma_wait3A_550 : memref<3x1568xi32, #tpu.memory_space<hbm>>) dst(%dma_wait3A_548 : memref<3x1568xi32, #tpu.memory_space<vmem>>)
    %dma_wait3A_551 = arith.constant 2 : i32
    %dma_wait3A_552 = arith.constant 6 : i32
    %dma_wait3A_553 = arith.constant 0 : i32
    %dma_wait3A_554 = tpu.memref_slice %arg7[%dma_wait3A_551, %dma_wait3A_553] : memref<4x1568xf32, #tpu.memory_space<vmem>> -> memref<1x1568xf32, #tpu.memory_space<vmem>>
    %dma_wait3A_555 = tpu.memref_squeeze %dma_wait3A_554 : memref<1x1568xf32, #tpu.memory_space<vmem>> -> memref<1568xf32, #tpu.memory_space<vmem>>
    %dma_wait3A_556 = tpu.memref_slice %arg4[%arg1, %dma_wait3A_552, %mul3A_0] : memref<16x24x3136xf32, #tpu.memory_space<hbm>> -> memref<1x1x1568xf32, #tpu.memory_space<hbm>>
    %dma_wait3A_557 = tpu.memref_squeeze %dma_wait3A_556 : memref<1x1x1568xf32, #tpu.memory_space<hbm>> -> memref<1568xf32, #tpu.memory_space<hbm>>
    %dma_wait3A_558 = tpu.memref_slice %arg4[%arg1, %dma_wait3A_552, %mul3A_0] : memref<16x24x3136xf32, #tpu.memory_space<hbm>> -> memref<1x1x1568xf32, #tpu.memory_space<hbm>>
    %dma_wait3A_559 = tpu.memref_squeeze %dma_wait3A_558 : memref<1x1x1568xf32, #tpu.memory_space<hbm>> -> memref<1568xf32, #tpu.memory_space<hbm>>
    %dma_wait3A_560 = arith.constant 0 : i32
    %dma_wait3A_561 = tpu.memref_slice %arg7[%dma_wait3A_551, %dma_wait3A_560] : memref<4x1568xf32, #tpu.memory_space<vmem>> -> memref<1x1568xf32, #tpu.memory_space<vmem>>
    %dma_wait3A_562 = tpu.memref_squeeze %dma_wait3A_561 : memref<1x1568xf32, #tpu.memory_space<vmem>> -> memref<1568xf32, #tpu.memory_space<vmem>>
    tpu.wait_dma2 semaphore(%arg13 : memref<!tpu.dma_semaphore, #tpu.memory_space<semaphore_mem>>) src(%dma_wait3A_562 : memref<1568xf32, #tpu.memory_space<vmem>>) dst(%dma_wait3A_559 : memref<1568xf32, #tpu.memory_space<hbm>>)
    %parallel_loop3A_563 = arith.constant 0 : i32
    %parallel_loop3A_564 = arith.constant 1568 : i32
    %parallel_loop3A_565 = arith.constant 16 : i32
    scf.for %parallel_loop3A_1276 = %parallel_loop3A_563 to %parallel_loop3A_564 step %parallel_loop3A_565  : i32 {
      %parallel_loop3A_1277 = arith.constant 2 : i32
      %parallel_loop3A_1278 = arith.constant 0 : i32
      %parallel_loop3A_1279 = arith.index_cast %parallel_loop3A_1277 : i32 to index
      %parallel_loop3A_1280 = arith.index_cast %parallel_loop3A_1278 : i32 to index
      %parallel_loop3A_1281 = arith.index_cast %parallel_loop3A_1276 : i32 to index
      %parallel_loop3A_1282 = tpu.vector_load %arg6[%parallel_loop3A_1279, %parallel_loop3A_1280, %parallel_loop3A_1281] {strides = array<i32>} : memref<4x4x1568xi32, #tpu.memory_space<vmem>>, vector<16xi32>,
      %parallel_loop3A_1283 = tpu.vector_load_idx %arg5[%parallel_loop3A_1282] : memref<25088xf32, #tpu.memory_space<vmem>>[vector<16xi32>], vector<16xf32>,
      %parallel_loop3A_1284 = arith.constant 2 : i32
      %parallel_loop3A_1285 = arith.constant 1 : i32
      %parallel_loop3A_1286 = arith.index_cast %parallel_loop3A_1284 : i32 to index
      %parallel_loop3A_1287 = arith.index_cast %parallel_loop3A_1285 : i32 to index
      %parallel_loop3A_1288 = arith.index_cast %parallel_loop3A_1276 : i32 to index
      %parallel_loop3A_1289 = tpu.vector_load %arg6[%parallel_loop3A_1286, %parallel_loop3A_1287, %parallel_loop3A_1288] {strides = array<i32>} : memref<4x4x1568xi32, #tpu.memory_space<vmem>>, vector<16xi32>,
      %parallel_loop3A_1290 = tpu.vector_load_idx %arg5[%parallel_loop3A_1289] : memref<25088xf32, #tpu.memory_space<vmem>>[vector<16xi32>], vector<16xf32>,
      %parallel_loop3A_1291 = arith.maximumf %parallel_loop3A_1283, %parallel_loop3A_1290 : vector<16xf32>
      %parallel_loop3A_1292 = arith.constant 2 : i32
      %parallel_loop3A_1293 = arith.constant 2 : i32
      %parallel_loop3A_1294 = arith.index_cast %parallel_loop3A_1292 : i32 to index
      %parallel_loop3A_1295 = arith.index_cast %parallel_loop3A_1293 : i32 to index
      %parallel_loop3A_1296 = arith.index_cast %parallel_loop3A_1276 : i32 to index
      %parallel_loop3A_1297 = tpu.vector_load %arg6[%parallel_loop3A_1294, %parallel_loop3A_1295, %parallel_loop3A_1296] {strides = array<i32>} : memref<4x4x1568xi32, #tpu.memory_space<vmem>>, vector<16xi32>,
      %parallel_loop3A_1298 = tpu.vector_load_idx %arg5[%parallel_loop3A_1297] : memref<25088xf32, #tpu.memory_space<vmem>>[vector<16xi32>], vector<16xf32>,
      %parallel_loop3A_1299 = arith.maximumf %parallel_loop3A_1291, %parallel_loop3A_1298 : vector<16xf32>
      %parallel_loop3A_1300 = arith.constant 1.000000e+00 : f32
      %parallel_loop3A_1301 = vector.broadcast %parallel_loop3A_1300 : f32 to vector<16xf32>
      %parallel_loop3A_1302 = arith.subf %parallel_loop3A_1301, %parallel_loop3A_1299 : vector<16xf32>
      %parallel_loop3A_1303 = arith.constant 2 : i32
      %parallel_loop3A_1304 = arith.index_cast %parallel_loop3A_1303 : i32 to index
      %parallel_loop3A_1305 = arith.index_cast %parallel_loop3A_1276 : i32 to index
      %parallel_loop3A_1306 = tpu.vector_load %arg7[%parallel_loop3A_1304, %parallel_loop3A_1305] {strides = array<i32>} : memref<4x1568xf32, #tpu.memory_space<vmem>>, vector<16xf32>,
      tpu.vector_store %arg7[%parallel_loop3A_1304, %parallel_loop3A_1305], %parallel_loop3A_1302 {strides = array<i32>} : memref<4x1568xf32, #tpu.memory_space<vmem>>, vector<16xf32>,
    } {sc.loop_unroll_factor = 7 : i64, sc.parallel_access}
    %dma_start3A_566 = arith.constant 2 : i32
    %dma_start3A_567 = arith.constant 10 : i32
    %dma_start3A_568 = arith.constant 0 : i32
    %dma_start3A_569 = tpu.memref_slice %arg7[%dma_start3A_566, %dma_start3A_568] : memref<4x1568xf32, #tpu.memory_space<vmem>> -> memref<1x1568xf32, #tpu.memory_space<vmem>>
    %dma_start3A_570 = tpu.memref_squeeze %dma_start3A_569 : memref<1x1568xf32, #tpu.memory_space<vmem>> -> memref<1568xf32, #tpu.memory_space<vmem>>
    %dma_start3A_571 = tpu.memref_slice %arg4[%arg1, %dma_start3A_567, %mul3A_0] : memref<16x24x3136xf32, #tpu.memory_space<hbm>> -> memref<1x1x1568xf32, #tpu.memory_space<hbm>>
    %dma_start3A_572 = tpu.memref_squeeze %dma_start3A_571 : memref<1x1x1568xf32, #tpu.memory_space<hbm>> -> memref<1568xf32, #tpu.memory_space<hbm>>
    %dma_start3A_573 = tpu.memref_slice %arg4[%arg1, %dma_start3A_567, %mul3A_0] : memref<16x24x3136xf32, #tpu.memory_space<hbm>> -> memref<1x1x1568xf32, #tpu.memory_space<hbm>>
    %dma_start3A_574 = tpu.memref_squeeze %dma_start3A_573 : memref<1x1x1568xf32, #tpu.memory_space<hbm>> -> memref<1568xf32, #tpu.memory_space<hbm>>
    %dma_start3A_575 = arith.constant 0 : i32
    %dma_start3A_576 = tpu.memref_slice %arg7[%dma_start3A_566, %dma_start3A_575] : memref<4x1568xf32, #tpu.memory_space<vmem>> -> memref<1x1568xf32, #tpu.memory_space<vmem>>
    %dma_start3A_577 = tpu.memref_squeeze %dma_start3A_576 : memref<1x1568xf32, #tpu.memory_space<vmem>> -> memref<1568xf32, #tpu.memory_space<vmem>>
    tpu.enqueue_dma source(%dma_start3A_577 : memref<1568xf32, #tpu.memory_space<vmem>>) target(%dma_start3A_574 : memref<1568xf32, #tpu.memory_space<hbm>>) target_semaphore(%arg13 : memref<!tpu.dma_semaphore, #tpu.memory_space<semaphore_mem>>)
    %dma_start3A_578 = arith.constant 2 : i32
    %dma_start3A_579 = arith.constant 0 : i32
    %dma_start3A_580 = arith.constant 0 : i32
    %dma_start3A_581 = tpu.memref_slice %arg6[%dma_start3A_578, %dma_start3A_579, %dma_start3A_580] : memref<4x4x1568xi32, #tpu.memory_space<vmem>> -> memref<1x4x1568xi32, #tpu.memory_space<vmem>>
    %dma_start3A_582 = tpu.memref_squeeze %dma_start3A_581 : memref<1x4x1568xi32, #tpu.memory_space<vmem>> -> memref<4x1568xi32, #tpu.memory_space<vmem>>
    %dma_start3A_583 = arith.constant 40 : i32
    %dma_start3A_584 = tpu.memref_slice %arg3[%dma_start3A_583, %mul3A_0] : memref<80x3136xi32, #tpu.memory_space<hbm>> -> memref<4x1568xi32, #tpu.memory_space<hbm>>
    %dma_start3A_585 = arith.constant 0 : i32
    %dma_start3A_586 = arith.constant 0 : i32
    %dma_start3A_587 = tpu.memref_slice %arg6[%dma_start3A_578, %dma_start3A_585, %dma_start3A_586] : memref<4x4x1568xi32, #tpu.memory_space<vmem>> -> memref<1x4x1568xi32, #tpu.memory_space<vmem>>
    %dma_start3A_588 = tpu.memref_squeeze %dma_start3A_587 : memref<1x4x1568xi32, #tpu.memory_space<vmem>> -> memref<4x1568xi32, #tpu.memory_space<vmem>>
    %dma_start3A_589 = arith.constant 40 : i32
    %dma_start3A_590 = tpu.memref_slice %arg3[%dma_start3A_589, %mul3A_0] : memref<80x3136xi32, #tpu.memory_space<hbm>> -> memref<4x1568xi32, #tpu.memory_space<hbm>>
    tpu.enqueue_dma source(%dma_start3A_590 : memref<4x1568xi32, #tpu.memory_space<hbm>>) target(%dma_start3A_588 : memref<4x1568xi32, #tpu.memory_space<vmem>>) target_semaphore(%arg11 : memref<!tpu.dma_semaphore, #tpu.memory_space<semaphore_mem>>)
    %dma_wait3A_591 = arith.constant 3 : i32
    %dma_wait3A_592 = arith.constant 0 : i32
    %dma_wait3A_593 = arith.constant 0 : i32
    %dma_wait3A_594 = tpu.memref_slice %arg6[%dma_wait3A_591, %dma_wait3A_592, %dma_wait3A_593] : memref<4x4x1568xi32, #tpu.memory_space<vmem>> -> memref<1x3x1568xi32, #tpu.memory_space<vmem>>
    %dma_wait3A_595 = tpu.memref_squeeze %dma_wait3A_594 : memref<1x3x1568xi32, #tpu.memory_space<vmem>> -> memref<3x1568xi32, #tpu.memory_space<vmem>>
    %dma_wait3A_596 = arith.constant 29 : i32
    %dma_wait3A_597 = tpu.memref_slice %arg3[%dma_wait3A_596, %mul3A_0] : memref<80x3136xi32, #tpu.memory_space<hbm>> -> memref<3x1568xi32, #tpu.memory_space<hbm>>
    %dma_wait3A_598 = arith.constant 0 : i32
    %dma_wait3A_599 = arith.constant 0 : i32
    %dma_wait3A_600 = tpu.memref_slice %arg6[%dma_wait3A_591, %dma_wait3A_598, %dma_wait3A_599] : memref<4x4x1568xi32, #tpu.memory_space<vmem>> -> memref<1x3x1568xi32, #tpu.memory_space<vmem>>
    %dma_wait3A_601 = tpu.memref_squeeze %dma_wait3A_600 : memref<1x3x1568xi32, #tpu.memory_space<vmem>> -> memref<3x1568xi32, #tpu.memory_space<vmem>>
    %dma_wait3A_602 = arith.constant 29 : i32
    %dma_wait3A_603 = tpu.memref_slice %arg3[%dma_wait3A_602, %mul3A_0] : memref<80x3136xi32, #tpu.memory_space<hbm>> -> memref<3x1568xi32, #tpu.memory_space<hbm>>
    tpu.wait_dma2 semaphore(%arg12 : memref<!tpu.dma_semaphore, #tpu.memory_space<semaphore_mem>>) src(%dma_wait3A_603 : memref<3x1568xi32, #tpu.memory_space<hbm>>) dst(%dma_wait3A_601 : memref<3x1568xi32, #tpu.memory_space<vmem>>)
    %dma_wait3A_604 = arith.constant 3 : i32
    %dma_wait3A_605 = arith.constant 7 : i32
    %dma_wait3A_606 = arith.constant 0 : i32
    %dma_wait3A_607 = tpu.memref_slice %arg7[%dma_wait3A_604, %dma_wait3A_606] : memref<4x1568xf32, #tpu.memory_space<vmem>> -> memref<1x1568xf32, #tpu.memory_space<vmem>>
    %dma_wait3A_608 = tpu.memref_squeeze %dma_wait3A_607 : memref<1x1568xf32, #tpu.memory_space<vmem>> -> memref<1568xf32, #tpu.memory_space<vmem>>
    %dma_wait3A_609 = tpu.memref_slice %arg4[%arg1, %dma_wait3A_605, %mul3A_0] : memref<16x24x3136xf32, #tpu.memory_space<hbm>> -> memref<1x1x1568xf32, #tpu.memory_space<hbm>>
    %dma_wait3A_610 = tpu.memref_squeeze %dma_wait3A_609 : memref<1x1x1568xf32, #tpu.memory_space<hbm>> -> memref<1568xf32, #tpu.memory_space<hbm>>
    %dma_wait3A_611 = tpu.memref_slice %arg4[%arg1, %dma_wait3A_605, %mul3A_0] : memref<16x24x3136xf32, #tpu.memory_space<hbm>> -> memref<1x1x1568xf32, #tpu.memory_space<hbm>>
    %dma_wait3A_612 = tpu.memref_squeeze %dma_wait3A_611 : memref<1x1x1568xf32, #tpu.memory_space<hbm>> -> memref<1568xf32, #tpu.memory_space<hbm>>
    %dma_wait3A_613 = arith.constant 0 : i32
    %dma_wait3A_614 = tpu.memref_slice %arg7[%dma_wait3A_604, %dma_wait3A_613] : memref<4x1568xf32, #tpu.memory_space<vmem>> -> memref<1x1568xf32, #tpu.memory_space<vmem>>
    %dma_wait3A_615 = tpu.memref_squeeze %dma_wait3A_614 : memref<1x1568xf32, #tpu.memory_space<vmem>> -> memref<1568xf32, #tpu.memory_space<vmem>>
    tpu.wait_dma2 semaphore(%arg13 : memref<!tpu.dma_semaphore, #tpu.memory_space<semaphore_mem>>) src(%dma_wait3A_615 : memref<1568xf32, #tpu.memory_space<vmem>>) dst(%dma_wait3A_612 : memref<1568xf32, #tpu.memory_space<hbm>>)
    %parallel_loop3A_616 = arith.constant 0 : i32
    %parallel_loop3A_617 = arith.constant 1568 : i32
    %parallel_loop3A_618 = arith.constant 16 : i32
    scf.for %parallel_loop3A_1276 = %parallel_loop3A_616 to %parallel_loop3A_617 step %parallel_loop3A_618  : i32 {
      %parallel_loop3A_1277 = arith.constant 3 : i32
      %parallel_loop3A_1278 = arith.constant 0 : i32
      %parallel_loop3A_1279 = arith.index_cast %parallel_loop3A_1277 : i32 to index
      %parallel_loop3A_1280 = arith.index_cast %parallel_loop3A_1278 : i32 to index
      %parallel_loop3A_1281 = arith.index_cast %parallel_loop3A_1276 : i32 to index
      %parallel_loop3A_1282 = tpu.vector_load %arg6[%parallel_loop3A_1279, %parallel_loop3A_1280, %parallel_loop3A_1281] {strides = array<i32>} : memref<4x4x1568xi32, #tpu.memory_space<vmem>>, vector<16xi32>,
      %parallel_loop3A_1283 = tpu.vector_load_idx %arg5[%parallel_loop3A_1282] : memref<25088xf32, #tpu.memory_space<vmem>>[vector<16xi32>], vector<16xf32>,
      %parallel_loop3A_1284 = arith.constant 3 : i32
      %parallel_loop3A_1285 = arith.constant 1 : i32
      %parallel_loop3A_1286 = arith.index_cast %parallel_loop3A_1284 : i32 to index
      %parallel_loop3A_1287 = arith.index_cast %parallel_loop3A_1285 : i32 to index
      %parallel_loop3A_1288 = arith.index_cast %parallel_loop3A_1276 : i32 to index
      %parallel_loop3A_1289 = tpu.vector_load %arg6[%parallel_loop3A_1286, %parallel_loop3A_1287, %parallel_loop3A_1288] {strides = array<i32>} : memref<4x4x1568xi32, #tpu.memory_space<vmem>>, vector<16xi32>,
      %parallel_loop3A_1290 = tpu.vector_load_idx %arg5[%parallel_loop3A_1289] : memref<25088xf32, #tpu.memory_space<vmem>>[vector<16xi32>], vector<16xf32>,
      %parallel_loop3A_1291 = arith.maximumf %parallel_loop3A_1283, %parallel_loop3A_1290 : vector<16xf32>
      %parallel_loop3A_1292 = arith.constant 3 : i32
      %parallel_loop3A_1293 = arith.constant 2 : i32
      %parallel_loop3A_1294 = arith.index_cast %parallel_loop3A_1292 : i32 to index
      %parallel_loop3A_1295 = arith.index_cast %parallel_loop3A_1293 : i32 to index
      %parallel_loop3A_1296 = arith.index_cast %parallel_loop3A_1276 : i32 to index
      %parallel_loop3A_1297 = tpu.vector_load %arg6[%parallel_loop3A_1294, %parallel_loop3A_1295, %parallel_loop3A_1296] {strides = array<i32>} : memref<4x4x1568xi32, #tpu.memory_space<vmem>>, vector<16xi32>,
      %parallel_loop3A_1298 = tpu.vector_load_idx %arg5[%parallel_loop3A_1297] : memref<25088xf32, #tpu.memory_space<vmem>>[vector<16xi32>], vector<16xf32>,
      %parallel_loop3A_1299 = arith.maximumf %parallel_loop3A_1291, %parallel_loop3A_1298 : vector<16xf32>
      %parallel_loop3A_1300 = arith.constant 1.000000e+00 : f32
      %parallel_loop3A_1301 = vector.broadcast %parallel_loop3A_1300 : f32 to vector<16xf32>
      %parallel_loop3A_1302 = arith.subf %parallel_loop3A_1301, %parallel_loop3A_1299 : vector<16xf32>
      %parallel_loop3A_1303 = arith.constant 3 : i32
      %parallel_loop3A_1304 = arith.index_cast %parallel_loop3A_1303 : i32 to index
      %parallel_loop3A_1305 = arith.index_cast %parallel_loop3A_1276 : i32 to index
      %parallel_loop3A_1306 = tpu.vector_load %arg7[%parallel_loop3A_1304, %parallel_loop3A_1305] {strides = array<i32>} : memref<4x1568xf32, #tpu.memory_space<vmem>>, vector<16xf32>,
      tpu.vector_store %arg7[%parallel_loop3A_1304, %parallel_loop3A_1305], %parallel_loop3A_1302 {strides = array<i32>} : memref<4x1568xf32, #tpu.memory_space<vmem>>, vector<16xf32>,
    } {sc.loop_unroll_factor = 7 : i64, sc.parallel_access}
    %dma_start3A_619 = arith.constant 3 : i32
    %dma_start3A_620 = arith.constant 11 : i32
    %dma_start3A_621 = arith.constant 0 : i32
    %dma_start3A_622 = tpu.memref_slice %arg7[%dma_start3A_619, %dma_start3A_621] : memref<4x1568xf32, #tpu.memory_space<vmem>> -> memref<1x1568xf32, #tpu.memory_space<vmem>>
    %dma_start3A_623 = tpu.memref_squeeze %dma_start3A_622 : memref<1x1568xf32, #tpu.memory_space<vmem>> -> memref<1568xf32, #tpu.memory_space<vmem>>
    %dma_start3A_624 = tpu.memref_slice %arg4[%arg1, %dma_start3A_620, %mul3A_0] : memref<16x24x3136xf32, #tpu.memory_space<hbm>> -> memref<1x1x1568xf32, #tpu.memory_space<hbm>>
    %dma_start3A_625 = tpu.memref_squeeze %dma_start3A_624 : memref<1x1x1568xf32, #tpu.memory_space<hbm>> -> memref<1568xf32, #tpu.memory_space<hbm>>
    %dma_start3A_626 = tpu.memref_slice %arg4[%arg1, %dma_start3A_620, %mul3A_0] : memref<16x24x3136xf32, #tpu.memory_space<hbm>> -> memref<1x1x1568xf32, #tpu.memory_space<hbm>>
    %dma_start3A_627 = tpu.memref_squeeze %dma_start3A_626 : memref<1x1x1568xf32, #tpu.memory_space<hbm>> -> memref<1568xf32, #tpu.memory_space<hbm>>
    %dma_start3A_628 = arith.constant 0 : i32
    %dma_start3A_629 = tpu.memref_slice %arg7[%dma_start3A_619, %dma_start3A_628] : memref<4x1568xf32, #tpu.memory_space<vmem>> -> memref<1x1568xf32, #tpu.memory_space<vmem>>
    %dma_start3A_630 = tpu.memref_squeeze %dma_start3A_629 : memref<1x1568xf32, #tpu.memory_space<vmem>> -> memref<1568xf32, #tpu.memory_space<vmem>>
    tpu.enqueue_dma source(%dma_start3A_630 : memref<1568xf32, #tpu.memory_space<vmem>>) target(%dma_start3A_627 : memref<1568xf32, #tpu.memory_space<hbm>>) target_semaphore(%arg13 : memref<!tpu.dma_semaphore, #tpu.memory_space<semaphore_mem>>)
    %dma_start3A_631 = arith.constant 3 : i32
    %dma_start3A_632 = arith.constant 0 : i32
    %dma_start3A_633 = arith.constant 0 : i32
    %dma_start3A_634 = tpu.memref_slice %arg6[%dma_start3A_631, %dma_start3A_632, %dma_start3A_633] : memref<4x4x1568xi32, #tpu.memory_space<vmem>> -> memref<1x4x1568xi32, #tpu.memory_space<vmem>>
    %dma_start3A_635 = tpu.memref_squeeze %dma_start3A_634 : memref<1x4x1568xi32, #tpu.memory_space<vmem>> -> memref<4x1568xi32, #tpu.memory_space<vmem>>
    %dma_start3A_636 = arith.constant 44 : i32
    %dma_start3A_637 = tpu.memref_slice %arg3[%dma_start3A_636, %mul3A_0] : memref<80x3136xi32, #tpu.memory_space<hbm>> -> memref<4x1568xi32, #tpu.memory_space<hbm>>
    %dma_start3A_638 = arith.constant 0 : i32
    %dma_start3A_639 = arith.constant 0 : i32
    %dma_start3A_640 = tpu.memref_slice %arg6[%dma_start3A_631, %dma_start3A_638, %dma_start3A_639] : memref<4x4x1568xi32, #tpu.memory_space<vmem>> -> memref<1x4x1568xi32, #tpu.memory_space<vmem>>
    %dma_start3A_641 = tpu.memref_squeeze %dma_start3A_640 : memref<1x4x1568xi32, #tpu.memory_space<vmem>> -> memref<4x1568xi32, #tpu.memory_space<vmem>>
    %dma_start3A_642 = arith.constant 44 : i32
    %dma_start3A_643 = tpu.memref_slice %arg3[%dma_start3A_642, %mul3A_0] : memref<80x3136xi32, #tpu.memory_space<hbm>> -> memref<4x1568xi32, #tpu.memory_space<hbm>>
    tpu.enqueue_dma source(%dma_start3A_643 : memref<4x1568xi32, #tpu.memory_space<hbm>>) target(%dma_start3A_641 : memref<4x1568xi32, #tpu.memory_space<vmem>>) target_semaphore(%arg12 : memref<!tpu.dma_semaphore, #tpu.memory_space<semaphore_mem>>)
    %dma_wait3A_644 = arith.constant 0 : i32
    %dma_wait3A_645 = arith.constant 0 : i32
    %dma_wait3A_646 = arith.constant 0 : i32
    %dma_wait3A_647 = tpu.memref_slice %arg6[%dma_wait3A_644, %dma_wait3A_645, %dma_wait3A_646] : memref<4x4x1568xi32, #tpu.memory_space<vmem>> -> memref<1x4x1568xi32, #tpu.memory_space<vmem>>
    %dma_wait3A_648 = tpu.memref_squeeze %dma_wait3A_647 : memref<1x4x1568xi32, #tpu.memory_space<vmem>> -> memref<4x1568xi32, #tpu.memory_space<vmem>>
    %dma_wait3A_649 = arith.constant 32 : i32
    %dma_wait3A_650 = tpu.memref_slice %arg3[%dma_wait3A_649, %mul3A_0] : memref<80x3136xi32, #tpu.memory_space<hbm>> -> memref<4x1568xi32, #tpu.memory_space<hbm>>
    %dma_wait3A_651 = arith.constant 0 : i32
    %dma_wait3A_652 = arith.constant 0 : i32
    %dma_wait3A_653 = tpu.memref_slice %arg6[%dma_wait3A_644, %dma_wait3A_651, %dma_wait3A_652] : memref<4x4x1568xi32, #tpu.memory_space<vmem>> -> memref<1x4x1568xi32, #tpu.memory_space<vmem>>
    %dma_wait3A_654 = tpu.memref_squeeze %dma_wait3A_653 : memref<1x4x1568xi32, #tpu.memory_space<vmem>> -> memref<4x1568xi32, #tpu.memory_space<vmem>>
    %dma_wait3A_655 = arith.constant 32 : i32
    %dma_wait3A_656 = tpu.memref_slice %arg3[%dma_wait3A_655, %mul3A_0] : memref<80x3136xi32, #tpu.memory_space<hbm>> -> memref<4x1568xi32, #tpu.memory_space<hbm>>
    tpu.wait_dma2 semaphore(%arg9 : memref<!tpu.dma_semaphore, #tpu.memory_space<semaphore_mem>>) src(%dma_wait3A_656 : memref<4x1568xi32, #tpu.memory_space<hbm>>) dst(%dma_wait3A_654 : memref<4x1568xi32, #tpu.memory_space<vmem>>)
    %dma_wait3A_657 = arith.constant 0 : i32
    %dma_wait3A_658 = arith.constant 8 : i32
    %dma_wait3A_659 = arith.constant 0 : i32
    %dma_wait3A_660 = tpu.memref_slice %arg7[%dma_wait3A_657, %dma_wait3A_659] : memref<4x1568xf32, #tpu.memory_space<vmem>> -> memref<1x1568xf32, #tpu.memory_space<vmem>>
    %dma_wait3A_661 = tpu.memref_squeeze %dma_wait3A_660 : memref<1x1568xf32, #tpu.memory_space<vmem>> -> memref<1568xf32, #tpu.memory_space<vmem>>
    %dma_wait3A_662 = tpu.memref_slice %arg4[%arg1, %dma_wait3A_658, %mul3A_0] : memref<16x24x3136xf32, #tpu.memory_space<hbm>> -> memref<1x1x1568xf32, #tpu.memory_space<hbm>>
    %dma_wait3A_663 = tpu.memref_squeeze %dma_wait3A_662 : memref<1x1x1568xf32, #tpu.memory_space<hbm>> -> memref<1568xf32, #tpu.memory_space<hbm>>
    %dma_wait3A_664 = tpu.memref_slice %arg4[%arg1, %dma_wait3A_658, %mul3A_0] : memref<16x24x3136xf32, #tpu.memory_space<hbm>> -> memref<1x1x1568xf32, #tpu.memory_space<hbm>>
    %dma_wait3A_665 = tpu.memref_squeeze %dma_wait3A_664 : memref<1x1x1568xf32, #tpu.memory_space<hbm>> -> memref<1568xf32, #tpu.memory_space<hbm>>
    %dma_wait3A_666 = arith.constant 0 : i32
    %dma_wait3A_667 = tpu.memref_slice %arg7[%dma_wait3A_657, %dma_wait3A_666] : memref<4x1568xf32, #tpu.memory_space<vmem>> -> memref<1x1568xf32, #tpu.memory_space<vmem>>
    %dma_wait3A_668 = tpu.memref_squeeze %dma_wait3A_667 : memref<1x1568xf32, #tpu.memory_space<vmem>> -> memref<1568xf32, #tpu.memory_space<vmem>>
    tpu.wait_dma2 semaphore(%arg13 : memref<!tpu.dma_semaphore, #tpu.memory_space<semaphore_mem>>) src(%dma_wait3A_668 : memref<1568xf32, #tpu.memory_space<vmem>>) dst(%dma_wait3A_665 : memref<1568xf32, #tpu.memory_space<hbm>>)
    %parallel_loop3A_669 = arith.constant 0 : i32
    %parallel_loop3A_670 = arith.constant 1568 : i32
    %parallel_loop3A_671 = arith.constant 16 : i32
    scf.for %parallel_loop3A_1276 = %parallel_loop3A_669 to %parallel_loop3A_670 step %parallel_loop3A_671  : i32 {
      %parallel_loop3A_1277 = arith.constant 0 : i32
      %parallel_loop3A_1278 = arith.constant 0 : i32
      %parallel_loop3A_1279 = arith.index_cast %parallel_loop3A_1277 : i32 to index
      %parallel_loop3A_1280 = arith.index_cast %parallel_loop3A_1278 : i32 to index
      %parallel_loop3A_1281 = arith.index_cast %parallel_loop3A_1276 : i32 to index
      %parallel_loop3A_1282 = tpu.vector_load %arg6[%parallel_loop3A_1279, %parallel_loop3A_1280, %parallel_loop3A_1281] {strides = array<i32>} : memref<4x4x1568xi32, #tpu.memory_space<vmem>>, vector<16xi32>,
      %parallel_loop3A_1283 = tpu.vector_load_idx %arg5[%parallel_loop3A_1282] : memref<25088xf32, #tpu.memory_space<vmem>>[vector<16xi32>], vector<16xf32>,
      %parallel_loop3A_1284 = arith.constant 0 : i32
      %parallel_loop3A_1285 = arith.constant 1 : i32
      %parallel_loop3A_1286 = arith.index_cast %parallel_loop3A_1284 : i32 to index
      %parallel_loop3A_1287 = arith.index_cast %parallel_loop3A_1285 : i32 to index
      %parallel_loop3A_1288 = arith.index_cast %parallel_loop3A_1276 : i32 to index
      %parallel_loop3A_1289 = tpu.vector_load %arg6[%parallel_loop3A_1286, %parallel_loop3A_1287, %parallel_loop3A_1288] {strides = array<i32>} : memref<4x4x1568xi32, #tpu.memory_space<vmem>>, vector<16xi32>,
      %parallel_loop3A_1290 = tpu.vector_load_idx %arg5[%parallel_loop3A_1289] : memref<25088xf32, #tpu.memory_space<vmem>>[vector<16xi32>], vector<16xf32>,
      %parallel_loop3A_1291 = arith.maximumf %parallel_loop3A_1283, %parallel_loop3A_1290 : vector<16xf32>
      %parallel_loop3A_1292 = arith.constant 0 : i32
      %parallel_loop3A_1293 = arith.constant 2 : i32
      %parallel_loop3A_1294 = arith.index_cast %parallel_loop3A_1292 : i32 to index
      %parallel_loop3A_1295 = arith.index_cast %parallel_loop3A_1293 : i32 to index
      %parallel_loop3A_1296 = arith.index_cast %parallel_loop3A_1276 : i32 to index
      %parallel_loop3A_1297 = tpu.vector_load %arg6[%parallel_loop3A_1294, %parallel_loop3A_1295, %parallel_loop3A_1296] {strides = array<i32>} : memref<4x4x1568xi32, #tpu.memory_space<vmem>>, vector<16xi32>,
      %parallel_loop3A_1298 = tpu.vector_load_idx %arg5[%parallel_loop3A_1297] : memref<25088xf32, #tpu.memory_space<vmem>>[vector<16xi32>], vector<16xf32>,
      %parallel_loop3A_1299 = arith.maximumf %parallel_loop3A_1291, %parallel_loop3A_1298 : vector<16xf32>
      %parallel_loop3A_1300 = arith.constant 0 : i32
      %parallel_loop3A_1301 = arith.constant 3 : i32
      %parallel_loop3A_1302 = arith.index_cast %parallel_loop3A_1300 : i32 to index
      %parallel_loop3A_1303 = arith.index_cast %parallel_loop3A_1301 : i32 to index
      %parallel_loop3A_1304 = arith.index_cast %parallel_loop3A_1276 : i32 to index
      %parallel_loop3A_1305 = tpu.vector_load %arg6[%parallel_loop3A_1302, %parallel_loop3A_1303, %parallel_loop3A_1304] {strides = array<i32>} : memref<4x4x1568xi32, #tpu.memory_space<vmem>>, vector<16xi32>,
      %parallel_loop3A_1306 = tpu.vector_load_idx %arg5[%parallel_loop3A_1305] : memref<25088xf32, #tpu.memory_space<vmem>>[vector<16xi32>], vector<16xf32>,
      %parallel_loop3A_1307 = arith.maximumf %parallel_loop3A_1299, %parallel_loop3A_1306 : vector<16xf32>
      %parallel_loop3A_1308 = arith.constant 1.000000e+00 : f32
      %parallel_loop3A_1309 = vector.broadcast %parallel_loop3A_1308 : f32 to vector<16xf32>
      %parallel_loop3A_1310 = arith.subf %parallel_loop3A_1309, %parallel_loop3A_1307 : vector<16xf32>
      %parallel_loop3A_1311 = arith.constant 0 : i32
      %parallel_loop3A_1312 = arith.index_cast %parallel_loop3A_1311 : i32 to index
      %parallel_loop3A_1313 = arith.index_cast %parallel_loop3A_1276 : i32 to index
      %parallel_loop3A_1314 = tpu.vector_load %arg7[%parallel_loop3A_1312, %parallel_loop3A_1313] {strides = array<i32>} : memref<4x1568xf32, #tpu.memory_space<vmem>>, vector<16xf32>,
      tpu.vector_store %arg7[%parallel_loop3A_1312, %parallel_loop3A_1313], %parallel_loop3A_1310 {strides = array<i32>} : memref<4x1568xf32, #tpu.memory_space<vmem>>, vector<16xf32>,
    } {sc.loop_unroll_factor = 7 : i64, sc.parallel_access}
    %dma_start3A_672 = arith.constant 0 : i32
    %dma_start3A_673 = arith.constant 12 : i32
    %dma_start3A_674 = arith.constant 0 : i32
    %dma_start3A_675 = tpu.memref_slice %arg7[%dma_start3A_672, %dma_start3A_674] : memref<4x1568xf32, #tpu.memory_space<vmem>> -> memref<1x1568xf32, #tpu.memory_space<vmem>>
    %dma_start3A_676 = tpu.memref_squeeze %dma_start3A_675 : memref<1x1568xf32, #tpu.memory_space<vmem>> -> memref<1568xf32, #tpu.memory_space<vmem>>
    %dma_start3A_677 = tpu.memref_slice %arg4[%arg1, %dma_start3A_673, %mul3A_0] : memref<16x24x3136xf32, #tpu.memory_space<hbm>> -> memref<1x1x1568xf32, #tpu.memory_space<hbm>>
    %dma_start3A_678 = tpu.memref_squeeze %dma_start3A_677 : memref<1x1x1568xf32, #tpu.memory_space<hbm>> -> memref<1568xf32, #tpu.memory_space<hbm>>
    %dma_start3A_679 = tpu.memref_slice %arg4[%arg1, %dma_start3A_673, %mul3A_0] : memref<16x24x3136xf32, #tpu.memory_space<hbm>> -> memref<1x1x1568xf32, #tpu.memory_space<hbm>>
    %dma_start3A_680 = tpu.memref_squeeze %dma_start3A_679 : memref<1x1x1568xf32, #tpu.memory_space<hbm>> -> memref<1568xf32, #tpu.memory_space<hbm>>
    %dma_start3A_681 = arith.constant 0 : i32
    %dma_start3A_682 = tpu.memref_slice %arg7[%dma_start3A_672, %dma_start3A_681] : memref<4x1568xf32, #tpu.memory_space<vmem>> -> memref<1x1568xf32, #tpu.memory_space<vmem>>
    %dma_start3A_683 = tpu.memref_squeeze %dma_start3A_682 : memref<1x1568xf32, #tpu.memory_space<vmem>> -> memref<1568xf32, #tpu.memory_space<vmem>>
    tpu.enqueue_dma source(%dma_start3A_683 : memref<1568xf32, #tpu.memory_space<vmem>>) target(%dma_start3A_680 : memref<1568xf32, #tpu.memory_space<hbm>>) target_semaphore(%arg13 : memref<!tpu.dma_semaphore, #tpu.memory_space<semaphore_mem>>)
    %dma_start3A_684 = arith.constant 0 : i32
    %dma_start3A_685 = arith.constant 0 : i32
    %dma_start3A_686 = arith.constant 0 : i32
    %dma_start3A_687 = tpu.memref_slice %arg6[%dma_start3A_684, %dma_start3A_685, %dma_start3A_686] : memref<4x4x1568xi32, #tpu.memory_space<vmem>> -> memref<1x4x1568xi32, #tpu.memory_space<vmem>>
    %dma_start3A_688 = tpu.memref_squeeze %dma_start3A_687 : memref<1x4x1568xi32, #tpu.memory_space<vmem>> -> memref<4x1568xi32, #tpu.memory_space<vmem>>
    %dma_start3A_689 = arith.constant 48 : i32
    %dma_start3A_690 = tpu.memref_slice %arg3[%dma_start3A_689, %mul3A_0] : memref<80x3136xi32, #tpu.memory_space<hbm>> -> memref<4x1568xi32, #tpu.memory_space<hbm>>
    %dma_start3A_691 = arith.constant 0 : i32
    %dma_start3A_692 = arith.constant 0 : i32
    %dma_start3A_693 = tpu.memref_slice %arg6[%dma_start3A_684, %dma_start3A_691, %dma_start3A_692] : memref<4x4x1568xi32, #tpu.memory_space<vmem>> -> memref<1x4x1568xi32, #tpu.memory_space<vmem>>
    %dma_start3A_694 = tpu.memref_squeeze %dma_start3A_693 : memref<1x4x1568xi32, #tpu.memory_space<vmem>> -> memref<4x1568xi32, #tpu.memory_space<vmem>>
    %dma_start3A_695 = arith.constant 48 : i32
    %dma_start3A_696 = tpu.memref_slice %arg3[%dma_start3A_695, %mul3A_0] : memref<80x3136xi32, #tpu.memory_space<hbm>> -> memref<4x1568xi32, #tpu.memory_space<hbm>>
    tpu.enqueue_dma source(%dma_start3A_696 : memref<4x1568xi32, #tpu.memory_space<hbm>>) target(%dma_start3A_694 : memref<4x1568xi32, #tpu.memory_space<vmem>>) target_semaphore(%arg9 : memref<!tpu.dma_semaphore, #tpu.memory_space<semaphore_mem>>)
    %dma_wait3A_697 = arith.constant 1 : i32
    %dma_wait3A_698 = arith.constant 0 : i32
    %dma_wait3A_699 = arith.constant 0 : i32
    %dma_wait3A_700 = tpu.memref_slice %arg6[%dma_wait3A_697, %dma_wait3A_698, %dma_wait3A_699] : memref<4x4x1568xi32, #tpu.memory_space<vmem>> -> memref<1x4x1568xi32, #tpu.memory_space<vmem>>
    %dma_wait3A_701 = tpu.memref_squeeze %dma_wait3A_700 : memref<1x4x1568xi32, #tpu.memory_space<vmem>> -> memref<4x1568xi32, #tpu.memory_space<vmem>>
    %dma_wait3A_702 = arith.constant 36 : i32
    %dma_wait3A_703 = tpu.memref_slice %arg3[%dma_wait3A_702, %mul3A_0] : memref<80x3136xi32, #tpu.memory_space<hbm>> -> memref<4x1568xi32, #tpu.memory_space<hbm>>
    %dma_wait3A_704 = arith.constant 0 : i32
    %dma_wait3A_705 = arith.constant 0 : i32
    %dma_wait3A_706 = tpu.memref_slice %arg6[%dma_wait3A_697, %dma_wait3A_704, %dma_wait3A_705] : memref<4x4x1568xi32, #tpu.memory_space<vmem>> -> memref<1x4x1568xi32, #tpu.memory_space<vmem>>
    %dma_wait3A_707 = tpu.memref_squeeze %dma_wait3A_706 : memref<1x4x1568xi32, #tpu.memory_space<vmem>> -> memref<4x1568xi32, #tpu.memory_space<vmem>>
    %dma_wait3A_708 = arith.constant 36 : i32
    %dma_wait3A_709 = tpu.memref_slice %arg3[%dma_wait3A_708, %mul3A_0] : memref<80x3136xi32, #tpu.memory_space<hbm>> -> memref<4x1568xi32, #tpu.memory_space<hbm>>
    tpu.wait_dma2 semaphore(%arg10 : memref<!tpu.dma_semaphore, #tpu.memory_space<semaphore_mem>>) src(%dma_wait3A_709 : memref<4x1568xi32, #tpu.memory_space<hbm>>) dst(%dma_wait3A_707 : memref<4x1568xi32, #tpu.memory_space<vmem>>)
    %dma_wait3A_710 = arith.constant 1 : i32
    %dma_wait3A_711 = arith.constant 9 : i32
    %dma_wait3A_712 = arith.constant 0 : i32
    %dma_wait3A_713 = tpu.memref_slice %arg7[%dma_wait3A_710, %dma_wait3A_712] : memref<4x1568xf32, #tpu.memory_space<vmem>> -> memref<1x1568xf32, #tpu.memory_space<vmem>>
    %dma_wait3A_714 = tpu.memref_squeeze %dma_wait3A_713 : memref<1x1568xf32, #tpu.memory_space<vmem>> -> memref<1568xf32, #tpu.memory_space<vmem>>
    %dma_wait3A_715 = tpu.memref_slice %arg4[%arg1, %dma_wait3A_711, %mul3A_0] : memref<16x24x3136xf32, #tpu.memory_space<hbm>> -> memref<1x1x1568xf32, #tpu.memory_space<hbm>>
    %dma_wait3A_716 = tpu.memref_squeeze %dma_wait3A_715 : memref<1x1x1568xf32, #tpu.memory_space<hbm>> -> memref<1568xf32, #tpu.memory_space<hbm>>
    %dma_wait3A_717 = tpu.memref_slice %arg4[%arg1, %dma_wait3A_711, %mul3A_0] : memref<16x24x3136xf32, #tpu.memory_space<hbm>> -> memref<1x1x1568xf32, #tpu.memory_space<hbm>>
    %dma_wait3A_718 = tpu.memref_squeeze %dma_wait3A_717 : memref<1x1x1568xf32, #tpu.memory_space<hbm>> -> memref<1568xf32, #tpu.memory_space<hbm>>
    %dma_wait3A_719 = arith.constant 0 : i32
    %dma_wait3A_720 = tpu.memref_slice %arg7[%dma_wait3A_710, %dma_wait3A_719] : memref<4x1568xf32, #tpu.memory_space<vmem>> -> memref<1x1568xf32, #tpu.memory_space<vmem>>
    %dma_wait3A_721 = tpu.memref_squeeze %dma_wait3A_720 : memref<1x1568xf32, #tpu.memory_space<vmem>> -> memref<1568xf32, #tpu.memory_space<vmem>>
    tpu.wait_dma2 semaphore(%arg13 : memref<!tpu.dma_semaphore, #tpu.memory_space<semaphore_mem>>) src(%dma_wait3A_721 : memref<1568xf32, #tpu.memory_space<vmem>>) dst(%dma_wait3A_718 : memref<1568xf32, #tpu.memory_space<hbm>>)
    %parallel_loop3A_722 = arith.constant 0 : i32
    %parallel_loop3A_723 = arith.constant 1568 : i32
    %parallel_loop3A_724 = arith.constant 16 : i32
    scf.for %parallel_loop3A_1276 = %parallel_loop3A_722 to %parallel_loop3A_723 step %parallel_loop3A_724  : i32 {
      %parallel_loop3A_1277 = arith.constant 1 : i32
      %parallel_loop3A_1278 = arith.constant 0 : i32
      %parallel_loop3A_1279 = arith.index_cast %parallel_loop3A_1277 : i32 to index
      %parallel_loop3A_1280 = arith.index_cast %parallel_loop3A_1278 : i32 to index
      %parallel_loop3A_1281 = arith.index_cast %parallel_loop3A_1276 : i32 to index
      %parallel_loop3A_1282 = tpu.vector_load %arg6[%parallel_loop3A_1279, %parallel_loop3A_1280, %parallel_loop3A_1281] {strides = array<i32>} : memref<4x4x1568xi32, #tpu.memory_space<vmem>>, vector<16xi32>,
      %parallel_loop3A_1283 = tpu.vector_load_idx %arg5[%parallel_loop3A_1282] : memref<25088xf32, #tpu.memory_space<vmem>>[vector<16xi32>], vector<16xf32>,
      %parallel_loop3A_1284 = arith.constant 1 : i32
      %parallel_loop3A_1285 = arith.constant 1 : i32
      %parallel_loop3A_1286 = arith.index_cast %parallel_loop3A_1284 : i32 to index
      %parallel_loop3A_1287 = arith.index_cast %parallel_loop3A_1285 : i32 to index
      %parallel_loop3A_1288 = arith.index_cast %parallel_loop3A_1276 : i32 to index
      %parallel_loop3A_1289 = tpu.vector_load %arg6[%parallel_loop3A_1286, %parallel_loop3A_1287, %parallel_loop3A_1288] {strides = array<i32>} : memref<4x4x1568xi32, #tpu.memory_space<vmem>>, vector<16xi32>,
      %parallel_loop3A_1290 = tpu.vector_load_idx %arg5[%parallel_loop3A_1289] : memref<25088xf32, #tpu.memory_space<vmem>>[vector<16xi32>], vector<16xf32>,
      %parallel_loop3A_1291 = arith.maximumf %parallel_loop3A_1283, %parallel_loop3A_1290 : vector<16xf32>
      %parallel_loop3A_1292 = arith.constant 1 : i32
      %parallel_loop3A_1293 = arith.constant 2 : i32
      %parallel_loop3A_1294 = arith.index_cast %parallel_loop3A_1292 : i32 to index
      %parallel_loop3A_1295 = arith.index_cast %parallel_loop3A_1293 : i32 to index
      %parallel_loop3A_1296 = arith.index_cast %parallel_loop3A_1276 : i32 to index
      %parallel_loop3A_1297 = tpu.vector_load %arg6[%parallel_loop3A_1294, %parallel_loop3A_1295, %parallel_loop3A_1296] {strides = array<i32>} : memref<4x4x1568xi32, #tpu.memory_space<vmem>>, vector<16xi32>,
      %parallel_loop3A_1298 = tpu.vector_load_idx %arg5[%parallel_loop3A_1297] : memref<25088xf32, #tpu.memory_space<vmem>>[vector<16xi32>], vector<16xf32>,
      %parallel_loop3A_1299 = arith.maximumf %parallel_loop3A_1291, %parallel_loop3A_1298 : vector<16xf32>
      %parallel_loop3A_1300 = arith.constant 1 : i32
      %parallel_loop3A_1301 = arith.constant 3 : i32
      %parallel_loop3A_1302 = arith.index_cast %parallel_loop3A_1300 : i32 to index
      %parallel_loop3A_1303 = arith.index_cast %parallel_loop3A_1301 : i32 to index
      %parallel_loop3A_1304 = arith.index_cast %parallel_loop3A_1276 : i32 to index
      %parallel_loop3A_1305 = tpu.vector_load %arg6[%parallel_loop3A_1302, %parallel_loop3A_1303, %parallel_loop3A_1304] {strides = array<i32>} : memref<4x4x1568xi32, #tpu.memory_space<vmem>>, vector<16xi32>,
      %parallel_loop3A_1306 = tpu.vector_load_idx %arg5[%parallel_loop3A_1305] : memref<25088xf32, #tpu.memory_space<vmem>>[vector<16xi32>], vector<16xf32>,
      %parallel_loop3A_1307 = arith.maximumf %parallel_loop3A_1299, %parallel_loop3A_1306 : vector<16xf32>
      %parallel_loop3A_1308 = arith.constant 1.000000e+00 : f32
      %parallel_loop3A_1309 = vector.broadcast %parallel_loop3A_1308 : f32 to vector<16xf32>
      %parallel_loop3A_1310 = arith.subf %parallel_loop3A_1309, %parallel_loop3A_1307 : vector<16xf32>
      %parallel_loop3A_1311 = arith.constant 1 : i32
      %parallel_loop3A_1312 = arith.index_cast %parallel_loop3A_1311 : i32 to index
      %parallel_loop3A_1313 = arith.index_cast %parallel_loop3A_1276 : i32 to index
      %parallel_loop3A_1314 = tpu.vector_load %arg7[%parallel_loop3A_1312, %parallel_loop3A_1313] {strides = array<i32>} : memref<4x1568xf32, #tpu.memory_space<vmem>>, vector<16xf32>,
      tpu.vector_store %arg7[%parallel_loop3A_1312, %parallel_loop3A_1313], %parallel_loop3A_1310 {strides = array<i32>} : memref<4x1568xf32, #tpu.memory_space<vmem>>, vector<16xf32>,
    } {sc.loop_unroll_factor = 7 : i64, sc.parallel_access}
    %dma_start3A_725 = arith.constant 1 : i32
    %dma_start3A_726 = arith.constant 13 : i32
    %dma_start3A_727 = arith.constant 0 : i32
    %dma_start3A_728 = tpu.memref_slice %arg7[%dma_start3A_725, %dma_start3A_727] : memref<4x1568xf32, #tpu.memory_space<vmem>> -> memref<1x1568xf32, #tpu.memory_space<vmem>>
    %dma_start3A_729 = tpu.memref_squeeze %dma_start3A_728 : memref<1x1568xf32, #tpu.memory_space<vmem>> -> memref<1568xf32, #tpu.memory_space<vmem>>
    %dma_start3A_730 = tpu.memref_slice %arg4[%arg1, %dma_start3A_726, %mul3A_0] : memref<16x24x3136xf32, #tpu.memory_space<hbm>> -> memref<1x1x1568xf32, #tpu.memory_space<hbm>>
    %dma_start3A_731 = tpu.memref_squeeze %dma_start3A_730 : memref<1x1x1568xf32, #tpu.memory_space<hbm>> -> memref<1568xf32, #tpu.memory_space<hbm>>
    %dma_start3A_732 = tpu.memref_slice %arg4[%arg1, %dma_start3A_726, %mul3A_0] : memref<16x24x3136xf32, #tpu.memory_space<hbm>> -> memref<1x1x1568xf32, #tpu.memory_space<hbm>>
    %dma_start3A_733 = tpu.memref_squeeze %dma_start3A_732 : memref<1x1x1568xf32, #tpu.memory_space<hbm>> -> memref<1568xf32, #tpu.memory_space<hbm>>
    %dma_start3A_734 = arith.constant 0 : i32
    %dma_start3A_735 = tpu.memref_slice %arg7[%dma_start3A_725, %dma_start3A_734] : memref<4x1568xf32, #tpu.memory_space<vmem>> -> memref<1x1568xf32, #tpu.memory_space<vmem>>
    %dma_start3A_736 = tpu.memref_squeeze %dma_start3A_735 : memref<1x1568xf32, #tpu.memory_space<vmem>> -> memref<1568xf32, #tpu.memory_space<vmem>>
    tpu.enqueue_dma source(%dma_start3A_736 : memref<1568xf32, #tpu.memory_space<vmem>>) target(%dma_start3A_733 : memref<1568xf32, #tpu.memory_space<hbm>>) target_semaphore(%arg13 : memref<!tpu.dma_semaphore, #tpu.memory_space<semaphore_mem>>)
    %dma_start3A_737 = arith.constant 1 : i32
    %dma_start3A_738 = arith.constant 0 : i32
    %dma_start3A_739 = arith.constant 0 : i32
    %dma_start3A_740 = tpu.memref_slice %arg6[%dma_start3A_737, %dma_start3A_738, %dma_start3A_739] : memref<4x4x1568xi32, #tpu.memory_space<vmem>> -> memref<1x4x1568xi32, #tpu.memory_space<vmem>>
    %dma_start3A_741 = tpu.memref_squeeze %dma_start3A_740 : memref<1x4x1568xi32, #tpu.memory_space<vmem>> -> memref<4x1568xi32, #tpu.memory_space<vmem>>
    %dma_start3A_742 = arith.constant 52 : i32
    %dma_start3A_743 = tpu.memref_slice %arg3[%dma_start3A_742, %mul3A_0] : memref<80x3136xi32, #tpu.memory_space<hbm>> -> memref<4x1568xi32, #tpu.memory_space<hbm>>
    %dma_start3A_744 = arith.constant 0 : i32
    %dma_start3A_745 = arith.constant 0 : i32
    %dma_start3A_746 = tpu.memref_slice %arg6[%dma_start3A_737, %dma_start3A_744, %dma_start3A_745] : memref<4x4x1568xi32, #tpu.memory_space<vmem>> -> memref<1x4x1568xi32, #tpu.memory_space<vmem>>
    %dma_start3A_747 = tpu.memref_squeeze %dma_start3A_746 : memref<1x4x1568xi32, #tpu.memory_space<vmem>> -> memref<4x1568xi32, #tpu.memory_space<vmem>>
    %dma_start3A_748 = arith.constant 52 : i32
    %dma_start3A_749 = tpu.memref_slice %arg3[%dma_start3A_748, %mul3A_0] : memref<80x3136xi32, #tpu.memory_space<hbm>> -> memref<4x1568xi32, #tpu.memory_space<hbm>>
    tpu.enqueue_dma source(%dma_start3A_749 : memref<4x1568xi32, #tpu.memory_space<hbm>>) target(%dma_start3A_747 : memref<4x1568xi32, #tpu.memory_space<vmem>>) target_semaphore(%arg10 : memref<!tpu.dma_semaphore, #tpu.memory_space<semaphore_mem>>)
    %dma_wait3A_750 = arith.constant 2 : i32
    %dma_wait3A_751 = arith.constant 0 : i32
    %dma_wait3A_752 = arith.constant 0 : i32
    %dma_wait3A_753 = tpu.memref_slice %arg6[%dma_wait3A_750, %dma_wait3A_751, %dma_wait3A_752] : memref<4x4x1568xi32, #tpu.memory_space<vmem>> -> memref<1x4x1568xi32, #tpu.memory_space<vmem>>
    %dma_wait3A_754 = tpu.memref_squeeze %dma_wait3A_753 : memref<1x4x1568xi32, #tpu.memory_space<vmem>> -> memref<4x1568xi32, #tpu.memory_space<vmem>>
    %dma_wait3A_755 = arith.constant 40 : i32
    %dma_wait3A_756 = tpu.memref_slice %arg3[%dma_wait3A_755, %mul3A_0] : memref<80x3136xi32, #tpu.memory_space<hbm>> -> memref<4x1568xi32, #tpu.memory_space<hbm>>
    %dma_wait3A_757 = arith.constant 0 : i32
    %dma_wait3A_758 = arith.constant 0 : i32
    %dma_wait3A_759 = tpu.memref_slice %arg6[%dma_wait3A_750, %dma_wait3A_757, %dma_wait3A_758] : memref<4x4x1568xi32, #tpu.memory_space<vmem>> -> memref<1x4x1568xi32, #tpu.memory_space<vmem>>
    %dma_wait3A_760 = tpu.memref_squeeze %dma_wait3A_759 : memref<1x4x1568xi32, #tpu.memory_space<vmem>> -> memref<4x1568xi32, #tpu.memory_space<vmem>>
    %dma_wait3A_761 = arith.constant 40 : i32
    %dma_wait3A_762 = tpu.memref_slice %arg3[%dma_wait3A_761, %mul3A_0] : memref<80x3136xi32, #tpu.memory_space<hbm>> -> memref<4x1568xi32, #tpu.memory_space<hbm>>
    tpu.wait_dma2 semaphore(%arg11 : memref<!tpu.dma_semaphore, #tpu.memory_space<semaphore_mem>>) src(%dma_wait3A_762 : memref<4x1568xi32, #tpu.memory_space<hbm>>) dst(%dma_wait3A_760 : memref<4x1568xi32, #tpu.memory_space<vmem>>)
    %dma_wait3A_763 = arith.constant 2 : i32
    %dma_wait3A_764 = arith.constant 10 : i32
    %dma_wait3A_765 = arith.constant 0 : i32
    %dma_wait3A_766 = tpu.memref_slice %arg7[%dma_wait3A_763, %dma_wait3A_765] : memref<4x1568xf32, #tpu.memory_space<vmem>> -> memref<1x1568xf32, #tpu.memory_space<vmem>>
    %dma_wait3A_767 = tpu.memref_squeeze %dma_wait3A_766 : memref<1x1568xf32, #tpu.memory_space<vmem>> -> memref<1568xf32, #tpu.memory_space<vmem>>
    %dma_wait3A_768 = tpu.memref_slice %arg4[%arg1, %dma_wait3A_764, %mul3A_0] : memref<16x24x3136xf32, #tpu.memory_space<hbm>> -> memref<1x1x1568xf32, #tpu.memory_space<hbm>>
    %dma_wait3A_769 = tpu.memref_squeeze %dma_wait3A_768 : memref<1x1x1568xf32, #tpu.memory_space<hbm>> -> memref<1568xf32, #tpu.memory_space<hbm>>
    %dma_wait3A_770 = tpu.memref_slice %arg4[%arg1, %dma_wait3A_764, %mul3A_0] : memref<16x24x3136xf32, #tpu.memory_space<hbm>> -> memref<1x1x1568xf32, #tpu.memory_space<hbm>>
    %dma_wait3A_771 = tpu.memref_squeeze %dma_wait3A_770 : memref<1x1x1568xf32, #tpu.memory_space<hbm>> -> memref<1568xf32, #tpu.memory_space<hbm>>
    %dma_wait3A_772 = arith.constant 0 : i32
    %dma_wait3A_773 = tpu.memref_slice %arg7[%dma_wait3A_763, %dma_wait3A_772] : memref<4x1568xf32, #tpu.memory_space<vmem>> -> memref<1x1568xf32, #tpu.memory_space<vmem>>
    %dma_wait3A_774 = tpu.memref_squeeze %dma_wait3A_773 : memref<1x1568xf32, #tpu.memory_space<vmem>> -> memref<1568xf32, #tpu.memory_space<vmem>>
    tpu.wait_dma2 semaphore(%arg13 : memref<!tpu.dma_semaphore, #tpu.memory_space<semaphore_mem>>) src(%dma_wait3A_774 : memref<1568xf32, #tpu.memory_space<vmem>>) dst(%dma_wait3A_771 : memref<1568xf32, #tpu.memory_space<hbm>>)
    %parallel_loop3A_775 = arith.constant 0 : i32
    %parallel_loop3A_776 = arith.constant 1568 : i32
    %parallel_loop3A_777 = arith.constant 16 : i32
    scf.for %parallel_loop3A_1276 = %parallel_loop3A_775 to %parallel_loop3A_776 step %parallel_loop3A_777  : i32 {
      %parallel_loop3A_1277 = arith.constant 2 : i32
      %parallel_loop3A_1278 = arith.constant 0 : i32
      %parallel_loop3A_1279 = arith.index_cast %parallel_loop3A_1277 : i32 to index
      %parallel_loop3A_1280 = arith.index_cast %parallel_loop3A_1278 : i32 to index
      %parallel_loop3A_1281 = arith.index_cast %parallel_loop3A_1276 : i32 to index
      %parallel_loop3A_1282 = tpu.vector_load %arg6[%parallel_loop3A_1279, %parallel_loop3A_1280, %parallel_loop3A_1281] {strides = array<i32>} : memref<4x4x1568xi32, #tpu.memory_space<vmem>>, vector<16xi32>,
      %parallel_loop3A_1283 = tpu.vector_load_idx %arg5[%parallel_loop3A_1282] : memref<25088xf32, #tpu.memory_space<vmem>>[vector<16xi32>], vector<16xf32>,
      %parallel_loop3A_1284 = arith.constant 2 : i32
      %parallel_loop3A_1285 = arith.constant 1 : i32
      %parallel_loop3A_1286 = arith.index_cast %parallel_loop3A_1284 : i32 to index
      %parallel_loop3A_1287 = arith.index_cast %parallel_loop3A_1285 : i32 to index
      %parallel_loop3A_1288 = arith.index_cast %parallel_loop3A_1276 : i32 to index
      %parallel_loop3A_1289 = tpu.vector_load %arg6[%parallel_loop3A_1286, %parallel_loop3A_1287, %parallel_loop3A_1288] {strides = array<i32>} : memref<4x4x1568xi32, #tpu.memory_space<vmem>>, vector<16xi32>,
      %parallel_loop3A_1290 = tpu.vector_load_idx %arg5[%parallel_loop3A_1289] : memref<25088xf32, #tpu.memory_space<vmem>>[vector<16xi32>], vector<16xf32>,
      %parallel_loop3A_1291 = arith.maximumf %parallel_loop3A_1283, %parallel_loop3A_1290 : vector<16xf32>
      %parallel_loop3A_1292 = arith.constant 2 : i32
      %parallel_loop3A_1293 = arith.constant 2 : i32
      %parallel_loop3A_1294 = arith.index_cast %parallel_loop3A_1292 : i32 to index
      %parallel_loop3A_1295 = arith.index_cast %parallel_loop3A_1293 : i32 to index
      %parallel_loop3A_1296 = arith.index_cast %parallel_loop3A_1276 : i32 to index
      %parallel_loop3A_1297 = tpu.vector_load %arg6[%parallel_loop3A_1294, %parallel_loop3A_1295, %parallel_loop3A_1296] {strides = array<i32>} : memref<4x4x1568xi32, #tpu.memory_space<vmem>>, vector<16xi32>,
      %parallel_loop3A_1298 = tpu.vector_load_idx %arg5[%parallel_loop3A_1297] : memref<25088xf32, #tpu.memory_space<vmem>>[vector<16xi32>], vector<16xf32>,
      %parallel_loop3A_1299 = arith.maximumf %parallel_loop3A_1291, %parallel_loop3A_1298 : vector<16xf32>
      %parallel_loop3A_1300 = arith.constant 2 : i32
      %parallel_loop3A_1301 = arith.constant 3 : i32
      %parallel_loop3A_1302 = arith.index_cast %parallel_loop3A_1300 : i32 to index
      %parallel_loop3A_1303 = arith.index_cast %parallel_loop3A_1301 : i32 to index
      %parallel_loop3A_1304 = arith.index_cast %parallel_loop3A_1276 : i32 to index
      %parallel_loop3A_1305 = tpu.vector_load %arg6[%parallel_loop3A_1302, %parallel_loop3A_1303, %parallel_loop3A_1304] {strides = array<i32>} : memref<4x4x1568xi32, #tpu.memory_space<vmem>>, vector<16xi32>,
      %parallel_loop3A_1306 = tpu.vector_load_idx %arg5[%parallel_loop3A_1305] : memref<25088xf32, #tpu.memory_space<vmem>>[vector<16xi32>], vector<16xf32>,
      %parallel_loop3A_1307 = arith.maximumf %parallel_loop3A_1299, %parallel_loop3A_1306 : vector<16xf32>
      %parallel_loop3A_1308 = arith.constant 1.000000e+00 : f32
      %parallel_loop3A_1309 = vector.broadcast %parallel_loop3A_1308 : f32 to vector<16xf32>
      %parallel_loop3A_1310 = arith.subf %parallel_loop3A_1309, %parallel_loop3A_1307 : vector<16xf32>
      %parallel_loop3A_1311 = arith.constant 2 : i32
      %parallel_loop3A_1312 = arith.index_cast %parallel_loop3A_1311 : i32 to index
      %parallel_loop3A_1313 = arith.index_cast %parallel_loop3A_1276 : i32 to index
      %parallel_loop3A_1314 = tpu.vector_load %arg7[%parallel_loop3A_1312, %parallel_loop3A_1313] {strides = array<i32>} : memref<4x1568xf32, #tpu.memory_space<vmem>>, vector<16xf32>,
      tpu.vector_store %arg7[%parallel_loop3A_1312, %parallel_loop3A_1313], %parallel_loop3A_1310 {strides = array<i32>} : memref<4x1568xf32, #tpu.memory_space<vmem>>, vector<16xf32>,
    } {sc.loop_unroll_factor = 7 : i64, sc.parallel_access}
    %dma_start3A_778 = arith.constant 2 : i32
    %dma_start3A_779 = arith.constant 14 : i32
    %dma_start3A_780 = arith.constant 0 : i32
    %dma_start3A_781 = tpu.memref_slice %arg7[%dma_start3A_778, %dma_start3A_780] : memref<4x1568xf32, #tpu.memory_space<vmem>> -> memref<1x1568xf32, #tpu.memory_space<vmem>>
    %dma_start3A_782 = tpu.memref_squeeze %dma_start3A_781 : memref<1x1568xf32, #tpu.memory_space<vmem>> -> memref<1568xf32, #tpu.memory_space<vmem>>
    %dma_start3A_783 = tpu.memref_slice %arg4[%arg1, %dma_start3A_779, %mul3A_0] : memref<16x24x3136xf32, #tpu.memory_space<hbm>> -> memref<1x1x1568xf32, #tpu.memory_space<hbm>>
    %dma_start3A_784 = tpu.memref_squeeze %dma_start3A_783 : memref<1x1x1568xf32, #tpu.memory_space<hbm>> -> memref<1568xf32, #tpu.memory_space<hbm>>
    %dma_start3A_785 = tpu.memref_slice %arg4[%arg1, %dma_start3A_779, %mul3A_0] : memref<16x24x3136xf32, #tpu.memory_space<hbm>> -> memref<1x1x1568xf32, #tpu.memory_space<hbm>>
    %dma_start3A_786 = tpu.memref_squeeze %dma_start3A_785 : memref<1x1x1568xf32, #tpu.memory_space<hbm>> -> memref<1568xf32, #tpu.memory_space<hbm>>
    %dma_start3A_787 = arith.constant 0 : i32
    %dma_start3A_788 = tpu.memref_slice %arg7[%dma_start3A_778, %dma_start3A_787] : memref<4x1568xf32, #tpu.memory_space<vmem>> -> memref<1x1568xf32, #tpu.memory_space<vmem>>
    %dma_start3A_789 = tpu.memref_squeeze %dma_start3A_788 : memref<1x1568xf32, #tpu.memory_space<vmem>> -> memref<1568xf32, #tpu.memory_space<vmem>>
    tpu.enqueue_dma source(%dma_start3A_789 : memref<1568xf32, #tpu.memory_space<vmem>>) target(%dma_start3A_786 : memref<1568xf32, #tpu.memory_space<hbm>>) target_semaphore(%arg13 : memref<!tpu.dma_semaphore, #tpu.memory_space<semaphore_mem>>)
    %dma_start3A_790 = arith.constant 2 : i32
    %dma_start3A_791 = arith.constant 0 : i32
    %dma_start3A_792 = arith.constant 0 : i32
    %dma_start3A_793 = tpu.memref_slice %arg6[%dma_start3A_790, %dma_start3A_791, %dma_start3A_792] : memref<4x4x1568xi32, #tpu.memory_space<vmem>> -> memref<1x4x1568xi32, #tpu.memory_space<vmem>>
    %dma_start3A_794 = tpu.memref_squeeze %dma_start3A_793 : memref<1x4x1568xi32, #tpu.memory_space<vmem>> -> memref<4x1568xi32, #tpu.memory_space<vmem>>
    %dma_start3A_795 = arith.constant 56 : i32
    %dma_start3A_796 = tpu.memref_slice %arg3[%dma_start3A_795, %mul3A_0] : memref<80x3136xi32, #tpu.memory_space<hbm>> -> memref<4x1568xi32, #tpu.memory_space<hbm>>
    %dma_start3A_797 = arith.constant 0 : i32
    %dma_start3A_798 = arith.constant 0 : i32
    %dma_start3A_799 = tpu.memref_slice %arg6[%dma_start3A_790, %dma_start3A_797, %dma_start3A_798] : memref<4x4x1568xi32, #tpu.memory_space<vmem>> -> memref<1x4x1568xi32, #tpu.memory_space<vmem>>
    %dma_start3A_800 = tpu.memref_squeeze %dma_start3A_799 : memref<1x4x1568xi32, #tpu.memory_space<vmem>> -> memref<4x1568xi32, #tpu.memory_space<vmem>>
    %dma_start3A_801 = arith.constant 56 : i32
    %dma_start3A_802 = tpu.memref_slice %arg3[%dma_start3A_801, %mul3A_0] : memref<80x3136xi32, #tpu.memory_space<hbm>> -> memref<4x1568xi32, #tpu.memory_space<hbm>>
    tpu.enqueue_dma source(%dma_start3A_802 : memref<4x1568xi32, #tpu.memory_space<hbm>>) target(%dma_start3A_800 : memref<4x1568xi32, #tpu.memory_space<vmem>>) target_semaphore(%arg11 : memref<!tpu.dma_semaphore, #tpu.memory_space<semaphore_mem>>)
    %dma_wait3A_803 = arith.constant 3 : i32
    %dma_wait3A_804 = arith.constant 0 : i32
    %dma_wait3A_805 = arith.constant 0 : i32
    %dma_wait3A_806 = tpu.memref_slice %arg6[%dma_wait3A_803, %dma_wait3A_804, %dma_wait3A_805] : memref<4x4x1568xi32, #tpu.memory_space<vmem>> -> memref<1x4x1568xi32, #tpu.memory_space<vmem>>
    %dma_wait3A_807 = tpu.memref_squeeze %dma_wait3A_806 : memref<1x4x1568xi32, #tpu.memory_space<vmem>> -> memref<4x1568xi32, #tpu.memory_space<vmem>>
    %dma_wait3A_808 = arith.constant 44 : i32
    %dma_wait3A_809 = tpu.memref_slice %arg3[%dma_wait3A_808, %mul3A_0] : memref<80x3136xi32, #tpu.memory_space<hbm>> -> memref<4x1568xi32, #tpu.memory_space<hbm>>
    %dma_wait3A_810 = arith.constant 0 : i32
    %dma_wait3A_811 = arith.constant 0 : i32
    %dma_wait3A_812 = tpu.memref_slice %arg6[%dma_wait3A_803, %dma_wait3A_810, %dma_wait3A_811] : memref<4x4x1568xi32, #tpu.memory_space<vmem>> -> memref<1x4x1568xi32, #tpu.memory_space<vmem>>
    %dma_wait3A_813 = tpu.memref_squeeze %dma_wait3A_812 : memref<1x4x1568xi32, #tpu.memory_space<vmem>> -> memref<4x1568xi32, #tpu.memory_space<vmem>>
    %dma_wait3A_814 = arith.constant 44 : i32
    %dma_wait3A_815 = tpu.memref_slice %arg3[%dma_wait3A_814, %mul3A_0] : memref<80x3136xi32, #tpu.memory_space<hbm>> -> memref<4x1568xi32, #tpu.memory_space<hbm>>
    tpu.wait_dma2 semaphore(%arg12 : memref<!tpu.dma_semaphore, #tpu.memory_space<semaphore_mem>>) src(%dma_wait3A_815 : memref<4x1568xi32, #tpu.memory_space<hbm>>) dst(%dma_wait3A_813 : memref<4x1568xi32, #tpu.memory_space<vmem>>)
    %dma_wait3A_816 = arith.constant 3 : i32
    %dma_wait3A_817 = arith.constant 11 : i32
    %dma_wait3A_818 = arith.constant 0 : i32
    %dma_wait3A_819 = tpu.memref_slice %arg7[%dma_wait3A_816, %dma_wait3A_818] : memref<4x1568xf32, #tpu.memory_space<vmem>> -> memref<1x1568xf32, #tpu.memory_space<vmem>>
    %dma_wait3A_820 = tpu.memref_squeeze %dma_wait3A_819 : memref<1x1568xf32, #tpu.memory_space<vmem>> -> memref<1568xf32, #tpu.memory_space<vmem>>
    %dma_wait3A_821 = tpu.memref_slice %arg4[%arg1, %dma_wait3A_817, %mul3A_0] : memref<16x24x3136xf32, #tpu.memory_space<hbm>> -> memref<1x1x1568xf32, #tpu.memory_space<hbm>>
    %dma_wait3A_822 = tpu.memref_squeeze %dma_wait3A_821 : memref<1x1x1568xf32, #tpu.memory_space<hbm>> -> memref<1568xf32, #tpu.memory_space<hbm>>
    %dma_wait3A_823 = tpu.memref_slice %arg4[%arg1, %dma_wait3A_817, %mul3A_0] : memref<16x24x3136xf32, #tpu.memory_space<hbm>> -> memref<1x1x1568xf32, #tpu.memory_space<hbm>>
    %dma_wait3A_824 = tpu.memref_squeeze %dma_wait3A_823 : memref<1x1x1568xf32, #tpu.memory_space<hbm>> -> memref<1568xf32, #tpu.memory_space<hbm>>
    %dma_wait3A_825 = arith.constant 0 : i32
    %dma_wait3A_826 = tpu.memref_slice %arg7[%dma_wait3A_816, %dma_wait3A_825] : memref<4x1568xf32, #tpu.memory_space<vmem>> -> memref<1x1568xf32, #tpu.memory_space<vmem>>
    %dma_wait3A_827 = tpu.memref_squeeze %dma_wait3A_826 : memref<1x1568xf32, #tpu.memory_space<vmem>> -> memref<1568xf32, #tpu.memory_space<vmem>>
    tpu.wait_dma2 semaphore(%arg13 : memref<!tpu.dma_semaphore, #tpu.memory_space<semaphore_mem>>) src(%dma_wait3A_827 : memref<1568xf32, #tpu.memory_space<vmem>>) dst(%dma_wait3A_824 : memref<1568xf32, #tpu.memory_space<hbm>>)
    %parallel_loop3A_828 = arith.constant 0 : i32
    %parallel_loop3A_829 = arith.constant 1568 : i32
    %parallel_loop3A_830 = arith.constant 16 : i32
    scf.for %parallel_loop3A_1276 = %parallel_loop3A_828 to %parallel_loop3A_829 step %parallel_loop3A_830  : i32 {
      %parallel_loop3A_1277 = arith.constant 3 : i32
      %parallel_loop3A_1278 = arith.constant 0 : i32
      %parallel_loop3A_1279 = arith.index_cast %parallel_loop3A_1277 : i32 to index
      %parallel_loop3A_1280 = arith.index_cast %parallel_loop3A_1278 : i32 to index
      %parallel_loop3A_1281 = arith.index_cast %parallel_loop3A_1276 : i32 to index
      %parallel_loop3A_1282 = tpu.vector_load %arg6[%parallel_loop3A_1279, %parallel_loop3A_1280, %parallel_loop3A_1281] {strides = array<i32>} : memref<4x4x1568xi32, #tpu.memory_space<vmem>>, vector<16xi32>,
      %parallel_loop3A_1283 = tpu.vector_load_idx %arg5[%parallel_loop3A_1282] : memref<25088xf32, #tpu.memory_space<vmem>>[vector<16xi32>], vector<16xf32>,
      %parallel_loop3A_1284 = arith.constant 3 : i32
      %parallel_loop3A_1285 = arith.constant 1 : i32
      %parallel_loop3A_1286 = arith.index_cast %parallel_loop3A_1284 : i32 to index
      %parallel_loop3A_1287 = arith.index_cast %parallel_loop3A_1285 : i32 to index
      %parallel_loop3A_1288 = arith.index_cast %parallel_loop3A_1276 : i32 to index
      %parallel_loop3A_1289 = tpu.vector_load %arg6[%parallel_loop3A_1286, %parallel_loop3A_1287, %parallel_loop3A_1288] {strides = array<i32>} : memref<4x4x1568xi32, #tpu.memory_space<vmem>>, vector<16xi32>,
      %parallel_loop3A_1290 = tpu.vector_load_idx %arg5[%parallel_loop3A_1289] : memref<25088xf32, #tpu.memory_space<vmem>>[vector<16xi32>], vector<16xf32>,
      %parallel_loop3A_1291 = arith.maximumf %parallel_loop3A_1283, %parallel_loop3A_1290 : vector<16xf32>
      %parallel_loop3A_1292 = arith.constant 3 : i32
      %parallel_loop3A_1293 = arith.constant 2 : i32
      %parallel_loop3A_1294 = arith.index_cast %parallel_loop3A_1292 : i32 to index
      %parallel_loop3A_1295 = arith.index_cast %parallel_loop3A_1293 : i32 to index
      %parallel_loop3A_1296 = arith.index_cast %parallel_loop3A_1276 : i32 to index
      %parallel_loop3A_1297 = tpu.vector_load %arg6[%parallel_loop3A_1294, %parallel_loop3A_1295, %parallel_loop3A_1296] {strides = array<i32>} : memref<4x4x1568xi32, #tpu.memory_space<vmem>>, vector<16xi32>,
      %parallel_loop3A_1298 = tpu.vector_load_idx %arg5[%parallel_loop3A_1297] : memref<25088xf32, #tpu.memory_space<vmem>>[vector<16xi32>], vector<16xf32>,
      %parallel_loop3A_1299 = arith.maximumf %parallel_loop3A_1291, %parallel_loop3A_1298 : vector<16xf32>
      %parallel_loop3A_1300 = arith.constant 3 : i32
      %parallel_loop3A_1301 = arith.constant 3 : i32
      %parallel_loop3A_1302 = arith.index_cast %parallel_loop3A_1300 : i32 to index
      %parallel_loop3A_1303 = arith.index_cast %parallel_loop3A_1301 : i32 to index
      %parallel_loop3A_1304 = arith.index_cast %parallel_loop3A_1276 : i32 to index
      %parallel_loop3A_1305 = tpu.vector_load %arg6[%parallel_loop3A_1302, %parallel_loop3A_1303, %parallel_loop3A_1304] {strides = array<i32>} : memref<4x4x1568xi32, #tpu.memory_space<vmem>>, vector<16xi32>,
      %parallel_loop3A_1306 = tpu.vector_load_idx %arg5[%parallel_loop3A_1305] : memref<25088xf32, #tpu.memory_space<vmem>>[vector<16xi32>], vector<16xf32>,
      %parallel_loop3A_1307 = arith.maximumf %parallel_loop3A_1299, %parallel_loop3A_1306 : vector<16xf32>
      %parallel_loop3A_1308 = arith.constant 1.000000e+00 : f32
      %parallel_loop3A_1309 = vector.broadcast %parallel_loop3A_1308 : f32 to vector<16xf32>
      %parallel_loop3A_1310 = arith.subf %parallel_loop3A_1309, %parallel_loop3A_1307 : vector<16xf32>
      %parallel_loop3A_1311 = arith.constant 3 : i32
      %parallel_loop3A_1312 = arith.index_cast %parallel_loop3A_1311 : i32 to index
      %parallel_loop3A_1313 = arith.index_cast %parallel_loop3A_1276 : i32 to index
      %parallel_loop3A_1314 = tpu.vector_load %arg7[%parallel_loop3A_1312, %parallel_loop3A_1313] {strides = array<i32>} : memref<4x1568xf32, #tpu.memory_space<vmem>>, vector<16xf32>,
      tpu.vector_store %arg7[%parallel_loop3A_1312, %parallel_loop3A_1313], %parallel_loop3A_1310 {strides = array<i32>} : memref<4x1568xf32, #tpu.memory_space<vmem>>, vector<16xf32>,
    } {sc.loop_unroll_factor = 7 : i64, sc.parallel_access}
    %dma_start3A_831 = arith.constant 3 : i32
    %dma_start3A_832 = arith.constant 15 : i32
    %dma_start3A_833 = arith.constant 0 : i32
    %dma_start3A_834 = tpu.memref_slice %arg7[%dma_start3A_831, %dma_start3A_833] : memref<4x1568xf32, #tpu.memory_space<vmem>> -> memref<1x1568xf32, #tpu.memory_space<vmem>>
    %dma_start3A_835 = tpu.memref_squeeze %dma_start3A_834 : memref<1x1568xf32, #tpu.memory_space<vmem>> -> memref<1568xf32, #tpu.memory_space<vmem>>
    %dma_start3A_836 = tpu.memref_slice %arg4[%arg1, %dma_start3A_832, %mul3A_0] : memref<16x24x3136xf32, #tpu.memory_space<hbm>> -> memref<1x1x1568xf32, #tpu.memory_space<hbm>>
    %dma_start3A_837 = tpu.memref_squeeze %dma_start3A_836 : memref<1x1x1568xf32, #tpu.memory_space<hbm>> -> memref<1568xf32, #tpu.memory_space<hbm>>
    %dma_start3A_838 = tpu.memref_slice %arg4[%arg1, %dma_start3A_832, %mul3A_0] : memref<16x24x3136xf32, #tpu.memory_space<hbm>> -> memref<1x1x1568xf32, #tpu.memory_space<hbm>>
    %dma_start3A_839 = tpu.memref_squeeze %dma_start3A_838 : memref<1x1x1568xf32, #tpu.memory_space<hbm>> -> memref<1568xf32, #tpu.memory_space<hbm>>
    %dma_start3A_840 = arith.constant 0 : i32
    %dma_start3A_841 = tpu.memref_slice %arg7[%dma_start3A_831, %dma_start3A_840] : memref<4x1568xf32, #tpu.memory_space<vmem>> -> memref<1x1568xf32, #tpu.memory_space<vmem>>
    %dma_start3A_842 = tpu.memref_squeeze %dma_start3A_841 : memref<1x1568xf32, #tpu.memory_space<vmem>> -> memref<1568xf32, #tpu.memory_space<vmem>>
    tpu.enqueue_dma source(%dma_start3A_842 : memref<1568xf32, #tpu.memory_space<vmem>>) target(%dma_start3A_839 : memref<1568xf32, #tpu.memory_space<hbm>>) target_semaphore(%arg13 : memref<!tpu.dma_semaphore, #tpu.memory_space<semaphore_mem>>)
    %dma_start3A_843 = arith.constant 3 : i32
    %dma_start3A_844 = arith.constant 0 : i32
    %dma_start3A_845 = arith.constant 0 : i32
    %dma_start3A_846 = tpu.memref_slice %arg6[%dma_start3A_843, %dma_start3A_844, %dma_start3A_845] : memref<4x4x1568xi32, #tpu.memory_space<vmem>> -> memref<1x4x1568xi32, #tpu.memory_space<vmem>>
    %dma_start3A_847 = tpu.memref_squeeze %dma_start3A_846 : memref<1x4x1568xi32, #tpu.memory_space<vmem>> -> memref<4x1568xi32, #tpu.memory_space<vmem>>
    %dma_start3A_848 = arith.constant 60 : i32
    %dma_start3A_849 = tpu.memref_slice %arg3[%dma_start3A_848, %mul3A_0] : memref<80x3136xi32, #tpu.memory_space<hbm>> -> memref<4x1568xi32, #tpu.memory_space<hbm>>
    %dma_start3A_850 = arith.constant 0 : i32
    %dma_start3A_851 = arith.constant 0 : i32
    %dma_start3A_852 = tpu.memref_slice %arg6[%dma_start3A_843, %dma_start3A_850, %dma_start3A_851] : memref<4x4x1568xi32, #tpu.memory_space<vmem>> -> memref<1x4x1568xi32, #tpu.memory_space<vmem>>
    %dma_start3A_853 = tpu.memref_squeeze %dma_start3A_852 : memref<1x4x1568xi32, #tpu.memory_space<vmem>> -> memref<4x1568xi32, #tpu.memory_space<vmem>>
    %dma_start3A_854 = arith.constant 60 : i32
    %dma_start3A_855 = tpu.memref_slice %arg3[%dma_start3A_854, %mul3A_0] : memref<80x3136xi32, #tpu.memory_space<hbm>> -> memref<4x1568xi32, #tpu.memory_space<hbm>>
    tpu.enqueue_dma source(%dma_start3A_855 : memref<4x1568xi32, #tpu.memory_space<hbm>>) target(%dma_start3A_853 : memref<4x1568xi32, #tpu.memory_space<vmem>>) target_semaphore(%arg12 : memref<!tpu.dma_semaphore, #tpu.memory_space<semaphore_mem>>)
    %dma_wait3A_856 = arith.constant 0 : i32
    %dma_wait3A_857 = arith.constant 0 : i32
    %dma_wait3A_858 = arith.constant 0 : i32
    %dma_wait3A_859 = tpu.memref_slice %arg6[%dma_wait3A_856, %dma_wait3A_857, %dma_wait3A_858] : memref<4x4x1568xi32, #tpu.memory_space<vmem>> -> memref<1x4x1568xi32, #tpu.memory_space<vmem>>
    %dma_wait3A_860 = tpu.memref_squeeze %dma_wait3A_859 : memref<1x4x1568xi32, #tpu.memory_space<vmem>> -> memref<4x1568xi32, #tpu.memory_space<vmem>>
    %dma_wait3A_861 = arith.constant 48 : i32
    %dma_wait3A_862 = tpu.memref_slice %arg3[%dma_wait3A_861, %mul3A_0] : memref<80x3136xi32, #tpu.memory_space<hbm>> -> memref<4x1568xi32, #tpu.memory_space<hbm>>
    %dma_wait3A_863 = arith.constant 0 : i32
    %dma_wait3A_864 = arith.constant 0 : i32
    %dma_wait3A_865 = tpu.memref_slice %arg6[%dma_wait3A_856, %dma_wait3A_863, %dma_wait3A_864] : memref<4x4x1568xi32, #tpu.memory_space<vmem>> -> memref<1x4x1568xi32, #tpu.memory_space<vmem>>
    %dma_wait3A_866 = tpu.memref_squeeze %dma_wait3A_865 : memref<1x4x1568xi32, #tpu.memory_space<vmem>> -> memref<4x1568xi32, #tpu.memory_space<vmem>>
    %dma_wait3A_867 = arith.constant 48 : i32
    %dma_wait3A_868 = tpu.memref_slice %arg3[%dma_wait3A_867, %mul3A_0] : memref<80x3136xi32, #tpu.memory_space<hbm>> -> memref<4x1568xi32, #tpu.memory_space<hbm>>
    tpu.wait_dma2 semaphore(%arg9 : memref<!tpu.dma_semaphore, #tpu.memory_space<semaphore_mem>>) src(%dma_wait3A_868 : memref<4x1568xi32, #tpu.memory_space<hbm>>) dst(%dma_wait3A_866 : memref<4x1568xi32, #tpu.memory_space<vmem>>)
    %dma_wait3A_869 = arith.constant 0 : i32
    %dma_wait3A_870 = arith.constant 12 : i32
    %dma_wait3A_871 = arith.constant 0 : i32
    %dma_wait3A_872 = tpu.memref_slice %arg7[%dma_wait3A_869, %dma_wait3A_871] : memref<4x1568xf32, #tpu.memory_space<vmem>> -> memref<1x1568xf32, #tpu.memory_space<vmem>>
    %dma_wait3A_873 = tpu.memref_squeeze %dma_wait3A_872 : memref<1x1568xf32, #tpu.memory_space<vmem>> -> memref<1568xf32, #tpu.memory_space<vmem>>
    %dma_wait3A_874 = tpu.memref_slice %arg4[%arg1, %dma_wait3A_870, %mul3A_0] : memref<16x24x3136xf32, #tpu.memory_space<hbm>> -> memref<1x1x1568xf32, #tpu.memory_space<hbm>>
    %dma_wait3A_875 = tpu.memref_squeeze %dma_wait3A_874 : memref<1x1x1568xf32, #tpu.memory_space<hbm>> -> memref<1568xf32, #tpu.memory_space<hbm>>
    %dma_wait3A_876 = tpu.memref_slice %arg4[%arg1, %dma_wait3A_870, %mul3A_0] : memref<16x24x3136xf32, #tpu.memory_space<hbm>> -> memref<1x1x1568xf32, #tpu.memory_space<hbm>>
    %dma_wait3A_877 = tpu.memref_squeeze %dma_wait3A_876 : memref<1x1x1568xf32, #tpu.memory_space<hbm>> -> memref<1568xf32, #tpu.memory_space<hbm>>
    %dma_wait3A_878 = arith.constant 0 : i32
    %dma_wait3A_879 = tpu.memref_slice %arg7[%dma_wait3A_869, %dma_wait3A_878] : memref<4x1568xf32, #tpu.memory_space<vmem>> -> memref<1x1568xf32, #tpu.memory_space<vmem>>
    %dma_wait3A_880 = tpu.memref_squeeze %dma_wait3A_879 : memref<1x1568xf32, #tpu.memory_space<vmem>> -> memref<1568xf32, #tpu.memory_space<vmem>>
    tpu.wait_dma2 semaphore(%arg13 : memref<!tpu.dma_semaphore, #tpu.memory_space<semaphore_mem>>) src(%dma_wait3A_880 : memref<1568xf32, #tpu.memory_space<vmem>>) dst(%dma_wait3A_877 : memref<1568xf32, #tpu.memory_space<hbm>>)
    %parallel_loop3A_881 = arith.constant 0 : i32
    %parallel_loop3A_882 = arith.constant 1568 : i32
    %parallel_loop3A_883 = arith.constant 16 : i32
    scf.for %parallel_loop3A_1276 = %parallel_loop3A_881 to %parallel_loop3A_882 step %parallel_loop3A_883  : i32 {
      %parallel_loop3A_1277 = arith.constant 0 : i32
      %parallel_loop3A_1278 = arith.constant 0 : i32
      %parallel_loop3A_1279 = arith.index_cast %parallel_loop3A_1277 : i32 to index
      %parallel_loop3A_1280 = arith.index_cast %parallel_loop3A_1278 : i32 to index
      %parallel_loop3A_1281 = arith.index_cast %parallel_loop3A_1276 : i32 to index
      %parallel_loop3A_1282 = tpu.vector_load %arg6[%parallel_loop3A_1279, %parallel_loop3A_1280, %parallel_loop3A_1281] {strides = array<i32>} : memref<4x4x1568xi32, #tpu.memory_space<vmem>>, vector<16xi32>,
      %parallel_loop3A_1283 = tpu.vector_load_idx %arg5[%parallel_loop3A_1282] : memref<25088xf32, #tpu.memory_space<vmem>>[vector<16xi32>], vector<16xf32>,
      %parallel_loop3A_1284 = arith.constant 0 : i32
      %parallel_loop3A_1285 = arith.constant 1 : i32
      %parallel_loop3A_1286 = arith.index_cast %parallel_loop3A_1284 : i32 to index
      %parallel_loop3A_1287 = arith.index_cast %parallel_loop3A_1285 : i32 to index
      %parallel_loop3A_1288 = arith.index_cast %parallel_loop3A_1276 : i32 to index
      %parallel_loop3A_1289 = tpu.vector_load %arg6[%parallel_loop3A_1286, %parallel_loop3A_1287, %parallel_loop3A_1288] {strides = array<i32>} : memref<4x4x1568xi32, #tpu.memory_space<vmem>>, vector<16xi32>,
      %parallel_loop3A_1290 = tpu.vector_load_idx %arg5[%parallel_loop3A_1289] : memref<25088xf32, #tpu.memory_space<vmem>>[vector<16xi32>], vector<16xf32>,
      %parallel_loop3A_1291 = arith.maximumf %parallel_loop3A_1283, %parallel_loop3A_1290 : vector<16xf32>
      %parallel_loop3A_1292 = arith.constant 0 : i32
      %parallel_loop3A_1293 = arith.constant 2 : i32
      %parallel_loop3A_1294 = arith.index_cast %parallel_loop3A_1292 : i32 to index
      %parallel_loop3A_1295 = arith.index_cast %parallel_loop3A_1293 : i32 to index
      %parallel_loop3A_1296 = arith.index_cast %parallel_loop3A_1276 : i32 to index
      %parallel_loop3A_1297 = tpu.vector_load %arg6[%parallel_loop3A_1294, %parallel_loop3A_1295, %parallel_loop3A_1296] {strides = array<i32>} : memref<4x4x1568xi32, #tpu.memory_space<vmem>>, vector<16xi32>,
      %parallel_loop3A_1298 = tpu.vector_load_idx %arg5[%parallel_loop3A_1297] : memref<25088xf32, #tpu.memory_space<vmem>>[vector<16xi32>], vector<16xf32>,
      %parallel_loop3A_1299 = arith.maximumf %parallel_loop3A_1291, %parallel_loop3A_1298 : vector<16xf32>
      %parallel_loop3A_1300 = arith.constant 0 : i32
      %parallel_loop3A_1301 = arith.constant 3 : i32
      %parallel_loop3A_1302 = arith.index_cast %parallel_loop3A_1300 : i32 to index
      %parallel_loop3A_1303 = arith.index_cast %parallel_loop3A_1301 : i32 to index
      %parallel_loop3A_1304 = arith.index_cast %parallel_loop3A_1276 : i32 to index
      %parallel_loop3A_1305 = tpu.vector_load %arg6[%parallel_loop3A_1302, %parallel_loop3A_1303, %parallel_loop3A_1304] {strides = array<i32>} : memref<4x4x1568xi32, #tpu.memory_space<vmem>>, vector<16xi32>,
      %parallel_loop3A_1306 = tpu.vector_load_idx %arg5[%parallel_loop3A_1305] : memref<25088xf32, #tpu.memory_space<vmem>>[vector<16xi32>], vector<16xf32>,
      %parallel_loop3A_1307 = arith.maximumf %parallel_loop3A_1299, %parallel_loop3A_1306 : vector<16xf32>
      %parallel_loop3A_1308 = arith.constant 1.000000e+00 : f32
      %parallel_loop3A_1309 = vector.broadcast %parallel_loop3A_1308 : f32 to vector<16xf32>
      %parallel_loop3A_1310 = arith.subf %parallel_loop3A_1309, %parallel_loop3A_1307 : vector<16xf32>
      %parallel_loop3A_1311 = arith.constant 0 : i32
      %parallel_loop3A_1312 = arith.index_cast %parallel_loop3A_1311 : i32 to index
      %parallel_loop3A_1313 = arith.index_cast %parallel_loop3A_1276 : i32 to index
      %parallel_loop3A_1314 = tpu.vector_load %arg7[%parallel_loop3A_1312, %parallel_loop3A_1313] {strides = array<i32>} : memref<4x1568xf32, #tpu.memory_space<vmem>>, vector<16xf32>,
      tpu.vector_store %arg7[%parallel_loop3A_1312, %parallel_loop3A_1313], %parallel_loop3A_1310 {strides = array<i32>} : memref<4x1568xf32, #tpu.memory_space<vmem>>, vector<16xf32>,
    } {sc.loop_unroll_factor = 7 : i64, sc.parallel_access}
    %dma_start3A_884 = arith.constant 0 : i32
    %dma_start3A_885 = arith.constant 16 : i32
    %dma_start3A_886 = arith.constant 0 : i32
    %dma_start3A_887 = tpu.memref_slice %arg7[%dma_start3A_884, %dma_start3A_886] : memref<4x1568xf32, #tpu.memory_space<vmem>> -> memref<1x1568xf32, #tpu.memory_space<vmem>>
    %dma_start3A_888 = tpu.memref_squeeze %dma_start3A_887 : memref<1x1568xf32, #tpu.memory_space<vmem>> -> memref<1568xf32, #tpu.memory_space<vmem>>
    %dma_start3A_889 = tpu.memref_slice %arg4[%arg1, %dma_start3A_885, %mul3A_0] : memref<16x24x3136xf32, #tpu.memory_space<hbm>> -> memref<1x1x1568xf32, #tpu.memory_space<hbm>>
    %dma_start3A_890 = tpu.memref_squeeze %dma_start3A_889 : memref<1x1x1568xf32, #tpu.memory_space<hbm>> -> memref<1568xf32, #tpu.memory_space<hbm>>
    %dma_start3A_891 = tpu.memref_slice %arg4[%arg1, %dma_start3A_885, %mul3A_0] : memref<16x24x3136xf32, #tpu.memory_space<hbm>> -> memref<1x1x1568xf32, #tpu.memory_space<hbm>>
    %dma_start3A_892 = tpu.memref_squeeze %dma_start3A_891 : memref<1x1x1568xf32, #tpu.memory_space<hbm>> -> memref<1568xf32, #tpu.memory_space<hbm>>
    %dma_start3A_893 = arith.constant 0 : i32
    %dma_start3A_894 = tpu.memref_slice %arg7[%dma_start3A_884, %dma_start3A_893] : memref<4x1568xf32, #tpu.memory_space<vmem>> -> memref<1x1568xf32, #tpu.memory_space<vmem>>
    %dma_start3A_895 = tpu.memref_squeeze %dma_start3A_894 : memref<1x1568xf32, #tpu.memory_space<vmem>> -> memref<1568xf32, #tpu.memory_space<vmem>>
    tpu.enqueue_dma source(%dma_start3A_895 : memref<1568xf32, #tpu.memory_space<vmem>>) target(%dma_start3A_892 : memref<1568xf32, #tpu.memory_space<hbm>>) target_semaphore(%arg13 : memref<!tpu.dma_semaphore, #tpu.memory_space<semaphore_mem>>)
    %dma_start3A_896 = arith.constant 0 : i32
    %dma_start3A_897 = arith.constant 0 : i32
    %dma_start3A_898 = arith.constant 0 : i32
    %dma_start3A_899 = tpu.memref_slice %arg6[%dma_start3A_896, %dma_start3A_897, %dma_start3A_898] : memref<4x4x1568xi32, #tpu.memory_space<vmem>> -> memref<1x4x1568xi32, #tpu.memory_space<vmem>>
    %dma_start3A_900 = tpu.memref_squeeze %dma_start3A_899 : memref<1x4x1568xi32, #tpu.memory_space<vmem>> -> memref<4x1568xi32, #tpu.memory_space<vmem>>
    %dma_start3A_901 = arith.constant 64 : i32
    %dma_start3A_902 = tpu.memref_slice %arg3[%dma_start3A_901, %mul3A_0] : memref<80x3136xi32, #tpu.memory_space<hbm>> -> memref<4x1568xi32, #tpu.memory_space<hbm>>
    %dma_start3A_903 = arith.constant 0 : i32
    %dma_start3A_904 = arith.constant 0 : i32
    %dma_start3A_905 = tpu.memref_slice %arg6[%dma_start3A_896, %dma_start3A_903, %dma_start3A_904] : memref<4x4x1568xi32, #tpu.memory_space<vmem>> -> memref<1x4x1568xi32, #tpu.memory_space<vmem>>
    %dma_start3A_906 = tpu.memref_squeeze %dma_start3A_905 : memref<1x4x1568xi32, #tpu.memory_space<vmem>> -> memref<4x1568xi32, #tpu.memory_space<vmem>>
    %dma_start3A_907 = arith.constant 64 : i32
    %dma_start3A_908 = tpu.memref_slice %arg3[%dma_start3A_907, %mul3A_0] : memref<80x3136xi32, #tpu.memory_space<hbm>> -> memref<4x1568xi32, #tpu.memory_space<hbm>>
    tpu.enqueue_dma source(%dma_start3A_908 : memref<4x1568xi32, #tpu.memory_space<hbm>>) target(%dma_start3A_906 : memref<4x1568xi32, #tpu.memory_space<vmem>>) target_semaphore(%arg9 : memref<!tpu.dma_semaphore, #tpu.memory_space<semaphore_mem>>)
    %dma_wait3A_909 = arith.constant 1 : i32
    %dma_wait3A_910 = arith.constant 0 : i32
    %dma_wait3A_911 = arith.constant 0 : i32
    %dma_wait3A_912 = tpu.memref_slice %arg6[%dma_wait3A_909, %dma_wait3A_910, %dma_wait3A_911] : memref<4x4x1568xi32, #tpu.memory_space<vmem>> -> memref<1x4x1568xi32, #tpu.memory_space<vmem>>
    %dma_wait3A_913 = tpu.memref_squeeze %dma_wait3A_912 : memref<1x4x1568xi32, #tpu.memory_space<vmem>> -> memref<4x1568xi32, #tpu.memory_space<vmem>>
    %dma_wait3A_914 = arith.constant 52 : i32
    %dma_wait3A_915 = tpu.memref_slice %arg3[%dma_wait3A_914, %mul3A_0] : memref<80x3136xi32, #tpu.memory_space<hbm>> -> memref<4x1568xi32, #tpu.memory_space<hbm>>
    %dma_wait3A_916 = arith.constant 0 : i32
    %dma_wait3A_917 = arith.constant 0 : i32
    %dma_wait3A_918 = tpu.memref_slice %arg6[%dma_wait3A_909, %dma_wait3A_916, %dma_wait3A_917] : memref<4x4x1568xi32, #tpu.memory_space<vmem>> -> memref<1x4x1568xi32, #tpu.memory_space<vmem>>
    %dma_wait3A_919 = tpu.memref_squeeze %dma_wait3A_918 : memref<1x4x1568xi32, #tpu.memory_space<vmem>> -> memref<4x1568xi32, #tpu.memory_space<vmem>>
    %dma_wait3A_920 = arith.constant 52 : i32
    %dma_wait3A_921 = tpu.memref_slice %arg3[%dma_wait3A_920, %mul3A_0] : memref<80x3136xi32, #tpu.memory_space<hbm>> -> memref<4x1568xi32, #tpu.memory_space<hbm>>
    tpu.wait_dma2 semaphore(%arg10 : memref<!tpu.dma_semaphore, #tpu.memory_space<semaphore_mem>>) src(%dma_wait3A_921 : memref<4x1568xi32, #tpu.memory_space<hbm>>) dst(%dma_wait3A_919 : memref<4x1568xi32, #tpu.memory_space<vmem>>)
    %dma_wait3A_922 = arith.constant 1 : i32
    %dma_wait3A_923 = arith.constant 13 : i32
    %dma_wait3A_924 = arith.constant 0 : i32
    %dma_wait3A_925 = tpu.memref_slice %arg7[%dma_wait3A_922, %dma_wait3A_924] : memref<4x1568xf32, #tpu.memory_space<vmem>> -> memref<1x1568xf32, #tpu.memory_space<vmem>>
    %dma_wait3A_926 = tpu.memref_squeeze %dma_wait3A_925 : memref<1x1568xf32, #tpu.memory_space<vmem>> -> memref<1568xf32, #tpu.memory_space<vmem>>
    %dma_wait3A_927 = tpu.memref_slice %arg4[%arg1, %dma_wait3A_923, %mul3A_0] : memref<16x24x3136xf32, #tpu.memory_space<hbm>> -> memref<1x1x1568xf32, #tpu.memory_space<hbm>>
    %dma_wait3A_928 = tpu.memref_squeeze %dma_wait3A_927 : memref<1x1x1568xf32, #tpu.memory_space<hbm>> -> memref<1568xf32, #tpu.memory_space<hbm>>
    %dma_wait3A_929 = tpu.memref_slice %arg4[%arg1, %dma_wait3A_923, %mul3A_0] : memref<16x24x3136xf32, #tpu.memory_space<hbm>> -> memref<1x1x1568xf32, #tpu.memory_space<hbm>>
    %dma_wait3A_930 = tpu.memref_squeeze %dma_wait3A_929 : memref<1x1x1568xf32, #tpu.memory_space<hbm>> -> memref<1568xf32, #tpu.memory_space<hbm>>
    %dma_wait3A_931 = arith.constant 0 : i32
    %dma_wait3A_932 = tpu.memref_slice %arg7[%dma_wait3A_922, %dma_wait3A_931] : memref<4x1568xf32, #tpu.memory_space<vmem>> -> memref<1x1568xf32, #tpu.memory_space<vmem>>
    %dma_wait3A_933 = tpu.memref_squeeze %dma_wait3A_932 : memref<1x1568xf32, #tpu.memory_space<vmem>> -> memref<1568xf32, #tpu.memory_space<vmem>>
    tpu.wait_dma2 semaphore(%arg13 : memref<!tpu.dma_semaphore, #tpu.memory_space<semaphore_mem>>) src(%dma_wait3A_933 : memref<1568xf32, #tpu.memory_space<vmem>>) dst(%dma_wait3A_930 : memref<1568xf32, #tpu.memory_space<hbm>>)
    %parallel_loop3A_934 = arith.constant 0 : i32
    %parallel_loop3A_935 = arith.constant 1568 : i32
    %parallel_loop3A_936 = arith.constant 16 : i32
    scf.for %parallel_loop3A_1276 = %parallel_loop3A_934 to %parallel_loop3A_935 step %parallel_loop3A_936  : i32 {
      %parallel_loop3A_1277 = arith.constant 1 : i32
      %parallel_loop3A_1278 = arith.constant 0 : i32
      %parallel_loop3A_1279 = arith.index_cast %parallel_loop3A_1277 : i32 to index
      %parallel_loop3A_1280 = arith.index_cast %parallel_loop3A_1278 : i32 to index
      %parallel_loop3A_1281 = arith.index_cast %parallel_loop3A_1276 : i32 to index
      %parallel_loop3A_1282 = tpu.vector_load %arg6[%parallel_loop3A_1279, %parallel_loop3A_1280, %parallel_loop3A_1281] {strides = array<i32>} : memref<4x4x1568xi32, #tpu.memory_space<vmem>>, vector<16xi32>,
      %parallel_loop3A_1283 = tpu.vector_load_idx %arg5[%parallel_loop3A_1282] : memref<25088xf32, #tpu.memory_space<vmem>>[vector<16xi32>], vector<16xf32>,
      %parallel_loop3A_1284 = arith.constant 1 : i32
      %parallel_loop3A_1285 = arith.constant 1 : i32
      %parallel_loop3A_1286 = arith.index_cast %parallel_loop3A_1284 : i32 to index
      %parallel_loop3A_1287 = arith.index_cast %parallel_loop3A_1285 : i32 to index
      %parallel_loop3A_1288 = arith.index_cast %parallel_loop3A_1276 : i32 to index
      %parallel_loop3A_1289 = tpu.vector_load %arg6[%parallel_loop3A_1286, %parallel_loop3A_1287, %parallel_loop3A_1288] {strides = array<i32>} : memref<4x4x1568xi32, #tpu.memory_space<vmem>>, vector<16xi32>,
      %parallel_loop3A_1290 = tpu.vector_load_idx %arg5[%parallel_loop3A_1289] : memref<25088xf32, #tpu.memory_space<vmem>>[vector<16xi32>], vector<16xf32>,
      %parallel_loop3A_1291 = arith.maximumf %parallel_loop3A_1283, %parallel_loop3A_1290 : vector<16xf32>
      %parallel_loop3A_1292 = arith.constant 1 : i32
      %parallel_loop3A_1293 = arith.constant 2 : i32
      %parallel_loop3A_1294 = arith.index_cast %parallel_loop3A_1292 : i32 to index
      %parallel_loop3A_1295 = arith.index_cast %parallel_loop3A_1293 : i32 to index
      %parallel_loop3A_1296 = arith.index_cast %parallel_loop3A_1276 : i32 to index
      %parallel_loop3A_1297 = tpu.vector_load %arg6[%parallel_loop3A_1294, %parallel_loop3A_1295, %parallel_loop3A_1296] {strides = array<i32>} : memref<4x4x1568xi32, #tpu.memory_space<vmem>>, vector<16xi32>,
      %parallel_loop3A_1298 = tpu.vector_load_idx %arg5[%parallel_loop3A_1297] : memref<25088xf32, #tpu.memory_space<vmem>>[vector<16xi32>], vector<16xf32>,
      %parallel_loop3A_1299 = arith.maximumf %parallel_loop3A_1291, %parallel_loop3A_1298 : vector<16xf32>
      %parallel_loop3A_1300 = arith.constant 1 : i32
      %parallel_loop3A_1301 = arith.constant 3 : i32
      %parallel_loop3A_1302 = arith.index_cast %parallel_loop3A_1300 : i32 to index
      %parallel_loop3A_1303 = arith.index_cast %parallel_loop3A_1301 : i32 to index
      %parallel_loop3A_1304 = arith.index_cast %parallel_loop3A_1276 : i32 to index
      %parallel_loop3A_1305 = tpu.vector_load %arg6[%parallel_loop3A_1302, %parallel_loop3A_1303, %parallel_loop3A_1304] {strides = array<i32>} : memref<4x4x1568xi32, #tpu.memory_space<vmem>>, vector<16xi32>,
      %parallel_loop3A_1306 = tpu.vector_load_idx %arg5[%parallel_loop3A_1305] : memref<25088xf32, #tpu.memory_space<vmem>>[vector<16xi32>], vector<16xf32>,
      %parallel_loop3A_1307 = arith.maximumf %parallel_loop3A_1299, %parallel_loop3A_1306 : vector<16xf32>
      %parallel_loop3A_1308 = arith.constant 1.000000e+00 : f32
      %parallel_loop3A_1309 = vector.broadcast %parallel_loop3A_1308 : f32 to vector<16xf32>
      %parallel_loop3A_1310 = arith.subf %parallel_loop3A_1309, %parallel_loop3A_1307 : vector<16xf32>
      %parallel_loop3A_1311 = arith.constant 1 : i32
      %parallel_loop3A_1312 = arith.index_cast %parallel_loop3A_1311 : i32 to index
      %parallel_loop3A_1313 = arith.index_cast %parallel_loop3A_1276 : i32 to index
      %parallel_loop3A_1314 = tpu.vector_load %arg7[%parallel_loop3A_1312, %parallel_loop3A_1313] {strides = array<i32>} : memref<4x1568xf32, #tpu.memory_space<vmem>>, vector<16xf32>,
      tpu.vector_store %arg7[%parallel_loop3A_1312, %parallel_loop3A_1313], %parallel_loop3A_1310 {strides = array<i32>} : memref<4x1568xf32, #tpu.memory_space<vmem>>, vector<16xf32>,
    } {sc.loop_unroll_factor = 7 : i64, sc.parallel_access}
    %dma_start3A_937 = arith.constant 1 : i32
    %dma_start3A_938 = arith.constant 17 : i32
    %dma_start3A_939 = arith.constant 0 : i32
    %dma_start3A_940 = tpu.memref_slice %arg7[%dma_start3A_937, %dma_start3A_939] : memref<4x1568xf32, #tpu.memory_space<vmem>> -> memref<1x1568xf32, #tpu.memory_space<vmem>>
    %dma_start3A_941 = tpu.memref_squeeze %dma_start3A_940 : memref<1x1568xf32, #tpu.memory_space<vmem>> -> memref<1568xf32, #tpu.memory_space<vmem>>
    %dma_start3A_942 = tpu.memref_slice %arg4[%arg1, %dma_start3A_938, %mul3A_0] : memref<16x24x3136xf32, #tpu.memory_space<hbm>> -> memref<1x1x1568xf32, #tpu.memory_space<hbm>>
    %dma_start3A_943 = tpu.memref_squeeze %dma_start3A_942 : memref<1x1x1568xf32, #tpu.memory_space<hbm>> -> memref<1568xf32, #tpu.memory_space<hbm>>
    %dma_start3A_944 = tpu.memref_slice %arg4[%arg1, %dma_start3A_938, %mul3A_0] : memref<16x24x3136xf32, #tpu.memory_space<hbm>> -> memref<1x1x1568xf32, #tpu.memory_space<hbm>>
    %dma_start3A_945 = tpu.memref_squeeze %dma_start3A_944 : memref<1x1x1568xf32, #tpu.memory_space<hbm>> -> memref<1568xf32, #tpu.memory_space<hbm>>
    %dma_start3A_946 = arith.constant 0 : i32
    %dma_start3A_947 = tpu.memref_slice %arg7[%dma_start3A_937, %dma_start3A_946] : memref<4x1568xf32, #tpu.memory_space<vmem>> -> memref<1x1568xf32, #tpu.memory_space<vmem>>
    %dma_start3A_948 = tpu.memref_squeeze %dma_start3A_947 : memref<1x1568xf32, #tpu.memory_space<vmem>> -> memref<1568xf32, #tpu.memory_space<vmem>>
    tpu.enqueue_dma source(%dma_start3A_948 : memref<1568xf32, #tpu.memory_space<vmem>>) target(%dma_start3A_945 : memref<1568xf32, #tpu.memory_space<hbm>>) target_semaphore(%arg13 : memref<!tpu.dma_semaphore, #tpu.memory_space<semaphore_mem>>)
    %dma_start3A_949 = arith.constant 1 : i32
    %dma_start3A_950 = arith.constant 0 : i32
    %dma_start3A_951 = arith.constant 0 : i32
    %dma_start3A_952 = tpu.memref_slice %arg6[%dma_start3A_949, %dma_start3A_950, %dma_start3A_951] : memref<4x4x1568xi32, #tpu.memory_space<vmem>> -> memref<1x4x1568xi32, #tpu.memory_space<vmem>>
    %dma_start3A_953 = tpu.memref_squeeze %dma_start3A_952 : memref<1x4x1568xi32, #tpu.memory_space<vmem>> -> memref<4x1568xi32, #tpu.memory_space<vmem>>
    %dma_start3A_954 = arith.constant 68 : i32
    %dma_start3A_955 = tpu.memref_slice %arg3[%dma_start3A_954, %mul3A_0] : memref<80x3136xi32, #tpu.memory_space<hbm>> -> memref<4x1568xi32, #tpu.memory_space<hbm>>
    %dma_start3A_956 = arith.constant 0 : i32
    %dma_start3A_957 = arith.constant 0 : i32
    %dma_start3A_958 = tpu.memref_slice %arg6[%dma_start3A_949, %dma_start3A_956, %dma_start3A_957] : memref<4x4x1568xi32, #tpu.memory_space<vmem>> -> memref<1x4x1568xi32, #tpu.memory_space<vmem>>
    %dma_start3A_959 = tpu.memref_squeeze %dma_start3A_958 : memref<1x4x1568xi32, #tpu.memory_space<vmem>> -> memref<4x1568xi32, #tpu.memory_space<vmem>>
    %dma_start3A_960 = arith.constant 68 : i32
    %dma_start3A_961 = tpu.memref_slice %arg3[%dma_start3A_960, %mul3A_0] : memref<80x3136xi32, #tpu.memory_space<hbm>> -> memref<4x1568xi32, #tpu.memory_space<hbm>>
    tpu.enqueue_dma source(%dma_start3A_961 : memref<4x1568xi32, #tpu.memory_space<hbm>>) target(%dma_start3A_959 : memref<4x1568xi32, #tpu.memory_space<vmem>>) target_semaphore(%arg10 : memref<!tpu.dma_semaphore, #tpu.memory_space<semaphore_mem>>)
    %dma_wait3A_962 = arith.constant 2 : i32
    %dma_wait3A_963 = arith.constant 0 : i32
    %dma_wait3A_964 = arith.constant 0 : i32
    %dma_wait3A_965 = tpu.memref_slice %arg6[%dma_wait3A_962, %dma_wait3A_963, %dma_wait3A_964] : memref<4x4x1568xi32, #tpu.memory_space<vmem>> -> memref<1x4x1568xi32, #tpu.memory_space<vmem>>
    %dma_wait3A_966 = tpu.memref_squeeze %dma_wait3A_965 : memref<1x4x1568xi32, #tpu.memory_space<vmem>> -> memref<4x1568xi32, #tpu.memory_space<vmem>>
    %dma_wait3A_967 = arith.constant 56 : i32
    %dma_wait3A_968 = tpu.memref_slice %arg3[%dma_wait3A_967, %mul3A_0] : memref<80x3136xi32, #tpu.memory_space<hbm>> -> memref<4x1568xi32, #tpu.memory_space<hbm>>
    %dma_wait3A_969 = arith.constant 0 : i32
    %dma_wait3A_970 = arith.constant 0 : i32
    %dma_wait3A_971 = tpu.memref_slice %arg6[%dma_wait3A_962, %dma_wait3A_969, %dma_wait3A_970] : memref<4x4x1568xi32, #tpu.memory_space<vmem>> -> memref<1x4x1568xi32, #tpu.memory_space<vmem>>
    %dma_wait3A_972 = tpu.memref_squeeze %dma_wait3A_971 : memref<1x4x1568xi32, #tpu.memory_space<vmem>> -> memref<4x1568xi32, #tpu.memory_space<vmem>>
    %dma_wait3A_973 = arith.constant 56 : i32
    %dma_wait3A_974 = tpu.memref_slice %arg3[%dma_wait3A_973, %mul3A_0] : memref<80x3136xi32, #tpu.memory_space<hbm>> -> memref<4x1568xi32, #tpu.memory_space<hbm>>
    tpu.wait_dma2 semaphore(%arg11 : memref<!tpu.dma_semaphore, #tpu.memory_space<semaphore_mem>>) src(%dma_wait3A_974 : memref<4x1568xi32, #tpu.memory_space<hbm>>) dst(%dma_wait3A_972 : memref<4x1568xi32, #tpu.memory_space<vmem>>)
    %dma_wait3A_975 = arith.constant 2 : i32
    %dma_wait3A_976 = arith.constant 14 : i32
    %dma_wait3A_977 = arith.constant 0 : i32
    %dma_wait3A_978 = tpu.memref_slice %arg7[%dma_wait3A_975, %dma_wait3A_977] : memref<4x1568xf32, #tpu.memory_space<vmem>> -> memref<1x1568xf32, #tpu.memory_space<vmem>>
    %dma_wait3A_979 = tpu.memref_squeeze %dma_wait3A_978 : memref<1x1568xf32, #tpu.memory_space<vmem>> -> memref<1568xf32, #tpu.memory_space<vmem>>
    %dma_wait3A_980 = tpu.memref_slice %arg4[%arg1, %dma_wait3A_976, %mul3A_0] : memref<16x24x3136xf32, #tpu.memory_space<hbm>> -> memref<1x1x1568xf32, #tpu.memory_space<hbm>>
    %dma_wait3A_981 = tpu.memref_squeeze %dma_wait3A_980 : memref<1x1x1568xf32, #tpu.memory_space<hbm>> -> memref<1568xf32, #tpu.memory_space<hbm>>
    %dma_wait3A_982 = tpu.memref_slice %arg4[%arg1, %dma_wait3A_976, %mul3A_0] : memref<16x24x3136xf32, #tpu.memory_space<hbm>> -> memref<1x1x1568xf32, #tpu.memory_space<hbm>>
    %dma_wait3A_983 = tpu.memref_squeeze %dma_wait3A_982 : memref<1x1x1568xf32, #tpu.memory_space<hbm>> -> memref<1568xf32, #tpu.memory_space<hbm>>
    %dma_wait3A_984 = arith.constant 0 : i32
    %dma_wait3A_985 = tpu.memref_slice %arg7[%dma_wait3A_975, %dma_wait3A_984] : memref<4x1568xf32, #tpu.memory_space<vmem>> -> memref<1x1568xf32, #tpu.memory_space<vmem>>
    %dma_wait3A_986 = tpu.memref_squeeze %dma_wait3A_985 : memref<1x1568xf32, #tpu.memory_space<vmem>> -> memref<1568xf32, #tpu.memory_space<vmem>>
    tpu.wait_dma2 semaphore(%arg13 : memref<!tpu.dma_semaphore, #tpu.memory_space<semaphore_mem>>) src(%dma_wait3A_986 : memref<1568xf32, #tpu.memory_space<vmem>>) dst(%dma_wait3A_983 : memref<1568xf32, #tpu.memory_space<hbm>>)
    %parallel_loop3A_987 = arith.constant 0 : i32
    %parallel_loop3A_988 = arith.constant 1568 : i32
    %parallel_loop3A_989 = arith.constant 16 : i32
    scf.for %parallel_loop3A_1276 = %parallel_loop3A_987 to %parallel_loop3A_988 step %parallel_loop3A_989  : i32 {
      %parallel_loop3A_1277 = arith.constant 2 : i32
      %parallel_loop3A_1278 = arith.constant 0 : i32
      %parallel_loop3A_1279 = arith.index_cast %parallel_loop3A_1277 : i32 to index
      %parallel_loop3A_1280 = arith.index_cast %parallel_loop3A_1278 : i32 to index
      %parallel_loop3A_1281 = arith.index_cast %parallel_loop3A_1276 : i32 to index
      %parallel_loop3A_1282 = tpu.vector_load %arg6[%parallel_loop3A_1279, %parallel_loop3A_1280, %parallel_loop3A_1281] {strides = array<i32>} : memref<4x4x1568xi32, #tpu.memory_space<vmem>>, vector<16xi32>,
      %parallel_loop3A_1283 = tpu.vector_load_idx %arg5[%parallel_loop3A_1282] : memref<25088xf32, #tpu.memory_space<vmem>>[vector<16xi32>], vector<16xf32>,
      %parallel_loop3A_1284 = arith.constant 2 : i32
      %parallel_loop3A_1285 = arith.constant 1 : i32
      %parallel_loop3A_1286 = arith.index_cast %parallel_loop3A_1284 : i32 to index
      %parallel_loop3A_1287 = arith.index_cast %parallel_loop3A_1285 : i32 to index
      %parallel_loop3A_1288 = arith.index_cast %parallel_loop3A_1276 : i32 to index
      %parallel_loop3A_1289 = tpu.vector_load %arg6[%parallel_loop3A_1286, %parallel_loop3A_1287, %parallel_loop3A_1288] {strides = array<i32>} : memref<4x4x1568xi32, #tpu.memory_space<vmem>>, vector<16xi32>,
      %parallel_loop3A_1290 = tpu.vector_load_idx %arg5[%parallel_loop3A_1289] : memref<25088xf32, #tpu.memory_space<vmem>>[vector<16xi32>], vector<16xf32>,
      %parallel_loop3A_1291 = arith.maximumf %parallel_loop3A_1283, %parallel_loop3A_1290 : vector<16xf32>
      %parallel_loop3A_1292 = arith.constant 2 : i32
      %parallel_loop3A_1293 = arith.constant 2 : i32
      %parallel_loop3A_1294 = arith.index_cast %parallel_loop3A_1292 : i32 to index
      %parallel_loop3A_1295 = arith.index_cast %parallel_loop3A_1293 : i32 to index
      %parallel_loop3A_1296 = arith.index_cast %parallel_loop3A_1276 : i32 to index
      %parallel_loop3A_1297 = tpu.vector_load %arg6[%parallel_loop3A_1294, %parallel_loop3A_1295, %parallel_loop3A_1296] {strides = array<i32>} : memref<4x4x1568xi32, #tpu.memory_space<vmem>>, vector<16xi32>,
      %parallel_loop3A_1298 = tpu.vector_load_idx %arg5[%parallel_loop3A_1297] : memref<25088xf32, #tpu.memory_space<vmem>>[vector<16xi32>], vector<16xf32>,
      %parallel_loop3A_1299 = arith.maximumf %parallel_loop3A_1291, %parallel_loop3A_1298 : vector<16xf32>
      %parallel_loop3A_1300 = arith.constant 2 : i32
      %parallel_loop3A_1301 = arith.constant 3 : i32
      %parallel_loop3A_1302 = arith.index_cast %parallel_loop3A_1300 : i32 to index
      %parallel_loop3A_1303 = arith.index_cast %parallel_loop3A_1301 : i32 to index
      %parallel_loop3A_1304 = arith.index_cast %parallel_loop3A_1276 : i32 to index
      %parallel_loop3A_1305 = tpu.vector_load %arg6[%parallel_loop3A_1302, %parallel_loop3A_1303, %parallel_loop3A_1304] {strides = array<i32>} : memref<4x4x1568xi32, #tpu.memory_space<vmem>>, vector<16xi32>,
      %parallel_loop3A_1306 = tpu.vector_load_idx %arg5[%parallel_loop3A_1305] : memref<25088xf32, #tpu.memory_space<vmem>>[vector<16xi32>], vector<16xf32>,
      %parallel_loop3A_1307 = arith.maximumf %parallel_loop3A_1299, %parallel_loop3A_1306 : vector<16xf32>
      %parallel_loop3A_1308 = arith.constant 1.000000e+00 : f32
      %parallel_loop3A_1309 = vector.broadcast %parallel_loop3A_1308 : f32 to vector<16xf32>
      %parallel_loop3A_1310 = arith.subf %parallel_loop3A_1309, %parallel_loop3A_1307 : vector<16xf32>
      %parallel_loop3A_1311 = arith.constant 2 : i32
      %parallel_loop3A_1312 = arith.index_cast %parallel_loop3A_1311 : i32 to index
      %parallel_loop3A_1313 = arith.index_cast %parallel_loop3A_1276 : i32 to index
      %parallel_loop3A_1314 = tpu.vector_load %arg7[%parallel_loop3A_1312, %parallel_loop3A_1313] {strides = array<i32>} : memref<4x1568xf32, #tpu.memory_space<vmem>>, vector<16xf32>,
      tpu.vector_store %arg7[%parallel_loop3A_1312, %parallel_loop3A_1313], %parallel_loop3A_1310 {strides = array<i32>} : memref<4x1568xf32, #tpu.memory_space<vmem>>, vector<16xf32>,
    } {sc.loop_unroll_factor = 7 : i64, sc.parallel_access}
    %dma_start3A_990 = arith.constant 2 : i32
    %dma_start3A_991 = arith.constant 18 : i32
    %dma_start3A_992 = arith.constant 0 : i32
    %dma_start3A_993 = tpu.memref_slice %arg7[%dma_start3A_990, %dma_start3A_992] : memref<4x1568xf32, #tpu.memory_space<vmem>> -> memref<1x1568xf32, #tpu.memory_space<vmem>>
    %dma_start3A_994 = tpu.memref_squeeze %dma_start3A_993 : memref<1x1568xf32, #tpu.memory_space<vmem>> -> memref<1568xf32, #tpu.memory_space<vmem>>
    %dma_start3A_995 = tpu.memref_slice %arg4[%arg1, %dma_start3A_991, %mul3A_0] : memref<16x24x3136xf32, #tpu.memory_space<hbm>> -> memref<1x1x1568xf32, #tpu.memory_space<hbm>>
    %dma_start3A_996 = tpu.memref_squeeze %dma_start3A_995 : memref<1x1x1568xf32, #tpu.memory_space<hbm>> -> memref<1568xf32, #tpu.memory_space<hbm>>
    %dma_start3A_997 = tpu.memref_slice %arg4[%arg1, %dma_start3A_991, %mul3A_0] : memref<16x24x3136xf32, #tpu.memory_space<hbm>> -> memref<1x1x1568xf32, #tpu.memory_space<hbm>>
    %dma_start3A_998 = tpu.memref_squeeze %dma_start3A_997 : memref<1x1x1568xf32, #tpu.memory_space<hbm>> -> memref<1568xf32, #tpu.memory_space<hbm>>
    %dma_start3A_999 = arith.constant 0 : i32
    %dma_start3A_1000 = tpu.memref_slice %arg7[%dma_start3A_990, %dma_start3A_999] : memref<4x1568xf32, #tpu.memory_space<vmem>> -> memref<1x1568xf32, #tpu.memory_space<vmem>>
    %dma_start3A_1001 = tpu.memref_squeeze %dma_start3A_1000 : memref<1x1568xf32, #tpu.memory_space<vmem>> -> memref<1568xf32, #tpu.memory_space<vmem>>
    tpu.enqueue_dma source(%dma_start3A_1001 : memref<1568xf32, #tpu.memory_space<vmem>>) target(%dma_start3A_998 : memref<1568xf32, #tpu.memory_space<hbm>>) target_semaphore(%arg13 : memref<!tpu.dma_semaphore, #tpu.memory_space<semaphore_mem>>)
    %dma_start3A_1002 = arith.constant 2 : i32
    %dma_start3A_1003 = arith.constant 0 : i32
    %dma_start3A_1004 = arith.constant 0 : i32
    %dma_start3A_1005 = tpu.memref_slice %arg6[%dma_start3A_1002, %dma_start3A_1003, %dma_start3A_1004] : memref<4x4x1568xi32, #tpu.memory_space<vmem>> -> memref<1x4x1568xi32, #tpu.memory_space<vmem>>
    %dma_start3A_1006 = tpu.memref_squeeze %dma_start3A_1005 : memref<1x4x1568xi32, #tpu.memory_space<vmem>> -> memref<4x1568xi32, #tpu.memory_space<vmem>>
    %dma_start3A_1007 = arith.constant 72 : i32
    %dma_start3A_1008 = tpu.memref_slice %arg3[%dma_start3A_1007, %mul3A_0] : memref<80x3136xi32, #tpu.memory_space<hbm>> -> memref<4x1568xi32, #tpu.memory_space<hbm>>
    %dma_start3A_1009 = arith.constant 0 : i32
    %dma_start3A_1010 = arith.constant 0 : i32
    %dma_start3A_1011 = tpu.memref_slice %arg6[%dma_start3A_1002, %dma_start3A_1009, %dma_start3A_1010] : memref<4x4x1568xi32, #tpu.memory_space<vmem>> -> memref<1x4x1568xi32, #tpu.memory_space<vmem>>
    %dma_start3A_1012 = tpu.memref_squeeze %dma_start3A_1011 : memref<1x4x1568xi32, #tpu.memory_space<vmem>> -> memref<4x1568xi32, #tpu.memory_space<vmem>>
    %dma_start3A_1013 = arith.constant 72 : i32
    %dma_start3A_1014 = tpu.memref_slice %arg3[%dma_start3A_1013, %mul3A_0] : memref<80x3136xi32, #tpu.memory_space<hbm>> -> memref<4x1568xi32, #tpu.memory_space<hbm>>
    tpu.enqueue_dma source(%dma_start3A_1014 : memref<4x1568xi32, #tpu.memory_space<hbm>>) target(%dma_start3A_1012 : memref<4x1568xi32, #tpu.memory_space<vmem>>) target_semaphore(%arg11 : memref<!tpu.dma_semaphore, #tpu.memory_space<semaphore_mem>>)
    %dma_wait3A_1015 = arith.constant 3 : i32
    %dma_wait3A_1016 = arith.constant 0 : i32
    %dma_wait3A_1017 = arith.constant 0 : i32
    %dma_wait3A_1018 = tpu.memref_slice %arg6[%dma_wait3A_1015, %dma_wait3A_1016, %dma_wait3A_1017] : memref<4x4x1568xi32, #tpu.memory_space<vmem>> -> memref<1x4x1568xi32, #tpu.memory_space<vmem>>
    %dma_wait3A_1019 = tpu.memref_squeeze %dma_wait3A_1018 : memref<1x4x1568xi32, #tpu.memory_space<vmem>> -> memref<4x1568xi32, #tpu.memory_space<vmem>>
    %dma_wait3A_1020 = arith.constant 60 : i32
    %dma_wait3A_1021 = tpu.memref_slice %arg3[%dma_wait3A_1020, %mul3A_0] : memref<80x3136xi32, #tpu.memory_space<hbm>> -> memref<4x1568xi32, #tpu.memory_space<hbm>>
    %dma_wait3A_1022 = arith.constant 0 : i32
    %dma_wait3A_1023 = arith.constant 0 : i32
    %dma_wait3A_1024 = tpu.memref_slice %arg6[%dma_wait3A_1015, %dma_wait3A_1022, %dma_wait3A_1023] : memref<4x4x1568xi32, #tpu.memory_space<vmem>> -> memref<1x4x1568xi32, #tpu.memory_space<vmem>>
    %dma_wait3A_1025 = tpu.memref_squeeze %dma_wait3A_1024 : memref<1x4x1568xi32, #tpu.memory_space<vmem>> -> memref<4x1568xi32, #tpu.memory_space<vmem>>
    %dma_wait3A_1026 = arith.constant 60 : i32
    %dma_wait3A_1027 = tpu.memref_slice %arg3[%dma_wait3A_1026, %mul3A_0] : memref<80x3136xi32, #tpu.memory_space<hbm>> -> memref<4x1568xi32, #tpu.memory_space<hbm>>
    tpu.wait_dma2 semaphore(%arg12 : memref<!tpu.dma_semaphore, #tpu.memory_space<semaphore_mem>>) src(%dma_wait3A_1027 : memref<4x1568xi32, #tpu.memory_space<hbm>>) dst(%dma_wait3A_1025 : memref<4x1568xi32, #tpu.memory_space<vmem>>)
    %dma_wait3A_1028 = arith.constant 3 : i32
    %dma_wait3A_1029 = arith.constant 15 : i32
    %dma_wait3A_1030 = arith.constant 0 : i32
    %dma_wait3A_1031 = tpu.memref_slice %arg7[%dma_wait3A_1028, %dma_wait3A_1030] : memref<4x1568xf32, #tpu.memory_space<vmem>> -> memref<1x1568xf32, #tpu.memory_space<vmem>>
    %dma_wait3A_1032 = tpu.memref_squeeze %dma_wait3A_1031 : memref<1x1568xf32, #tpu.memory_space<vmem>> -> memref<1568xf32, #tpu.memory_space<vmem>>
    %dma_wait3A_1033 = tpu.memref_slice %arg4[%arg1, %dma_wait3A_1029, %mul3A_0] : memref<16x24x3136xf32, #tpu.memory_space<hbm>> -> memref<1x1x1568xf32, #tpu.memory_space<hbm>>
    %dma_wait3A_1034 = tpu.memref_squeeze %dma_wait3A_1033 : memref<1x1x1568xf32, #tpu.memory_space<hbm>> -> memref<1568xf32, #tpu.memory_space<hbm>>
    %dma_wait3A_1035 = tpu.memref_slice %arg4[%arg1, %dma_wait3A_1029, %mul3A_0] : memref<16x24x3136xf32, #tpu.memory_space<hbm>> -> memref<1x1x1568xf32, #tpu.memory_space<hbm>>
    %dma_wait3A_1036 = tpu.memref_squeeze %dma_wait3A_1035 : memref<1x1x1568xf32, #tpu.memory_space<hbm>> -> memref<1568xf32, #tpu.memory_space<hbm>>
    %dma_wait3A_1037 = arith.constant 0 : i32
    %dma_wait3A_1038 = tpu.memref_slice %arg7[%dma_wait3A_1028, %dma_wait3A_1037] : memref<4x1568xf32, #tpu.memory_space<vmem>> -> memref<1x1568xf32, #tpu.memory_space<vmem>>
    %dma_wait3A_1039 = tpu.memref_squeeze %dma_wait3A_1038 : memref<1x1568xf32, #tpu.memory_space<vmem>> -> memref<1568xf32, #tpu.memory_space<vmem>>
    tpu.wait_dma2 semaphore(%arg13 : memref<!tpu.dma_semaphore, #tpu.memory_space<semaphore_mem>>) src(%dma_wait3A_1039 : memref<1568xf32, #tpu.memory_space<vmem>>) dst(%dma_wait3A_1036 : memref<1568xf32, #tpu.memory_space<hbm>>)
    %parallel_loop3A_1040 = arith.constant 0 : i32
    %parallel_loop3A_1041 = arith.constant 1568 : i32
    %parallel_loop3A_1042 = arith.constant 16 : i32
    scf.for %parallel_loop3A_1276 = %parallel_loop3A_1040 to %parallel_loop3A_1041 step %parallel_loop3A_1042  : i32 {
      %parallel_loop3A_1277 = arith.constant 3 : i32
      %parallel_loop3A_1278 = arith.constant 0 : i32
      %parallel_loop3A_1279 = arith.index_cast %parallel_loop3A_1277 : i32 to index
      %parallel_loop3A_1280 = arith.index_cast %parallel_loop3A_1278 : i32 to index
      %parallel_loop3A_1281 = arith.index_cast %parallel_loop3A_1276 : i32 to index
      %parallel_loop3A_1282 = tpu.vector_load %arg6[%parallel_loop3A_1279, %parallel_loop3A_1280, %parallel_loop3A_1281] {strides = array<i32>} : memref<4x4x1568xi32, #tpu.memory_space<vmem>>, vector<16xi32>,
      %parallel_loop3A_1283 = tpu.vector_load_idx %arg5[%parallel_loop3A_1282] : memref<25088xf32, #tpu.memory_space<vmem>>[vector<16xi32>], vector<16xf32>,
      %parallel_loop3A_1284 = arith.constant 3 : i32
      %parallel_loop3A_1285 = arith.constant 1 : i32
      %parallel_loop3A_1286 = arith.index_cast %parallel_loop3A_1284 : i32 to index
      %parallel_loop3A_1287 = arith.index_cast %parallel_loop3A_1285 : i32 to index
      %parallel_loop3A_1288 = arith.index_cast %parallel_loop3A_1276 : i32 to index
      %parallel_loop3A_1289 = tpu.vector_load %arg6[%parallel_loop3A_1286, %parallel_loop3A_1287, %parallel_loop3A_1288] {strides = array<i32>} : memref<4x4x1568xi32, #tpu.memory_space<vmem>>, vector<16xi32>,
      %parallel_loop3A_1290 = tpu.vector_load_idx %arg5[%parallel_loop3A_1289] : memref<25088xf32, #tpu.memory_space<vmem>>[vector<16xi32>], vector<16xf32>,
      %parallel_loop3A_1291 = arith.maximumf %parallel_loop3A_1283, %parallel_loop3A_1290 : vector<16xf32>
      %parallel_loop3A_1292 = arith.constant 3 : i32
      %parallel_loop3A_1293 = arith.constant 2 : i32
      %parallel_loop3A_1294 = arith.index_cast %parallel_loop3A_1292 : i32 to index
      %parallel_loop3A_1295 = arith.index_cast %parallel_loop3A_1293 : i32 to index
      %parallel_loop3A_1296 = arith.index_cast %parallel_loop3A_1276 : i32 to index
      %parallel_loop3A_1297 = tpu.vector_load %arg6[%parallel_loop3A_1294, %parallel_loop3A_1295, %parallel_loop3A_1296] {strides = array<i32>} : memref<4x4x1568xi32, #tpu.memory_space<vmem>>, vector<16xi32>,
      %parallel_loop3A_1298 = tpu.vector_load_idx %arg5[%parallel_loop3A_1297] : memref<25088xf32, #tpu.memory_space<vmem>>[vector<16xi32>], vector<16xf32>,
      %parallel_loop3A_1299 = arith.maximumf %parallel_loop3A_1291, %parallel_loop3A_1298 : vector<16xf32>
      %parallel_loop3A_1300 = arith.constant 3 : i32
      %parallel_loop3A_1301 = arith.constant 3 : i32
      %parallel_loop3A_1302 = arith.index_cast %parallel_loop3A_1300 : i32 to index
      %parallel_loop3A_1303 = arith.index_cast %parallel_loop3A_1301 : i32 to index
      %parallel_loop3A_1304 = arith.index_cast %parallel_loop3A_1276 : i32 to index
      %parallel_loop3A_1305 = tpu.vector_load %arg6[%parallel_loop3A_1302, %parallel_loop3A_1303, %parallel_loop3A_1304] {strides = array<i32>} : memref<4x4x1568xi32, #tpu.memory_space<vmem>>, vector<16xi32>,
      %parallel_loop3A_1306 = tpu.vector_load_idx %arg5[%parallel_loop3A_1305] : memref<25088xf32, #tpu.memory_space<vmem>>[vector<16xi32>], vector<16xf32>,
      %parallel_loop3A_1307 = arith.maximumf %parallel_loop3A_1299, %parallel_loop3A_1306 : vector<16xf32>
      %parallel_loop3A_1308 = arith.constant 1.000000e+00 : f32
      %parallel_loop3A_1309 = vector.broadcast %parallel_loop3A_1308 : f32 to vector<16xf32>
      %parallel_loop3A_1310 = arith.subf %parallel_loop3A_1309, %parallel_loop3A_1307 : vector<16xf32>
      %parallel_loop3A_1311 = arith.constant 3 : i32
      %parallel_loop3A_1312 = arith.index_cast %parallel_loop3A_1311 : i32 to index
      %parallel_loop3A_1313 = arith.index_cast %parallel_loop3A_1276 : i32 to index
      %parallel_loop3A_1314 = tpu.vector_load %arg7[%parallel_loop3A_1312, %parallel_loop3A_1313] {strides = array<i32>} : memref<4x1568xf32, #tpu.memory_space<vmem>>, vector<16xf32>,
      tpu.vector_store %arg7[%parallel_loop3A_1312, %parallel_loop3A_1313], %parallel_loop3A_1310 {strides = array<i32>} : memref<4x1568xf32, #tpu.memory_space<vmem>>, vector<16xf32>,
    } {sc.loop_unroll_factor = 7 : i64, sc.parallel_access}
    %dma_start3A_1043 = arith.constant 3 : i32
    %dma_start3A_1044 = arith.constant 19 : i32
    %dma_start3A_1045 = arith.constant 0 : i32
    %dma_start3A_1046 = tpu.memref_slice %arg7[%dma_start3A_1043, %dma_start3A_1045] : memref<4x1568xf32, #tpu.memory_space<vmem>> -> memref<1x1568xf32, #tpu.memory_space<vmem>>
    %dma_start3A_1047 = tpu.memref_squeeze %dma_start3A_1046 : memref<1x1568xf32, #tpu.memory_space<vmem>> -> memref<1568xf32, #tpu.memory_space<vmem>>
    %dma_start3A_1048 = tpu.memref_slice %arg4[%arg1, %dma_start3A_1044, %mul3A_0] : memref<16x24x3136xf32, #tpu.memory_space<hbm>> -> memref<1x1x1568xf32, #tpu.memory_space<hbm>>
    %dma_start3A_1049 = tpu.memref_squeeze %dma_start3A_1048 : memref<1x1x1568xf32, #tpu.memory_space<hbm>> -> memref<1568xf32, #tpu.memory_space<hbm>>
    %dma_start3A_1050 = tpu.memref_slice %arg4[%arg1, %dma_start3A_1044, %mul3A_0] : memref<16x24x3136xf32, #tpu.memory_space<hbm>> -> memref<1x1x1568xf32, #tpu.memory_space<hbm>>
    %dma_start3A_1051 = tpu.memref_squeeze %dma_start3A_1050 : memref<1x1x1568xf32, #tpu.memory_space<hbm>> -> memref<1568xf32, #tpu.memory_space<hbm>>
    %dma_start3A_1052 = arith.constant 0 : i32
    %dma_start3A_1053 = tpu.memref_slice %arg7[%dma_start3A_1043, %dma_start3A_1052] : memref<4x1568xf32, #tpu.memory_space<vmem>> -> memref<1x1568xf32, #tpu.memory_space<vmem>>
    %dma_start3A_1054 = tpu.memref_squeeze %dma_start3A_1053 : memref<1x1568xf32, #tpu.memory_space<vmem>> -> memref<1568xf32, #tpu.memory_space<vmem>>
    tpu.enqueue_dma source(%dma_start3A_1054 : memref<1568xf32, #tpu.memory_space<vmem>>) target(%dma_start3A_1051 : memref<1568xf32, #tpu.memory_space<hbm>>) target_semaphore(%arg13 : memref<!tpu.dma_semaphore, #tpu.memory_space<semaphore_mem>>)
    %dma_start3A_1055 = arith.constant 3 : i32
    %dma_start3A_1056 = arith.constant 0 : i32
    %dma_start3A_1057 = arith.constant 0 : i32
    %dma_start3A_1058 = tpu.memref_slice %arg6[%dma_start3A_1055, %dma_start3A_1056, %dma_start3A_1057] : memref<4x4x1568xi32, #tpu.memory_space<vmem>> -> memref<1x4x1568xi32, #tpu.memory_space<vmem>>
    %dma_start3A_1059 = tpu.memref_squeeze %dma_start3A_1058 : memref<1x4x1568xi32, #tpu.memory_space<vmem>> -> memref<4x1568xi32, #tpu.memory_space<vmem>>
    %dma_start3A_1060 = arith.constant 76 : i32
    %dma_start3A_1061 = tpu.memref_slice %arg3[%dma_start3A_1060, %mul3A_0] : memref<80x3136xi32, #tpu.memory_space<hbm>> -> memref<4x1568xi32, #tpu.memory_space<hbm>>
    %dma_start3A_1062 = arith.constant 0 : i32
    %dma_start3A_1063 = arith.constant 0 : i32
    %dma_start3A_1064 = tpu.memref_slice %arg6[%dma_start3A_1055, %dma_start3A_1062, %dma_start3A_1063] : memref<4x4x1568xi32, #tpu.memory_space<vmem>> -> memref<1x4x1568xi32, #tpu.memory_space<vmem>>
    %dma_start3A_1065 = tpu.memref_squeeze %dma_start3A_1064 : memref<1x4x1568xi32, #tpu.memory_space<vmem>> -> memref<4x1568xi32, #tpu.memory_space<vmem>>
    %dma_start3A_1066 = arith.constant 76 : i32
    %dma_start3A_1067 = tpu.memref_slice %arg3[%dma_start3A_1066, %mul3A_0] : memref<80x3136xi32, #tpu.memory_space<hbm>> -> memref<4x1568xi32, #tpu.memory_space<hbm>>
    tpu.enqueue_dma source(%dma_start3A_1067 : memref<4x1568xi32, #tpu.memory_space<hbm>>) target(%dma_start3A_1065 : memref<4x1568xi32, #tpu.memory_space<vmem>>) target_semaphore(%arg12 : memref<!tpu.dma_semaphore, #tpu.memory_space<semaphore_mem>>)
    %dma_wait3A_1068 = arith.constant 0 : i32
    %dma_wait3A_1069 = arith.constant 0 : i32
    %dma_wait3A_1070 = arith.constant 0 : i32
    %dma_wait3A_1071 = tpu.memref_slice %arg6[%dma_wait3A_1068, %dma_wait3A_1069, %dma_wait3A_1070] : memref<4x4x1568xi32, #tpu.memory_space<vmem>> -> memref<1x4x1568xi32, #tpu.memory_space<vmem>>
    %dma_wait3A_1072 = tpu.memref_squeeze %dma_wait3A_1071 : memref<1x4x1568xi32, #tpu.memory_space<vmem>> -> memref<4x1568xi32, #tpu.memory_space<vmem>>
    %dma_wait3A_1073 = arith.constant 64 : i32
    %dma_wait3A_1074 = tpu.memref_slice %arg3[%dma_wait3A_1073, %mul3A_0] : memref<80x3136xi32, #tpu.memory_space<hbm>> -> memref<4x1568xi32, #tpu.memory_space<hbm>>
    %dma_wait3A_1075 = arith.constant 0 : i32
    %dma_wait3A_1076 = arith.constant 0 : i32
    %dma_wait3A_1077 = tpu.memref_slice %arg6[%dma_wait3A_1068, %dma_wait3A_1075, %dma_wait3A_1076] : memref<4x4x1568xi32, #tpu.memory_space<vmem>> -> memref<1x4x1568xi32, #tpu.memory_space<vmem>>
    %dma_wait3A_1078 = tpu.memref_squeeze %dma_wait3A_1077 : memref<1x4x1568xi32, #tpu.memory_space<vmem>> -> memref<4x1568xi32, #tpu.memory_space<vmem>>
    %dma_wait3A_1079 = arith.constant 64 : i32
    %dma_wait3A_1080 = tpu.memref_slice %arg3[%dma_wait3A_1079, %mul3A_0] : memref<80x3136xi32, #tpu.memory_space<hbm>> -> memref<4x1568xi32, #tpu.memory_space<hbm>>
    tpu.wait_dma2 semaphore(%arg9 : memref<!tpu.dma_semaphore, #tpu.memory_space<semaphore_mem>>) src(%dma_wait3A_1080 : memref<4x1568xi32, #tpu.memory_space<hbm>>) dst(%dma_wait3A_1078 : memref<4x1568xi32, #tpu.memory_space<vmem>>)
    %dma_wait3A_1081 = arith.constant 0 : i32
    %dma_wait3A_1082 = arith.constant 16 : i32
    %dma_wait3A_1083 = arith.constant 0 : i32
    %dma_wait3A_1084 = tpu.memref_slice %arg7[%dma_wait3A_1081, %dma_wait3A_1083] : memref<4x1568xf32, #tpu.memory_space<vmem>> -> memref<1x1568xf32, #tpu.memory_space<vmem>>
    %dma_wait3A_1085 = tpu.memref_squeeze %dma_wait3A_1084 : memref<1x1568xf32, #tpu.memory_space<vmem>> -> memref<1568xf32, #tpu.memory_space<vmem>>
    %dma_wait3A_1086 = tpu.memref_slice %arg4[%arg1, %dma_wait3A_1082, %mul3A_0] : memref<16x24x3136xf32, #tpu.memory_space<hbm>> -> memref<1x1x1568xf32, #tpu.memory_space<hbm>>
    %dma_wait3A_1087 = tpu.memref_squeeze %dma_wait3A_1086 : memref<1x1x1568xf32, #tpu.memory_space<hbm>> -> memref<1568xf32, #tpu.memory_space<hbm>>
    %dma_wait3A_1088 = tpu.memref_slice %arg4[%arg1, %dma_wait3A_1082, %mul3A_0] : memref<16x24x3136xf32, #tpu.memory_space<hbm>> -> memref<1x1x1568xf32, #tpu.memory_space<hbm>>
    %dma_wait3A_1089 = tpu.memref_squeeze %dma_wait3A_1088 : memref<1x1x1568xf32, #tpu.memory_space<hbm>> -> memref<1568xf32, #tpu.memory_space<hbm>>
    %dma_wait3A_1090 = arith.constant 0 : i32
    %dma_wait3A_1091 = tpu.memref_slice %arg7[%dma_wait3A_1081, %dma_wait3A_1090] : memref<4x1568xf32, #tpu.memory_space<vmem>> -> memref<1x1568xf32, #tpu.memory_space<vmem>>
    %dma_wait3A_1092 = tpu.memref_squeeze %dma_wait3A_1091 : memref<1x1568xf32, #tpu.memory_space<vmem>> -> memref<1568xf32, #tpu.memory_space<vmem>>
    tpu.wait_dma2 semaphore(%arg13 : memref<!tpu.dma_semaphore, #tpu.memory_space<semaphore_mem>>) src(%dma_wait3A_1092 : memref<1568xf32, #tpu.memory_space<vmem>>) dst(%dma_wait3A_1089 : memref<1568xf32, #tpu.memory_space<hbm>>)
    %parallel_loop3A_1093 = arith.constant 0 : i32
    %parallel_loop3A_1094 = arith.constant 1568 : i32
    %parallel_loop3A_1095 = arith.constant 16 : i32
    scf.for %parallel_loop3A_1276 = %parallel_loop3A_1093 to %parallel_loop3A_1094 step %parallel_loop3A_1095  : i32 {
      %parallel_loop3A_1277 = arith.constant 0 : i32
      %parallel_loop3A_1278 = arith.constant 0 : i32
      %parallel_loop3A_1279 = arith.index_cast %parallel_loop3A_1277 : i32 to index
      %parallel_loop3A_1280 = arith.index_cast %parallel_loop3A_1278 : i32 to index
      %parallel_loop3A_1281 = arith.index_cast %parallel_loop3A_1276 : i32 to index
      %parallel_loop3A_1282 = tpu.vector_load %arg6[%parallel_loop3A_1279, %parallel_loop3A_1280, %parallel_loop3A_1281] {strides = array<i32>} : memref<4x4x1568xi32, #tpu.memory_space<vmem>>, vector<16xi32>,
      %parallel_loop3A_1283 = tpu.vector_load_idx %arg5[%parallel_loop3A_1282] : memref<25088xf32, #tpu.memory_space<vmem>>[vector<16xi32>], vector<16xf32>,
      %parallel_loop3A_1284 = arith.constant 0 : i32
      %parallel_loop3A_1285 = arith.constant 1 : i32
      %parallel_loop3A_1286 = arith.index_cast %parallel_loop3A_1284 : i32 to index
      %parallel_loop3A_1287 = arith.index_cast %parallel_loop3A_1285 : i32 to index
      %parallel_loop3A_1288 = arith.index_cast %parallel_loop3A_1276 : i32 to index
      %parallel_loop3A_1289 = tpu.vector_load %arg6[%parallel_loop3A_1286, %parallel_loop3A_1287, %parallel_loop3A_1288] {strides = array<i32>} : memref<4x4x1568xi32, #tpu.memory_space<vmem>>, vector<16xi32>,
      %parallel_loop3A_1290 = tpu.vector_load_idx %arg5[%parallel_loop3A_1289] : memref<25088xf32, #tpu.memory_space<vmem>>[vector<16xi32>], vector<16xf32>,
      %parallel_loop3A_1291 = arith.maximumf %parallel_loop3A_1283, %parallel_loop3A_1290 : vector<16xf32>
      %parallel_loop3A_1292 = arith.constant 0 : i32
      %parallel_loop3A_1293 = arith.constant 2 : i32
      %parallel_loop3A_1294 = arith.index_cast %parallel_loop3A_1292 : i32 to index
      %parallel_loop3A_1295 = arith.index_cast %parallel_loop3A_1293 : i32 to index
      %parallel_loop3A_1296 = arith.index_cast %parallel_loop3A_1276 : i32 to index
      %parallel_loop3A_1297 = tpu.vector_load %arg6[%parallel_loop3A_1294, %parallel_loop3A_1295, %parallel_loop3A_1296] {strides = array<i32>} : memref<4x4x1568xi32, #tpu.memory_space<vmem>>, vector<16xi32>,
      %parallel_loop3A_1298 = tpu.vector_load_idx %arg5[%parallel_loop3A_1297] : memref<25088xf32, #tpu.memory_space<vmem>>[vector<16xi32>], vector<16xf32>,
      %parallel_loop3A_1299 = arith.maximumf %parallel_loop3A_1291, %parallel_loop3A_1298 : vector<16xf32>
      %parallel_loop3A_1300 = arith.constant 0 : i32
      %parallel_loop3A_1301 = arith.constant 3 : i32
      %parallel_loop3A_1302 = arith.index_cast %parallel_loop3A_1300 : i32 to index
      %parallel_loop3A_1303 = arith.index_cast %parallel_loop3A_1301 : i32 to index
      %parallel_loop3A_1304 = arith.index_cast %parallel_loop3A_1276 : i32 to index
      %parallel_loop3A_1305 = tpu.vector_load %arg6[%parallel_loop3A_1302, %parallel_loop3A_1303, %parallel_loop3A_1304] {strides = array<i32>} : memref<4x4x1568xi32, #tpu.memory_space<vmem>>, vector<16xi32>,
      %parallel_loop3A_1306 = tpu.vector_load_idx %arg5[%parallel_loop3A_1305] : memref<25088xf32, #tpu.memory_space<vmem>>[vector<16xi32>], vector<16xf32>,
      %parallel_loop3A_1307 = arith.maximumf %parallel_loop3A_1299, %parallel_loop3A_1306 : vector<16xf32>
      %parallel_loop3A_1308 = arith.constant 1.000000e+00 : f32
      %parallel_loop3A_1309 = vector.broadcast %parallel_loop3A_1308 : f32 to vector<16xf32>
      %parallel_loop3A_1310 = arith.subf %parallel_loop3A_1309, %parallel_loop3A_1307 : vector<16xf32>
      %parallel_loop3A_1311 = arith.constant 0 : i32
      %parallel_loop3A_1312 = arith.index_cast %parallel_loop3A_1311 : i32 to index
      %parallel_loop3A_1313 = arith.index_cast %parallel_loop3A_1276 : i32 to index
      %parallel_loop3A_1314 = tpu.vector_load %arg7[%parallel_loop3A_1312, %parallel_loop3A_1313] {strides = array<i32>} : memref<4x1568xf32, #tpu.memory_space<vmem>>, vector<16xf32>,
      tpu.vector_store %arg7[%parallel_loop3A_1312, %parallel_loop3A_1313], %parallel_loop3A_1310 {strides = array<i32>} : memref<4x1568xf32, #tpu.memory_space<vmem>>, vector<16xf32>,
    } {sc.loop_unroll_factor = 7 : i64, sc.parallel_access}
    %dma_start3A_1096 = arith.constant 0 : i32
    %dma_start3A_1097 = arith.constant 20 : i32
    %dma_start3A_1098 = arith.constant 0 : i32
    %dma_start3A_1099 = tpu.memref_slice %arg7[%dma_start3A_1096, %dma_start3A_1098] : memref<4x1568xf32, #tpu.memory_space<vmem>> -> memref<1x1568xf32, #tpu.memory_space<vmem>>
    %dma_start3A_1100 = tpu.memref_squeeze %dma_start3A_1099 : memref<1x1568xf32, #tpu.memory_space<vmem>> -> memref<1568xf32, #tpu.memory_space<vmem>>
    %dma_start3A_1101 = tpu.memref_slice %arg4[%arg1, %dma_start3A_1097, %mul3A_0] : memref<16x24x3136xf32, #tpu.memory_space<hbm>> -> memref<1x1x1568xf32, #tpu.memory_space<hbm>>
    %dma_start3A_1102 = tpu.memref_squeeze %dma_start3A_1101 : memref<1x1x1568xf32, #tpu.memory_space<hbm>> -> memref<1568xf32, #tpu.memory_space<hbm>>
    %dma_start3A_1103 = tpu.memref_slice %arg4[%arg1, %dma_start3A_1097, %mul3A_0] : memref<16x24x3136xf32, #tpu.memory_space<hbm>> -> memref<1x1x1568xf32, #tpu.memory_space<hbm>>
    %dma_start3A_1104 = tpu.memref_squeeze %dma_start3A_1103 : memref<1x1x1568xf32, #tpu.memory_space<hbm>> -> memref<1568xf32, #tpu.memory_space<hbm>>
    %dma_start3A_1105 = arith.constant 0 : i32
    %dma_start3A_1106 = tpu.memref_slice %arg7[%dma_start3A_1096, %dma_start3A_1105] : memref<4x1568xf32, #tpu.memory_space<vmem>> -> memref<1x1568xf32, #tpu.memory_space<vmem>>
    %dma_start3A_1107 = tpu.memref_squeeze %dma_start3A_1106 : memref<1x1568xf32, #tpu.memory_space<vmem>> -> memref<1568xf32, #tpu.memory_space<vmem>>
    tpu.enqueue_dma source(%dma_start3A_1107 : memref<1568xf32, #tpu.memory_space<vmem>>) target(%dma_start3A_1104 : memref<1568xf32, #tpu.memory_space<hbm>>) target_semaphore(%arg13 : memref<!tpu.dma_semaphore, #tpu.memory_space<semaphore_mem>>)
    %dma_wait3A_1108 = arith.constant 1 : i32
    %dma_wait3A_1109 = arith.constant 0 : i32
    %dma_wait3A_1110 = arith.constant 0 : i32
    %dma_wait3A_1111 = tpu.memref_slice %arg6[%dma_wait3A_1108, %dma_wait3A_1109, %dma_wait3A_1110] : memref<4x4x1568xi32, #tpu.memory_space<vmem>> -> memref<1x4x1568xi32, #tpu.memory_space<vmem>>
    %dma_wait3A_1112 = tpu.memref_squeeze %dma_wait3A_1111 : memref<1x4x1568xi32, #tpu.memory_space<vmem>> -> memref<4x1568xi32, #tpu.memory_space<vmem>>
    %dma_wait3A_1113 = arith.constant 68 : i32
    %dma_wait3A_1114 = tpu.memref_slice %arg3[%dma_wait3A_1113, %mul3A_0] : memref<80x3136xi32, #tpu.memory_space<hbm>> -> memref<4x1568xi32, #tpu.memory_space<hbm>>
    %dma_wait3A_1115 = arith.constant 0 : i32
    %dma_wait3A_1116 = arith.constant 0 : i32
    %dma_wait3A_1117 = tpu.memref_slice %arg6[%dma_wait3A_1108, %dma_wait3A_1115, %dma_wait3A_1116] : memref<4x4x1568xi32, #tpu.memory_space<vmem>> -> memref<1x4x1568xi32, #tpu.memory_space<vmem>>
    %dma_wait3A_1118 = tpu.memref_squeeze %dma_wait3A_1117 : memref<1x4x1568xi32, #tpu.memory_space<vmem>> -> memref<4x1568xi32, #tpu.memory_space<vmem>>
    %dma_wait3A_1119 = arith.constant 68 : i32
    %dma_wait3A_1120 = tpu.memref_slice %arg3[%dma_wait3A_1119, %mul3A_0] : memref<80x3136xi32, #tpu.memory_space<hbm>> -> memref<4x1568xi32, #tpu.memory_space<hbm>>
    tpu.wait_dma2 semaphore(%arg10 : memref<!tpu.dma_semaphore, #tpu.memory_space<semaphore_mem>>) src(%dma_wait3A_1120 : memref<4x1568xi32, #tpu.memory_space<hbm>>) dst(%dma_wait3A_1118 : memref<4x1568xi32, #tpu.memory_space<vmem>>)
    %dma_wait3A_1121 = arith.constant 1 : i32
    %dma_wait3A_1122 = arith.constant 17 : i32
    %dma_wait3A_1123 = arith.constant 0 : i32
    %dma_wait3A_1124 = tpu.memref_slice %arg7[%dma_wait3A_1121, %dma_wait3A_1123] : memref<4x1568xf32, #tpu.memory_space<vmem>> -> memref<1x1568xf32, #tpu.memory_space<vmem>>
    %dma_wait3A_1125 = tpu.memref_squeeze %dma_wait3A_1124 : memref<1x1568xf32, #tpu.memory_space<vmem>> -> memref<1568xf32, #tpu.memory_space<vmem>>
    %dma_wait3A_1126 = tpu.memref_slice %arg4[%arg1, %dma_wait3A_1122, %mul3A_0] : memref<16x24x3136xf32, #tpu.memory_space<hbm>> -> memref<1x1x1568xf32, #tpu.memory_space<hbm>>
    %dma_wait3A_1127 = tpu.memref_squeeze %dma_wait3A_1126 : memref<1x1x1568xf32, #tpu.memory_space<hbm>> -> memref<1568xf32, #tpu.memory_space<hbm>>
    %dma_wait3A_1128 = tpu.memref_slice %arg4[%arg1, %dma_wait3A_1122, %mul3A_0] : memref<16x24x3136xf32, #tpu.memory_space<hbm>> -> memref<1x1x1568xf32, #tpu.memory_space<hbm>>
    %dma_wait3A_1129 = tpu.memref_squeeze %dma_wait3A_1128 : memref<1x1x1568xf32, #tpu.memory_space<hbm>> -> memref<1568xf32, #tpu.memory_space<hbm>>
    %dma_wait3A_1130 = arith.constant 0 : i32
    %dma_wait3A_1131 = tpu.memref_slice %arg7[%dma_wait3A_1121, %dma_wait3A_1130] : memref<4x1568xf32, #tpu.memory_space<vmem>> -> memref<1x1568xf32, #tpu.memory_space<vmem>>
    %dma_wait3A_1132 = tpu.memref_squeeze %dma_wait3A_1131 : memref<1x1568xf32, #tpu.memory_space<vmem>> -> memref<1568xf32, #tpu.memory_space<vmem>>
    tpu.wait_dma2 semaphore(%arg13 : memref<!tpu.dma_semaphore, #tpu.memory_space<semaphore_mem>>) src(%dma_wait3A_1132 : memref<1568xf32, #tpu.memory_space<vmem>>) dst(%dma_wait3A_1129 : memref<1568xf32, #tpu.memory_space<hbm>>)
    %parallel_loop3A_1133 = arith.constant 0 : i32
    %parallel_loop3A_1134 = arith.constant 1568 : i32
    %parallel_loop3A_1135 = arith.constant 16 : i32
    scf.for %parallel_loop3A_1276 = %parallel_loop3A_1133 to %parallel_loop3A_1134 step %parallel_loop3A_1135  : i32 {
      %parallel_loop3A_1277 = arith.constant 1 : i32
      %parallel_loop3A_1278 = arith.constant 0 : i32
      %parallel_loop3A_1279 = arith.index_cast %parallel_loop3A_1277 : i32 to index
      %parallel_loop3A_1280 = arith.index_cast %parallel_loop3A_1278 : i32 to index
      %parallel_loop3A_1281 = arith.index_cast %parallel_loop3A_1276 : i32 to index
      %parallel_loop3A_1282 = tpu.vector_load %arg6[%parallel_loop3A_1279, %parallel_loop3A_1280, %parallel_loop3A_1281] {strides = array<i32>} : memref<4x4x1568xi32, #tpu.memory_space<vmem>>, vector<16xi32>,
      %parallel_loop3A_1283 = tpu.vector_load_idx %arg5[%parallel_loop3A_1282] : memref<25088xf32, #tpu.memory_space<vmem>>[vector<16xi32>], vector<16xf32>,
      %parallel_loop3A_1284 = arith.constant 1 : i32
      %parallel_loop3A_1285 = arith.constant 1 : i32
      %parallel_loop3A_1286 = arith.index_cast %parallel_loop3A_1284 : i32 to index
      %parallel_loop3A_1287 = arith.index_cast %parallel_loop3A_1285 : i32 to index
      %parallel_loop3A_1288 = arith.index_cast %parallel_loop3A_1276 : i32 to index
      %parallel_loop3A_1289 = tpu.vector_load %arg6[%parallel_loop3A_1286, %parallel_loop3A_1287, %parallel_loop3A_1288] {strides = array<i32>} : memref<4x4x1568xi32, #tpu.memory_space<vmem>>, vector<16xi32>,
      %parallel_loop3A_1290 = tpu.vector_load_idx %arg5[%parallel_loop3A_1289] : memref<25088xf32, #tpu.memory_space<vmem>>[vector<16xi32>], vector<16xf32>,
      %parallel_loop3A_1291 = arith.maximumf %parallel_loop3A_1283, %parallel_loop3A_1290 : vector<16xf32>
      %parallel_loop3A_1292 = arith.constant 1 : i32
      %parallel_loop3A_1293 = arith.constant 2 : i32
      %parallel_loop3A_1294 = arith.index_cast %parallel_loop3A_1292 : i32 to index
      %parallel_loop3A_1295 = arith.index_cast %parallel_loop3A_1293 : i32 to index
      %parallel_loop3A_1296 = arith.index_cast %parallel_loop3A_1276 : i32 to index
      %parallel_loop3A_1297 = tpu.vector_load %arg6[%parallel_loop3A_1294, %parallel_loop3A_1295, %parallel_loop3A_1296] {strides = array<i32>} : memref<4x4x1568xi32, #tpu.memory_space<vmem>>, vector<16xi32>,
      %parallel_loop3A_1298 = tpu.vector_load_idx %arg5[%parallel_loop3A_1297] : memref<25088xf32, #tpu.memory_space<vmem>>[vector<16xi32>], vector<16xf32>,
      %parallel_loop3A_1299 = arith.maximumf %parallel_loop3A_1291, %parallel_loop3A_1298 : vector<16xf32>
      %parallel_loop3A_1300 = arith.constant 1 : i32
      %parallel_loop3A_1301 = arith.constant 3 : i32
      %parallel_loop3A_1302 = arith.index_cast %parallel_loop3A_1300 : i32 to index
      %parallel_loop3A_1303 = arith.index_cast %parallel_loop3A_1301 : i32 to index
      %parallel_loop3A_1304 = arith.index_cast %parallel_loop3A_1276 : i32 to index
      %parallel_loop3A_1305 = tpu.vector_load %arg6[%parallel_loop3A_1302, %parallel_loop3A_1303, %parallel_loop3A_1304] {strides = array<i32>} : memref<4x4x1568xi32, #tpu.memory_space<vmem>>, vector<16xi32>,
      %parallel_loop3A_1306 = tpu.vector_load_idx %arg5[%parallel_loop3A_1305] : memref<25088xf32, #tpu.memory_space<vmem>>[vector<16xi32>], vector<16xf32>,
      %parallel_loop3A_1307 = arith.maximumf %parallel_loop3A_1299, %parallel_loop3A_1306 : vector<16xf32>
      %parallel_loop3A_1308 = arith.constant 1.000000e+00 : f32
      %parallel_loop3A_1309 = vector.broadcast %parallel_loop3A_1308 : f32 to vector<16xf32>
      %parallel_loop3A_1310 = arith.subf %parallel_loop3A_1309, %parallel_loop3A_1307 : vector<16xf32>
      %parallel_loop3A_1311 = arith.constant 1 : i32
      %parallel_loop3A_1312 = arith.index_cast %parallel_loop3A_1311 : i32 to index
      %parallel_loop3A_1313 = arith.index_cast %parallel_loop3A_1276 : i32 to index
      %parallel_loop3A_1314 = tpu.vector_load %arg7[%parallel_loop3A_1312, %parallel_loop3A_1313] {strides = array<i32>} : memref<4x1568xf32, #tpu.memory_space<vmem>>, vector<16xf32>,
      tpu.vector_store %arg7[%parallel_loop3A_1312, %parallel_loop3A_1313], %parallel_loop3A_1310 {strides = array<i32>} : memref<4x1568xf32, #tpu.memory_space<vmem>>, vector<16xf32>,
    } {sc.loop_unroll_factor = 7 : i64, sc.parallel_access}
    %dma_start3A_1136 = arith.constant 1 : i32
    %dma_start3A_1137 = arith.constant 21 : i32
    %dma_start3A_1138 = arith.constant 0 : i32
    %dma_start3A_1139 = tpu.memref_slice %arg7[%dma_start3A_1136, %dma_start3A_1138] : memref<4x1568xf32, #tpu.memory_space<vmem>> -> memref<1x1568xf32, #tpu.memory_space<vmem>>
    %dma_start3A_1140 = tpu.memref_squeeze %dma_start3A_1139 : memref<1x1568xf32, #tpu.memory_space<vmem>> -> memref<1568xf32, #tpu.memory_space<vmem>>
    %dma_start3A_1141 = tpu.memref_slice %arg4[%arg1, %dma_start3A_1137, %mul3A_0] : memref<16x24x3136xf32, #tpu.memory_space<hbm>> -> memref<1x1x1568xf32, #tpu.memory_space<hbm>>
    %dma_start3A_1142 = tpu.memref_squeeze %dma_start3A_1141 : memref<1x1x1568xf32, #tpu.memory_space<hbm>> -> memref<1568xf32, #tpu.memory_space<hbm>>
    %dma_start3A_1143 = tpu.memref_slice %arg4[%arg1, %dma_start3A_1137, %mul3A_0] : memref<16x24x3136xf32, #tpu.memory_space<hbm>> -> memref<1x1x1568xf32, #tpu.memory_space<hbm>>
    %dma_start3A_1144 = tpu.memref_squeeze %dma_start3A_1143 : memref<1x1x1568xf32, #tpu.memory_space<hbm>> -> memref<1568xf32, #tpu.memory_space<hbm>>
    %dma_start3A_1145 = arith.constant 0 : i32
    %dma_start3A_1146 = tpu.memref_slice %arg7[%dma_start3A_1136, %dma_start3A_1145] : memref<4x1568xf32, #tpu.memory_space<vmem>> -> memref<1x1568xf32, #tpu.memory_space<vmem>>
    %dma_start3A_1147 = tpu.memref_squeeze %dma_start3A_1146 : memref<1x1568xf32, #tpu.memory_space<vmem>> -> memref<1568xf32, #tpu.memory_space<vmem>>
    tpu.enqueue_dma source(%dma_start3A_1147 : memref<1568xf32, #tpu.memory_space<vmem>>) target(%dma_start3A_1144 : memref<1568xf32, #tpu.memory_space<hbm>>) target_semaphore(%arg13 : memref<!tpu.dma_semaphore, #tpu.memory_space<semaphore_mem>>)
    %dma_wait3A_1148 = arith.constant 2 : i32
    %dma_wait3A_1149 = arith.constant 0 : i32
    %dma_wait3A_1150 = arith.constant 0 : i32
    %dma_wait3A_1151 = tpu.memref_slice %arg6[%dma_wait3A_1148, %dma_wait3A_1149, %dma_wait3A_1150] : memref<4x4x1568xi32, #tpu.memory_space<vmem>> -> memref<1x4x1568xi32, #tpu.memory_space<vmem>>
    %dma_wait3A_1152 = tpu.memref_squeeze %dma_wait3A_1151 : memref<1x4x1568xi32, #tpu.memory_space<vmem>> -> memref<4x1568xi32, #tpu.memory_space<vmem>>
    %dma_wait3A_1153 = arith.constant 72 : i32
    %dma_wait3A_1154 = tpu.memref_slice %arg3[%dma_wait3A_1153, %mul3A_0] : memref<80x3136xi32, #tpu.memory_space<hbm>> -> memref<4x1568xi32, #tpu.memory_space<hbm>>
    %dma_wait3A_1155 = arith.constant 0 : i32
    %dma_wait3A_1156 = arith.constant 0 : i32
    %dma_wait3A_1157 = tpu.memref_slice %arg6[%dma_wait3A_1148, %dma_wait3A_1155, %dma_wait3A_1156] : memref<4x4x1568xi32, #tpu.memory_space<vmem>> -> memref<1x4x1568xi32, #tpu.memory_space<vmem>>
    %dma_wait3A_1158 = tpu.memref_squeeze %dma_wait3A_1157 : memref<1x4x1568xi32, #tpu.memory_space<vmem>> -> memref<4x1568xi32, #tpu.memory_space<vmem>>
    %dma_wait3A_1159 = arith.constant 72 : i32
    %dma_wait3A_1160 = tpu.memref_slice %arg3[%dma_wait3A_1159, %mul3A_0] : memref<80x3136xi32, #tpu.memory_space<hbm>> -> memref<4x1568xi32, #tpu.memory_space<hbm>>
    tpu.wait_dma2 semaphore(%arg11 : memref<!tpu.dma_semaphore, #tpu.memory_space<semaphore_mem>>) src(%dma_wait3A_1160 : memref<4x1568xi32, #tpu.memory_space<hbm>>) dst(%dma_wait3A_1158 : memref<4x1568xi32, #tpu.memory_space<vmem>>)
    %dma_wait3A_1161 = arith.constant 2 : i32
    %dma_wait3A_1162 = arith.constant 18 : i32
    %dma_wait3A_1163 = arith.constant 0 : i32
    %dma_wait3A_1164 = tpu.memref_slice %arg7[%dma_wait3A_1161, %dma_wait3A_1163] : memref<4x1568xf32, #tpu.memory_space<vmem>> -> memref<1x1568xf32, #tpu.memory_space<vmem>>
    %dma_wait3A_1165 = tpu.memref_squeeze %dma_wait3A_1164 : memref<1x1568xf32, #tpu.memory_space<vmem>> -> memref<1568xf32, #tpu.memory_space<vmem>>
    %dma_wait3A_1166 = tpu.memref_slice %arg4[%arg1, %dma_wait3A_1162, %mul3A_0] : memref<16x24x3136xf32, #tpu.memory_space<hbm>> -> memref<1x1x1568xf32, #tpu.memory_space<hbm>>
    %dma_wait3A_1167 = tpu.memref_squeeze %dma_wait3A_1166 : memref<1x1x1568xf32, #tpu.memory_space<hbm>> -> memref<1568xf32, #tpu.memory_space<hbm>>
    %dma_wait3A_1168 = tpu.memref_slice %arg4[%arg1, %dma_wait3A_1162, %mul3A_0] : memref<16x24x3136xf32, #tpu.memory_space<hbm>> -> memref<1x1x1568xf32, #tpu.memory_space<hbm>>
    %dma_wait3A_1169 = tpu.memref_squeeze %dma_wait3A_1168 : memref<1x1x1568xf32, #tpu.memory_space<hbm>> -> memref<1568xf32, #tpu.memory_space<hbm>>
    %dma_wait3A_1170 = arith.constant 0 : i32
    %dma_wait3A_1171 = tpu.memref_slice %arg7[%dma_wait3A_1161, %dma_wait3A_1170] : memref<4x1568xf32, #tpu.memory_space<vmem>> -> memref<1x1568xf32, #tpu.memory_space<vmem>>
    %dma_wait3A_1172 = tpu.memref_squeeze %dma_wait3A_1171 : memref<1x1568xf32, #tpu.memory_space<vmem>> -> memref<1568xf32, #tpu.memory_space<vmem>>
    tpu.wait_dma2 semaphore(%arg13 : memref<!tpu.dma_semaphore, #tpu.memory_space<semaphore_mem>>) src(%dma_wait3A_1172 : memref<1568xf32, #tpu.memory_space<vmem>>) dst(%dma_wait3A_1169 : memref<1568xf32, #tpu.memory_space<hbm>>)
    %parallel_loop3A_1173 = arith.constant 0 : i32
    %parallel_loop3A_1174 = arith.constant 1568 : i32
    %parallel_loop3A_1175 = arith.constant 16 : i32
    scf.for %parallel_loop3A_1276 = %parallel_loop3A_1173 to %parallel_loop3A_1174 step %parallel_loop3A_1175  : i32 {
      %parallel_loop3A_1277 = arith.constant 2 : i32
      %parallel_loop3A_1278 = arith.constant 0 : i32
      %parallel_loop3A_1279 = arith.index_cast %parallel_loop3A_1277 : i32 to index
      %parallel_loop3A_1280 = arith.index_cast %parallel_loop3A_1278 : i32 to index
      %parallel_loop3A_1281 = arith.index_cast %parallel_loop3A_1276 : i32 to index
      %parallel_loop3A_1282 = tpu.vector_load %arg6[%parallel_loop3A_1279, %parallel_loop3A_1280, %parallel_loop3A_1281] {strides = array<i32>} : memref<4x4x1568xi32, #tpu.memory_space<vmem>>, vector<16xi32>,
      %parallel_loop3A_1283 = tpu.vector_load_idx %arg5[%parallel_loop3A_1282] : memref<25088xf32, #tpu.memory_space<vmem>>[vector<16xi32>], vector<16xf32>,
      %parallel_loop3A_1284 = arith.constant 2 : i32
      %parallel_loop3A_1285 = arith.constant 1 : i32
      %parallel_loop3A_1286 = arith.index_cast %parallel_loop3A_1284 : i32 to index
      %parallel_loop3A_1287 = arith.index_cast %parallel_loop3A_1285 : i32 to index
      %parallel_loop3A_1288 = arith.index_cast %parallel_loop3A_1276 : i32 to index
      %parallel_loop3A_1289 = tpu.vector_load %arg6[%parallel_loop3A_1286, %parallel_loop3A_1287, %parallel_loop3A_1288] {strides = array<i32>} : memref<4x4x1568xi32, #tpu.memory_space<vmem>>, vector<16xi32>,
      %parallel_loop3A_1290 = tpu.vector_load_idx %arg5[%parallel_loop3A_1289] : memref<25088xf32, #tpu.memory_space<vmem>>[vector<16xi32>], vector<16xf32>,
      %parallel_loop3A_1291 = arith.maximumf %parallel_loop3A_1283, %parallel_loop3A_1290 : vector<16xf32>
      %parallel_loop3A_1292 = arith.constant 2 : i32
      %parallel_loop3A_1293 = arith.constant 2 : i32
      %parallel_loop3A_1294 = arith.index_cast %parallel_loop3A_1292 : i32 to index
      %parallel_loop3A_1295 = arith.index_cast %parallel_loop3A_1293 : i32 to index
      %parallel_loop3A_1296 = arith.index_cast %parallel_loop3A_1276 : i32 to index
      %parallel_loop3A_1297 = tpu.vector_load %arg6[%parallel_loop3A_1294, %parallel_loop3A_1295, %parallel_loop3A_1296] {strides = array<i32>} : memref<4x4x1568xi32, #tpu.memory_space<vmem>>, vector<16xi32>,
      %parallel_loop3A_1298 = tpu.vector_load_idx %arg5[%parallel_loop3A_1297] : memref<25088xf32, #tpu.memory_space<vmem>>[vector<16xi32>], vector<16xf32>,
      %parallel_loop3A_1299 = arith.maximumf %parallel_loop3A_1291, %parallel_loop3A_1298 : vector<16xf32>
      %parallel_loop3A_1300 = arith.constant 2 : i32
      %parallel_loop3A_1301 = arith.constant 3 : i32
      %parallel_loop3A_1302 = arith.index_cast %parallel_loop3A_1300 : i32 to index
      %parallel_loop3A_1303 = arith.index_cast %parallel_loop3A_1301 : i32 to index
      %parallel_loop3A_1304 = arith.index_cast %parallel_loop3A_1276 : i32 to index
      %parallel_loop3A_1305 = tpu.vector_load %arg6[%parallel_loop3A_1302, %parallel_loop3A_1303, %parallel_loop3A_1304] {strides = array<i32>} : memref<4x4x1568xi32, #tpu.memory_space<vmem>>, vector<16xi32>,
      %parallel_loop3A_1306 = tpu.vector_load_idx %arg5[%parallel_loop3A_1305] : memref<25088xf32, #tpu.memory_space<vmem>>[vector<16xi32>], vector<16xf32>,
      %parallel_loop3A_1307 = arith.maximumf %parallel_loop3A_1299, %parallel_loop3A_1306 : vector<16xf32>
      %parallel_loop3A_1308 = arith.constant 1.000000e+00 : f32
      %parallel_loop3A_1309 = vector.broadcast %parallel_loop3A_1308 : f32 to vector<16xf32>
      %parallel_loop3A_1310 = arith.subf %parallel_loop3A_1309, %parallel_loop3A_1307 : vector<16xf32>
      %parallel_loop3A_1311 = arith.constant 2 : i32
      %parallel_loop3A_1312 = arith.index_cast %parallel_loop3A_1311 : i32 to index
      %parallel_loop3A_1313 = arith.index_cast %parallel_loop3A_1276 : i32 to index
      %parallel_loop3A_1314 = tpu.vector_load %arg7[%parallel_loop3A_1312, %parallel_loop3A_1313] {strides = array<i32>} : memref<4x1568xf32, #tpu.memory_space<vmem>>, vector<16xf32>,
      tpu.vector_store %arg7[%parallel_loop3A_1312, %parallel_loop3A_1313], %parallel_loop3A_1310 {strides = array<i32>} : memref<4x1568xf32, #tpu.memory_space<vmem>>, vector<16xf32>,
    } {sc.loop_unroll_factor = 7 : i64, sc.parallel_access}
    %dma_start3A_1176 = arith.constant 2 : i32
    %dma_start3A_1177 = arith.constant 22 : i32
    %dma_start3A_1178 = arith.constant 0 : i32
    %dma_start3A_1179 = tpu.memref_slice %arg7[%dma_start3A_1176, %dma_start3A_1178] : memref<4x1568xf32, #tpu.memory_space<vmem>> -> memref<1x1568xf32, #tpu.memory_space<vmem>>
    %dma_start3A_1180 = tpu.memref_squeeze %dma_start3A_1179 : memref<1x1568xf32, #tpu.memory_space<vmem>> -> memref<1568xf32, #tpu.memory_space<vmem>>
    %dma_start3A_1181 = tpu.memref_slice %arg4[%arg1, %dma_start3A_1177, %mul3A_0] : memref<16x24x3136xf32, #tpu.memory_space<hbm>> -> memref<1x1x1568xf32, #tpu.memory_space<hbm>>
    %dma_start3A_1182 = tpu.memref_squeeze %dma_start3A_1181 : memref<1x1x1568xf32, #tpu.memory_space<hbm>> -> memref<1568xf32, #tpu.memory_space<hbm>>
    %dma_start3A_1183 = tpu.memref_slice %arg4[%arg1, %dma_start3A_1177, %mul3A_0] : memref<16x24x3136xf32, #tpu.memory_space<hbm>> -> memref<1x1x1568xf32, #tpu.memory_space<hbm>>
    %dma_start3A_1184 = tpu.memref_squeeze %dma_start3A_1183 : memref<1x1x1568xf32, #tpu.memory_space<hbm>> -> memref<1568xf32, #tpu.memory_space<hbm>>
    %dma_start3A_1185 = arith.constant 0 : i32
    %dma_start3A_1186 = tpu.memref_slice %arg7[%dma_start3A_1176, %dma_start3A_1185] : memref<4x1568xf32, #tpu.memory_space<vmem>> -> memref<1x1568xf32, #tpu.memory_space<vmem>>
    %dma_start3A_1187 = tpu.memref_squeeze %dma_start3A_1186 : memref<1x1568xf32, #tpu.memory_space<vmem>> -> memref<1568xf32, #tpu.memory_space<vmem>>
    tpu.enqueue_dma source(%dma_start3A_1187 : memref<1568xf32, #tpu.memory_space<vmem>>) target(%dma_start3A_1184 : memref<1568xf32, #tpu.memory_space<hbm>>) target_semaphore(%arg13 : memref<!tpu.dma_semaphore, #tpu.memory_space<semaphore_mem>>)
    %dma_wait3A_1188 = arith.constant 3 : i32
    %dma_wait3A_1189 = arith.constant 0 : i32
    %dma_wait3A_1190 = arith.constant 0 : i32
    %dma_wait3A_1191 = tpu.memref_slice %arg6[%dma_wait3A_1188, %dma_wait3A_1189, %dma_wait3A_1190] : memref<4x4x1568xi32, #tpu.memory_space<vmem>> -> memref<1x4x1568xi32, #tpu.memory_space<vmem>>
    %dma_wait3A_1192 = tpu.memref_squeeze %dma_wait3A_1191 : memref<1x4x1568xi32, #tpu.memory_space<vmem>> -> memref<4x1568xi32, #tpu.memory_space<vmem>>
    %dma_wait3A_1193 = arith.constant 76 : i32
    %dma_wait3A_1194 = tpu.memref_slice %arg3[%dma_wait3A_1193, %mul3A_0] : memref<80x3136xi32, #tpu.memory_space<hbm>> -> memref<4x1568xi32, #tpu.memory_space<hbm>>
    %dma_wait3A_1195 = arith.constant 0 : i32
    %dma_wait3A_1196 = arith.constant 0 : i32
    %dma_wait3A_1197 = tpu.memref_slice %arg6[%dma_wait3A_1188, %dma_wait3A_1195, %dma_wait3A_1196] : memref<4x4x1568xi32, #tpu.memory_space<vmem>> -> memref<1x4x1568xi32, #tpu.memory_space<vmem>>
    %dma_wait3A_1198 = tpu.memref_squeeze %dma_wait3A_1197 : memref<1x4x1568xi32, #tpu.memory_space<vmem>> -> memref<4x1568xi32, #tpu.memory_space<vmem>>
    %dma_wait3A_1199 = arith.constant 76 : i32
    %dma_wait3A_1200 = tpu.memref_slice %arg3[%dma_wait3A_1199, %mul3A_0] : memref<80x3136xi32, #tpu.memory_space<hbm>> -> memref<4x1568xi32, #tpu.memory_space<hbm>>
    tpu.wait_dma2 semaphore(%arg12 : memref<!tpu.dma_semaphore, #tpu.memory_space<semaphore_mem>>) src(%dma_wait3A_1200 : memref<4x1568xi32, #tpu.memory_space<hbm>>) dst(%dma_wait3A_1198 : memref<4x1568xi32, #tpu.memory_space<vmem>>)
    %dma_wait3A_1201 = arith.constant 3 : i32
    %dma_wait3A_1202 = arith.constant 19 : i32
    %dma_wait3A_1203 = arith.constant 0 : i32
    %dma_wait3A_1204 = tpu.memref_slice %arg7[%dma_wait3A_1201, %dma_wait3A_1203] : memref<4x1568xf32, #tpu.memory_space<vmem>> -> memref<1x1568xf32, #tpu.memory_space<vmem>>
    %dma_wait3A_1205 = tpu.memref_squeeze %dma_wait3A_1204 : memref<1x1568xf32, #tpu.memory_space<vmem>> -> memref<1568xf32, #tpu.memory_space<vmem>>
    %dma_wait3A_1206 = tpu.memref_slice %arg4[%arg1, %dma_wait3A_1202, %mul3A_0] : memref<16x24x3136xf32, #tpu.memory_space<hbm>> -> memref<1x1x1568xf32, #tpu.memory_space<hbm>>
    %dma_wait3A_1207 = tpu.memref_squeeze %dma_wait3A_1206 : memref<1x1x1568xf32, #tpu.memory_space<hbm>> -> memref<1568xf32, #tpu.memory_space<hbm>>
    %dma_wait3A_1208 = tpu.memref_slice %arg4[%arg1, %dma_wait3A_1202, %mul3A_0] : memref<16x24x3136xf32, #tpu.memory_space<hbm>> -> memref<1x1x1568xf32, #tpu.memory_space<hbm>>
    %dma_wait3A_1209 = tpu.memref_squeeze %dma_wait3A_1208 : memref<1x1x1568xf32, #tpu.memory_space<hbm>> -> memref<1568xf32, #tpu.memory_space<hbm>>
    %dma_wait3A_1210 = arith.constant 0 : i32
    %dma_wait3A_1211 = tpu.memref_slice %arg7[%dma_wait3A_1201, %dma_wait3A_1210] : memref<4x1568xf32, #tpu.memory_space<vmem>> -> memref<1x1568xf32, #tpu.memory_space<vmem>>
    %dma_wait3A_1212 = tpu.memref_squeeze %dma_wait3A_1211 : memref<1x1568xf32, #tpu.memory_space<vmem>> -> memref<1568xf32, #tpu.memory_space<vmem>>
    tpu.wait_dma2 semaphore(%arg13 : memref<!tpu.dma_semaphore, #tpu.memory_space<semaphore_mem>>) src(%dma_wait3A_1212 : memref<1568xf32, #tpu.memory_space<vmem>>) dst(%dma_wait3A_1209 : memref<1568xf32, #tpu.memory_space<hbm>>)
    %parallel_loop3A_1213 = arith.constant 0 : i32
    %parallel_loop3A_1214 = arith.constant 1568 : i32
    %parallel_loop3A_1215 = arith.constant 16 : i32
    scf.for %parallel_loop3A_1276 = %parallel_loop3A_1213 to %parallel_loop3A_1214 step %parallel_loop3A_1215  : i32 {
      %parallel_loop3A_1277 = arith.constant 3 : i32
      %parallel_loop3A_1278 = arith.constant 0 : i32
      %parallel_loop3A_1279 = arith.index_cast %parallel_loop3A_1277 : i32 to index
      %parallel_loop3A_1280 = arith.index_cast %parallel_loop3A_1278 : i32 to index
      %parallel_loop3A_1281 = arith.index_cast %parallel_loop3A_1276 : i32 to index
      %parallel_loop3A_1282 = tpu.vector_load %arg6[%parallel_loop3A_1279, %parallel_loop3A_1280, %parallel_loop3A_1281] {strides = array<i32>} : memref<4x4x1568xi32, #tpu.memory_space<vmem>>, vector<16xi32>,
      %parallel_loop3A_1283 = tpu.vector_load_idx %arg5[%parallel_loop3A_1282] : memref<25088xf32, #tpu.memory_space<vmem>>[vector<16xi32>], vector<16xf32>,
      %parallel_loop3A_1284 = arith.constant 3 : i32
      %parallel_loop3A_1285 = arith.constant 1 : i32
      %parallel_loop3A_1286 = arith.index_cast %parallel_loop3A_1284 : i32 to index
      %parallel_loop3A_1287 = arith.index_cast %parallel_loop3A_1285 : i32 to index
      %parallel_loop3A_1288 = arith.index_cast %parallel_loop3A_1276 : i32 to index
      %parallel_loop3A_1289 = tpu.vector_load %arg6[%parallel_loop3A_1286, %parallel_loop3A_1287, %parallel_loop3A_1288] {strides = array<i32>} : memref<4x4x1568xi32, #tpu.memory_space<vmem>>, vector<16xi32>,
      %parallel_loop3A_1290 = tpu.vector_load_idx %arg5[%parallel_loop3A_1289] : memref<25088xf32, #tpu.memory_space<vmem>>[vector<16xi32>], vector<16xf32>,
      %parallel_loop3A_1291 = arith.maximumf %parallel_loop3A_1283, %parallel_loop3A_1290 : vector<16xf32>
      %parallel_loop3A_1292 = arith.constant 3 : i32
      %parallel_loop3A_1293 = arith.constant 2 : i32
      %parallel_loop3A_1294 = arith.index_cast %parallel_loop3A_1292 : i32 to index
      %parallel_loop3A_1295 = arith.index_cast %parallel_loop3A_1293 : i32 to index
      %parallel_loop3A_1296 = arith.index_cast %parallel_loop3A_1276 : i32 to index
      %parallel_loop3A_1297 = tpu.vector_load %arg6[%parallel_loop3A_1294, %parallel_loop3A_1295, %parallel_loop3A_1296] {strides = array<i32>} : memref<4x4x1568xi32, #tpu.memory_space<vmem>>, vector<16xi32>,
      %parallel_loop3A_1298 = tpu.vector_load_idx %arg5[%parallel_loop3A_1297] : memref<25088xf32, #tpu.memory_space<vmem>>[vector<16xi32>], vector<16xf32>,
      %parallel_loop3A_1299 = arith.maximumf %parallel_loop3A_1291, %parallel_loop3A_1298 : vector<16xf32>
      %parallel_loop3A_1300 = arith.constant 3 : i32
      %parallel_loop3A_1301 = arith.constant 3 : i32
      %parallel_loop3A_1302 = arith.index_cast %parallel_loop3A_1300 : i32 to index
      %parallel_loop3A_1303 = arith.index_cast %parallel_loop3A_1301 : i32 to index
      %parallel_loop3A_1304 = arith.index_cast %parallel_loop3A_1276 : i32 to index
      %parallel_loop3A_1305 = tpu.vector_load %arg6[%parallel_loop3A_1302, %parallel_loop3A_1303, %parallel_loop3A_1304] {strides = array<i32>} : memref<4x4x1568xi32, #tpu.memory_space<vmem>>, vector<16xi32>,
      %parallel_loop3A_1306 = tpu.vector_load_idx %arg5[%parallel_loop3A_1305] : memref<25088xf32, #tpu.memory_space<vmem>>[vector<16xi32>], vector<16xf32>,
      %parallel_loop3A_1307 = arith.maximumf %parallel_loop3A_1299, %parallel_loop3A_1306 : vector<16xf32>
      %parallel_loop3A_1308 = arith.constant 1.000000e+00 : f32
      %parallel_loop3A_1309 = vector.broadcast %parallel_loop3A_1308 : f32 to vector<16xf32>
      %parallel_loop3A_1310 = arith.subf %parallel_loop3A_1309, %parallel_loop3A_1307 : vector<16xf32>
      %parallel_loop3A_1311 = arith.constant 3 : i32
      %parallel_loop3A_1312 = arith.index_cast %parallel_loop3A_1311 : i32 to index
      %parallel_loop3A_1313 = arith.index_cast %parallel_loop3A_1276 : i32 to index
      %parallel_loop3A_1314 = tpu.vector_load %arg7[%parallel_loop3A_1312, %parallel_loop3A_1313] {strides = array<i32>} : memref<4x1568xf32, #tpu.memory_space<vmem>>, vector<16xf32>,
      tpu.vector_store %arg7[%parallel_loop3A_1312, %parallel_loop3A_1313], %parallel_loop3A_1310 {strides = array<i32>} : memref<4x1568xf32, #tpu.memory_space<vmem>>, vector<16xf32>,
    } {sc.loop_unroll_factor = 7 : i64, sc.parallel_access}
    %dma_start3A_1216 = arith.constant 3 : i32
    %dma_start3A_1217 = arith.constant 23 : i32
    %dma_start3A_1218 = arith.constant 0 : i32
    %dma_start3A_1219 = tpu.memref_slice %arg7[%dma_start3A_1216, %dma_start3A_1218] : memref<4x1568xf32, #tpu.memory_space<vmem>> -> memref<1x1568xf32, #tpu.memory_space<vmem>>
    %dma_start3A_1220 = tpu.memref_squeeze %dma_start3A_1219 : memref<1x1568xf32, #tpu.memory_space<vmem>> -> memref<1568xf32, #tpu.memory_space<vmem>>
    %dma_start3A_1221 = tpu.memref_slice %arg4[%arg1, %dma_start3A_1217, %mul3A_0] : memref<16x24x3136xf32, #tpu.memory_space<hbm>> -> memref<1x1x1568xf32, #tpu.memory_space<hbm>>
    %dma_start3A_1222 = tpu.memref_squeeze %dma_start3A_1221 : memref<1x1x1568xf32, #tpu.memory_space<hbm>> -> memref<1568xf32, #tpu.memory_space<hbm>>
    %dma_start3A_1223 = tpu.memref_slice %arg4[%arg1, %dma_start3A_1217, %mul3A_0] : memref<16x24x3136xf32, #tpu.memory_space<hbm>> -> memref<1x1x1568xf32, #tpu.memory_space<hbm>>
    %dma_start3A_1224 = tpu.memref_squeeze %dma_start3A_1223 : memref<1x1x1568xf32, #tpu.memory_space<hbm>> -> memref<1568xf32, #tpu.memory_space<hbm>>
    %dma_start3A_1225 = arith.constant 0 : i32
    %dma_start3A_1226 = tpu.memref_slice %arg7[%dma_start3A_1216, %dma_start3A_1225] : memref<4x1568xf32, #tpu.memory_space<vmem>> -> memref<1x1568xf32, #tpu.memory_space<vmem>>
    %dma_start3A_1227 = tpu.memref_squeeze %dma_start3A_1226 : memref<1x1568xf32, #tpu.memory_space<vmem>> -> memref<1568xf32, #tpu.memory_space<vmem>>
    tpu.enqueue_dma source(%dma_start3A_1227 : memref<1568xf32, #tpu.memory_space<vmem>>) target(%dma_start3A_1224 : memref<1568xf32, #tpu.memory_space<hbm>>) target_semaphore(%arg13 : memref<!tpu.dma_semaphore, #tpu.memory_space<semaphore_mem>>)
    %dma_wait3A_1228 = arith.constant 0 : i32
    %dma_wait3A_1229 = arith.constant 20 : i32
    %dma_wait3A_1230 = arith.constant 0 : i32
    %dma_wait3A_1231 = tpu.memref_slice %arg7[%dma_wait3A_1228, %dma_wait3A_1230] : memref<4x1568xf32, #tpu.memory_space<vmem>> -> memref<1x1568xf32, #tpu.memory_space<vmem>>
    %dma_wait3A_1232 = tpu.memref_squeeze %dma_wait3A_1231 : memref<1x1568xf32, #tpu.memory_space<vmem>> -> memref<1568xf32, #tpu.memory_space<vmem>>
    %dma_wait3A_1233 = tpu.memref_slice %arg4[%arg1, %dma_wait3A_1229, %mul3A_0] : memref<16x24x3136xf32, #tpu.memory_space<hbm>> -> memref<1x1x1568xf32, #tpu.memory_space<hbm>>
    %dma_wait3A_1234 = tpu.memref_squeeze %dma_wait3A_1233 : memref<1x1x1568xf32, #tpu.memory_space<hbm>> -> memref<1568xf32, #tpu.memory_space<hbm>>
    %dma_wait3A_1235 = tpu.memref_slice %arg4[%arg1, %dma_wait3A_1229, %mul3A_0] : memref<16x24x3136xf32, #tpu.memory_space<hbm>> -> memref<1x1x1568xf32, #tpu.memory_space<hbm>>
    %dma_wait3A_1236 = tpu.memref_squeeze %dma_wait3A_1235 : memref<1x1x1568xf32, #tpu.memory_space<hbm>> -> memref<1568xf32, #tpu.memory_space<hbm>>
    %dma_wait3A_1237 = arith.constant 0 : i32
    %dma_wait3A_1238 = tpu.memref_slice %arg7[%dma_wait3A_1228, %dma_wait3A_1237] : memref<4x1568xf32, #tpu.memory_space<vmem>> -> memref<1x1568xf32, #tpu.memory_space<vmem>>
    %dma_wait3A_1239 = tpu.memref_squeeze %dma_wait3A_1238 : memref<1x1568xf32, #tpu.memory_space<vmem>> -> memref<1568xf32, #tpu.memory_space<vmem>>
    tpu.wait_dma2 semaphore(%arg13 : memref<!tpu.dma_semaphore, #tpu.memory_space<semaphore_mem>>) src(%dma_wait3A_1239 : memref<1568xf32, #tpu.memory_space<vmem>>) dst(%dma_wait3A_1236 : memref<1568xf32, #tpu.memory_space<hbm>>)
    %dma_wait3A_1240 = arith.constant 1 : i32
    %dma_wait3A_1241 = arith.constant 21 : i32
    %dma_wait3A_1242 = arith.constant 0 : i32
    %dma_wait3A_1243 = tpu.memref_slice %arg7[%dma_wait3A_1240, %dma_wait3A_1242] : memref<4x1568xf32, #tpu.memory_space<vmem>> -> memref<1x1568xf32, #tpu.memory_space<vmem>>
    %dma_wait3A_1244 = tpu.memref_squeeze %dma_wait3A_1243 : memref<1x1568xf32, #tpu.memory_space<vmem>> -> memref<1568xf32, #tpu.memory_space<vmem>>
    %dma_wait3A_1245 = tpu.memref_slice %arg4[%arg1, %dma_wait3A_1241, %mul3A_0] : memref<16x24x3136xf32, #tpu.memory_space<hbm>> -> memref<1x1x1568xf32, #tpu.memory_space<hbm>>
    %dma_wait3A_1246 = tpu.memref_squeeze %dma_wait3A_1245 : memref<1x1x1568xf32, #tpu.memory_space<hbm>> -> memref<1568xf32, #tpu.memory_space<hbm>>
    %dma_wait3A_1247 = tpu.memref_slice %arg4[%arg1, %dma_wait3A_1241, %mul3A_0] : memref<16x24x3136xf32, #tpu.memory_space<hbm>> -> memref<1x1x1568xf32, #tpu.memory_space<hbm>>
    %dma_wait3A_1248 = tpu.memref_squeeze %dma_wait3A_1247 : memref<1x1x1568xf32, #tpu.memory_space<hbm>> -> memref<1568xf32, #tpu.memory_space<hbm>>
    %dma_wait3A_1249 = arith.constant 0 : i32
    %dma_wait3A_1250 = tpu.memref_slice %arg7[%dma_wait3A_1240, %dma_wait3A_1249] : memref<4x1568xf32, #tpu.memory_space<vmem>> -> memref<1x1568xf32, #tpu.memory_space<vmem>>
    %dma_wait3A_1251 = tpu.memref_squeeze %dma_wait3A_1250 : memref<1x1568xf32, #tpu.memory_space<vmem>> -> memref<1568xf32, #tpu.memory_space<vmem>>
    tpu.wait_dma2 semaphore(%arg13 : memref<!tpu.dma_semaphore, #tpu.memory_space<semaphore_mem>>) src(%dma_wait3A_1251 : memref<1568xf32, #tpu.memory_space<vmem>>) dst(%dma_wait3A_1248 : memref<1568xf32, #tpu.memory_space<hbm>>)
    %dma_wait3A_1252 = arith.constant 2 : i32
    %dma_wait3A_1253 = arith.constant 22 : i32
    %dma_wait3A_1254 = arith.constant 0 : i32
    %dma_wait3A_1255 = tpu.memref_slice %arg7[%dma_wait3A_1252, %dma_wait3A_1254] : memref<4x1568xf32, #tpu.memory_space<vmem>> -> memref<1x1568xf32, #tpu.memory_space<vmem>>
    %dma_wait3A_1256 = tpu.memref_squeeze %dma_wait3A_1255 : memref<1x1568xf32, #tpu.memory_space<vmem>> -> memref<1568xf32, #tpu.memory_space<vmem>>
    %dma_wait3A_1257 = tpu.memref_slice %arg4[%arg1, %dma_wait3A_1253, %mul3A_0] : memref<16x24x3136xf32, #tpu.memory_space<hbm>> -> memref<1x1x1568xf32, #tpu.memory_space<hbm>>
    %dma_wait3A_1258 = tpu.memref_squeeze %dma_wait3A_1257 : memref<1x1x1568xf32, #tpu.memory_space<hbm>> -> memref<1568xf32, #tpu.memory_space<hbm>>
    %dma_wait3A_1259 = tpu.memref_slice %arg4[%arg1, %dma_wait3A_1253, %mul3A_0] : memref<16x24x3136xf32, #tpu.memory_space<hbm>> -> memref<1x1x1568xf32, #tpu.memory_space<hbm>>
    %dma_wait3A_1260 = tpu.memref_squeeze %dma_wait3A_1259 : memref<1x1x1568xf32, #tpu.memory_space<hbm>> -> memref<1568xf32, #tpu.memory_space<hbm>>
    %dma_wait3A_1261 = arith.constant 0 : i32
    %dma_wait3A_1262 = tpu.memref_slice %arg7[%dma_wait3A_1252, %dma_wait3A_1261] : memref<4x1568xf32, #tpu.memory_space<vmem>> -> memref<1x1568xf32, #tpu.memory_space<vmem>>
    %dma_wait3A_1263 = tpu.memref_squeeze %dma_wait3A_1262 : memref<1x1568xf32, #tpu.memory_space<vmem>> -> memref<1568xf32, #tpu.memory_space<vmem>>
    tpu.wait_dma2 semaphore(%arg13 : memref<!tpu.dma_semaphore, #tpu.memory_space<semaphore_mem>>) src(%dma_wait3A_1263 : memref<1568xf32, #tpu.memory_space<vmem>>) dst(%dma_wait3A_1260 : memref<1568xf32, #tpu.memory_space<hbm>>)
    %dma_wait3A_1264 = arith.constant 3 : i32
    %dma_wait3A_1265 = arith.constant 23 : i32
    %dma_wait3A_1266 = arith.constant 0 : i32
    %dma_wait3A_1267 = tpu.memref_slice %arg7[%dma_wait3A_1264, %dma_wait3A_1266] : memref<4x1568xf32, #tpu.memory_space<vmem>> -> memref<1x1568xf32, #tpu.memory_space<vmem>>
    %dma_wait3A_1268 = tpu.memref_squeeze %dma_wait3A_1267 : memref<1x1568xf32, #tpu.memory_space<vmem>> -> memref<1568xf32, #tpu.memory_space<vmem>>
    %dma_wait3A_1269 = tpu.memref_slice %arg4[%arg1, %dma_wait3A_1265, %mul3A_0] : memref<16x24x3136xf32, #tpu.memory_space<hbm>> -> memref<1x1x1568xf32, #tpu.memory_space<hbm>>
    %dma_wait3A_1270 = tpu.memref_squeeze %dma_wait3A_1269 : memref<1x1x1568xf32, #tpu.memory_space<hbm>> -> memref<1568xf32, #tpu.memory_space<hbm>>
    %dma_wait3A_1271 = tpu.memref_slice %arg4[%arg1, %dma_wait3A_1265, %mul3A_0] : memref<16x24x3136xf32, #tpu.memory_space<hbm>> -> memref<1x1x1568xf32, #tpu.memory_space<hbm>>
    %dma_wait3A_1272 = tpu.memref_squeeze %dma_wait3A_1271 : memref<1x1x1568xf32, #tpu.memory_space<hbm>> -> memref<1568xf32, #tpu.memory_space<hbm>>
    %dma_wait3A_1273 = arith.constant 0 : i32
    %dma_wait3A_1274 = tpu.memref_slice %arg7[%dma_wait3A_1264, %dma_wait3A_1273] : memref<4x1568xf32, #tpu.memory_space<vmem>> -> memref<1x1568xf32, #tpu.memory_space<vmem>>
    %dma_wait3A_1275 = tpu.memref_squeeze %dma_wait3A_1274 : memref<1x1568xf32, #tpu.memory_space<vmem>> -> memref<1568xf32, #tpu.memory_space<vmem>>
    tpu.wait_dma2 semaphore(%arg13 : memref<!tpu.dma_semaphore, #tpu.memory_space<semaphore_mem>>) src(%dma_wait3A_1275 : memref<1568xf32, #tpu.memory_space<vmem>>) dst(%dma_wait3A_1272 : memref<1568xf32, #tpu.memory_space<hbm>>)
    return
  }
}

</mosaic_0001>

<sc_bundles>
// kernel: _sc_call.3.cloned.1.call-start
scs
__scs_entry_jumppad:
0x0: {  	(pc) =	sbr.rel $0x88, $3  }
0x1: {  	(tag) =	ssettag $0x0;
	lr =	simm.s32 $0x1  }
0x2: {  	[smem:$0x3F9F] =	sst lr;
	_ =	strace $0xD0000000  }
0x3: {  	_ = 	snop  }
0x4: {  	_ = 	snop  }
0x5: {  	_ = 	snop  }
0x6: {  	_ = 	snop  }
0x7: {  	_ = 	snop  }
__scs_overlays_trampoline_lowered:
0x8: {  	[smem:$0x3FAE] =	sst s0  }
0x9: {  	[smem:$0x3FAF] =	sst s1  }
0xa: {  	[smem:$0x3FB0] =	sst s2  }
0xb: {  	[smem:$0x3FB1] =	sst s3  }
0xc: {  	[smem:$0x3FB2] =	sst s4  }
0xd: {  	[smem:$0x3FB3] =	sst s5  }
0xe: {  	[smem:$0x3FB4] =	sst s6  }
0xf: {  	[smem:$0x3FB5] =	sst s7  }
0x10: {  	[smem:$0x3FB6] =	sst s8  }
0x11: {  	[smem:$0x3FB7] =	sst s9;
	s0 =	simm.s32 @!p0 $0x0  }
0x12: {  	s1 =	sld [smem:$0x3F9D];
	s0 =	simm.s32 @p0 $0x1  }
0x13: {  	[smem:$0x3FB8] =	sst s0;
	s0 =	simm.s32 @!p1 $0x0  }
0x14: {  	s2 =	sld [smem:$0x3F9C];
	s0 =	simm.s32 @p1 $0x1  }
0x15: {  	[smem:$0x3FB9] =	sst s0;
	s0 =	simm.s32 @!p2 $0x0  }
0x16: {  	s3 =	sld [smem:$0x3FDB];
	s0 =	simm.s32 @p2 $0x1  }
0x17: {  	s4 =	simm.s32 $0x1BF5;
	[smem:$0x3FBB] =	sst s0  }
0x18: {  	s0 =	sld [smem:$0x3F9E];
	_ =	swait.ge [sflag:s4], $0x0  }
0x19: {  	s7 =	sld [smem:$0x3F9F]  }
0x1a: {  	s8 =	sadd.s32 $0xFFFFE003, lr  }
0x1b: {  	s9 =	sadd.s32 $0xFFFFFEF7, lr;
	s5 =	simm.s32 $0xFFFFFFFF;
	p2 =	slt.u32 s8, $0xFFFFF086  }
0x1c: {  	p1 =	slt.u32 s9, $0xF7A;
	s5 =	simm.s32 @!p2 $0x0  }
0x1d: {  	s5 =	simm.s32 @p1 $0x1;
	p0 =	seq.s32 s7, s2  }
0x1e: {  	s7 =	smul.u32 @!p0 $0xF7A, s2;
	p2 =	seq.s32 @!p0 s5, $0x0  }
0x1f: {  	s9 =	smul.u32 $0xF7A, s1;
	s8 =	simm.s32 @!p0 $0x1BF5;
	p2 =	por !p2, p0  }
0x20: {  	[sflag:s8] =	ssyncset.s32 @!p0 $0xFFFFF086;
	s6 =	sadd.s32 @!p0 s3, s7;
	s7 =	simm.s32 @!p0 $0x108  }
0x21: {  	s3 =	sadd.s32 s3, s9;
	s6 =	sadd.s32 @!p0 $0x88, s6;
	s7 =	simm.s32 @p2 $0x1082  }
0x22: {  	[simem:s7], [sflag:s8] =	dma.local @!p0 [hbm:s6], $0xF7A  }
0x23: {  	s9 =	sor.u32 $0xD0000000, s2;
	s6 =	simm.s32 $0x108;
	_ =	swait.ge @!p0 [sflag:s8], $0x0  }
0x24: {  	s3 =	sadd.s32 $0x88, s3;
	s6 =	simm.s32 @!p1 $0x1082;
	[sflag:s4] =	ssyncset.s32 $0xFFFFF086  }
0x25: {  	[simem:s6], [sflag:s4] =	dma.local [hbm:s3], $0xF7A  }
0x26: {  	[smem:$0x3F9F] =	sst s1;
	(tag) =	ssettag s2;
	_ =	strace s9  }
0x27: {  	s1 =	sld [smem:$0x3FAF]  }
0x28: {  	s2 =	sld [smem:$0x3FB0]  }
0x29: {  	s4 =	sld [smem:$0x3FB2]  }
0x2a: {  	p0 =	seq.s32 s5, $0x0;
	s5 =	sld [smem:$0x3FB3]  }
0x2b: {  	s6 =	sld [smem:$0x3FB4]  }
0x2c: {  	s7 =	sld [smem:$0x3FB5]  }
0x2d: {  	s3 =	simm.s32 $0x108;
	s8 =	sld [smem:$0x3FB6]  }
0x2e: {  	s3 =	simm.s32 @!p0 $0x1082;
	s9 =	sld [smem:$0x3FB7]  }
0x2f: {  	lr =	sadd.s32 s0, s3;
	s0 =	sld [smem:$0x3FAE]  }
0x30: {  	s3 =	sld [smem:$0x3FB1]  }
0x31: {  	[smem:$0x3FBA] =	sst s10  }
0x32: {  	s10 =	sld [smem:$0x3FB8];
	_ =	sdelay $0x3  }
0x33: {  	p0 =	seq.s32 s10, $0x1;
	s10 =	sld [smem:$0x3FBA];
	_ =	sdelay $0x3  }
0x34: {  	[smem:$0x3FBA] =	sst s10  }
0x35: {  	s10 =	sld [smem:$0x3FB9];
	_ =	sdelay $0x3  }
0x36: {  	p1 =	seq.s32 s10, $0x1;
	s10 =	sld [smem:$0x3FBA];
	_ =	sdelay $0x3  }
0x37: {  	[smem:$0x3FBA] =	sst s10  }
0x38: {  	s10 =	sld [smem:$0x3FBB]  }
0x39: {  	_ = 	snop;
	(pc) =	sbr.ind lr, $3  }
0x3a: {  	_ = 	snop  }
0x3b: {  	_ = 	snop  }
0x3c: {  	p2 =	seq.s32 s10, $0x1;
	s10 =	sld [smem:$0x3FBA]  }
0x3d: {  	_ =	shalt  }
0x3e: {  	_ =	shalt  }
0x3f: {  	_ =	shalt  }
0x40: {  	_ =	shalt  }
0x41: {  	_ =	shalt  }
0x42: {  	_ =	shalt  }
0x43: {  	_ =	shalt  }
0x44: {  	_ =	shalt  }
0x45: {  	_ =	shalt  }
0x46: {  	_ =	shalt  }
0x47: {  	_ =	shalt  }
0x48: {  	_ =	shalt  }
0x49: {  	_ =	shalt  }
0x4a: {  	_ =	shalt  }
0x4b: {  	_ =	shalt  }
0x4c: {  	_ =	shalt  }
0x4d: {  	_ =	shalt  }
0x4e: {  	_ =	shalt  }
0x4f: {  	_ =	shalt  }
0x50: {  	_ =	shalt  }
0x51: {  	_ =	shalt  }
0x52: {  	_ =	shalt  }
0x53: {  	_ =	shalt  }
0x54: {  	_ =	shalt  }
0x55: {  	_ =	shalt  }
0x56: {  	_ =	shalt  }
0x57: {  	_ =	shalt  }
0x58: {  	_ =	shalt  }
0x59: {  	_ =	shalt  }
0x5a: {  	_ =	shalt  }
0x5b: {  	_ =	shalt  }
0x5c: {  	_ =	shalt  }
0x5d: {  	_ =	shalt  }
0x5e: {  	_ =	shalt  }
0x5f: {  	_ =	shalt  }
0x60: {  	_ =	shalt  }
0x61: {  	_ =	shalt  }
0x62: {  	_ =	shalt  }
0x63: {  	_ =	shalt  }
0x64: {  	_ =	shalt  }
0x65: {  	_ =	shalt  }
0x66: {  	_ =	shalt  }
0x67: {  	_ =	shalt  }
0x68: {  	_ =	shalt  }
0x69: {  	_ =	shalt  }
0x6a: {  	_ =	shalt  }
0x6b: {  	_ =	shalt  }
0x6c: {  	_ =	shalt  }
0x6d: {  	_ =	shalt  }
0x6e: {  	_ =	shalt  }
0x6f: {  	_ =	shalt  }
0x70: {  	_ =	shalt  }
0x71: {  	_ =	shalt  }
0x72: {  	_ =	shalt  }
0x73: {  	_ =	shalt  }
0x74: {  	_ =	shalt  }
0x75: {  	_ =	shalt  }
0x76: {  	_ =	shalt  }
0x77: {  	_ =	shalt  }
0x78: {  	_ =	shalt  }
0x79: {  	_ =	shalt  }
0x7a: {  	_ =	shalt  }
0x7b: {  	_ =	shalt  }
0x7c: {  	_ =	shalt  }
0x7d: {  	_ =	shalt  }
0x7e: {  	_ =	shalt  }
0x7f: {  	_ =	shalt  }
0x80: {  	_ =	shalt  }
0x81: {  	_ =	shalt  }
0x82: {  	_ =	shalt  }
0x83: {  	_ =	shalt  }
0x84: {  	_ =	shalt  }
0x85: {  	_ =	shalt  }
0x86: {  	_ =	shalt  }
0x87: {  	_ =	shalt  }
.Lfunc_end0:
.L_simem_size_0:
called_computation_lowered:
.L_overlay_start_0:
0x88: {  	s2 =	sld [smem:$0x3FD9]  }
0x89: {  	s3 =	sld [smem:$0x3FFE];
	_ =	sdelay $0x1  }
0x8a: {  	s1 =	srdreg.scid  }
0x8b: {  	s0 =	sand.u32 $0x1, s1  }
0x8c: {  	s17 =	sshll.u32 s0, $0xA;
	s2 =	sadd.s32 s3, s2  }
0x8d: {  	s2 =	sadd.s32 s2, s17  }
0x8e: {  	[smem:$0x3FC6] =	sst s2  }
0x8f: {  	_ = 	snop  }
0x90: {  	s2 =	sld [smem:$0x3FC9]  }
0x91: {  	s18 =	sld [smem:$0x3FD0];
	(tm) =	ssettm $0x1  }
0x92: {  	s4 =	sld [smem:$0x3FFB];
	_ =	sdelay $0x3  }
0x93: {  	_ =	strace s4  }
0x94: {  	s4 =	sld [smem:$0x3FFC];
	_ =	sdelay $0x3  }
0x95: {  	_ =	strace s4  }
0x96: {  	s4 =	sld [smem:$0x3FFD];
	_ =	sdelay $0x3  }
0x97: {  	_ =	strace s4  }
0x98: {  	_ =	strace $0x8FFFFFFF  }
0x99: {  	s19 =	sld [smem:$0x3FDB];
	_ =	sdelay $0x1  }
0x9a: {  	s5 =	simm.s32 $_scs_section_size  }
0x9b: {  	s6 =	simm.s32 $_size__tile_overlayer_lowered;
	s7 =	simm.s32 $_tile_overlayer_lowered  }
0x9c: {  	s22 =	simm.s32 $0x1BFF;
	s21 =	sshll.u32 s7, $0x1;
	s4 =	sadd.s32 s5, s19  }
0x9d: {  	s8 =	simm.s32 $0x0;
	s20 =	sshll.u32 s6, $0x1;
	s6 =	sadd.s32 s21, s4  }
0x9e: {  	[timem:s8], [sflag:s22] =	dma.local [hbm:s6], s20  }
0x9f: {  	_ =	swait.ge [sflag:s22], s20  }
0xa0: {  	s5 =	ssub.s32 $0x0, s20;
	[sflag:s22] =	ssyncset.done $0x0  }
0xa1: {  	[sflag:s22] =	ssyncadd.s32 s5;
	_ =	sdelay $0x1  }
0xa2: {  	s23 =	simm.s32 $0x1B8B  }
0xa3: {  	_ =	swait.ge [sflag:s23], $0x1  }
0xa4: {  	[sflag:s23] =	ssyncset.done $0x0  }
0xa5: {  	s25 =	simm.s32 $0x1B8E;
	s24 =	sld [smem:$0x3FFE];
	[sflag:s23] =	ssyncadd.s32 $0xFFFFFFFF  }
0xa6: {  	s26 =	simm.s32 $execute0_lowered;
	[smem:$0x3FD2] =	sst s25  }
0xa7: {  	s6 =	sshll.u32 s26, $0x1;
	_ =	strace $0x80000046;
	[dreg:$0x1] =	wrdreg $0xFFFFFFFF  }
0xa8: {  	s28 =	simm.s32 $_size_execute0_lowered;
	s4 =	sadd.s32 s4, s6;
	[dreg:$0x0] =	wrdreg $0x0  }
0xa9: {  	s6 =	sshll.u32 s28, $0x1;
	[dreg:$0x2] =	wrdreg s4  }
0xaa: {  	[dreg:$0x3] =	wrdreg s6  }
0xab: {  	[dreg:$0x4] =	wrdreg $0xC0  }
0xac: {  	_ =	task [dreg:s8], $0x5FFFF  }
0xad: {  	[dreg:$0x1] =	wrdreg $0xFFFFFFFF  }
0xae: {  	[dreg:$0x0] =	wrdreg $0x60  }
0xaf: {  	[dreg:$0x2] =	wrdreg s2  }
0xb0: {  	[dreg:$0x3] =	wrdreg s18  }
0xb1: {  	[dreg:$0x4] =	wrdreg s24  }
0xb2: {  	[dreg:$0x5] =	wrdreg $0x9  }
0xb3: {  	_ =	task.clear_ibuf [dreg:s8], $0x6FFFF;
	_ =	strace $0x90000046  }
0xb4: {  	s29 =	simm.s32 $0x9;
	_ =	strace $0x80000048  }
0xb5: {  	_ =	swait.ge [sflag:s29], $0x1  }
0xb6: {  	[sflag:s29] =	ssyncadd.s32 $0xFFFFFFFF  }
0xb7: {  	_ =	strace $0x90000048  }
0xb8: {  	_ =	sfence  }
0xb9: {  	s30 =	sld [smem:$0x0];
	_ =	sdelay $0x2  }
0xba: {  	s31 =	sshll.u32 s1, $0xD;
	s1 =	sshrl.u32 s1, $0x2  }
0xbb: {  	s3 =	sand.u32 $0x4000, s31;
	s1 =	sadd.s32 s1, s30  }
0xbc: {  	s0 =	sor.u32 s3, s0;
	s1 =	sshll.u32 s1, $0x11  }
0xbd: {  	s0 =	sor.u32 s1, s0  }
0xbe: {  	s0 =	sadd.s32 $0x8F2B, s0  }
0xbf: {  	[sflag:s0] =	ssyncadd.remote.s32 $0x1  }
0xc0: {  	_ =	sfence.sel $0xFFFF  }
0xc1: {  	[dreg:$0x0] =	wrdreg $0xFFFFFFFF;
	(pc) =	sbr.abs _section_cstart, $3  }
0xc2: {  	[dreg:$0x1] =	wrdreg $0xFFFFFFFF  }
0xc3: {  	_ =	task.clear_ibuf [dreg:s8], $0x2FFFF;
	_ =	strace $0x9FFFFFFF  }
0xc4: {  	(tm) =	ssettm $0x7FFFFFFF  }
0xc5: {  	_ =	shalt  }
tec
execute0_lowered:
.L_overlay_start_1:
0x0: {  	(tag) =	ssettag $0x1  }
0x1: {  	s1 =	srdreg.scid;
	s7 =	stileid.u32  }
0x2: {  	s1 =	sand.u32 $0x1, s1;
	s6 =	smul.u32 $0x12600, s7  }
0x3: {  	s4 =	smul.u32 $0x620, s1  }
0x4: {  	s0 =	rddreg [dreg:$0x0]  }
0x5: {  	s3 =	rddreg [dreg:$0x1];
	s7 =	smul.u32 $0xC40, s7;
	s6 =	sadd.s32 s4, s6  }
0x6: {  	s5 =	rddreg [dreg:$0x2];
	s2 =	simm.s32 $0x0;
	s6 =	sshrl.u32 s6, $0x3  }
0x7: {  	[smem:$0x7FF] =	sst s2;
	s0 =	sadd.s32 s0, s7;
	s5 =	sadd.s32 s6, s5  }
0x8: {  	_ =	strace $0x80000047;
	[dreg:$0x4] =	wrdreg s0;
	s9 =	sadd.s32 $0x400, s5  }
0x9: {  	s10 =	sadd.s32 $0x588, s5;
	[dreg:$0x5] =	wrdreg s9  }
0xa: {  	s11 =	sadd.s32 $0x710, s5;
	[dreg:$0x6] =	wrdreg s10  }
0xb: {  	s12 =	sadd.s32 $0x898, s5;
	[dreg:$0x7] =	wrdreg s11  }
0xc: {  	s13 =	sadd.s32 $0xA20, s5;
	[dreg:$0x8] =	wrdreg s12  }
0xd: {  	s14 =	sadd.s32 $0xBA8, s5;
	[dreg:$0x9] =	wrdreg s13  }
0xe: {  	s15 =	sadd.s32 $0xD30, s5;
	[dreg:$0xa] =	wrdreg s14  }
0xf: {  	s16 =	sadd.s32 $0xEB8, s5;
	[dreg:$0xb] =	wrdreg s15  }
0x10: {  	s17 =	sadd.s32 $0x1040, s5;
	[dreg:$0xc] =	wrdreg s16  }
0x11: {  	s18 =	sadd.s32 $0x11C8, s5;
	[dreg:$0xd] =	wrdreg s17  }
0x12: {  	s19 =	sadd.s32 $0x1350, s5;
	[dreg:$0xe] =	wrdreg s18  }
0x13: {  	s20 =	sadd.s32 $0x14D8, s5;
	[dreg:$0xf] =	wrdreg s19  }
0x14: {  	s21 =	sadd.s32 $0x1660, s5;
	[dreg:$0x10] =	wrdreg s20  }
0x15: {  	s22 =	sadd.s32 $0x17E8, s5;
	[dreg:$0x11] =	wrdreg s21  }
0x16: {  	s1 =	ssub.s32 $0x2, s1;
	s23 =	sadd.s32 $0x1970, s5;
	[dreg:$0x12] =	wrdreg s22  }
0x17: {  	s26 =	sshrl.u32 s1, $0x1;
	s24 =	sadd.s32 $0x1AF8, s5;
	[dreg:$0x13] =	wrdreg s23  }
0x18: {  	s1 =	ssub.s32 s1, s26;
	s25 =	sadd.s32 $0x1C80, s5;
	[dreg:$0x14] =	wrdreg s24  }
0x19: {  	s8 =	sshrl.u32 s4, $0x3;
	s26 =	sadd.s32 $0x1E08, s5;
	[dreg:$0x15] =	wrdreg s25  }
0x1a: {  	s4 =	sadd.s32 s3, s8;
	s3 =	sadd.s32 $0x1F90, s5;
	[dreg:$0x16] =	wrdreg s26  }
0x1b: {  	s6 =	sadd.s32 $0x2118, s5;
	[dreg:$0x17] =	wrdreg s3  }
0x1c: {  	s7 =	sadd.s32 $0x22A0, s5;
	[dreg:$0x18] =	wrdreg s6  }
0x1d: {  	s8 =	sadd.s32 $0x2428, s5;
	[dreg:$0x19] =	wrdreg s7  }
0x1e: {  	[dreg:$0x1a] =	wrdreg s8;
	s9 =	sadd.s32 $0x25B0, s5  }
0x1f: {  	s10 =	sadd.s32 $0x2738, s5;
	[dreg:$0x1b] =	wrdreg s9  }
0x20: {  	s11 =	smax.u32 s1, $0x1;
	[dreg:$0x1c] =	wrdreg s10  }
0x21: {  	s12 =	sadd.s32 $0x310, s4;
	[dreg:$0x1d] =	wrdreg s11  }
0x22: {  	s13 =	sadd.s32 $0x620, s4;
	[dreg:$0x1e] =	wrdreg s12  }
0x23: {  	s14 =	sadd.s32 $0x930, s4;
	[dreg:$0x1f] =	wrdreg s13  }
0x24: {  	s15 =	sadd.s32 $0xC40, s4;
	[smem:$0x7F1] =	sst s14  }
0x25: {  	s28 =	simm.s32 $0x7A80;
	s16 =	sadd.s32 $0x10D8, s4;
	[smem:$0x7F2] =	sst s15  }
0x26: {  	s29 =	simm.s32 $0x9300;
	s17 =	sadd.s32 $0x1570, s4;
	[smem:$0x7F3] =	sst s16  }
0x27: {  	s30 =	simm.s32 $0xAB80;
	s18 =	sadd.s32 $0x1A08, s4;
	[smem:$0x7F4] =	sst s17  }
0x28: {  	s31 =	simm.s32 $0x2;
	s19 =	sadd.s32 $0x1EA0, s4;
	[smem:$0x7F5] =	sst s18  }
0x29: {  	s0 =	simm.s32 $0xC400;
	s20 =	sadd.s32 $0x2338, s4;
	[smem:$0x7F6] =	sst s19  }
0x2a: {  	s21 =	sadd.s32 $0x27D0, s4;
	s22 =	sadd.s32 $0x2C68, s4;
	[smem:$0x7F7] =	sst s20  }
0x2b: {  	s23 =	sadd.s32 $0x3100, s4;
	s24 =	sadd.s32 $0x3720, s4;
	[smem:$0x7F8] =	sst s21  }
0x2c: {  	s25 =	sadd.s32 $0x3D40, s4;
	s26 =	sadd.s32 $0x4360, s4;
	[smem:$0x7F9] =	sst s22  }
0x2d: {  	s1 =	simm.s32 $0x1;
	s3 =	simm.s32 $0x3;
	[smem:$0x7FA] =	sst s23  }
0x2e: {  	s5 =	simm.s32 $0xCA20;
	s6 =	simm.s32 $0x4;
	[smem:$0x7FB] =	sst s24  }
0x2f: {  	s7 =	simm.s32 $0xD040;
	s8 =	simm.s32 $0x5;
	[smem:$0x7FC] =	sst s25  }
0x30: {  	[smem:$0x7FD] =	sst s26;
	s16 =	sadd.s32 $0x4980, s4;
	s17 =	sadd.s32 $0x4FA0, s4  }
0x31: {  	s18 =	sadd.s32 $0x55C0, s4;
	s19 =	sadd.s32 $0x5BE0, s4;
	s20 =	sadd.s32 $0x6200, s4  }
0x32: {  	s21 =	sadd.s32 $0x6820, s4;
	s22 =	sadd.s32 $0x6E40, s4;
	s23 =	sadd.s32 $0x7460, s4  }
0x33: {  	s24 =	simm.s32 $0x620;
	s25 =	simm.s32 $0xC40;
	s26 =	simm.s32 $0x6200  }
0x34: {  	s9 =	simm.s32 $0xD660;
	s10 =	simm.s32 $0x6;
	s11 =	simm.s32 $0x0  }
.LBB2_1:
0x35: {  	s12 =	rddreg [dreg:$0x4]  }
0x36: {  	[tilespmem:s2], [sflag:$0x1] =	stream.linear.gather [hbm4b:s12+s2], $0x6200, $0x38;
	[tilespmem:$0xDC80] =	vst v63  }
0x37: {  	s15 =	rddreg [dreg:$0x1e]  }
0x38: {  	[tilespmem:s26], [sflag:$0x2] =	stream.strided.gather [hbm4b:s4+s24], $0xC40, s25, s24, $0x38;
	[tilespmem:$0xDC80] =	vst v63  }
0x39: {  	s13 =	rddreg [dreg:$0x1f]  }
0x3a: {  	[tilespmem:s28], [sflag:$0x3] =	stream.strided.gather [hbm4b:s15+s24], $0xC40, s25, s24, $0x38;
	[tilespmem:$0xDC80] =	vst v63  }
0x3b: {  	s14 =	sld [smem:$0x7F1]  }
0x3c: {  	[tilespmem:s29], [sflag:$0x4] =	stream.strided.gather [hbm4b:s13+s24], $0xC40, s25, s24, $0x38;
	[tilespmem:$0xDC80] =	vst v63  }
0x3d: {  	_ = 	snop  }
0x3e: {  	[tilespmem:s30], [sflag:$0x5] =	stream.strided.gather [hbm4b:s14+s24], $0xC40, s25, s24, $0x38;
	[tilespmem:$0xDC80] =	vst v63  }
0x3f: {  	_ =	swait.ge [sflag:s31], $0xC40  }
0x40: {  	[sflag:s31] =	ssyncset.done $0x0  }
0x41: {  	[sflag:s31] =	ssyncadd.s32 $0xFFFFF3C0  }
0x42: {  	_ =	swait.ge [sflag:s1], $0x6200  }
0x43: {  	[sflag:s1] =	ssyncset.done $0x0  }
0x44: {  	s15 =	simm.s32 $0x6880;
	[sflag:s1] =	ssyncadd.s32 $0xFFFF9E00  }
0x45: {  	v0 =	vld [tilespmem:s15+$0xFFFFF9E0]  }
0x46: {  	v1 =	vld [tilespmem:s15+$0x0]  }
0x47: {  	v2 =	vld [tilespmem:s15+$0xFFFFFFA0]  }
0x48: {  	v3 =	vld [tilespmem:s15+$0xFFFFF990]  }
0x49: {  	v4 =	vld [tilespmem:s15+$0xFFFFFFB0]  }
0x4a: {  	v5 =	vld [tilespmem:s15+$0xFFFFF9A0]  }
0x4b: {  	v6 =	vld [tilespmem:s15+$0xFFFFFFC0]  }
0x4c: {  	v7 =	vld [tilespmem:s15+$0xFFFFF9B0]  }
0x4d: {  	v9 =	vld [tilespmem:s15+$0xFFFFFFD0]  }
0x4e: {  	v10 =	vld [tilespmem:s15+$0xFFFFF9C0]  }
0x4f: {  	v11 =	vld [tilespmem:s15+$0xFFFFFFE0]  }
0x50: {  	v12 =	vld [tilespmem:s15+$0xFFFFF9D0]  }
0x51: {  	v13 =	vld [tilespmem:s15+$0xFFFFFFF0]  }
0x52: {  	v14 =	vld [tilespmem:s15+$0xFFFFF980]  }
0x53: {  	v8 =	vld.idx.msk [tilespmem:v0+s2+$0x0], $0xffff  }
0x54: {  	v1 =	vld.idx.msk [tilespmem:v1+s2+$0x0], $0xffff  }
0x55: {  	v0 =	vld.idx.msk [tilespmem:v2+s2+$0x0], $0xffff  }
0x56: {  	v2 =	vld.idx.msk [tilespmem:v3+s2+$0x0], $0xffff  }
0x57: {  	v4 =	vld.idx.msk [tilespmem:v4+s2+$0x0], $0xffff  }
0x58: {  	v15 =	vld.idx.msk [tilespmem:v5+s2+$0x0], $0xffff  }
0x59: {  	v16 =	vld.idx.msk [tilespmem:v6+s2+$0x0], $0xffff  }
0x5a: {  	v3 =	vld.idx.msk [tilespmem:v7+s2+$0x0], $0xffff  }
0x5b: {  	v6 =	vld.idx.msk [tilespmem:v9+s2+$0x0], $0xffff  }
0x5c: {  	v5 =	vld.idx.msk [tilespmem:v14+s2+$0x0], $0xffff;
	v1 =	vmax.f32 v8, v1  }
0x5d: {  	v2 =	vmax.f32 v2, v4;
	v4 =	vld.idx.msk [tilespmem:v11+s2+$0x0], $0xffff;
	v7 =	vsub.f32 $1.000000000e+00, v1  }
0x5e: {  	s12 =	simm.s32 $0xC430;
	v1 =	vld.idx.msk [tilespmem:v10+s2+$0x0], $0xffff;
	v8 =	vsub.f32 $1.000000000e+00, v2  }
0x5f: {  	v2 =	vld.idx.msk [tilespmem:v12+s2+$0x0], $0xffff;
	[tilespmem:s12+$0x30] =	vst v7;
	v7 =	vmax.f32 v15, v16  }
0x60: {  	s13 =	simm.s32 $0x0;
	s14 =	simm.s32 $0x68F0;
	[tilespmem:s12+$0xFFFFFFE0] =	vst v8;
	v8 =	vsub.f32 $1.000000000e+00, v7;
	v7 =	vld.idx.msk [tilespmem:v13+s2+$0x0], $0xffff  }
.LBB2_2:
0x61: {  	v9 =	vld [tilespmem:s14+$0xFFFFF9E0];
	v3 =	vmax.f32 v3, v6  }
0x62: {  	s13 =	sadd.s32 $0x70, s13;
	v0 =	vmax.f32 v5, v0;
	v6 =	vld [tilespmem:s14+$0x0];
	[tilespmem:s12+$0xFFFFFFF0] =	vst v8;
	v3 =	vsub.f32 $1.000000000e+00, v3  }
0x63: {  	p0 =	slt.u32 s13, $0x5B0;
	v0 =	vsub.f32 $1.000000000e+00, v0;
	v5 =	vld [tilespmem:s14+$0xFFFFFFA0]  }
0x64: {  	v1 =	vmax.f32 v1, v4;
	v8 =	vld [tilespmem:s14+$0xFFFFF990];
	[tilespmem:s12+$0x0] =	vst v3  }
0x65: {  	v3 =	vld [tilespmem:s14+$0xFFFFFFB0];
	[tilespmem:s12+$0xFFFFFFD0] =	vst v0;
	v0 =	vsub.f32 $1.000000000e+00, v1  }
0x66: {  	v2 =	vmax.f32 v2, v7;
	v1 =	vld [tilespmem:s14+$0xFFFFF9A0]  }
0x67: {  	v4 =	vld [tilespmem:s14+$0xFFFFFFC0];
	[tilespmem:s12+$0x10] =	vst v0;
	v0 =	vsub.f32 $1.000000000e+00, v2  }
0x68: {  	v2 =	vld [tilespmem:s14+$0xFFFFF9B0]  }
0x69: {  	v7 =	vld.idx.msk [tilespmem:v9+s2+$0x0], $0xffff;
	[tilespmem:s12+$0x20] =	vst v0  }
0x6a: {  	v0 =	vld.idx.msk [tilespmem:v6+s2+$0x0], $0xffff  }
0x6b: {  	v6 =	vld [tilespmem:s14+$0xFFFFFFD0]  }
0x6c: {  	v9 =	vld [tilespmem:s14+$0xFFFFF9C0]  }
0x6d: {  	v10 =	vld [tilespmem:s14+$0xFFFFFFE0]  }
0x6e: {  	v11 =	vld [tilespmem:s14+$0xFFFFF9D0]  }
0x6f: {  	v12 =	vld [tilespmem:s14+$0xFFFFFFF0]  }
0x70: {  	v7 =	vmax.f32 v7, v0;
	v13 =	vld [tilespmem:s14+$0xFFFFF980]  }
0x71: {  	v0 =	vld.idx.msk [tilespmem:v5+s2+$0x0], $0xffff;
	v5 =	vsub.f32 $1.000000000e+00, v7  }
0x72: {  	s12 =	sadd.s32 $0x70, s12;
	v7 =	vld.idx.msk [tilespmem:v8+s2+$0x0], $0xffff  }
0x73: {  	v8 =	vld.idx.msk [tilespmem:v3+s2+$0x0], $0xffff;
	[tilespmem:s12+$0x30] =	vst v5  }
0x74: {  	v14 =	vld.idx.msk [tilespmem:v1+s2+$0x0], $0xffff  }
0x75: {  	v15 =	vld.idx.msk [tilespmem:v4+s2+$0x0], $0xffff  }
0x76: {  	v3 =	vld.idx.msk [tilespmem:v2+s2+$0x0], $0xffff  }
0x77: {  	v6 =	vld.idx.msk [tilespmem:v6+s2+$0x0], $0xffff  }
.Ltmp0:
0x78: {  	v5 =	vld.idx.msk [tilespmem:v13+s2+$0x0], $0xffff;
	(pc) =	sbr.rel @p0 .LBB2_2-.Ltmp0, $4  }
0x79: {  	v2 =	vmax.f32 v7, v8;
	v1 =	vld.idx.msk [tilespmem:v9+s2+$0x0], $0xffff  }
0x7a: {  	v7 =	vsub.f32 $1.000000000e+00, v2;
	v4 =	vld.idx.msk [tilespmem:v10+s2+$0x0], $0xffff  }
0x7b: {  	v8 =	vmax.f32 v14, v15;
	v2 =	vld.idx.msk [tilespmem:v11+s2+$0x0], $0xffff  }
0x7c: {  	s14 =	sadd.s32 $0x70, s14;
	v8 =	vsub.f32 $1.000000000e+00, v8;
	[tilespmem:s12+$0xFFFFFFE0] =	vst v7;
	v7 =	vld.idx.msk [tilespmem:v12+s2+$0x0], $0xffff  }
0x7d: {  	_ = 	snop  }
0x7e: {  	v3 =	vmax.f32 v3, v6  }
0x7f: {  	v0 =	vmax.f32 v5, v0;
	v3 =	vsub.f32 $1.000000000e+00, v3  }
0x80: {  	[tilespmem:s12+$0xFFFFFFF0] =	vst v8;
	v0 =	vsub.f32 $1.000000000e+00, v0;
	v1 =	vmax.f32 v1, v4  }
0x81: {  	[tilespmem:s12+$0x0] =	vst v3;
	v1 =	vsub.f32 $1.000000000e+00, v1;
	v2 =	vmax.f32 v2, v7  }
0x82: {  	[tilespmem:s12+$0xFFFFFFD0] =	vst v0;
	v0 =	vsub.f32 $1.000000000e+00, v2  }
0x83: {  	[tilespmem:s12+$0x10] =	vst v1  }
0x84: {  	[tilespmem:s12+$0x20] =	vst v0  }
0x85: {  	s12 =	rddreg [dreg:$0x5]  }
0x86: {  	s14 =	sld [smem:$0x7F2]  }
0x87: {  	[hbm4b:s12+s2] =	stream.linear.scatter [tilespmem:s0], [sflag:$0x6], $0x620, $0x38;
	[tilespmem:$0xDC80] =	vst v63  }
0x88: {  	_ = 	snop  }
0x89: {  	[tilespmem:s26], [sflag:$0x2] =	stream.strided.gather [hbm4b:s14+s24], $0x1260, s25, s24, $0x38;
	[tilespmem:$0xDC80] =	vst v63  }
0x8a: {  	_ =	swait.ge [sflag:s3], $0xC40  }
0x8b: {  	[sflag:s3] =	ssyncset.done $0x0  }
0x8c: {  	s15 =	simm.s32 $0x8100;
	[sflag:s3] =	ssyncadd.s32 $0xFFFFF3C0  }
0x8d: {  	v0 =	vld [tilespmem:s15+$0xFFFFF9E0]  }
0x8e: {  	v1 =	vld [tilespmem:s15+$0x0]  }
0x8f: {  	v2 =	vld [tilespmem:s15+$0xFFFFFFA0]  }
0x90: {  	v3 =	vld [tilespmem:s15+$0xFFFFF990]  }
0x91: {  	v4 =	vld [tilespmem:s15+$0xFFFFFFB0]  }
0x92: {  	v5 =	vld [tilespmem:s15+$0xFFFFF9A0]  }
0x93: {  	v6 =	vld [tilespmem:s15+$0xFFFFFFC0]  }
0x94: {  	v7 =	vld [tilespmem:s15+$0xFFFFF9B0]  }
0x95: {  	v9 =	vld [tilespmem:s15+$0xFFFFFFD0]  }
0x96: {  	v10 =	vld [tilespmem:s15+$0xFFFFF9C0]  }
0x97: {  	v11 =	vld [tilespmem:s15+$0xFFFFFFE0]  }
0x98: {  	v12 =	vld [tilespmem:s15+$0xFFFFF9D0]  }
0x99: {  	v13 =	vld [tilespmem:s15+$0xFFFFFFF0]  }
0x9a: {  	v14 =	vld [tilespmem:s15+$0xFFFFF980]  }
0x9b: {  	v8 =	vld.idx.msk [tilespmem:v0+s2+$0x0], $0xffff  }
0x9c: {  	v1 =	vld.idx.msk [tilespmem:v1+s2+$0x0], $0xffff  }
0x9d: {  	v0 =	vld.idx.msk [tilespmem:v2+s2+$0x0], $0xffff  }
0x9e: {  	v2 =	vld.idx.msk [tilespmem:v3+s2+$0x0], $0xffff  }
0x9f: {  	v4 =	vld.idx.msk [tilespmem:v4+s2+$0x0], $0xffff  }
0xa0: {  	v15 =	vld.idx.msk [tilespmem:v5+s2+$0x0], $0xffff  }
0xa1: {  	v16 =	vld.idx.msk [tilespmem:v6+s2+$0x0], $0xffff  }
0xa2: {  	v3 =	vld.idx.msk [tilespmem:v7+s2+$0x0], $0xffff  }
0xa3: {  	v6 =	vld.idx.msk [tilespmem:v9+s2+$0x0], $0xffff  }
0xa4: {  	v5 =	vld.idx.msk [tilespmem:v14+s2+$0x0], $0xffff;
	v1 =	vmax.f32 v8, v1  }
0xa5: {  	v2 =	vmax.f32 v2, v4;
	v4 =	vld.idx.msk [tilespmem:v11+s2+$0x0], $0xffff;
	v7 =	vsub.f32 $1.000000000e+00, v1  }
0xa6: {  	s12 =	simm.s32 $0xCA80;
	v1 =	vld.idx.msk [tilespmem:v10+s2+$0x0], $0xffff;
	v8 =	vsub.f32 $1.000000000e+00, v2  }
0xa7: {  	v2 =	vld.idx.msk [tilespmem:v12+s2+$0x0], $0xffff;
	[tilespmem:s12+$0x0] =	vst v7;
	v7 =	vmax.f32 v15, v16  }
0xa8: {  	s13 =	simm.s32 $0x0;
	s14 =	simm.s32 $0x8170;
	[tilespmem:s12+$0xFFFFFFB0] =	vst v8;
	v8 =	vsub.f32 $1.000000000e+00, v7;
	v7 =	vld.idx.msk [tilespmem:v13+s2+$0x0], $0xffff  }
.LBB2_4:
0xa9: {  	v9 =	vld [tilespmem:s14+$0xFFFFF9E0];
	v3 =	vmax.f32 v3, v6  }
0xaa: {  	s13 =	sadd.s32 $0x70, s13;
	v0 =	vmax.f32 v5, v0;
	v6 =	vld [tilespmem:s14+$0x0];
	[tilespmem:s12+$0xFFFFFFC0] =	vst v8;
	v3 =	vsub.f32 $1.000000000e+00, v3  }
0xab: {  	p0 =	slt.u32 s13, $0x5B0;
	v0 =	vsub.f32 $1.000000000e+00, v0;
	v5 =	vld [tilespmem:s14+$0xFFFFFFA0]  }
0xac: {  	v1 =	vmax.f32 v1, v4;
	v8 =	vld [tilespmem:s14+$0xFFFFF990];
	[tilespmem:s12+$0xFFFFFFD0] =	vst v3  }
0xad: {  	v3 =	vld [tilespmem:s14+$0xFFFFFFB0];
	[tilespmem:s12+$0xFFFFFFA0] =	vst v0;
	v0 =	vsub.f32 $1.000000000e+00, v1  }
0xae: {  	v2 =	vmax.f32 v2, v7;
	v1 =	vld [tilespmem:s14+$0xFFFFF9A0]  }
0xaf: {  	v4 =	vld [tilespmem:s14+$0xFFFFFFC0];
	[tilespmem:s12+$0xFFFFFFE0] =	vst v0;
	v0 =	vsub.f32 $1.000000000e+00, v2  }
0xb0: {  	v2 =	vld [tilespmem:s14+$0xFFFFF9B0]  }
0xb1: {  	v7 =	vld.idx.msk [tilespmem:v9+s2+$0x0], $0xffff;
	[tilespmem:s12+$0xFFFFFFF0] =	vst v0  }
0xb2: {  	v0 =	vld.idx.msk [tilespmem:v6+s2+$0x0], $0xffff  }
0xb3: {  	v6 =	vld [tilespmem:s14+$0xFFFFFFD0]  }
0xb4: {  	v9 =	vld [tilespmem:s14+$0xFFFFF9C0]  }
0xb5: {  	v10 =	vld [tilespmem:s14+$0xFFFFFFE0]  }
0xb6: {  	v11 =	vld [tilespmem:s14+$0xFFFFF9D0]  }
0xb7: {  	v12 =	vld [tilespmem:s14+$0xFFFFFFF0]  }
0xb8: {  	v7 =	vmax.f32 v7, v0;
	v13 =	vld [tilespmem:s14+$0xFFFFF980]  }
0xb9: {  	v0 =	vld.idx.msk [tilespmem:v5+s2+$0x0], $0xffff;
	v5 =	vsub.f32 $1.000000000e+00, v7  }
0xba: {  	s12 =	sadd.s32 $0x70, s12;
	v7 =	vld.idx.msk [tilespmem:v8+s2+$0x0], $0xffff  }
0xbb: {  	v8 =	vld.idx.msk [tilespmem:v3+s2+$0x0], $0xffff;
	[tilespmem:s12+$0x0] =	vst v5  }
0xbc: {  	v14 =	vld.idx.msk [tilespmem:v1+s2+$0x0], $0xffff  }
0xbd: {  	v15 =	vld.idx.msk [tilespmem:v4+s2+$0x0], $0xffff  }
0xbe: {  	v3 =	vld.idx.msk [tilespmem:v2+s2+$0x0], $0xffff  }
0xbf: {  	v6 =	vld.idx.msk [tilespmem:v6+s2+$0x0], $0xffff  }
.Ltmp1:
0xc0: {  	v5 =	vld.idx.msk [tilespmem:v13+s2+$0x0], $0xffff;
	(pc) =	sbr.rel @p0 .LBB2_4-.Ltmp1, $4  }
0xc1: {  	v2 =	vmax.f32 v7, v8;
	v1 =	vld.idx.msk [tilespmem:v9+s2+$0x0], $0xffff  }
0xc2: {  	v7 =	vsub.f32 $1.000000000e+00, v2;
	v4 =	vld.idx.msk [tilespmem:v10+s2+$0x0], $0xffff  }
0xc3: {  	v8 =	vmax.f32 v14, v15;
	v2 =	vld.idx.msk [tilespmem:v11+s2+$0x0], $0xffff  }
0xc4: {  	s14 =	sadd.s32 $0x70, s14;
	v8 =	vsub.f32 $1.000000000e+00, v8;
	[tilespmem:s12+$0xFFFFFFB0] =	vst v7;
	v7 =	vld.idx.msk [tilespmem:v12+s2+$0x0], $0xffff  }
0xc5: {  	_ = 	snop  }
0xc6: {  	v3 =	vmax.f32 v3, v6  }
0xc7: {  	v0 =	vmax.f32 v5, v0;
	v3 =	vsub.f32 $1.000000000e+00, v3  }
0xc8: {  	[tilespmem:s12+$0xFFFFFFC0] =	vst v8;
	v0 =	vsub.f32 $1.000000000e+00, v0;
	v1 =	vmax.f32 v1, v4  }
0xc9: {  	[tilespmem:s12+$0xFFFFFFD0] =	vst v3;
	v1 =	vsub.f32 $1.000000000e+00, v1;
	v2 =	vmax.f32 v2, v7  }
0xca: {  	[tilespmem:s12+$0xFFFFFFA0] =	vst v0;
	v0 =	vsub.f32 $1.000000000e+00, v2  }
0xcb: {  	[tilespmem:s12+$0xFFFFFFE0] =	vst v1  }
0xcc: {  	[tilespmem:s12+$0xFFFFFFF0] =	vst v0  }
0xcd: {  	s12 =	rddreg [dreg:$0x6]  }
0xce: {  	s14 =	sld [smem:$0x7F3]  }
0xcf: {  	[hbm4b:s12+s2] =	stream.linear.scatter [tilespmem:s5], [sflag:$0x6], $0x620, $0x38;
	[tilespmem:$0xDC80] =	vst v63  }
0xd0: {  	_ = 	snop  }
0xd1: {  	[tilespmem:s28], [sflag:$0x3] =	stream.strided.gather [hbm4b:s14+s24], $0x1260, s25, s24, $0x38;
	[tilespmem:$0xDC80] =	vst v63  }
0xd2: {  	_ =	swait.ge [sflag:s6], $0xC40  }
0xd3: {  	[sflag:s6] =	ssyncset.done $0x0  }
0xd4: {  	s15 =	simm.s32 $0x9980;
	[sflag:s6] =	ssyncadd.s32 $0xFFFFF3C0  }
0xd5: {  	v0 =	vld [tilespmem:s15+$0xFFFFF9E0]  }
0xd6: {  	v1 =	vld [tilespmem:s15+$0x0]  }
0xd7: {  	v2 =	vld [tilespmem:s15+$0xFFFFFFA0]  }
0xd8: {  	v3 =	vld [tilespmem:s15+$0xFFFFF990]  }
0xd9: {  	v4 =	vld [tilespmem:s15+$0xFFFFFFB0]  }
0xda: {  	v5 =	vld [tilespmem:s15+$0xFFFFF9A0]  }
0xdb: {  	v6 =	vld [tilespmem:s15+$0xFFFFFFC0]  }
0xdc: {  	v7 =	vld [tilespmem:s15+$0xFFFFF9B0]  }
0xdd: {  	v9 =	vld [tilespmem:s15+$0xFFFFFFD0]  }
0xde: {  	v10 =	vld [tilespmem:s15+$0xFFFFF9C0]  }
0xdf: {  	v11 =	vld [tilespmem:s15+$0xFFFFFFE0]  }
0xe0: {  	v12 =	vld [tilespmem:s15+$0xFFFFF9D0]  }
0xe1: {  	v13 =	vld [tilespmem:s15+$0xFFFFFFF0]  }
0xe2: {  	v14 =	vld [tilespmem:s15+$0xFFFFF980]  }
0xe3: {  	v8 =	vld.idx.msk [tilespmem:v0+s2+$0x0], $0xffff  }
0xe4: {  	v1 =	vld.idx.msk [tilespmem:v1+s2+$0x0], $0xffff  }
0xe5: {  	v0 =	vld.idx.msk [tilespmem:v2+s2+$0x0], $0xffff  }
0xe6: {  	v2 =	vld.idx.msk [tilespmem:v3+s2+$0x0], $0xffff  }
0xe7: {  	v4 =	vld.idx.msk [tilespmem:v4+s2+$0x0], $0xffff  }
0xe8: {  	v15 =	vld.idx.msk [tilespmem:v5+s2+$0x0], $0xffff  }
0xe9: {  	v16 =	vld.idx.msk [tilespmem:v6+s2+$0x0], $0xffff  }
0xea: {  	v3 =	vld.idx.msk [tilespmem:v7+s2+$0x0], $0xffff  }
0xeb: {  	v6 =	vld.idx.msk [tilespmem:v9+s2+$0x0], $0xffff  }
0xec: {  	v5 =	vld.idx.msk [tilespmem:v14+s2+$0x0], $0xffff;
	v1 =	vmax.f32 v8, v1  }
0xed: {  	v2 =	vmax.f32 v2, v4;
	v4 =	vld.idx.msk [tilespmem:v11+s2+$0x0], $0xffff;
	v7 =	vsub.f32 $1.000000000e+00, v1  }
0xee: {  	s12 =	simm.s32 $0xD0A0;
	v1 =	vld.idx.msk [tilespmem:v10+s2+$0x0], $0xffff;
	v8 =	vsub.f32 $1.000000000e+00, v2  }
0xef: {  	v2 =	vld.idx.msk [tilespmem:v12+s2+$0x0], $0xffff;
	[tilespmem:s12+$0x0] =	vst v7;
	v7 =	vmax.f32 v15, v16  }
0xf0: {  	s13 =	simm.s32 $0x0;
	s14 =	simm.s32 $0x99F0;
	[tilespmem:s12+$0xFFFFFFB0] =	vst v8;
	v8 =	vsub.f32 $1.000000000e+00, v7;
	v7 =	vld.idx.msk [tilespmem:v13+s2+$0x0], $0xffff  }
.LBB2_6:
0xf1: {  	v9 =	vld [tilespmem:s14+$0xFFFFF9E0];
	v3 =	vmax.f32 v3, v6  }
0xf2: {  	s13 =	sadd.s32 $0x70, s13;
	v0 =	vmax.f32 v5, v0;
	v6 =	vld [tilespmem:s14+$0x0];
	[tilespmem:s12+$0xFFFFFFC0] =	vst v8;
	v3 =	vsub.f32 $1.000000000e+00, v3  }
0xf3: {  	p0 =	slt.u32 s13, $0x5B0;
	v0 =	vsub.f32 $1.000000000e+00, v0;
	v5 =	vld [tilespmem:s14+$0xFFFFFFA0]  }
0xf4: {  	v1 =	vmax.f32 v1, v4;
	v8 =	vld [tilespmem:s14+$0xFFFFF990];
	[tilespmem:s12+$0xFFFFFFD0] =	vst v3  }
0xf5: {  	v3 =	vld [tilespmem:s14+$0xFFFFFFB0];
	[tilespmem:s12+$0xFFFFFFA0] =	vst v0;
	v0 =	vsub.f32 $1.000000000e+00, v1  }
0xf6: {  	v2 =	vmax.f32 v2, v7;
	v1 =	vld [tilespmem:s14+$0xFFFFF9A0]  }
0xf7: {  	v4 =	vld [tilespmem:s14+$0xFFFFFFC0];
	[tilespmem:s12+$0xFFFFFFE0] =	vst v0;
	v0 =	vsub.f32 $1.000000000e+00, v2  }
0xf8: {  	v2 =	vld [tilespmem:s14+$0xFFFFF9B0]  }
0xf9: {  	v7 =	vld.idx.msk [tilespmem:v9+s2+$0x0], $0xffff;
	[tilespmem:s12+$0xFFFFFFF0] =	vst v0  }
0xfa: {  	v0 =	vld.idx.msk [tilespmem:v6+s2+$0x0], $0xffff  }
0xfb: {  	v6 =	vld [tilespmem:s14+$0xFFFFFFD0]  }
0xfc: {  	v9 =	vld [tilespmem:s14+$0xFFFFF9C0]  }
0xfd: {  	v10 =	vld [tilespmem:s14+$0xFFFFFFE0]  }
0xfe: {  	v11 =	vld [tilespmem:s14+$0xFFFFF9D0]  }
0xff: {  	v12 =	vld [tilespmem:s14+$0xFFFFFFF0]  }
0x100: {  	v7 =	vmax.f32 v7, v0;
	v13 =	vld [tilespmem:s14+$0xFFFFF980]  }
0x101: {  	v0 =	vld.idx.msk [tilespmem:v5+s2+$0x0], $0xffff;
	v5 =	vsub.f32 $1.000000000e+00, v7  }
0x102: {  	s12 =	sadd.s32 $0x70, s12;
	v7 =	vld.idx.msk [tilespmem:v8+s2+$0x0], $0xffff  }
0x103: {  	v8 =	vld.idx.msk [tilespmem:v3+s2+$0x0], $0xffff;
	[tilespmem:s12+$0x0] =	vst v5  }
0x104: {  	v14 =	vld.idx.msk [tilespmem:v1+s2+$0x0], $0xffff  }
0x105: {  	v15 =	vld.idx.msk [tilespmem:v4+s2+$0x0], $0xffff  }
0x106: {  	v3 =	vld.idx.msk [tilespmem:v2+s2+$0x0], $0xffff  }
0x107: {  	v6 =	vld.idx.msk [tilespmem:v6+s2+$0x0], $0xffff  }
.Ltmp2:
0x108: {  	v5 =	vld.idx.msk [tilespmem:v13+s2+$0x0], $0xffff;
	(pc) =	sbr.rel @p0 .LBB2_6-.Ltmp2, $4  }
0x109: {  	v2 =	vmax.f32 v7, v8;
	v1 =	vld.idx.msk [tilespmem:v9+s2+$0x0], $0xffff  }
0x10a: {  	v7 =	vsub.f32 $1.000000000e+00, v2;
	v4 =	vld.idx.msk [tilespmem:v10+s2+$0x0], $0xffff  }
0x10b: {  	v8 =	vmax.f32 v14, v15;
	v2 =	vld.idx.msk [tilespmem:v11+s2+$0x0], $0xffff  }
0x10c: {  	s14 =	sadd.s32 $0x70, s14;
	v8 =	vsub.f32 $1.000000000e+00, v8;
	[tilespmem:s12+$0xFFFFFFB0] =	vst v7;
	v7 =	vld.idx.msk [tilespmem:v12+s2+$0x0], $0xffff  }
0x10d: {  	_ = 	snop  }
0x10e: {  	v3 =	vmax.f32 v3, v6  }
0x10f: {  	v0 =	vmax.f32 v5, v0;
	v3 =	vsub.f32 $1.000000000e+00, v3  }
0x110: {  	[tilespmem:s12+$0xFFFFFFC0] =	vst v8;
	v0 =	vsub.f32 $1.000000000e+00, v0;
	v1 =	vmax.f32 v1, v4  }
0x111: {  	[tilespmem:s12+$0xFFFFFFD0] =	vst v3;
	v1 =	vsub.f32 $1.000000000e+00, v1;
	v2 =	vmax.f32 v2, v7  }
0x112: {  	[tilespmem:s12+$0xFFFFFFA0] =	vst v0;
	v0 =	vsub.f32 $1.000000000e+00, v2  }
0x113: {  	[tilespmem:s12+$0xFFFFFFE0] =	vst v1  }
0x114: {  	[tilespmem:s12+$0xFFFFFFF0] =	vst v0  }
0x115: {  	s13 =	rddreg [dreg:$0x7]  }
0x116: {  	s14 =	simm.s32 $0x0;
	s15 =	sld [smem:$0x7F4]  }
0x117: {  	[hbm4b:s13+s14] =	stream.linear.scatter [tilespmem:s7], [sflag:$0x6], $0x620, $0x38;
	[tilespmem:$0xDC80] =	vst v63  }
0x118: {  	_ = 	snop  }
0x119: {  	[tilespmem:s29], [sflag:$0x4] =	stream.strided.gather [hbm4b:s15+s24], $0x1260, s25, s24, $0x38;
	[tilespmem:$0xDC80] =	vst v63  }
0x11a: {  	_ =	swait.ge [sflag:s8], $0xC40  }
0x11b: {  	[sflag:s8] =	ssyncset.done $0x0  }
0x11c: {  	s12 =	simm.s32 $0x0;
	[sflag:s8] =	ssyncadd.s32 $0xFFFFF3C0  }
0x11d: {  	v0 =	vld [tilespmem:s12+$0xABE0]  }
0x11e: {  	v1 =	vld [tilespmem:s12+$0xB200]  }
0x11f: {  	v2 =	vld [tilespmem:s12+$0xAB80]  }
0x120: {  	v3 =	vld [tilespmem:s12+$0xB1A0]  }
0x121: {  	v4 =	vld [tilespmem:s12+$0xAB90]  }
0x122: {  	v5 =	vld [tilespmem:s12+$0xB1B0]  }
0x123: {  	v6 =	vld [tilespmem:s12+$0xABA0]  }
0x124: {  	v7 =	vld [tilespmem:s12+$0xB1C0]  }
0x125: {  	v9 =	vld [tilespmem:s12+$0xABB0]  }
0x126: {  	v10 =	vld [tilespmem:s12+$0xB1D0]  }
0x127: {  	v11 =	vld [tilespmem:s12+$0xABC0]  }
0x128: {  	v12 =	vld [tilespmem:s12+$0xB1E0]  }
0x129: {  	v13 =	vld [tilespmem:s12+$0xABD0]  }
0x12a: {  	v8 =	vld.idx.msk [tilespmem:v0+s2+$0x0], $0xffff  }
0x12b: {  	v1 =	vld.idx.msk [tilespmem:v1+s2+$0x0], $0xffff  }
0x12c: {  	v0 =	vld [tilespmem:s12+$0xB1F0]  }
0x12d: {  	v2 =	vld.idx.msk [tilespmem:v2+s2+$0x0], $0xffff  }
0x12e: {  	v14 =	vld.idx.msk [tilespmem:v3+s2+$0x0], $0xffff  }
0x12f: {  	v4 =	vld.idx.msk [tilespmem:v4+s2+$0x0], $0xffff  }
0x130: {  	v15 =	vld.idx.msk [tilespmem:v5+s2+$0x0], $0xffff  }
0x131: {  	v3 =	vld.idx.msk [tilespmem:v6+s2+$0x0], $0xffff  }
0x132: {  	v7 =	vld.idx.msk [tilespmem:v7+s2+$0x0], $0xffff  }
0x133: {  	v5 =	vmax.f32 v8, v1;
	v1 =	vld.idx.msk [tilespmem:v9+s2+$0x0], $0xffff  }
0x134: {  	v2 =	vmax.f32 v2, v14;
	v6 =	vsub.f32 $1.000000000e+00, v5;
	v5 =	vld.idx.msk [tilespmem:v10+s2+$0x0], $0xffff  }
0x135: {  	v8 =	vsub.f32 $1.000000000e+00, v2;
	v2 =	vld.idx.msk [tilespmem:v11+s2+$0x0], $0xffff  }
0x136: {  	v4 =	vmax.f32 v4, v15;
	[tilespmem:s12+$0xD6C0] =	vst v6;
	v6 =	vld.idx.msk [tilespmem:v12+s2+$0x0], $0xffff  }
0x137: {  	s13 =	simm.s32 $0x0;
	s14 =	simm.s32 $0x1C0;
	[tilespmem:s12+$0xD660] =	vst v8;
	v8 =	vsub.f32 $1.000000000e+00, v4;
	v4 =	vld.idx.msk [tilespmem:v13+s2+$0x0], $0xffff  }
.LBB2_8:
0x138: {  	s15 =	sshra.s32 s14, $0x2;
	v3 =	vmax.f32 v3, v7;
	v0 =	vld.idx.msk [tilespmem:v0+s2+$0x0], $0xffff  }
0x139: {  	s13 =	sadd.s32 $0x70, s13;
	v7 =	vld [tilespmem:s15+$0xABE0];
	[tilespmem:s12+$0xD670] =	vst v8;
	v3 =	vsub.f32 $1.000000000e+00, v3  }
0x13a: {  	p0 =	slt.u32 s13, $0x5B0;
	v1 =	vmax.f32 v1, v5;
	v8 =	vld [tilespmem:s15+$0xB200]  }
0x13b: {  	v1 =	vsub.f32 $1.000000000e+00, v1;
	v5 =	vld [tilespmem:s15+$0xAB80];
	[tilespmem:s12+$0xD680] =	vst v3  }
0x13c: {  	v2 =	vmax.f32 v2, v6;
	v3 =	vld [tilespmem:s15+$0xB1A0]  }
0x13d: {  	v6 =	vld [tilespmem:s15+$0xAB90];
	[tilespmem:s12+$0xD690] =	vst v1;
	v1 =	vsub.f32 $1.000000000e+00, v2  }
0x13e: {  	v0 =	vmax.f32 v4, v0;
	v2 =	vld [tilespmem:s15+$0xB1B0]  }
0x13f: {  	v0 =	vsub.f32 $1.000000000e+00, v0;
	v4 =	vld [tilespmem:s15+$0xABA0];
	[tilespmem:s12+$0xD6A0] =	vst v1  }
0x140: {  	v1 =	vld [tilespmem:s15+$0xB1C0]  }
0x141: {  	v7 =	vld.idx.msk [tilespmem:v7+s2+$0x0], $0xffff;
	[tilespmem:s12+$0xD6B0] =	vst v0;
	s12 =	smov.u32 s15  }
0x142: {  	v8 =	vld.idx.msk [tilespmem:v8+s2+$0x0], $0xffff  }
0x143: {  	v9 =	vld [tilespmem:s12+$0xABB0]  }
0x144: {  	v10 =	vld [tilespmem:s12+$0xB1D0]  }
0x145: {  	v11 =	vld [tilespmem:s12+$0xABC0]  }
0x146: {  	v12 =	vld [tilespmem:s12+$0xB1E0]  }
0x147: {  	v13 =	vld [tilespmem:s12+$0xABD0]  }
0x148: {  	v7 =	vmax.f32 v7, v8;
	v0 =	vld [tilespmem:s12+$0xB1F0]  }
0x149: {  	v7 =	vsub.f32 $1.000000000e+00, v7;
	v5 =	vld.idx.msk [tilespmem:v5+s2+$0x0], $0xffff  }
0x14a: {  	v8 =	vld.idx.msk [tilespmem:v3+s2+$0x0], $0xffff  }
0x14b: {  	v6 =	vld.idx.msk [tilespmem:v6+s2+$0x0], $0xffff;
	[tilespmem:s12+$0xD6C0] =	vst v7  }
0x14c: {  	v14 =	vld.idx.msk [tilespmem:v2+s2+$0x0], $0xffff  }
0x14d: {  	v3 =	vld.idx.msk [tilespmem:v4+s2+$0x0], $0xffff  }
0x14e: {  	v7 =	vld.idx.msk [tilespmem:v1+s2+$0x0], $0xffff  }
.Ltmp3:
0x14f: {  	v1 =	vld.idx.msk [tilespmem:v9+s2+$0x0], $0xffff;
	(pc) =	sbr.rel @p0 .LBB2_8-.Ltmp3, $4  }
0x150: {  	v2 =	vmax.f32 v5, v8;
	v5 =	vld.idx.msk [tilespmem:v10+s2+$0x0], $0xffff  }
0x151: {  	v4 =	vsub.f32 $1.000000000e+00, v2;
	v2 =	vld.idx.msk [tilespmem:v11+s2+$0x0], $0xffff  }
0x152: {  	v8 =	vmax.f32 v6, v14;
	v6 =	vld.idx.msk [tilespmem:v12+s2+$0x0], $0xffff  }
0x153: {  	s14 =	sadd.s32 $0x1C0, s14;
	v8 =	vsub.f32 $1.000000000e+00, v8;
	[tilespmem:s12+$0xD660] =	vst v4;
	v4 =	vld.idx.msk [tilespmem:v13+s2+$0x0], $0xffff  }
0x154: {  	_ =	sdelay $0x3  }
0x155: {  	v0 =	vld.idx.msk [tilespmem:v0+s2+$0x0], $0xffff;
	_ =	sdelay $0x1  }
0x156: {  	v3 =	vmax.f32 v3, v7  }
0x157: {  	v3 =	vsub.f32 $1.000000000e+00, v3;
	v1 =	vmax.f32 v1, v5  }
0x158: {  	[tilespmem:s12+$0xD670] =	vst v8;
	v1 =	vsub.f32 $1.000000000e+00, v1;
	v2 =	vmax.f32 v2, v6  }
0x159: {  	[tilespmem:s12+$0xD680] =	vst v3;
	v2 =	vsub.f32 $1.000000000e+00, v2;
	v0 =	vmax.f32 v4, v0  }
0x15a: {  	[tilespmem:s12+$0xD690] =	vst v1;
	v0 =	vsub.f32 $1.000000000e+00, v0  }
0x15b: {  	[tilespmem:s12+$0xD6A0] =	vst v2  }
0x15c: {  	[tilespmem:s12+$0xD6B0] =	vst v0  }
0x15d: {  	s12 =	rddreg [dreg:$0x8]  }
0x15e: {  	s14 =	sld [smem:$0x7F5]  }
0x15f: {  	[hbm4b:s12+s2] =	stream.linear.scatter [tilespmem:s9], [sflag:$0x6], $0x620, $0x38;
	[tilespmem:$0xDC80] =	vst v63  }
0x160: {  	_ = 	snop  }
0x161: {  	[tilespmem:s30], [sflag:$0x5] =	stream.strided.gather [hbm4b:s14+s24], $0x1260, s25, s24, $0x38;
	[tilespmem:$0xDC80] =	vst v63  }
0x162: {  	_ =	swait.ge [sflag:s31], $0x1260  }
0x163: {  	[sflag:s31] =	ssyncset.done $0x0  }
0x164: {  	[sflag:s31] =	ssyncadd.s32 $0xFFFFEDA0  }
0x165: {  	_ =	swait.ge [sflag:s10], $0x620  }
0x166: {  	[sflag:s10] =	ssyncset.done $0x0  }
0x167: {  	s15 =	simm.s32 $0x6850;
	[sflag:s10] =	ssyncadd.s32 $0xFFFFF9E0  }
0x168: {  	v0 =	vld [tilespmem:s15+$0xFFFFFA10]  }
0x169: {  	v1 =	vld [tilespmem:s15+$0x30]  }
0x16a: {  	v2 =	vld [tilespmem:s15+$0x650]  }
0x16b: {  	v3 =	vld [tilespmem:s15+$0xFFFFFFD0]  }
0x16c: {  	v4 =	vld [tilespmem:s15+$0xFFFFF9C0]  }
0x16d: {  	v5 =	vld [tilespmem:s15+$0xFFFFFFE0]  }
0x16e: {  	v6 =	vld [tilespmem:s15+$0xFFFFF9D0]  }
0x16f: {  	v7 =	vld [tilespmem:s15+$0xFFFFFFF0]  }
0x170: {  	v8 =	vld [tilespmem:s15+$0xFFFFF9E0]  }
0x171: {  	v9 =	vld [tilespmem:s15+$0x0]  }
0x172: {  	v10 =	vld [tilespmem:s15+$0xFFFFF9F0]  }
0x173: {  	v11 =	vld [tilespmem:s15+$0x10]  }
0x174: {  	v12 =	vld [tilespmem:s15+$0xFFFFFA00]  }
0x175: {  	v13 =	vld [tilespmem:s15+$0x20]  }
0x176: {  	v14 =	vld [tilespmem:s15+$0xFFFFF9B0]  }
0x177: {  	v15 =	vld [tilespmem:s15+$0x5F0]  }
0x178: {  	v16 =	vld [tilespmem:s15+$0x600]  }
0x179: {  	v17 =	vld [tilespmem:s15+$0x610]  }
0x17a: {  	v18 =	vld [tilespmem:s15+$0x620]  }
0x17b: {  	v19 =	vld [tilespmem:s15+$0x630]  }
0x17c: {  	v20 =	vld [tilespmem:s15+$0x640]  }
0x17d: {  	v0 =	vld.idx.msk [tilespmem:v0+s2+$0x0], $0xffff  }
0x17e: {  	v1 =	vld.idx.msk [tilespmem:v1+s2+$0x0], $0xffff  }
0x17f: {  	v2 =	vld.idx.msk [tilespmem:v2+s2+$0x0], $0xffff  }
0x180: {  	v21 =	vld.idx.msk [tilespmem:v3+s2+$0x0], $0xffff  }
0x181: {  	v14 =	vld.idx.msk [tilespmem:v14+s2+$0x0], $0xffff  }
0x182: {  	v4 =	vld.idx.msk [tilespmem:v4+s2+$0x0], $0xffff  }
0x183: {  	v5 =	vld.idx.msk [tilespmem:v5+s2+$0x0], $0xffff  }
0x184: {  	v22 =	vld.idx.msk [tilespmem:v6+s2+$0x0], $0xffff  }
0x185: {  	v7 =	vld.idx.msk [tilespmem:v7+s2+$0x0], $0xffff  }
0x186: {  	v23 =	vld.idx.msk [tilespmem:v8+s2+$0x0], $0xffff  }
0x187: {  	v24 =	vld.idx.msk [tilespmem:v9+s2+$0x0], $0xffff  }
0x188: {  	v25 =	vld.idx.msk [tilespmem:v10+s2+$0x0], $0xffff  }
0x189: {  	v26 =	vld.idx.msk [tilespmem:v11+s2+$0x0], $0xffff  }
0x18a: {  	v12 =	vld.idx.msk [tilespmem:v12+s2+$0x0], $0xffff  }
0x18b: {  	v13 =	vld.idx.msk [tilespmem:v13+s2+$0x0], $0xffff  }
0x18c: {  	v11 =	vld.idx.msk [tilespmem:v15+s2+$0x0], $0xffff  }
0x18d: {  	v10 =	vld.idx.msk [tilespmem:v16+s2+$0x0], $0xffff;
	v0 =	vmax.f32 v0, v1  }
0x18e: {  	v9 =	vld.idx.msk [tilespmem:v17+s2+$0x0], $0xffff;
	v0 =	vmax.f32 v0, v2  }
0x18f: {  	v3 =	vld.idx.msk [tilespmem:v18+s2+$0x0], $0xffff;
	v8 =	vmax.f32 v14, v21;
	v0 =	vsub.f32 $1.000000000e+00, v0  }
0x190: {  	s12 =	simm.s32 $0xC430;
	v6 =	vmax.f32 v4, v5;
	v5 =	vmax.f32 v22, v7;
	v1 =	vld.idx.msk [tilespmem:v19+s2+$0x0], $0xffff;
	v7 =	vmax.f32 v23, v24  }
0x191: {  	s13 =	simm.s32 $0x0;
	s14 =	simm.s32 $0x68C0;
	v4 =	vmax.f32 v25, v26;
	v2 =	vld.idx.msk [tilespmem:v20+s2+$0x0], $0xffff;
	[tilespmem:s12+$0x30] =	vst v0;
	v0 =	vmax.f32 v12, v13  }
.LBB2_10:
0x192: {  	v12 =	vld [tilespmem:s14+$0xFFFFFA10];
	v8 =	vmax.f32 v8, v11  }
0x193: {  	s13 =	sadd.s32 $0x70, s13;
	v6 =	vmax.f32 v6, v10;
	v11 =	vld [tilespmem:s14+$0x30];
	v8 =	vsub.f32 $1.000000000e+00, v8  }
0x194: {  	p0 =	slt.u32 s13, $0x5B0;
	v6 =	vsub.f32 $1.000000000e+00, v6;
	v5 =	vmax.f32 v5, v9;
	v10 =	vld [tilespmem:s14+$0x650]  }
0x195: {  	v5 =	vsub.f32 $1.000000000e+00, v5;
	v3 =	vmax.f32 v7, v3;
	v9 =	vld [tilespmem:s14+$0xFFFFFFD0];
	[tilespmem:s12+$0xFFFFFFD0] =	vst v8  }
0x196: {  	v3 =	vsub.f32 $1.000000000e+00, v3;
	v1 =	vmax.f32 v4, v1;
	v7 =	vld [tilespmem:s14+$0xFFFFF9C0];
	[tilespmem:s12+$0xFFFFFFE0] =	vst v6  }
0x197: {  	v1 =	vsub.f32 $1.000000000e+00, v1;
	v0 =	vmax.f32 v0, v2;
	v4 =	vld [tilespmem:s14+$0xFFFFFFE0];
	[tilespmem:s12+$0xFFFFFFF0] =	vst v5  }
0x198: {  	v0 =	vsub.f32 $1.000000000e+00, v0;
	v2 =	vld [tilespmem:s14+$0xFFFFF9D0];
	[tilespmem:s12+$0x0] =	vst v3  }
0x199: {  	v3 =	vld [tilespmem:s14+$0xFFFFFFF0];
	[tilespmem:s12+$0x10] =	vst v1  }
0x19a: {  	v1 =	vld.idx.msk [tilespmem:v12+s2+$0x0], $0xffff;
	[tilespmem:s12+$0x20] =	vst v0  }
0x19b: {  	v0 =	vld.idx.msk [tilespmem:v11+s2+$0x0], $0xffff  }
0x19c: {  	v5 =	vld.idx.msk [tilespmem:v10+s2+$0x0], $0xffff  }
0x19d: {  	v6 =	vld [tilespmem:s14+$0xFFFFF9E0]  }
0x19e: {  	v10 =	vld [tilespmem:s14+$0x0]  }
0x19f: {  	v11 =	vld [tilespmem:s14+$0xFFFFF9F0]  }
0x1a0: {  	v12 =	vld [tilespmem:s14+$0x10]  }
0x1a1: {  	v0 =	vmax.f32 v1, v0;
	v13 =	vld [tilespmem:s14+$0xFFFFFA00]  }
0x1a2: {  	v0 =	vmax.f32 v0, v5;
	v1 =	vld [tilespmem:s14+$0x20]  }
0x1a3: {  	v0 =	vsub.f32 $1.000000000e+00, v0;
	v5 =	vld [tilespmem:s14+$0xFFFFF9B0]  }
0x1a4: {  	s12 =	sadd.s32 $0x70, s12;
	v14 =	vld [tilespmem:s14+$0x5F0]  }
0x1a5: {  	v15 =	vld [tilespmem:s14+$0x600];
	[tilespmem:s12+$0x30] =	vst v0  }
0x1a6: {  	v0 =	vld [tilespmem:s14+$0x610]  }
0x1a7: {  	v16 =	vld [tilespmem:s14+$0x620]  }
0x1a8: {  	v17 =	vld [tilespmem:s14+$0x630]  }
0x1a9: {  	v18 =	vld [tilespmem:s14+$0x640]  }
0x1aa: {  	v8 =	vld.idx.msk [tilespmem:v9+s2+$0x0], $0xffff  }
0x1ab: {  	v5 =	vld.idx.msk [tilespmem:v5+s2+$0x0], $0xffff  }
0x1ac: {  	v7 =	vld.idx.msk [tilespmem:v7+s2+$0x0], $0xffff  }
0x1ad: {  	v4 =	vld.idx.msk [tilespmem:v4+s2+$0x0], $0xffff  }
0x1ae: {  	v2 =	vld.idx.msk [tilespmem:v2+s2+$0x0], $0xffff  }
0x1af: {  	v3 =	vld.idx.msk [tilespmem:v3+s2+$0x0], $0xffff  }
0x1b0: {  	v9 =	vld.idx.msk [tilespmem:v6+s2+$0x0], $0xffff  }
0x1b1: {  	v8 =	vmax.f32 v5, v8;
	v19 =	vld.idx.msk [tilespmem:v10+s2+$0x0], $0xffff  }
0x1b2: {  	v20 =	vld.idx.msk [tilespmem:v11+s2+$0x0], $0xffff  }
0x1b3: {  	v6 =	vmax.f32 v7, v4;
	v4 =	vld.idx.msk [tilespmem:v12+s2+$0x0], $0xffff  }
0x1b4: {  	v12 =	vld.idx.msk [tilespmem:v13+s2+$0x0], $0xffff  }
0x1b5: {  	v5 =	vmax.f32 v2, v3;
	v2 =	vld.idx.msk [tilespmem:v1+s2+$0x0], $0xffff  }
0x1b6: {  	v11 =	vld.idx.msk [tilespmem:v14+s2+$0x0], $0xffff  }
.Ltmp4:
0x1b7: {  	v7 =	vmax.f32 v9, v19;
	v10 =	vld.idx.msk [tilespmem:v15+s2+$0x0], $0xffff;
	(pc) =	sbr.rel @p0 .LBB2_10-.Ltmp4, $4  }
0x1b8: {  	v9 =	vld.idx.msk [tilespmem:v0+s2+$0x0], $0xffff  }
0x1b9: {  	v4 =	vmax.f32 v20, v4;
	v3 =	vld.idx.msk [tilespmem:v16+s2+$0x0], $0xffff  }
0x1ba: {  	v1 =	vld.idx.msk [tilespmem:v17+s2+$0x0], $0xffff  }
0x1bb: {  	s14 =	sadd.s32 $0x70, s14;
	v0 =	vmax.f32 v12, v2;
	v2 =	vld.idx.msk [tilespmem:v18+s2+$0x0], $0xffff  }
0x1bc: {  	v8 =	vmax.f32 v8, v11  }
0x1bd: {  	v6 =	vmax.f32 v6, v10;
	v8 =	vsub.f32 $1.000000000e+00, v8  }
0x1be: {  	v6 =	vsub.f32 $1.000000000e+00, v6;
	v5 =	vmax.f32 v5, v9  }
0x1bf: {  	v5 =	vsub.f32 $1.000000000e+00, v5;
	v3 =	vmax.f32 v7, v3;
	[tilespmem:s12+$0xFFFFFFD0] =	vst v8  }
0x1c0: {  	[tilespmem:s12+$0xFFFFFFE0] =	vst v6;
	v3 =	vsub.f32 $1.000000000e+00, v3;
	v1 =	vmax.f32 v4, v1  }
0x1c1: {  	[tilespmem:s12+$0xFFFFFFF0] =	vst v5;
	v1 =	vsub.f32 $1.000000000e+00, v1;
	v0 =	vmax.f32 v0, v2  }
0x1c2: {  	[tilespmem:s12+$0x0] =	vst v3;
	v0 =	vsub.f32 $1.000000000e+00, v0  }
0x1c3: {  	[tilespmem:s12+$0x10] =	vst v1  }
0x1c4: {  	[tilespmem:s12+$0x20] =	vst v0  }
0x1c5: {  	s12 =	rddreg [dreg:$0x9]  }
0x1c6: {  	s14 =	sld [smem:$0x7F6]  }
0x1c7: {  	[hbm4b:s12+s2] =	stream.linear.scatter [tilespmem:s0], [sflag:$0x6], $0x620, $0x38;
	[tilespmem:$0xDC80] =	vst v63  }
0x1c8: {  	_ = 	snop  }
0x1c9: {  	[tilespmem:s26], [sflag:$0x2] =	stream.strided.gather [hbm4b:s14+s24], $0x1260, s25, s24, $0x38;
	[tilespmem:$0xDC80] =	vst v63  }
0x1ca: {  	_ =	swait.ge [sflag:s3], $0x1260  }
0x1cb: {  	[sflag:s3] =	ssyncset.done $0x0  }
0x1cc: {  	[sflag:s3] =	ssyncadd.s32 $0xFFFFEDA0  }
0x1cd: {  	_ =	swait.ge [sflag:s10], $0x620  }
0x1ce: {  	[sflag:s10] =	ssyncset.done $0x0  }
0x1cf: {  	s15 =	simm.s32 $0x8720;
	[sflag:s10] =	ssyncadd.s32 $0xFFFFF9E0  }
0x1d0: {  	v0 =	vld [tilespmem:s15+$0xFFFFF3C0]  }
0x1d1: {  	v1 =	vld [tilespmem:s15+$0xFFFFF9E0]  }
0x1d2: {  	v2 =	vld [tilespmem:s15+$0x0]  }
0x1d3: {  	v3 =	vld [tilespmem:s15+$0xFFFFF980]  }
0x1d4: {  	v4 =	vld [tilespmem:s15+$0xFFFFF370]  }
0x1d5: {  	v5 =	vld [tilespmem:s15+$0xFFFFF990]  }
0x1d6: {  	v6 =	vld [tilespmem:s15+$0xFFFFF380]  }
0x1d7: {  	v7 =	vld [tilespmem:s15+$0xFFFFF9A0]  }
0x1d8: {  	v8 =	vld [tilespmem:s15+$0xFFFFF390]  }
0x1d9: {  	v9 =	vld [tilespmem:s15+$0xFFFFF9B0]  }
0x1da: {  	v10 =	vld [tilespmem:s15+$0xFFFFF3A0]  }
0x1db: {  	v11 =	vld [tilespmem:s15+$0xFFFFF9C0]  }
0x1dc: {  	v12 =	vld [tilespmem:s15+$0xFFFFF3B0]  }
0x1dd: {  	v13 =	vld [tilespmem:s15+$0xFFFFF9D0]  }
0x1de: {  	v14 =	vld [tilespmem:s15+$0xFFFFF360]  }
0x1df: {  	v15 =	vld [tilespmem:s15+$0xFFFFFFA0]  }
0x1e0: {  	v16 =	vld [tilespmem:s15+$0xFFFFFFB0]  }
0x1e1: {  	v17 =	vld [tilespmem:s15+$0xFFFFFFC0]  }
0x1e2: {  	v18 =	vld [tilespmem:s15+$0xFFFFFFD0]  }
0x1e3: {  	v19 =	vld [tilespmem:s15+$0xFFFFFFE0]  }
0x1e4: {  	v20 =	vld [tilespmem:s15+$0xFFFFFFF0]  }
0x1e5: {  	v0 =	vld.idx.msk [tilespmem:v0+s2+$0x0], $0xffff  }
0x1e6: {  	v1 =	vld.idx.msk [tilespmem:v1+s2+$0x0], $0xffff  }
0x1e7: {  	v2 =	vld.idx.msk [tilespmem:v2+s2+$0x0], $0xffff  }
0x1e8: {  	v21 =	vld.idx.msk [tilespmem:v3+s2+$0x0], $0xffff  }
0x1e9: {  	v14 =	vld.idx.msk [tilespmem:v14+s2+$0x0], $0xffff  }
0x1ea: {  	v4 =	vld.idx.msk [tilespmem:v4+s2+$0x0], $0xffff  }
0x1eb: {  	v5 =	vld.idx.msk [tilespmem:v5+s2+$0x0], $0xffff  }
0x1ec: {  	v22 =	vld.idx.msk [tilespmem:v6+s2+$0x0], $0xffff  }
0x1ed: {  	v7 =	vld.idx.msk [tilespmem:v7+s2+$0x0], $0xffff  }
0x1ee: {  	v23 =	vld.idx.msk [tilespmem:v8+s2+$0x0], $0xffff  }
0x1ef: {  	v24 =	vld.idx.msk [tilespmem:v9+s2+$0x0], $0xffff  }
0x1f0: {  	v25 =	vld.idx.msk [tilespmem:v10+s2+$0x0], $0xffff  }
0x1f1: {  	v26 =	vld.idx.msk [tilespmem:v11+s2+$0x0], $0xffff  }
0x1f2: {  	v12 =	vld.idx.msk [tilespmem:v12+s2+$0x0], $0xffff  }
0x1f3: {  	v13 =	vld.idx.msk [tilespmem:v13+s2+$0x0], $0xffff  }
0x1f4: {  	v11 =	vld.idx.msk [tilespmem:v15+s2+$0x0], $0xffff  }
0x1f5: {  	v10 =	vld.idx.msk [tilespmem:v16+s2+$0x0], $0xffff;
	v0 =	vmax.f32 v0, v1  }
0x1f6: {  	v9 =	vld.idx.msk [tilespmem:v17+s2+$0x0], $0xffff;
	v0 =	vmax.f32 v0, v2  }
0x1f7: {  	v3 =	vld.idx.msk [tilespmem:v18+s2+$0x0], $0xffff;
	v8 =	vmax.f32 v14, v21;
	v0 =	vsub.f32 $1.000000000e+00, v0  }
0x1f8: {  	s12 =	simm.s32 $0xCA80;
	v6 =	vmax.f32 v4, v5;
	v5 =	vmax.f32 v22, v7;
	v1 =	vld.idx.msk [tilespmem:v19+s2+$0x0], $0xffff;
	v7 =	vmax.f32 v23, v24  }
0x1f9: {  	s13 =	simm.s32 $0x0;
	s14 =	simm.s32 $0x8790;
	v4 =	vmax.f32 v25, v26;
	v2 =	vld.idx.msk [tilespmem:v20+s2+$0x0], $0xffff;
	[tilespmem:s12+$0x0] =	vst v0;
	v0 =	vmax.f32 v12, v13  }
.LBB2_12:
0x1fa: {  	v12 =	vld [tilespmem:s14+$0xFFFFF3C0];
	v8 =	vmax.f32 v8, v11  }
0x1fb: {  	s13 =	sadd.s32 $0x70, s13;
	v6 =	vmax.f32 v6, v10;
	v11 =	vld [tilespmem:s14+$0xFFFFF9E0];
	v8 =	vsub.f32 $1.000000000e+00, v8  }
0x1fc: {  	p0 =	slt.u32 s13, $0x5B0;
	v6 =	vsub.f32 $1.000000000e+00, v6;
	v5 =	vmax.f32 v5, v9;
	v10 =	vld [tilespmem:s14+$0x0]  }
0x1fd: {  	v5 =	vsub.f32 $1.000000000e+00, v5;
	v3 =	vmax.f32 v7, v3;
	v9 =	vld [tilespmem:s14+$0xFFFFF980];
	[tilespmem:s12+$0xFFFFFFA0] =	vst v8  }
0x1fe: {  	v3 =	vsub.f32 $1.000000000e+00, v3;
	v1 =	vmax.f32 v4, v1;
	v7 =	vld [tilespmem:s14+$0xFFFFF370];
	[tilespmem:s12+$0xFFFFFFB0] =	vst v6  }
0x1ff: {  	v1 =	vsub.f32 $1.000000000e+00, v1;
	v0 =	vmax.f32 v0, v2;
	v4 =	vld [tilespmem:s14+$0xFFFFF990];
	[tilespmem:s12+$0xFFFFFFC0] =	vst v5  }
0x200: {  	v0 =	vsub.f32 $1.000000000e+00, v0;
	v2 =	vld [tilespmem:s14+$0xFFFFF380];
	[tilespmem:s12+$0xFFFFFFD0] =	vst v3  }
0x201: {  	v3 =	vld [tilespmem:s14+$0xFFFFF9A0];
	[tilespmem:s12+$0xFFFFFFE0] =	vst v1  }
0x202: {  	v1 =	vld.idx.msk [tilespmem:v12+s2+$0x0], $0xffff;
	[tilespmem:s12+$0xFFFFFFF0] =	vst v0  }
0x203: {  	v0 =	vld.idx.msk [tilespmem:v11+s2+$0x0], $0xffff  }
0x204: {  	v5 =	vld.idx.msk [tilespmem:v10+s2+$0x0], $0xffff  }
0x205: {  	v6 =	vld [tilespmem:s14+$0xFFFFF390]  }
0x206: {  	v10 =	vld [tilespmem:s14+$0xFFFFF9B0]  }
0x207: {  	v11 =	vld [tilespmem:s14+$0xFFFFF3A0]  }
0x208: {  	v12 =	vld [tilespmem:s14+$0xFFFFF9C0]  }
0x209: {  	v0 =	vmax.f32 v1, v0;
	v13 =	vld [tilespmem:s14+$0xFFFFF3B0]  }
0x20a: {  	v0 =	vmax.f32 v0, v5;
	v1 =	vld [tilespmem:s14+$0xFFFFF9D0]  }
0x20b: {  	v0 =	vsub.f32 $1.000000000e+00, v0;
	v5 =	vld [tilespmem:s14+$0xFFFFF360]  }
0x20c: {  	s12 =	sadd.s32 $0x70, s12;
	v14 =	vld [tilespmem:s14+$0xFFFFFFA0]  }
0x20d: {  	v15 =	vld [tilespmem:s14+$0xFFFFFFB0];
	[tilespmem:s12+$0x0] =	vst v0  }
0x20e: {  	v0 =	vld [tilespmem:s14+$0xFFFFFFC0]  }
0x20f: {  	v16 =	vld [tilespmem:s14+$0xFFFFFFD0]  }
0x210: {  	v17 =	vld [tilespmem:s14+$0xFFFFFFE0]  }
0x211: {  	v18 =	vld [tilespmem:s14+$0xFFFFFFF0]  }
0x212: {  	v8 =	vld.idx.msk [tilespmem:v9+s2+$0x0], $0xffff  }
0x213: {  	v5 =	vld.idx.msk [tilespmem:v5+s2+$0x0], $0xffff  }
0x214: {  	v7 =	vld.idx.msk [tilespmem:v7+s2+$0x0], $0xffff  }
0x215: {  	v4 =	vld.idx.msk [tilespmem:v4+s2+$0x0], $0xffff  }
0x216: {  	v2 =	vld.idx.msk [tilespmem:v2+s2+$0x0], $0xffff  }
0x217: {  	v3 =	vld.idx.msk [tilespmem:v3+s2+$0x0], $0xffff  }
0x218: {  	v9 =	vld.idx.msk [tilespmem:v6+s2+$0x0], $0xffff  }
0x219: {  	v8 =	vmax.f32 v5, v8;
	v19 =	vld.idx.msk [tilespmem:v10+s2+$0x0], $0xffff  }
0x21a: {  	v20 =	vld.idx.msk [tilespmem:v11+s2+$0x0], $0xffff  }
0x21b: {  	v6 =	vmax.f32 v7, v4;
	v4 =	vld.idx.msk [tilespmem:v12+s2+$0x0], $0xffff  }
0x21c: {  	v12 =	vld.idx.msk [tilespmem:v13+s2+$0x0], $0xffff  }
0x21d: {  	v5 =	vmax.f32 v2, v3;
	v2 =	vld.idx.msk [tilespmem:v1+s2+$0x0], $0xffff  }
0x21e: {  	v11 =	vld.idx.msk [tilespmem:v14+s2+$0x0], $0xffff  }
.Ltmp5:
0x21f: {  	v7 =	vmax.f32 v9, v19;
	v10 =	vld.idx.msk [tilespmem:v15+s2+$0x0], $0xffff;
	(pc) =	sbr.rel @p0 .LBB2_12-.Ltmp5, $4  }
0x220: {  	v9 =	vld.idx.msk [tilespmem:v0+s2+$0x0], $0xffff  }
0x221: {  	v4 =	vmax.f32 v20, v4;
	v3 =	vld.idx.msk [tilespmem:v16+s2+$0x0], $0xffff  }
0x222: {  	v1 =	vld.idx.msk [tilespmem:v17+s2+$0x0], $0xffff  }
0x223: {  	s14 =	sadd.s32 $0x70, s14;
	v0 =	vmax.f32 v12, v2;
	v2 =	vld.idx.msk [tilespmem:v18+s2+$0x0], $0xffff  }
0x224: {  	v8 =	vmax.f32 v8, v11  }
0x225: {  	v6 =	vmax.f32 v6, v10;
	v8 =	vsub.f32 $1.000000000e+00, v8  }
0x226: {  	v6 =	vsub.f32 $1.000000000e+00, v6;
	v5 =	vmax.f32 v5, v9  }
0x227: {  	v5 =	vsub.f32 $1.000000000e+00, v5;
	v3 =	vmax.f32 v7, v3;
	[tilespmem:s12+$0xFFFFFFA0] =	vst v8  }
0x228: {  	[tilespmem:s12+$0xFFFFFFB0] =	vst v6;
	v3 =	vsub.f32 $1.000000000e+00, v3;
	v1 =	vmax.f32 v4, v1  }
0x229: {  	[tilespmem:s12+$0xFFFFFFC0] =	vst v5;
	v1 =	vsub.f32 $1.000000000e+00, v1;
	v0 =	vmax.f32 v0, v2  }
0x22a: {  	[tilespmem:s12+$0xFFFFFFD0] =	vst v3;
	v0 =	vsub.f32 $1.000000000e+00, v0  }
0x22b: {  	[tilespmem:s12+$0xFFFFFFE0] =	vst v1  }
0x22c: {  	[tilespmem:s12+$0xFFFFFFF0] =	vst v0  }
0x22d: {  	s12 =	rddreg [dreg:$0xa]  }
0x22e: {  	s14 =	sld [smem:$0x7F7]  }
0x22f: {  	[hbm4b:s12+s2] =	stream.linear.scatter [tilespmem:s5], [sflag:$0x6], $0x620, $0x38;
	[tilespmem:$0xDC80] =	vst v63  }
0x230: {  	_ = 	snop  }
0x231: {  	[tilespmem:s28], [sflag:$0x3] =	stream.strided.gather [hbm4b:s14+s24], $0x1260, s25, s24, $0x38;
	[tilespmem:$0xDC80] =	vst v63  }
0x232: {  	_ =	swait.ge [sflag:s6], $0x1260  }
0x233: {  	[sflag:s6] =	ssyncset.done $0x0  }
0x234: {  	[sflag:s6] =	ssyncadd.s32 $0xFFFFEDA0  }
0x235: {  	_ =	swait.ge [sflag:s10], $0x620  }
0x236: {  	[sflag:s10] =	ssyncset.done $0x0  }
0x237: {  	s15 =	simm.s32 $0x9FA0;
	[sflag:s10] =	ssyncadd.s32 $0xFFFFF9E0  }
0x238: {  	v0 =	vld [tilespmem:s15+$0xFFFFF3C0]  }
0x239: {  	v1 =	vld [tilespmem:s15+$0xFFFFF9E0]  }
0x23a: {  	v2 =	vld [tilespmem:s15+$0x0]  }
0x23b: {  	v3 =	vld [tilespmem:s15+$0xFFFFF980]  }
0x23c: {  	v4 =	vld [tilespmem:s15+$0xFFFFF370]  }
0x23d: {  	v5 =	vld [tilespmem:s15+$0xFFFFF990]  }
0x23e: {  	v6 =	vld [tilespmem:s15+$0xFFFFF380]  }
0x23f: {  	v7 =	vld [tilespmem:s15+$0xFFFFF9A0]  }
0x240: {  	v8 =	vld [tilespmem:s15+$0xFFFFF390]  }
0x241: {  	v9 =	vld [tilespmem:s15+$0xFFFFF9B0]  }
0x242: {  	v10 =	vld [tilespmem:s15+$0xFFFFF3A0]  }
0x243: {  	v11 =	vld [tilespmem:s15+$0xFFFFF9C0]  }
0x244: {  	v12 =	vld [tilespmem:s15+$0xFFFFF3B0]  }
0x245: {  	v13 =	vld [tilespmem:s15+$0xFFFFF9D0]  }
0x246: {  	v14 =	vld [tilespmem:s15+$0xFFFFF360]  }
0x247: {  	v15 =	vld [tilespmem:s15+$0xFFFFFFA0]  }
0x248: {  	v16 =	vld [tilespmem:s15+$0xFFFFFFB0]  }
0x249: {  	v17 =	vld [tilespmem:s15+$0xFFFFFFC0]  }
0x24a: {  	v18 =	vld [tilespmem:s15+$0xFFFFFFD0]  }
0x24b: {  	v19 =	vld [tilespmem:s15+$0xFFFFFFE0]  }
0x24c: {  	v20 =	vld [tilespmem:s15+$0xFFFFFFF0]  }
0x24d: {  	v0 =	vld.idx.msk [tilespmem:v0+s2+$0x0], $0xffff  }
0x24e: {  	v1 =	vld.idx.msk [tilespmem:v1+s2+$0x0], $0xffff  }
0x24f: {  	v2 =	vld.idx.msk [tilespmem:v2+s2+$0x0], $0xffff  }
0x250: {  	v21 =	vld.idx.msk [tilespmem:v3+s2+$0x0], $0xffff  }
0x251: {  	v14 =	vld.idx.msk [tilespmem:v14+s2+$0x0], $0xffff  }
0x252: {  	v4 =	vld.idx.msk [tilespmem:v4+s2+$0x0], $0xffff  }
0x253: {  	v5 =	vld.idx.msk [tilespmem:v5+s2+$0x0], $0xffff  }
0x254: {  	v22 =	vld.idx.msk [tilespmem:v6+s2+$0x0], $0xffff  }
0x255: {  	v7 =	vld.idx.msk [tilespmem:v7+s2+$0x0], $0xffff  }
0x256: {  	v23 =	vld.idx.msk [tilespmem:v8+s2+$0x0], $0xffff  }
0x257: {  	v24 =	vld.idx.msk [tilespmem:v9+s2+$0x0], $0xffff  }
0x258: {  	v25 =	vld.idx.msk [tilespmem:v10+s2+$0x0], $0xffff  }
0x259: {  	v26 =	vld.idx.msk [tilespmem:v11+s2+$0x0], $0xffff  }
0x25a: {  	v12 =	vld.idx.msk [tilespmem:v12+s2+$0x0], $0xffff  }
0x25b: {  	v13 =	vld.idx.msk [tilespmem:v13+s2+$0x0], $0xffff  }
0x25c: {  	v11 =	vld.idx.msk [tilespmem:v15+s2+$0x0], $0xffff  }
0x25d: {  	v10 =	vld.idx.msk [tilespmem:v16+s2+$0x0], $0xffff;
	v0 =	vmax.f32 v0, v1  }
0x25e: {  	v9 =	vld.idx.msk [tilespmem:v17+s2+$0x0], $0xffff;
	v0 =	vmax.f32 v0, v2  }
0x25f: {  	v3 =	vld.idx.msk [tilespmem:v18+s2+$0x0], $0xffff;
	v8 =	vmax.f32 v14, v21;
	v0 =	vsub.f32 $1.000000000e+00, v0  }
0x260: {  	s12 =	simm.s32 $0xD0A0;
	v6 =	vmax.f32 v4, v5;
	v5 =	vmax.f32 v22, v7;
	v1 =	vld.idx.msk [tilespmem:v19+s2+$0x0], $0xffff;
	v7 =	vmax.f32 v23, v24  }
0x261: {  	s13 =	simm.s32 $0x0;
	s14 =	simm.s32 $0xA010;
	v4 =	vmax.f32 v25, v26;
	v2 =	vld.idx.msk [tilespmem:v20+s2+$0x0], $0xffff;
	[tilespmem:s12+$0x0] =	vst v0;
	v0 =	vmax.f32 v12, v13  }
.LBB2_14:
0x262: {  	v12 =	vld [tilespmem:s14+$0xFFFFF3C0];
	v8 =	vmax.f32 v8, v11  }
0x263: {  	s13 =	sadd.s32 $0x70, s13;
	v6 =	vmax.f32 v6, v10;
	v11 =	vld [tilespmem:s14+$0xFFFFF9E0];
	v8 =	vsub.f32 $1.000000000e+00, v8  }
0x264: {  	p0 =	slt.u32 s13, $0x5B0;
	v6 =	vsub.f32 $1.000000000e+00, v6;
	v5 =	vmax.f32 v5, v9;
	v10 =	vld [tilespmem:s14+$0x0]  }
0x265: {  	v5 =	vsub.f32 $1.000000000e+00, v5;
	v3 =	vmax.f32 v7, v3;
	v9 =	vld [tilespmem:s14+$0xFFFFF980];
	[tilespmem:s12+$0xFFFFFFA0] =	vst v8  }
0x266: {  	v3 =	vsub.f32 $1.000000000e+00, v3;
	v1 =	vmax.f32 v4, v1;
	v7 =	vld [tilespmem:s14+$0xFFFFF370];
	[tilespmem:s12+$0xFFFFFFB0] =	vst v6  }
0x267: {  	v1 =	vsub.f32 $1.000000000e+00, v1;
	v0 =	vmax.f32 v0, v2;
	v4 =	vld [tilespmem:s14+$0xFFFFF990];
	[tilespmem:s12+$0xFFFFFFC0] =	vst v5  }
0x268: {  	v0 =	vsub.f32 $1.000000000e+00, v0;
	v2 =	vld [tilespmem:s14+$0xFFFFF380];
	[tilespmem:s12+$0xFFFFFFD0] =	vst v3  }
0x269: {  	v3 =	vld [tilespmem:s14+$0xFFFFF9A0];
	[tilespmem:s12+$0xFFFFFFE0] =	vst v1  }
0x26a: {  	v1 =	vld.idx.msk [tilespmem:v12+s2+$0x0], $0xffff;
	[tilespmem:s12+$0xFFFFFFF0] =	vst v0  }
0x26b: {  	v0 =	vld.idx.msk [tilespmem:v11+s2+$0x0], $0xffff  }
0x26c: {  	v5 =	vld.idx.msk [tilespmem:v10+s2+$0x0], $0xffff  }
0x26d: {  	v6 =	vld [tilespmem:s14+$0xFFFFF390]  }
0x26e: {  	v10 =	vld [tilespmem:s14+$0xFFFFF9B0]  }
0x26f: {  	v11 =	vld [tilespmem:s14+$0xFFFFF3A0]  }
0x270: {  	v12 =	vld [tilespmem:s14+$0xFFFFF9C0]  }
0x271: {  	v0 =	vmax.f32 v1, v0;
	v13 =	vld [tilespmem:s14+$0xFFFFF3B0]  }
0x272: {  	v0 =	vmax.f32 v0, v5;
	v1 =	vld [tilespmem:s14+$0xFFFFF9D0]  }
0x273: {  	v0 =	vsub.f32 $1.000000000e+00, v0;
	v5 =	vld [tilespmem:s14+$0xFFFFF360]  }
0x274: {  	s12 =	sadd.s32 $0x70, s12;
	v14 =	vld [tilespmem:s14+$0xFFFFFFA0]  }
0x275: {  	v15 =	vld [tilespmem:s14+$0xFFFFFFB0];
	[tilespmem:s12+$0x0] =	vst v0  }
0x276: {  	v0 =	vld [tilespmem:s14+$0xFFFFFFC0]  }
0x277: {  	v16 =	vld [tilespmem:s14+$0xFFFFFFD0]  }
0x278: {  	v17 =	vld [tilespmem:s14+$0xFFFFFFE0]  }
0x279: {  	v18 =	vld [tilespmem:s14+$0xFFFFFFF0]  }
0x27a: {  	v8 =	vld.idx.msk [tilespmem:v9+s2+$0x0], $0xffff  }
0x27b: {  	v5 =	vld.idx.msk [tilespmem:v5+s2+$0x0], $0xffff  }
0x27c: {  	v7 =	vld.idx.msk [tilespmem:v7+s2+$0x0], $0xffff  }
0x27d: {  	v4 =	vld.idx.msk [tilespmem:v4+s2+$0x0], $0xffff  }
0x27e: {  	v2 =	vld.idx.msk [tilespmem:v2+s2+$0x0], $0xffff  }
0x27f: {  	v3 =	vld.idx.msk [tilespmem:v3+s2+$0x0], $0xffff  }
0x280: {  	v9 =	vld.idx.msk [tilespmem:v6+s2+$0x0], $0xffff  }
0x281: {  	v8 =	vmax.f32 v5, v8;
	v19 =	vld.idx.msk [tilespmem:v10+s2+$0x0], $0xffff  }
0x282: {  	v20 =	vld.idx.msk [tilespmem:v11+s2+$0x0], $0xffff  }
0x283: {  	v6 =	vmax.f32 v7, v4;
	v4 =	vld.idx.msk [tilespmem:v12+s2+$0x0], $0xffff  }
0x284: {  	v12 =	vld.idx.msk [tilespmem:v13+s2+$0x0], $0xffff  }
0x285: {  	v5 =	vmax.f32 v2, v3;
	v2 =	vld.idx.msk [tilespmem:v1+s2+$0x0], $0xffff  }
0x286: {  	v11 =	vld.idx.msk [tilespmem:v14+s2+$0x0], $0xffff  }
.Ltmp6:
0x287: {  	v7 =	vmax.f32 v9, v19;
	v10 =	vld.idx.msk [tilespmem:v15+s2+$0x0], $0xffff;
	(pc) =	sbr.rel @p0 .LBB2_14-.Ltmp6, $4  }
0x288: {  	v9 =	vld.idx.msk [tilespmem:v0+s2+$0x0], $0xffff  }
0x289: {  	v4 =	vmax.f32 v20, v4;
	v3 =	vld.idx.msk [tilespmem:v16+s2+$0x0], $0xffff  }
0x28a: {  	v1 =	vld.idx.msk [tilespmem:v17+s2+$0x0], $0xffff  }
0x28b: {  	s14 =	sadd.s32 $0x70, s14;
	v0 =	vmax.f32 v12, v2;
	v2 =	vld.idx.msk [tilespmem:v18+s2+$0x0], $0xffff  }
0x28c: {  	v8 =	vmax.f32 v8, v11  }
0x28d: {  	v6 =	vmax.f32 v6, v10;
	v8 =	vsub.f32 $1.000000000e+00, v8  }
0x28e: {  	v6 =	vsub.f32 $1.000000000e+00, v6;
	v5 =	vmax.f32 v5, v9  }
0x28f: {  	v5 =	vsub.f32 $1.000000000e+00, v5;
	v3 =	vmax.f32 v7, v3;
	[tilespmem:s12+$0xFFFFFFA0] =	vst v8  }
0x290: {  	[tilespmem:s12+$0xFFFFFFB0] =	vst v6;
	v3 =	vsub.f32 $1.000000000e+00, v3;
	v1 =	vmax.f32 v4, v1  }
0x291: {  	[tilespmem:s12+$0xFFFFFFC0] =	vst v5;
	v1 =	vsub.f32 $1.000000000e+00, v1;
	v0 =	vmax.f32 v0, v2  }
0x292: {  	[tilespmem:s12+$0xFFFFFFD0] =	vst v3;
	v0 =	vsub.f32 $1.000000000e+00, v0  }
0x293: {  	[tilespmem:s12+$0xFFFFFFE0] =	vst v1  }
0x294: {  	[tilespmem:s12+$0xFFFFFFF0] =	vst v0  }
0x295: {  	s13 =	rddreg [dreg:$0xb]  }
0x296: {  	s14 =	simm.s32 $0x0;
	s15 =	sld [smem:$0x7F8]  }
0x297: {  	[hbm4b:s13+s14] =	stream.linear.scatter [tilespmem:s7], [sflag:$0x6], $0x620, $0x38;
	[tilespmem:$0xDC80] =	vst v63  }
0x298: {  	_ = 	snop  }
0x299: {  	[tilespmem:s29], [sflag:$0x4] =	stream.strided.gather [hbm4b:s15+s24], $0x1260, s25, s24, $0x38;
	[tilespmem:$0xDC80] =	vst v63  }
0x29a: {  	_ =	swait.ge [sflag:s8], $0x1260  }
0x29b: {  	[sflag:s8] =	ssyncset.done $0x0  }
0x29c: {  	[sflag:s8] =	ssyncadd.s32 $0xFFFFEDA0  }
0x29d: {  	_ =	swait.ge [sflag:s10], $0x620  }
0x29e: {  	[sflag:s10] =	ssyncset.done $0x0  }
0x29f: {  	s12 =	simm.s32 $0x0;
	[sflag:s10] =	ssyncadd.s32 $0xFFFFF9E0  }
0x2a0: {  	v0 =	vld [tilespmem:s12+$0xABE0]  }
0x2a1: {  	v1 =	vld [tilespmem:s12+$0xB200]  }
0x2a2: {  	v2 =	vld [tilespmem:s12+$0xB820]  }
0x2a3: {  	v3 =	vld [tilespmem:s12+$0xAB80]  }
0x2a4: {  	v4 =	vld [tilespmem:s12+$0xB1A0]  }
0x2a5: {  	v5 =	vld [tilespmem:s12+$0xAB90]  }
0x2a6: {  	v6 =	vld [tilespmem:s12+$0xB1B0]  }
0x2a7: {  	v7 =	vld [tilespmem:s12+$0xABA0]  }
0x2a8: {  	v10 =	vld [tilespmem:s12+$0xABB0]  }
0x2a9: {  	v11 =	vld [tilespmem:s12+$0xB1D0]  }
0x2aa: {  	v12 =	vld [tilespmem:s12+$0xABC0]  }
0x2ab: {  	v13 =	vld [tilespmem:s12+$0xB1E0]  }
0x2ac: {  	v14 =	vld [tilespmem:s12+$0xABD0]  }
0x2ad: {  	v15 =	vld [tilespmem:s12+$0xB1F0]  }
0x2ae: {  	v16 =	vld [tilespmem:s12+$0xB7C0]  }
0x2af: {  	v17 =	vld [tilespmem:s12+$0xB7D0]  }
0x2b0: {  	v18 =	vld [tilespmem:s12+$0xB7E0]  }
0x2b1: {  	v19 =	vld [tilespmem:s12+$0xB7F0]  }
0x2b2: {  	v20 =	vld [tilespmem:s12+$0xB800]  }
0x2b3: {  	v8 =	vld.idx.msk [tilespmem:v0+s2+$0x0], $0xffff  }
0x2b4: {  	v9 =	vld.idx.msk [tilespmem:v1+s2+$0x0], $0xffff  }
0x2b5: {  	v2 =	vld.idx.msk [tilespmem:v2+s2+$0x0], $0xffff  }
0x2b6: {  	v1 =	vld [tilespmem:s12+$0xB1C0]  }
0x2b7: {  	v0 =	vld [tilespmem:s12+$0xB810]  }
0x2b8: {  	v3 =	vld.idx.msk [tilespmem:v3+s2+$0x0], $0xffff  }
0x2b9: {  	v4 =	vld.idx.msk [tilespmem:v4+s2+$0x0], $0xffff  }
0x2ba: {  	v5 =	vld.idx.msk [tilespmem:v5+s2+$0x0], $0xffff  }
0x2bb: {  	v6 =	vld.idx.msk [tilespmem:v6+s2+$0x0], $0xffff  }
0x2bc: {  	v21 =	vld.idx.msk [tilespmem:v7+s2+$0x0], $0xffff  }
0x2bd: {  	v23 =	vld.idx.msk [tilespmem:v10+s2+$0x0], $0xffff  }
0x2be: {  	v24 =	vld.idx.msk [tilespmem:v11+s2+$0x0], $0xffff  }
0x2bf: {  	v25 =	vld.idx.msk [tilespmem:v12+s2+$0x0], $0xffff  }
0x2c0: {  	v13 =	vld.idx.msk [tilespmem:v13+s2+$0x0], $0xffff  }
0x2c1: {  	v7 =	vld.idx.msk [tilespmem:v15+s2+$0x0], $0xffff  }
0x2c2: {  	v12 =	vld.idx.msk [tilespmem:v16+s2+$0x0], $0xffff  }
0x2c3: {  	v22 =	vld.idx.msk [tilespmem:v1+s2+$0x0], $0xffff  }
0x2c4: {  	v8 =	vmax.f32 v8, v9;
	v1 =	vld.idx.msk [tilespmem:v14+s2+$0x0], $0xffff  }
0x2c5: {  	v11 =	vld.idx.msk [tilespmem:v17+s2+$0x0], $0xffff;
	v2 =	vmax.f32 v8, v2  }
0x2c6: {  	v10 =	vld.idx.msk [tilespmem:v18+s2+$0x0], $0xffff;
	v2 =	vsub.f32 $1.000000000e+00, v2  }
0x2c7: {  	v4 =	vmax.f32 v3, v4;
	v3 =	vmax.f32 v5, v6;
	v9 =	vld.idx.msk [tilespmem:v19+s2+$0x0], $0xffff;
	v5 =	vmax.f32 v23, v24  }
0x2c8: {  	s13 =	simm.s32 $0x0;
	s14 =	simm.s32 $0x1C0;
	v6 =	vld.idx.msk [tilespmem:v20+s2+$0x0], $0xffff;
	[tilespmem:s12+$0xD6C0] =	vst v2;
	v2 =	vmax.f32 v25, v13;
	v8 =	vmax.f32 v21, v22  }
.LBB2_16:
0x2c9: {  	s15 =	sshra.s32 s14, $0x2;
	v1 =	vmax.f32 v1, v7;
	v0 =	vld.idx.msk [tilespmem:v0+s2+$0x0], $0xffff  }
0x2ca: {  	s13 =	sadd.s32 $0x70, s13;
	v4 =	vmax.f32 v4, v12;
	v7 =	vld [tilespmem:s15+$0xABE0]  }
0x2cb: {  	p0 =	slt.u32 s13, $0x5B0;
	v4 =	vsub.f32 $1.000000000e+00, v4;
	v3 =	vmax.f32 v3, v11;
	v12 =	vld [tilespmem:s15+$0xB200]  }
0x2cc: {  	v3 =	vsub.f32 $1.000000000e+00, v3;
	v8 =	vmax.f32 v8, v10;
	v11 =	vld [tilespmem:s15+$0xB820]  }
0x2cd: {  	v5 =	vmax.f32 v5, v9;
	v10 =	vld [tilespmem:s15+$0xAB80];
	[tilespmem:s12+$0xD660] =	vst v4;
	v4 =	vsub.f32 $1.000000000e+00, v8  }
0x2ce: {  	v2 =	vmax.f32 v2, v6;
	v8 =	vld [tilespmem:s15+$0xB1A0];
	[tilespmem:s12+$0xD670] =	vst v3;
	v3 =	vsub.f32 $1.000000000e+00, v5  }
0x2cf: {  	v2 =	vsub.f32 $1.000000000e+00, v2;
	v0 =	vmax.f32 v1, v0;
	v5 =	vld [tilespmem:s15+$0xAB90];
	[tilespmem:s12+$0xD680] =	vst v4  }
0x2d0: {  	v0 =	vsub.f32 $1.000000000e+00, v0;
	v1 =	vld [tilespmem:s15+$0xB1B0];
	[tilespmem:s12+$0xD690] =	vst v3  }
0x2d1: {  	v3 =	vld [tilespmem:s15+$0xABA0];
	[tilespmem:s12+$0xD6A0] =	vst v2  }
0x2d2: {  	v2 =	vld.idx.msk [tilespmem:v7+s2+$0x0], $0xffff;
	[tilespmem:s12+$0xD6B0] =	vst v0;
	s12 =	smov.u32 s15  }
0x2d3: {  	v0 =	vld.idx.msk [tilespmem:v12+s2+$0x0], $0xffff  }
0x2d4: {  	v4 =	vld.idx.msk [tilespmem:v11+s2+$0x0], $0xffff  }
0x2d5: {  	v6 =	vld [tilespmem:s12+$0xB1C0]  }
0x2d6: {  	v7 =	vld [tilespmem:s12+$0xABB0]  }
0x2d7: {  	v9 =	vld [tilespmem:s12+$0xB1D0]  }
0x2d8: {  	v11 =	vld [tilespmem:s12+$0xABC0]  }
0x2d9: {  	v0 =	vmax.f32 v2, v0;
	v12 =	vld [tilespmem:s12+$0xB1E0]  }
0x2da: {  	v0 =	vmax.f32 v0, v4;
	v2 =	vld [tilespmem:s12+$0xABD0]  }
0x2db: {  	v0 =	vsub.f32 $1.000000000e+00, v0;
	v13 =	vld [tilespmem:s12+$0xB1F0]  }
0x2dc: {  	v14 =	vld [tilespmem:s12+$0xB7C0]  }
0x2dd: {  	v15 =	vld [tilespmem:s12+$0xB7D0];
	[tilespmem:s12+$0xD6C0] =	vst v0  }
0x2de: {  	v16 =	vld [tilespmem:s12+$0xB7E0]  }
0x2df: {  	v17 =	vld [tilespmem:s12+$0xB7F0]  }
0x2e0: {  	v18 =	vld [tilespmem:s12+$0xB800]  }
0x2e1: {  	v0 =	vld [tilespmem:s12+$0xB810]  }
0x2e2: {  	v4 =	vld.idx.msk [tilespmem:v10+s2+$0x0], $0xffff  }
0x2e3: {  	v8 =	vld.idx.msk [tilespmem:v8+s2+$0x0], $0xffff  }
0x2e4: {  	v5 =	vld.idx.msk [tilespmem:v5+s2+$0x0], $0xffff  }
0x2e5: {  	v1 =	vld.idx.msk [tilespmem:v1+s2+$0x0], $0xffff  }
0x2e6: {  	v10 =	vld.idx.msk [tilespmem:v3+s2+$0x0], $0xffff  }
0x2e7: {  	v6 =	vld.idx.msk [tilespmem:v6+s2+$0x0], $0xffff  }
0x2e8: {  	v19 =	vld.idx.msk [tilespmem:v7+s2+$0x0], $0xffff  }
0x2e9: {  	v4 =	vmax.f32 v4, v8;
	v9 =	vld.idx.msk [tilespmem:v9+s2+$0x0], $0xffff  }
0x2ea: {  	v20 =	vld.idx.msk [tilespmem:v11+s2+$0x0], $0xffff  }
0x2eb: {  	v3 =	vmax.f32 v5, v1;
	v21 =	vld.idx.msk [tilespmem:v12+s2+$0x0], $0xffff  }
0x2ec: {  	v1 =	vld.idx.msk [tilespmem:v2+s2+$0x0], $0xffff  }
0x2ed: {  	v8 =	vmax.f32 v10, v6;
	v7 =	vld.idx.msk [tilespmem:v13+s2+$0x0], $0xffff  }
.Ltmp7:
0x2ee: {  	v12 =	vld.idx.msk [tilespmem:v14+s2+$0x0], $0xffff;
	(pc) =	sbr.rel @p0 .LBB2_16-.Ltmp7, $4  }
0x2ef: {  	v5 =	vmax.f32 v19, v9;
	v11 =	vld.idx.msk [tilespmem:v15+s2+$0x0], $0xffff  }
0x2f0: {  	v10 =	vld.idx.msk [tilespmem:v16+s2+$0x0], $0xffff  }
0x2f1: {  	v2 =	vmax.f32 v20, v21;
	v9 =	vld.idx.msk [tilespmem:v17+s2+$0x0], $0xffff  }
0x2f2: {  	s14 =	sadd.s32 $0x1C0, s14;
	v6 =	vld.idx.msk [tilespmem:v18+s2+$0x0], $0xffff  }
0x2f3: {  	_ =	sdelay $0x3  }
0x2f4: {  	v0 =	vld.idx.msk [tilespmem:v0+s2+$0x0], $0xffff;
	v4 =	vmax.f32 v4, v12  }
0x2f5: {  	v4 =	vsub.f32 $1.000000000e+00, v4;
	v3 =	vmax.f32 v3, v11  }
0x2f6: {  	v3 =	vsub.f32 $1.000000000e+00, v3;
	v8 =	vmax.f32 v8, v10  }
0x2f7: {  	[tilespmem:s12+$0xD660] =	vst v4;
	v4 =	vsub.f32 $1.000000000e+00, v8;
	v5 =	vmax.f32 v5, v9  }
0x2f8: {  	v1 =	vmax.f32 v1, v7;
	[tilespmem:s12+$0xD670] =	vst v3;
	v3 =	vsub.f32 $1.000000000e+00, v5;
	v2 =	vmax.f32 v2, v6  }
0x2f9: {  	[tilespmem:s12+$0xD680] =	vst v4;
	v2 =	vsub.f32 $1.000000000e+00, v2;
	v0 =	vmax.f32 v1, v0  }
0x2fa: {  	[tilespmem:s12+$0xD690] =	vst v3;
	v0 =	vsub.f32 $1.000000000e+00, v0  }
0x2fb: {  	[tilespmem:s12+$0xD6A0] =	vst v2  }
0x2fc: {  	[tilespmem:s12+$0xD6B0] =	vst v0  }
0x2fd: {  	s12 =	rddreg [dreg:$0xc]  }
0x2fe: {  	s14 =	sld [smem:$0x7F9]  }
0x2ff: {  	[hbm4b:s12+s2] =	stream.linear.scatter [tilespmem:s9], [sflag:$0x6], $0x620, $0x38;
	[tilespmem:$0xDC80] =	vst v63  }
0x300: {  	_ = 	snop  }
0x301: {  	[tilespmem:s30], [sflag:$0x5] =	stream.strided.gather [hbm4b:s14+s24], $0x1260, s25, s24, $0x38;
	[tilespmem:$0xDC80] =	vst v63  }
0x302: {  	_ =	swait.ge [sflag:s31], $0x1260  }
0x303: {  	[sflag:s31] =	ssyncset.done $0x0  }
0x304: {  	[sflag:s31] =	ssyncadd.s32 $0xFFFFEDA0  }
0x305: {  	_ =	swait.ge [sflag:s10], $0x620  }
0x306: {  	[sflag:s10] =	ssyncset.done $0x0  }
0x307: {  	s15 =	simm.s32 $0x6850;
	[sflag:s10] =	ssyncadd.s32 $0xFFFFF9E0  }
0x308: {  	v0 =	vld [tilespmem:s15+$0xFFFFFA10]  }
0x309: {  	v1 =	vld [tilespmem:s15+$0x30]  }
0x30a: {  	v2 =	vld [tilespmem:s15+$0x650]  }
0x30b: {  	v3 =	vld [tilespmem:s15+$0xFFFFFFD0]  }
0x30c: {  	v4 =	vld [tilespmem:s15+$0xFFFFF9C0]  }
0x30d: {  	v5 =	vld [tilespmem:s15+$0xFFFFFFE0]  }
0x30e: {  	v6 =	vld [tilespmem:s15+$0xFFFFF9D0]  }
0x30f: {  	v7 =	vld [tilespmem:s15+$0xFFFFFFF0]  }
0x310: {  	v8 =	vld [tilespmem:s15+$0xFFFFF9E0]  }
0x311: {  	v9 =	vld [tilespmem:s15+$0x0]  }
0x312: {  	v10 =	vld [tilespmem:s15+$0xFFFFF9F0]  }
0x313: {  	v11 =	vld [tilespmem:s15+$0x10]  }
0x314: {  	v63 =	vld [tilespmem:s15+$0xFFFFFA00]  }
0x315: {  	v13 =	vld [tilespmem:s15+$0x20]  }
0x316: {  	v14 =	vld [tilespmem:s15+$0xFFFFF9B0]  }
0x317: {  	v15 =	vld [tilespmem:s15+$0x5F0]  }
0x318: {  	v16 =	vld [tilespmem:s15+$0x600]  }
0x319: {  	v17 =	vld [tilespmem:s15+$0x610]  }
0x31a: {  	v18 =	vld [tilespmem:s15+$0x620]  }
0x31b: {  	v19 =	vld [tilespmem:s15+$0x630]  }
0x31c: {  	v20 =	vld [tilespmem:s15+$0x640]  }
0x31d: {  	v0 =	vld.idx.msk [tilespmem:v0+s2+$0x0], $0xffff  }
0x31e: {  	v1 =	vld.idx.msk [tilespmem:v1+s2+$0x0], $0xffff  }
0x31f: {  	v2 =	vld.idx.msk [tilespmem:v2+s2+$0x0], $0xffff  }
0x320: {  	v21 =	vld.idx.msk [tilespmem:v3+s2+$0x0], $0xffff  }
0x321: {  	v14 =	vld.idx.msk [tilespmem:v14+s2+$0x0], $0xffff  }
0x322: {  	v4 =	vld.idx.msk [tilespmem:v4+s2+$0x0], $0xffff  }
0x323: {  	v5 =	vld.idx.msk [tilespmem:v5+s2+$0x0], $0xffff  }
0x324: {  	v22 =	vld.idx.msk [tilespmem:v6+s2+$0x0], $0xffff  }
0x325: {  	v7 =	vld.idx.msk [tilespmem:v7+s2+$0x0], $0xffff  }
0x326: {  	v23 =	vld.idx.msk [tilespmem:v8+s2+$0x0], $0xffff  }
0x327: {  	v24 =	vld.idx.msk [tilespmem:v9+s2+$0x0], $0xffff  }
0x328: {  	v25 =	vld.idx.msk [tilespmem:v10+s2+$0x0], $0xffff  }
0x329: {  	v26 =	vld.idx.msk [tilespmem:v11+s2+$0x0], $0xffff  }
0x32a: {  	v12 =	vld.idx.msk [tilespmem:v63+s2+$0x0], $0xffff  }
0x32b: {  	v13 =	vld.idx.msk [tilespmem:v13+s2+$0x0], $0xffff  }
0x32c: {  	v11 =	vld.idx.msk [tilespmem:v15+s2+$0x0], $0xffff  }
0x32d: {  	v10 =	vld.idx.msk [tilespmem:v16+s2+$0x0], $0xffff;
	v0 =	vmax.f32 v0, v1  }
0x32e: {  	v9 =	vld.idx.msk [tilespmem:v17+s2+$0x0], $0xffff;
	v0 =	vmax.f32 v0, v2  }
0x32f: {  	v3 =	vld.idx.msk [tilespmem:v18+s2+$0x0], $0xffff;
	v8 =	vmax.f32 v14, v21;
	v0 =	vsub.f32 $1.000000000e+00, v0  }
0x330: {  	s12 =	simm.s32 $0xC430;
	v6 =	vmax.f32 v4, v5;
	v5 =	vmax.f32 v22, v7;
	v1 =	vld.idx.msk [tilespmem:v19+s2+$0x0], $0xffff;
	v7 =	vmax.f32 v23, v24  }
0x331: {  	s13 =	simm.s32 $0x0;
	s14 =	simm.s32 $0x68C0;
	v4 =	vmax.f32 v25, v26;
	v2 =	vld.idx.msk [tilespmem:v20+s2+$0x0], $0xffff;
	[tilespmem:s12+$0x30] =	vst v0;
	v0 =	vmax.f32 v12, v13  }
.LBB2_18:
0x332: {  	v12 =	vld [tilespmem:s14+$0xFFFFFA10];
	v8 =	vmax.f32 v8, v11  }
0x333: {  	s13 =	sadd.s32 $0x70, s13;
	v6 =	vmax.f32 v6, v10;
	v11 =	vld [tilespmem:s14+$0x30];
	v8 =	vsub.f32 $1.000000000e+00, v8  }
0x334: {  	p0 =	slt.u32 s13, $0x5B0;
	v6 =	vsub.f32 $1.000000000e+00, v6;
	v5 =	vmax.f32 v5, v9;
	v10 =	vld [tilespmem:s14+$0x650]  }
0x335: {  	v5 =	vsub.f32 $1.000000000e+00, v5;
	v3 =	vmax.f32 v7, v3;
	v9 =	vld [tilespmem:s14+$0xFFFFFFD0];
	[tilespmem:s12+$0xFFFFFFD0] =	vst v8  }
0x336: {  	v3 =	vsub.f32 $1.000000000e+00, v3;
	v1 =	vmax.f32 v4, v1;
	v7 =	vld [tilespmem:s14+$0xFFFFF9C0];
	[tilespmem:s12+$0xFFFFFFE0] =	vst v6  }
0x337: {  	v1 =	vsub.f32 $1.000000000e+00, v1;
	v0 =	vmax.f32 v0, v2;
	v4 =	vld [tilespmem:s14+$0xFFFFFFE0];
	[tilespmem:s12+$0xFFFFFFF0] =	vst v5  }
0x338: {  	v0 =	vsub.f32 $1.000000000e+00, v0;
	v2 =	vld [tilespmem:s14+$0xFFFFF9D0];
	[tilespmem:s12+$0x0] =	vst v3  }
0x339: {  	v3 =	vld [tilespmem:s14+$0xFFFFFFF0];
	[tilespmem:s12+$0x10] =	vst v1  }
0x33a: {  	v1 =	vld.idx.msk [tilespmem:v12+s2+$0x0], $0xffff;
	[tilespmem:s12+$0x20] =	vst v0  }
0x33b: {  	v0 =	vld.idx.msk [tilespmem:v11+s2+$0x0], $0xffff  }
0x33c: {  	v5 =	vld.idx.msk [tilespmem:v10+s2+$0x0], $0xffff  }
0x33d: {  	v6 =	vld [tilespmem:s14+$0xFFFFF9E0]  }
0x33e: {  	v10 =	vld [tilespmem:s14+$0x0]  }
0x33f: {  	v11 =	vld [tilespmem:s14+$0xFFFFF9F0]  }
0x340: {  	v12 =	vld [tilespmem:s14+$0x10]  }
0x341: {  	v0 =	vmax.f32 v1, v0;
	v13 =	vld [tilespmem:s14+$0xFFFFFA00]  }
0x342: {  	v0 =	vmax.f32 v0, v5;
	v1 =	vld [tilespmem:s14+$0x20]  }
0x343: {  	v0 =	vsub.f32 $1.000000000e+00, v0;
	v5 =	vld [tilespmem:s14+$0xFFFFF9B0]  }
0x344: {  	s12 =	sadd.s32 $0x70, s12;
	v14 =	vld [tilespmem:s14+$0x5F0]  }
0x345: {  	v15 =	vld [tilespmem:s14+$0x600];
	[tilespmem:s12+$0x30] =	vst v0  }
0x346: {  	v0 =	vld [tilespmem:s14+$0x610]  }
0x347: {  	v16 =	vld [tilespmem:s14+$0x620]  }
0x348: {  	v17 =	vld [tilespmem:s14+$0x630]  }
0x349: {  	v18 =	vld [tilespmem:s14+$0x640]  }
0x34a: {  	v8 =	vld.idx.msk [tilespmem:v9+s2+$0x0], $0xffff  }
0x34b: {  	v5 =	vld.idx.msk [tilespmem:v5+s2+$0x0], $0xffff  }
0x34c: {  	v7 =	vld.idx.msk [tilespmem:v7+s2+$0x0], $0xffff  }
0x34d: {  	v4 =	vld.idx.msk [tilespmem:v4+s2+$0x0], $0xffff  }
0x34e: {  	v2 =	vld.idx.msk [tilespmem:v2+s2+$0x0], $0xffff  }
0x34f: {  	v3 =	vld.idx.msk [tilespmem:v3+s2+$0x0], $0xffff  }
0x350: {  	v9 =	vld.idx.msk [tilespmem:v6+s2+$0x0], $0xffff  }
0x351: {  	v8 =	vmax.f32 v5, v8;
	v19 =	vld.idx.msk [tilespmem:v10+s2+$0x0], $0xffff  }
0x352: {  	v20 =	vld.idx.msk [tilespmem:v11+s2+$0x0], $0xffff  }
0x353: {  	v6 =	vmax.f32 v7, v4;
	v4 =	vld.idx.msk [tilespmem:v12+s2+$0x0], $0xffff  }
0x354: {  	v12 =	vld.idx.msk [tilespmem:v13+s2+$0x0], $0xffff  }
0x355: {  	v5 =	vmax.f32 v2, v3;
	v2 =	vld.idx.msk [tilespmem:v1+s2+$0x0], $0xffff  }
0x356: {  	v11 =	vld.idx.msk [tilespmem:v14+s2+$0x0], $0xffff  }
.Ltmp8:
0x357: {  	v7 =	vmax.f32 v9, v19;
	v10 =	vld.idx.msk [tilespmem:v15+s2+$0x0], $0xffff;
	(pc) =	sbr.rel @p0 .LBB2_18-.Ltmp8, $4  }
0x358: {  	v9 =	vld.idx.msk [tilespmem:v0+s2+$0x0], $0xffff  }
0x359: {  	v4 =	vmax.f32 v20, v4;
	v3 =	vld.idx.msk [tilespmem:v16+s2+$0x0], $0xffff  }
0x35a: {  	v1 =	vld.idx.msk [tilespmem:v17+s2+$0x0], $0xffff  }
0x35b: {  	s14 =	sadd.s32 $0x70, s14;
	v0 =	vmax.f32 v12, v2;
	v2 =	vld.idx.msk [tilespmem:v18+s2+$0x0], $0xffff  }
0x35c: {  	v8 =	vmax.f32 v8, v11  }
0x35d: {  	v6 =	vmax.f32 v6, v10;
	v8 =	vsub.f32 $1.000000000e+00, v8  }
0x35e: {  	v6 =	vsub.f32 $1.000000000e+00, v6;
	v5 =	vmax.f32 v5, v9  }
0x35f: {  	v5 =	vsub.f32 $1.000000000e+00, v5;
	v3 =	vmax.f32 v7, v3;
	[tilespmem:s12+$0xFFFFFFD0] =	vst v8  }
0x360: {  	[tilespmem:s12+$0xFFFFFFE0] =	vst v6;
	v3 =	vsub.f32 $1.000000000e+00, v3;
	v1 =	vmax.f32 v4, v1  }
0x361: {  	[tilespmem:s12+$0xFFFFFFF0] =	vst v5;
	v1 =	vsub.f32 $1.000000000e+00, v1;
	v0 =	vmax.f32 v0, v2  }
0x362: {  	[tilespmem:s12+$0x0] =	vst v3;
	v0 =	vsub.f32 $1.000000000e+00, v0  }
0x363: {  	[tilespmem:s12+$0x10] =	vst v1  }
0x364: {  	[tilespmem:s12+$0x20] =	vst v0  }
0x365: {  	s12 =	rddreg [dreg:$0xd]  }
0x366: {  	s14 =	sld [smem:$0x7FA]  }
0x367: {  	[hbm4b:s12+s2] =	stream.linear.scatter [tilespmem:s0], [sflag:$0x6], $0x620, $0x38;
	[tilespmem:$0xDC80] =	vst v63  }
0x368: {  	_ = 	snop  }
0x369: {  	[tilespmem:s26], [sflag:$0x2] =	stream.strided.gather [hbm4b:s14+s24], $0x1880, s25, s24, $0x38;
	[tilespmem:$0xDC80] =	vst v63  }
0x36a: {  	_ =	swait.ge [sflag:s3], $0x1260  }
0x36b: {  	[sflag:s3] =	ssyncset.done $0x0  }
0x36c: {  	[sflag:s3] =	ssyncadd.s32 $0xFFFFEDA0  }
0x36d: {  	_ =	swait.ge [sflag:s10], $0x620  }
0x36e: {  	[sflag:s10] =	ssyncset.done $0x0  }
0x36f: {  	s15 =	simm.s32 $0x8720;
	[sflag:s10] =	ssyncadd.s32 $0xFFFFF9E0  }
0x370: {  	v0 =	vld [tilespmem:s15+$0xFFFFF3C0]  }
0x371: {  	v1 =	vld [tilespmem:s15+$0xFFFFF9E0]  }
0x372: {  	v2 =	vld [tilespmem:s15+$0x0]  }
0x373: {  	v3 =	vld [tilespmem:s15+$0xFFFFF980]  }
0x374: {  	v4 =	vld [tilespmem:s15+$0xFFFFF370]  }
0x375: {  	v5 =	vld [tilespmem:s15+$0xFFFFF990]  }
0x376: {  	v6 =	vld [tilespmem:s15+$0xFFFFF380]  }
0x377: {  	v7 =	vld [tilespmem:s15+$0xFFFFF9A0]  }
0x378: {  	v8 =	vld [tilespmem:s15+$0xFFFFF390]  }
0x379: {  	v9 =	vld [tilespmem:s15+$0xFFFFF9B0]  }
0x37a: {  	v10 =	vld [tilespmem:s15+$0xFFFFF3A0]  }
0x37b: {  	v11 =	vld [tilespmem:s15+$0xFFFFF9C0]  }
0x37c: {  	v12 =	vld [tilespmem:s15+$0xFFFFF3B0]  }
0x37d: {  	v13 =	vld [tilespmem:s15+$0xFFFFF9D0]  }
0x37e: {  	v14 =	vld [tilespmem:s15+$0xFFFFF360]  }
0x37f: {  	v15 =	vld [tilespmem:s15+$0xFFFFFFA0]  }
0x380: {  	v16 =	vld [tilespmem:s15+$0xFFFFFFB0]  }
0x381: {  	v17 =	vld [tilespmem:s15+$0xFFFFFFC0]  }
0x382: {  	v18 =	vld [tilespmem:s15+$0xFFFFFFD0]  }
0x383: {  	v19 =	vld [tilespmem:s15+$0xFFFFFFE0]  }
0x384: {  	v20 =	vld [tilespmem:s15+$0xFFFFFFF0]  }
0x385: {  	v0 =	vld.idx.msk [tilespmem:v0+s2+$0x0], $0xffff  }
0x386: {  	v1 =	vld.idx.msk [tilespmem:v1+s2+$0x0], $0xffff  }
0x387: {  	v2 =	vld.idx.msk [tilespmem:v2+s2+$0x0], $0xffff  }
0x388: {  	v21 =	vld.idx.msk [tilespmem:v3+s2+$0x0], $0xffff  }
0x389: {  	v14 =	vld.idx.msk [tilespmem:v14+s2+$0x0], $0xffff  }
0x38a: {  	v4 =	vld.idx.msk [tilespmem:v4+s2+$0x0], $0xffff  }
0x38b: {  	v5 =	vld.idx.msk [tilespmem:v5+s2+$0x0], $0xffff  }
0x38c: {  	v22 =	vld.idx.msk [tilespmem:v6+s2+$0x0], $0xffff  }
0x38d: {  	v7 =	vld.idx.msk [tilespmem:v7+s2+$0x0], $0xffff  }
0x38e: {  	v23 =	vld.idx.msk [tilespmem:v8+s2+$0x0], $0xffff  }
0x38f: {  	v24 =	vld.idx.msk [tilespmem:v9+s2+$0x0], $0xffff  }
0x390: {  	v25 =	vld.idx.msk [tilespmem:v10+s2+$0x0], $0xffff  }
0x391: {  	v26 =	vld.idx.msk [tilespmem:v11+s2+$0x0], $0xffff  }
0x392: {  	v12 =	vld.idx.msk [tilespmem:v12+s2+$0x0], $0xffff  }
0x393: {  	v13 =	vld.idx.msk [tilespmem:v13+s2+$0x0], $0xffff  }
0x394: {  	v11 =	vld.idx.msk [tilespmem:v15+s2+$0x0], $0xffff  }
0x395: {  	v10 =	vld.idx.msk [tilespmem:v16+s2+$0x0], $0xffff;
	v0 =	vmax.f32 v0, v1  }
0x396: {  	v9 =	vld.idx.msk [tilespmem:v17+s2+$0x0], $0xffff;
	v0 =	vmax.f32 v0, v2  }
0x397: {  	v3 =	vld.idx.msk [tilespmem:v18+s2+$0x0], $0xffff;
	v8 =	vmax.f32 v14, v21;
	v0 =	vsub.f32 $1.000000000e+00, v0  }
0x398: {  	s12 =	simm.s32 $0xCA80;
	v6 =	vmax.f32 v4, v5;
	v5 =	vmax.f32 v22, v7;
	v1 =	vld.idx.msk [tilespmem:v19+s2+$0x0], $0xffff;
	v7 =	vmax.f32 v23, v24  }
0x399: {  	s13 =	simm.s32 $0x0;
	s14 =	simm.s32 $0x8790;
	v4 =	vmax.f32 v25, v26;
	v2 =	vld.idx.msk [tilespmem:v20+s2+$0x0], $0xffff;
	[tilespmem:s12+$0x0] =	vst v0;
	v0 =	vmax.f32 v12, v13  }
.LBB2_20:
0x39a: {  	v12 =	vld [tilespmem:s14+$0xFFFFF3C0];
	v8 =	vmax.f32 v8, v11  }
0x39b: {  	s13 =	sadd.s32 $0x70, s13;
	v6 =	vmax.f32 v6, v10;
	v11 =	vld [tilespmem:s14+$0xFFFFF9E0];
	v8 =	vsub.f32 $1.000000000e+00, v8  }
0x39c: {  	p0 =	slt.u32 s13, $0x5B0;
	v6 =	vsub.f32 $1.000000000e+00, v6;
	v5 =	vmax.f32 v5, v9;
	v10 =	vld [tilespmem:s14+$0x0]  }
0x39d: {  	v5 =	vsub.f32 $1.000000000e+00, v5;
	v3 =	vmax.f32 v7, v3;
	v9 =	vld [tilespmem:s14+$0xFFFFF980];
	[tilespmem:s12+$0xFFFFFFA0] =	vst v8  }
0x39e: {  	v3 =	vsub.f32 $1.000000000e+00, v3;
	v1 =	vmax.f32 v4, v1;
	v7 =	vld [tilespmem:s14+$0xFFFFF370];
	[tilespmem:s12+$0xFFFFFFB0] =	vst v6  }
0x39f: {  	v1 =	vsub.f32 $1.000000000e+00, v1;
	v0 =	vmax.f32 v0, v2;
	v4 =	vld [tilespmem:s14+$0xFFFFF990];
	[tilespmem:s12+$0xFFFFFFC0] =	vst v5  }
0x3a0: {  	v0 =	vsub.f32 $1.000000000e+00, v0;
	v2 =	vld [tilespmem:s14+$0xFFFFF380];
	[tilespmem:s12+$0xFFFFFFD0] =	vst v3  }
0x3a1: {  	v3 =	vld [tilespmem:s14+$0xFFFFF9A0];
	[tilespmem:s12+$0xFFFFFFE0] =	vst v1  }
0x3a2: {  	v1 =	vld.idx.msk [tilespmem:v12+s2+$0x0], $0xffff;
	[tilespmem:s12+$0xFFFFFFF0] =	vst v0  }
0x3a3: {  	v0 =	vld.idx.msk [tilespmem:v11+s2+$0x0], $0xffff  }
0x3a4: {  	v5 =	vld.idx.msk [tilespmem:v10+s2+$0x0], $0xffff  }
0x3a5: {  	v6 =	vld [tilespmem:s14+$0xFFFFF390]  }
0x3a6: {  	v10 =	vld [tilespmem:s14+$0xFFFFF9B0]  }
0x3a7: {  	v11 =	vld [tilespmem:s14+$0xFFFFF3A0]  }
0x3a8: {  	v12 =	vld [tilespmem:s14+$0xFFFFF9C0]  }
0x3a9: {  	v0 =	vmax.f32 v1, v0;
	v13 =	vld [tilespmem:s14+$0xFFFFF3B0]  }
0x3aa: {  	v0 =	vmax.f32 v0, v5;
	v1 =	vld [tilespmem:s14+$0xFFFFF9D0]  }
0x3ab: {  	v0 =	vsub.f32 $1.000000000e+00, v0;
	v5 =	vld [tilespmem:s14+$0xFFFFF360]  }
0x3ac: {  	s12 =	sadd.s32 $0x70, s12;
	v14 =	vld [tilespmem:s14+$0xFFFFFFA0]  }
0x3ad: {  	v15 =	vld [tilespmem:s14+$0xFFFFFFB0];
	[tilespmem:s12+$0x0] =	vst v0  }
0x3ae: {  	v0 =	vld [tilespmem:s14+$0xFFFFFFC0]  }
0x3af: {  	v16 =	vld [tilespmem:s14+$0xFFFFFFD0]  }
0x3b0: {  	v17 =	vld [tilespmem:s14+$0xFFFFFFE0]  }
0x3b1: {  	v18 =	vld [tilespmem:s14+$0xFFFFFFF0]  }
0x3b2: {  	v8 =	vld.idx.msk [tilespmem:v9+s2+$0x0], $0xffff  }
0x3b3: {  	v5 =	vld.idx.msk [tilespmem:v5+s2+$0x0], $0xffff  }
0x3b4: {  	v7 =	vld.idx.msk [tilespmem:v7+s2+$0x0], $0xffff  }
0x3b5: {  	v4 =	vld.idx.msk [tilespmem:v4+s2+$0x0], $0xffff  }
0x3b6: {  	v2 =	vld.idx.msk [tilespmem:v2+s2+$0x0], $0xffff  }
0x3b7: {  	v3 =	vld.idx.msk [tilespmem:v3+s2+$0x0], $0xffff  }
0x3b8: {  	v9 =	vld.idx.msk [tilespmem:v6+s2+$0x0], $0xffff  }
0x3b9: {  	v8 =	vmax.f32 v5, v8;
	v19 =	vld.idx.msk [tilespmem:v10+s2+$0x0], $0xffff  }
0x3ba: {  	v20 =	vld.idx.msk [tilespmem:v11+s2+$0x0], $0xffff  }
0x3bb: {  	v6 =	vmax.f32 v7, v4;
	v4 =	vld.idx.msk [tilespmem:v12+s2+$0x0], $0xffff  }
0x3bc: {  	v12 =	vld.idx.msk [tilespmem:v13+s2+$0x0], $0xffff  }
0x3bd: {  	v5 =	vmax.f32 v2, v3;
	v2 =	vld.idx.msk [tilespmem:v1+s2+$0x0], $0xffff  }
0x3be: {  	v11 =	vld.idx.msk [tilespmem:v14+s2+$0x0], $0xffff  }
.Ltmp9:
0x3bf: {  	v7 =	vmax.f32 v9, v19;
	v10 =	vld.idx.msk [tilespmem:v15+s2+$0x0], $0xffff;
	(pc) =	sbr.rel @p0 .LBB2_20-.Ltmp9, $4  }
0x3c0: {  	v9 =	vld.idx.msk [tilespmem:v0+s2+$0x0], $0xffff  }
0x3c1: {  	v4 =	vmax.f32 v20, v4;
	v3 =	vld.idx.msk [tilespmem:v16+s2+$0x0], $0xffff  }
0x3c2: {  	v1 =	vld.idx.msk [tilespmem:v17+s2+$0x0], $0xffff  }
0x3c3: {  	s14 =	sadd.s32 $0x70, s14;
	v0 =	vmax.f32 v12, v2;
	v2 =	vld.idx.msk [tilespmem:v18+s2+$0x0], $0xffff  }
0x3c4: {  	v8 =	vmax.f32 v8, v11  }
0x3c5: {  	v6 =	vmax.f32 v6, v10;
	v8 =	vsub.f32 $1.000000000e+00, v8  }
0x3c6: {  	v6 =	vsub.f32 $1.000000000e+00, v6;
	v5 =	vmax.f32 v5, v9  }
0x3c7: {  	v5 =	vsub.f32 $1.000000000e+00, v5;
	v3 =	vmax.f32 v7, v3;
	[tilespmem:s12+$0xFFFFFFA0] =	vst v8  }
0x3c8: {  	[tilespmem:s12+$0xFFFFFFB0] =	vst v6;
	v3 =	vsub.f32 $1.000000000e+00, v3;
	v1 =	vmax.f32 v4, v1  }
0x3c9: {  	[tilespmem:s12+$0xFFFFFFC0] =	vst v5;
	v1 =	vsub.f32 $1.000000000e+00, v1;
	v0 =	vmax.f32 v0, v2  }
0x3ca: {  	[tilespmem:s12+$0xFFFFFFD0] =	vst v3;
	v0 =	vsub.f32 $1.000000000e+00, v0  }
0x3cb: {  	[tilespmem:s12+$0xFFFFFFE0] =	vst v1  }
0x3cc: {  	[tilespmem:s12+$0xFFFFFFF0] =	vst v0  }
0x3cd: {  	s12 =	rddreg [dreg:$0xe]  }
0x3ce: {  	s14 =	sld [smem:$0x7FB]  }
0x3cf: {  	[hbm4b:s12+s2] =	stream.linear.scatter [tilespmem:s5], [sflag:$0x6], $0x620, $0x38;
	[tilespmem:$0xDC80] =	vst v63  }
0x3d0: {  	_ = 	snop  }
0x3d1: {  	[tilespmem:s28], [sflag:$0x3] =	stream.strided.gather [hbm4b:s14+s24], $0x1880, s25, s24, $0x38;
	[tilespmem:$0xDC80] =	vst v63  }
0x3d2: {  	_ =	swait.ge [sflag:s6], $0x1260  }
0x3d3: {  	[sflag:s6] =	ssyncset.done $0x0  }
0x3d4: {  	[sflag:s6] =	ssyncadd.s32 $0xFFFFEDA0  }
0x3d5: {  	_ =	swait.ge [sflag:s10], $0x620  }
0x3d6: {  	[sflag:s10] =	ssyncset.done $0x0  }
0x3d7: {  	s15 =	simm.s32 $0x9FA0;
	[sflag:s10] =	ssyncadd.s32 $0xFFFFF9E0  }
0x3d8: {  	v0 =	vld [tilespmem:s15+$0xFFFFF3C0]  }
0x3d9: {  	v1 =	vld [tilespmem:s15+$0xFFFFF9E0]  }
0x3da: {  	v2 =	vld [tilespmem:s15+$0x0]  }
0x3db: {  	v3 =	vld [tilespmem:s15+$0xFFFFF980]  }
0x3dc: {  	v4 =	vld [tilespmem:s15+$0xFFFFF370]  }
0x3dd: {  	v5 =	vld [tilespmem:s15+$0xFFFFF990]  }
0x3de: {  	v6 =	vld [tilespmem:s15+$0xFFFFF380]  }
0x3df: {  	v7 =	vld [tilespmem:s15+$0xFFFFF9A0]  }
0x3e0: {  	v8 =	vld [tilespmem:s15+$0xFFFFF390]  }
0x3e1: {  	v9 =	vld [tilespmem:s15+$0xFFFFF9B0]  }
0x3e2: {  	v10 =	vld [tilespmem:s15+$0xFFFFF3A0]  }
0x3e3: {  	v11 =	vld [tilespmem:s15+$0xFFFFF9C0]  }
0x3e4: {  	v12 =	vld [tilespmem:s15+$0xFFFFF3B0]  }
0x3e5: {  	v13 =	vld [tilespmem:s15+$0xFFFFF9D0]  }
0x3e6: {  	v14 =	vld [tilespmem:s15+$0xFFFFF360]  }
0x3e7: {  	v15 =	vld [tilespmem:s15+$0xFFFFFFA0]  }
0x3e8: {  	v16 =	vld [tilespmem:s15+$0xFFFFFFB0]  }
0x3e9: {  	v17 =	vld [tilespmem:s15+$0xFFFFFFC0]  }
0x3ea: {  	v18 =	vld [tilespmem:s15+$0xFFFFFFD0]  }
0x3eb: {  	v19 =	vld [tilespmem:s15+$0xFFFFFFE0]  }
0x3ec: {  	v20 =	vld [tilespmem:s15+$0xFFFFFFF0]  }
0x3ed: {  	v0 =	vld.idx.msk [tilespmem:v0+s2+$0x0], $0xffff  }
0x3ee: {  	v1 =	vld.idx.msk [tilespmem:v1+s2+$0x0], $0xffff  }
0x3ef: {  	v2 =	vld.idx.msk [tilespmem:v2+s2+$0x0], $0xffff  }
0x3f0: {  	v21 =	vld.idx.msk [tilespmem:v3+s2+$0x0], $0xffff  }
0x3f1: {  	v14 =	vld.idx.msk [tilespmem:v14+s2+$0x0], $0xffff  }
0x3f2: {  	v4 =	vld.idx.msk [tilespmem:v4+s2+$0x0], $0xffff  }
0x3f3: {  	v5 =	vld.idx.msk [tilespmem:v5+s2+$0x0], $0xffff  }
0x3f4: {  	v22 =	vld.idx.msk [tilespmem:v6+s2+$0x0], $0xffff  }
0x3f5: {  	v7 =	vld.idx.msk [tilespmem:v7+s2+$0x0], $0xffff  }
0x3f6: {  	v23 =	vld.idx.msk [tilespmem:v8+s2+$0x0], $0xffff  }
0x3f7: {  	v24 =	vld.idx.msk [tilespmem:v9+s2+$0x0], $0xffff  }
0x3f8: {  	v25 =	vld.idx.msk [tilespmem:v10+s2+$0x0], $0xffff  }
0x3f9: {  	v26 =	vld.idx.msk [tilespmem:v11+s2+$0x0], $0xffff  }
0x3fa: {  	v12 =	vld.idx.msk [tilespmem:v12+s2+$0x0], $0xffff  }
0x3fb: {  	v13 =	vld.idx.msk [tilespmem:v13+s2+$0x0], $0xffff  }
0x3fc: {  	v11 =	vld.idx.msk [tilespmem:v15+s2+$0x0], $0xffff  }
0x3fd: {  	v10 =	vld.idx.msk [tilespmem:v16+s2+$0x0], $0xffff;
	v0 =	vmax.f32 v0, v1  }
0x3fe: {  	v9 =	vld.idx.msk [tilespmem:v17+s2+$0x0], $0xffff;
	v0 =	vmax.f32 v0, v2  }
0x3ff: {  	v3 =	vld.idx.msk [tilespmem:v18+s2+$0x0], $0xffff;
	v8 =	vmax.f32 v14, v21;
	v0 =	vsub.f32 $1.000000000e+00, v0  }
0x400: {  	s12 =	simm.s32 $0xD0A0;
	v6 =	vmax.f32 v4, v5;
	v5 =	vmax.f32 v22, v7;
	v1 =	vld.idx.msk [tilespmem:v19+s2+$0x0], $0xffff;
	v7 =	vmax.f32 v23, v24  }
0x401: {  	s13 =	simm.s32 $0x0;
	s14 =	simm.s32 $0xA010;
	v4 =	vmax.f32 v25, v26;
	v2 =	vld.idx.msk [tilespmem:v20+s2+$0x0], $0xffff;
	[tilespmem:s12+$0x0] =	vst v0;
	v0 =	vmax.f32 v12, v13  }
.LBB2_22:
0x402: {  	v12 =	vld [tilespmem:s14+$0xFFFFF3C0];
	v8 =	vmax.f32 v8, v11  }
0x403: {  	s13 =	sadd.s32 $0x70, s13;
	v6 =	vmax.f32 v6, v10;
	v11 =	vld [tilespmem:s14+$0xFFFFF9E0];
	v8 =	vsub.f32 $1.000000000e+00, v8  }
0x404: {  	p0 =	slt.u32 s13, $0x5B0;
	v6 =	vsub.f32 $1.000000000e+00, v6;
	v5 =	vmax.f32 v5, v9;
	v10 =	vld [tilespmem:s14+$0x0]  }
0x405: {  	v5 =	vsub.f32 $1.000000000e+00, v5;
	v3 =	vmax.f32 v7, v3;
	v9 =	vld [tilespmem:s14+$0xFFFFF980];
	[tilespmem:s12+$0xFFFFFFA0] =	vst v8  }
0x406: {  	v3 =	vsub.f32 $1.000000000e+00, v3;
	v1 =	vmax.f32 v4, v1;
	v7 =	vld [tilespmem:s14+$0xFFFFF370];
	[tilespmem:s12+$0xFFFFFFB0] =	vst v6  }
0x407: {  	v1 =	vsub.f32 $1.000000000e+00, v1;
	v0 =	vmax.f32 v0, v2;
	v4 =	vld [tilespmem:s14+$0xFFFFF990];
	[tilespmem:s12+$0xFFFFFFC0] =	vst v5  }
0x408: {  	v0 =	vsub.f32 $1.000000000e+00, v0;
	v2 =	vld [tilespmem:s14+$0xFFFFF380];
	[tilespmem:s12+$0xFFFFFFD0] =	vst v3  }
0x409: {  	v3 =	vld [tilespmem:s14+$0xFFFFF9A0];
	[tilespmem:s12+$0xFFFFFFE0] =	vst v1  }
0x40a: {  	v1 =	vld.idx.msk [tilespmem:v12+s2+$0x0], $0xffff;
	[tilespmem:s12+$0xFFFFFFF0] =	vst v0  }
0x40b: {  	v0 =	vld.idx.msk [tilespmem:v11+s2+$0x0], $0xffff  }
0x40c: {  	v5 =	vld.idx.msk [tilespmem:v10+s2+$0x0], $0xffff  }
0x40d: {  	v6 =	vld [tilespmem:s14+$0xFFFFF390]  }
0x40e: {  	v10 =	vld [tilespmem:s14+$0xFFFFF9B0]  }
0x40f: {  	v11 =	vld [tilespmem:s14+$0xFFFFF3A0]  }
0x410: {  	v12 =	vld [tilespmem:s14+$0xFFFFF9C0]  }
0x411: {  	v0 =	vmax.f32 v1, v0;
	v13 =	vld [tilespmem:s14+$0xFFFFF3B0]  }
0x412: {  	v0 =	vmax.f32 v0, v5;
	v1 =	vld [tilespmem:s14+$0xFFFFF9D0]  }
0x413: {  	v0 =	vsub.f32 $1.000000000e+00, v0;
	v5 =	vld [tilespmem:s14+$0xFFFFF360]  }
0x414: {  	s12 =	sadd.s32 $0x70, s12;
	v14 =	vld [tilespmem:s14+$0xFFFFFFA0]  }
0x415: {  	v15 =	vld [tilespmem:s14+$0xFFFFFFB0];
	[tilespmem:s12+$0x0] =	vst v0  }
0x416: {  	v0 =	vld [tilespmem:s14+$0xFFFFFFC0]  }
0x417: {  	v16 =	vld [tilespmem:s14+$0xFFFFFFD0]  }
0x418: {  	v17 =	vld [tilespmem:s14+$0xFFFFFFE0]  }
0x419: {  	v18 =	vld [tilespmem:s14+$0xFFFFFFF0]  }
0x41a: {  	v8 =	vld.idx.msk [tilespmem:v9+s2+$0x0], $0xffff  }
0x41b: {  	v5 =	vld.idx.msk [tilespmem:v5+s2+$0x0], $0xffff  }
0x41c: {  	v7 =	vld.idx.msk [tilespmem:v7+s2+$0x0], $0xffff  }
0x41d: {  	v4 =	vld.idx.msk [tilespmem:v4+s2+$0x0], $0xffff  }
0x41e: {  	v2 =	vld.idx.msk [tilespmem:v2+s2+$0x0], $0xffff  }
0x41f: {  	v3 =	vld.idx.msk [tilespmem:v3+s2+$0x0], $0xffff  }
0x420: {  	v9 =	vld.idx.msk [tilespmem:v6+s2+$0x0], $0xffff  }
0x421: {  	v8 =	vmax.f32 v5, v8;
	v19 =	vld.idx.msk [tilespmem:v10+s2+$0x0], $0xffff  }
0x422: {  	v20 =	vld.idx.msk [tilespmem:v11+s2+$0x0], $0xffff  }
0x423: {  	v6 =	vmax.f32 v7, v4;
	v4 =	vld.idx.msk [tilespmem:v12+s2+$0x0], $0xffff  }
0x424: {  	v12 =	vld.idx.msk [tilespmem:v13+s2+$0x0], $0xffff  }
0x425: {  	v5 =	vmax.f32 v2, v3;
	v2 =	vld.idx.msk [tilespmem:v1+s2+$0x0], $0xffff  }
0x426: {  	v11 =	vld.idx.msk [tilespmem:v14+s2+$0x0], $0xffff  }
.Ltmp10:
0x427: {  	v7 =	vmax.f32 v9, v19;
	v10 =	vld.idx.msk [tilespmem:v15+s2+$0x0], $0xffff;
	(pc) =	sbr.rel @p0 .LBB2_22-.Ltmp10, $4  }
0x428: {  	v9 =	vld.idx.msk [tilespmem:v0+s2+$0x0], $0xffff  }
0x429: {  	v4 =	vmax.f32 v20, v4;
	v3 =	vld.idx.msk [tilespmem:v16+s2+$0x0], $0xffff  }
0x42a: {  	v1 =	vld.idx.msk [tilespmem:v17+s2+$0x0], $0xffff  }
0x42b: {  	s14 =	sadd.s32 $0x70, s14;
	v0 =	vmax.f32 v12, v2;
	v2 =	vld.idx.msk [tilespmem:v18+s2+$0x0], $0xffff  }
0x42c: {  	v8 =	vmax.f32 v8, v11  }
0x42d: {  	v6 =	vmax.f32 v6, v10;
	v8 =	vsub.f32 $1.000000000e+00, v8  }
0x42e: {  	v6 =	vsub.f32 $1.000000000e+00, v6;
	v5 =	vmax.f32 v5, v9  }
0x42f: {  	v5 =	vsub.f32 $1.000000000e+00, v5;
	v3 =	vmax.f32 v7, v3;
	[tilespmem:s12+$0xFFFFFFA0] =	vst v8  }
0x430: {  	[tilespmem:s12+$0xFFFFFFB0] =	vst v6;
	v3 =	vsub.f32 $1.000000000e+00, v3;
	v1 =	vmax.f32 v4, v1  }
0x431: {  	[tilespmem:s12+$0xFFFFFFC0] =	vst v5;
	v1 =	vsub.f32 $1.000000000e+00, v1;
	v0 =	vmax.f32 v0, v2  }
0x432: {  	[tilespmem:s12+$0xFFFFFFD0] =	vst v3;
	v0 =	vsub.f32 $1.000000000e+00, v0  }
0x433: {  	[tilespmem:s12+$0xFFFFFFE0] =	vst v1  }
0x434: {  	[tilespmem:s12+$0xFFFFFFF0] =	vst v0  }
0x435: {  	s13 =	rddreg [dreg:$0xf]  }
0x436: {  	s14 =	simm.s32 $0x0;
	s15 =	sld [smem:$0x7FC]  }
0x437: {  	[hbm4b:s13+s14] =	stream.linear.scatter [tilespmem:s7], [sflag:$0x6], $0x620, $0x38;
	[tilespmem:$0xDC80] =	vst v63  }
0x438: {  	_ = 	snop  }
0x439: {  	[tilespmem:s29], [sflag:$0x4] =	stream.strided.gather [hbm4b:s15+s24], $0x1880, s25, s24, $0x38;
	[tilespmem:$0xDC80] =	vst v63  }
0x43a: {  	_ =	swait.ge [sflag:s8], $0x1260  }
0x43b: {  	[sflag:s8] =	ssyncset.done $0x0  }
0x43c: {  	[sflag:s8] =	ssyncadd.s32 $0xFFFFEDA0  }
0x43d: {  	_ =	swait.ge [sflag:s10], $0x620  }
0x43e: {  	[sflag:s10] =	ssyncset.done $0x0  }
0x43f: {  	s12 =	simm.s32 $0x0;
	[sflag:s10] =	ssyncadd.s32 $0xFFFFF9E0  }
0x440: {  	v0 =	vld [tilespmem:s12+$0xABE0]  }
0x441: {  	v1 =	vld [tilespmem:s12+$0xB200]  }
0x442: {  	v2 =	vld [tilespmem:s12+$0xB820]  }
0x443: {  	v3 =	vld [tilespmem:s12+$0xAB80]  }
0x444: {  	v4 =	vld [tilespmem:s12+$0xB1A0]  }
0x445: {  	v5 =	vld [tilespmem:s12+$0xAB90]  }
0x446: {  	v6 =	vld [tilespmem:s12+$0xB1B0]  }
0x447: {  	v7 =	vld [tilespmem:s12+$0xABA0]  }
0x448: {  	v10 =	vld [tilespmem:s12+$0xABB0]  }
0x449: {  	v11 =	vld [tilespmem:s12+$0xB1D0]  }
0x44a: {  	v12 =	vld [tilespmem:s12+$0xABC0]  }
0x44b: {  	v13 =	vld [tilespmem:s12+$0xB1E0]  }
0x44c: {  	v14 =	vld [tilespmem:s12+$0xABD0]  }
0x44d: {  	v15 =	vld [tilespmem:s12+$0xB1F0]  }
0x44e: {  	v16 =	vld [tilespmem:s12+$0xB7C0]  }
0x44f: {  	v17 =	vld [tilespmem:s12+$0xB7D0]  }
0x450: {  	v18 =	vld [tilespmem:s12+$0xB7E0]  }
0x451: {  	v19 =	vld [tilespmem:s12+$0xB7F0]  }
0x452: {  	v20 =	vld [tilespmem:s12+$0xB800]  }
0x453: {  	v8 =	vld.idx.msk [tilespmem:v0+s2+$0x0], $0xffff  }
0x454: {  	v9 =	vld.idx.msk [tilespmem:v1+s2+$0x0], $0xffff  }
0x455: {  	v2 =	vld.idx.msk [tilespmem:v2+s2+$0x0], $0xffff  }
0x456: {  	v1 =	vld [tilespmem:s12+$0xB1C0]  }
0x457: {  	v0 =	vld [tilespmem:s12+$0xB810]  }
0x458: {  	v3 =	vld.idx.msk [tilespmem:v3+s2+$0x0], $0xffff  }
0x459: {  	v4 =	vld.idx.msk [tilespmem:v4+s2+$0x0], $0xffff  }
0x45a: {  	v5 =	vld.idx.msk [tilespmem:v5+s2+$0x0], $0xffff  }
0x45b: {  	v6 =	vld.idx.msk [tilespmem:v6+s2+$0x0], $0xffff  }
0x45c: {  	v21 =	vld.idx.msk [tilespmem:v7+s2+$0x0], $0xffff  }
0x45d: {  	v23 =	vld.idx.msk [tilespmem:v10+s2+$0x0], $0xffff  }
0x45e: {  	v24 =	vld.idx.msk [tilespmem:v11+s2+$0x0], $0xffff  }
0x45f: {  	v25 =	vld.idx.msk [tilespmem:v12+s2+$0x0], $0xffff  }
0x460: {  	v13 =	vld.idx.msk [tilespmem:v13+s2+$0x0], $0xffff  }
0x461: {  	v7 =	vld.idx.msk [tilespmem:v15+s2+$0x0], $0xffff  }
0x462: {  	v12 =	vld.idx.msk [tilespmem:v16+s2+$0x0], $0xffff  }
0x463: {  	v22 =	vld.idx.msk [tilespmem:v1+s2+$0x0], $0xffff  }
0x464: {  	v8 =	vmax.f32 v8, v9;
	v1 =	vld.idx.msk [tilespmem:v14+s2+$0x0], $0xffff  }
0x465: {  	v11 =	vld.idx.msk [tilespmem:v17+s2+$0x0], $0xffff;
	v2 =	vmax.f32 v8, v2  }
0x466: {  	v10 =	vld.idx.msk [tilespmem:v18+s2+$0x0], $0xffff;
	v2 =	vsub.f32 $1.000000000e+00, v2  }
0x467: {  	v4 =	vmax.f32 v3, v4;
	v3 =	vmax.f32 v5, v6;
	v9 =	vld.idx.msk [tilespmem:v19+s2+$0x0], $0xffff;
	v5 =	vmax.f32 v23, v24  }
0x468: {  	s13 =	simm.s32 $0x0;
	s14 =	simm.s32 $0x1C0;
	v6 =	vld.idx.msk [tilespmem:v20+s2+$0x0], $0xffff;
	[tilespmem:s12+$0xD6C0] =	vst v2;
	v2 =	vmax.f32 v25, v13;
	v8 =	vmax.f32 v21, v22  }
.LBB2_24:
0x469: {  	s15 =	sshra.s32 s14, $0x2;
	v1 =	vmax.f32 v1, v7;
	v0 =	vld.idx.msk [tilespmem:v0+s2+$0x0], $0xffff  }
0x46a: {  	s13 =	sadd.s32 $0x70, s13;
	v4 =	vmax.f32 v4, v12;
	v7 =	vld [tilespmem:s15+$0xABE0]  }
0x46b: {  	p0 =	slt.u32 s13, $0x5B0;
	v4 =	vsub.f32 $1.000000000e+00, v4;
	v3 =	vmax.f32 v3, v11;
	v12 =	vld [tilespmem:s15+$0xB200]  }
0x46c: {  	v3 =	vsub.f32 $1.000000000e+00, v3;
	v8 =	vmax.f32 v8, v10;
	v11 =	vld [tilespmem:s15+$0xB820]  }
0x46d: {  	v5 =	vmax.f32 v5, v9;
	v10 =	vld [tilespmem:s15+$0xAB80];
	[tilespmem:s12+$0xD660] =	vst v4;
	v4 =	vsub.f32 $1.000000000e+00, v8  }
0x46e: {  	v2 =	vmax.f32 v2, v6;
	v8 =	vld [tilespmem:s15+$0xB1A0];
	[tilespmem:s12+$0xD670] =	vst v3;
	v3 =	vsub.f32 $1.000000000e+00, v5  }
0x46f: {  	v2 =	vsub.f32 $1.000000000e+00, v2;
	v0 =	vmax.f32 v1, v0;
	v5 =	vld [tilespmem:s15+$0xAB90];
	[tilespmem:s12+$0xD680] =	vst v4  }
0x470: {  	v0 =	vsub.f32 $1.000000000e+00, v0;
	v1 =	vld [tilespmem:s15+$0xB1B0];
	[tilespmem:s12+$0xD690] =	vst v3  }
0x471: {  	v3 =	vld [tilespmem:s15+$0xABA0];
	[tilespmem:s12+$0xD6A0] =	vst v2  }
0x472: {  	v2 =	vld.idx.msk [tilespmem:v7+s2+$0x0], $0xffff;
	[tilespmem:s12+$0xD6B0] =	vst v0;
	s12 =	smov.u32 s15  }
0x473: {  	v0 =	vld.idx.msk [tilespmem:v12+s2+$0x0], $0xffff  }
0x474: {  	v4 =	vld.idx.msk [tilespmem:v11+s2+$0x0], $0xffff  }
0x475: {  	v6 =	vld [tilespmem:s12+$0xB1C0]  }
0x476: {  	v7 =	vld [tilespmem:s12+$0xABB0]  }
0x477: {  	v9 =	vld [tilespmem:s12+$0xB1D0]  }
0x478: {  	v11 =	vld [tilespmem:s12+$0xABC0]  }
0x479: {  	v0 =	vmax.f32 v2, v0;
	v12 =	vld [tilespmem:s12+$0xB1E0]  }
0x47a: {  	v0 =	vmax.f32 v0, v4;
	v2 =	vld [tilespmem:s12+$0xABD0]  }
0x47b: {  	v0 =	vsub.f32 $1.000000000e+00, v0;
	v13 =	vld [tilespmem:s12+$0xB1F0]  }
0x47c: {  	v14 =	vld [tilespmem:s12+$0xB7C0]  }
0x47d: {  	v15 =	vld [tilespmem:s12+$0xB7D0];
	[tilespmem:s12+$0xD6C0] =	vst v0  }
0x47e: {  	v16 =	vld [tilespmem:s12+$0xB7E0]  }
0x47f: {  	v17 =	vld [tilespmem:s12+$0xB7F0]  }
0x480: {  	v18 =	vld [tilespmem:s12+$0xB800]  }
0x481: {  	v0 =	vld [tilespmem:s12+$0xB810]  }
0x482: {  	v4 =	vld.idx.msk [tilespmem:v10+s2+$0x0], $0xffff  }
0x483: {  	v8 =	vld.idx.msk [tilespmem:v8+s2+$0x0], $0xffff  }
0x484: {  	v5 =	vld.idx.msk [tilespmem:v5+s2+$0x0], $0xffff  }
0x485: {  	v1 =	vld.idx.msk [tilespmem:v1+s2+$0x0], $0xffff  }
0x486: {  	v10 =	vld.idx.msk [tilespmem:v3+s2+$0x0], $0xffff  }
0x487: {  	v6 =	vld.idx.msk [tilespmem:v6+s2+$0x0], $0xffff  }
0x488: {  	v19 =	vld.idx.msk [tilespmem:v7+s2+$0x0], $0xffff  }
0x489: {  	v4 =	vmax.f32 v4, v8;
	v9 =	vld.idx.msk [tilespmem:v9+s2+$0x0], $0xffff  }
0x48a: {  	v20 =	vld.idx.msk [tilespmem:v11+s2+$0x0], $0xffff  }
0x48b: {  	v3 =	vmax.f32 v5, v1;
	v21 =	vld.idx.msk [tilespmem:v12+s2+$0x0], $0xffff  }
0x48c: {  	v1 =	vld.idx.msk [tilespmem:v2+s2+$0x0], $0xffff  }
0x48d: {  	v8 =	vmax.f32 v10, v6;
	v7 =	vld.idx.msk [tilespmem:v13+s2+$0x0], $0xffff  }
.Ltmp11:
0x48e: {  	v12 =	vld.idx.msk [tilespmem:v14+s2+$0x0], $0xffff;
	(pc) =	sbr.rel @p0 .LBB2_24-.Ltmp11, $4  }
0x48f: {  	v5 =	vmax.f32 v19, v9;
	v11 =	vld.idx.msk [tilespmem:v15+s2+$0x0], $0xffff  }
0x490: {  	v10 =	vld.idx.msk [tilespmem:v16+s2+$0x0], $0xffff  }
0x491: {  	v2 =	vmax.f32 v20, v21;
	v9 =	vld.idx.msk [tilespmem:v17+s2+$0x0], $0xffff  }
0x492: {  	s14 =	sadd.s32 $0x1C0, s14;
	v6 =	vld.idx.msk [tilespmem:v18+s2+$0x0], $0xffff  }
0x493: {  	_ =	sdelay $0x3  }
0x494: {  	v0 =	vld.idx.msk [tilespmem:v0+s2+$0x0], $0xffff;
	v4 =	vmax.f32 v4, v12  }
0x495: {  	v4 =	vsub.f32 $1.000000000e+00, v4;
	v3 =	vmax.f32 v3, v11  }
0x496: {  	v3 =	vsub.f32 $1.000000000e+00, v3;
	v8 =	vmax.f32 v8, v10  }
0x497: {  	[tilespmem:s12+$0xD660] =	vst v4;
	v4 =	vsub.f32 $1.000000000e+00, v8;
	v5 =	vmax.f32 v5, v9  }
0x498: {  	v1 =	vmax.f32 v1, v7;
	[tilespmem:s12+$0xD670] =	vst v3;
	v3 =	vsub.f32 $1.000000000e+00, v5;
	v2 =	vmax.f32 v2, v6  }
0x499: {  	[tilespmem:s12+$0xD680] =	vst v4;
	v2 =	vsub.f32 $1.000000000e+00, v2;
	v0 =	vmax.f32 v1, v0  }
0x49a: {  	[tilespmem:s12+$0xD690] =	vst v3;
	v0 =	vsub.f32 $1.000000000e+00, v0  }
0x49b: {  	[tilespmem:s12+$0xD6A0] =	vst v2  }
0x49c: {  	[tilespmem:s12+$0xD6B0] =	vst v0  }
0x49d: {  	s12 =	rddreg [dreg:$0x10]  }
0x49e: {  	s14 =	sld [smem:$0x7FD]  }
0x49f: {  	[hbm4b:s12+s2] =	stream.linear.scatter [tilespmem:s9], [sflag:$0x6], $0x620, $0x38;
	[tilespmem:$0xDC80] =	vst v63  }
0x4a0: {  	_ = 	snop  }
0x4a1: {  	[tilespmem:s30], [sflag:$0x5] =	stream.strided.gather [hbm4b:s14+s24], $0x1880, s25, s24, $0x38;
	[tilespmem:$0xDC80] =	vst v63  }
0x4a2: {  	_ =	swait.ge [sflag:s31], $0x1880  }
0x4a3: {  	[sflag:s31] =	ssyncset.done $0x0  }
0x4a4: {  	[sflag:s31] =	ssyncadd.s32 $0xFFFFE780  }
0x4a5: {  	_ =	swait.ge [sflag:s10], $0x620  }
0x4a6: {  	[sflag:s10] =	ssyncset.done $0x0  }
0x4a7: {  	s15 =	simm.s32 $0x6E40;
	[sflag:s10] =	ssyncadd.s32 $0xFFFFF9E0  }
0x4a8: {  	v0 =	vld [tilespmem:s15+$0xFFFFF420]  }
0x4a9: {  	v1 =	vld [tilespmem:s15+$0xFFFFFA40]  }
0x4aa: {  	v2 =	vld [tilespmem:s15+$0x60]  }
0x4ab: {  	v3 =	vld [tilespmem:s15+$0x680]  }
0x4ac: {  	v4 =	vld [tilespmem:s15+$0xFFFFF9E0]  }
0x4ad: {  	v5 =	vld [tilespmem:s15+$0xFFFFF3D0]  }
0x4ae: {  	v6 =	vld [tilespmem:s15+$0xFFFFF9F0]  }
0x4af: {  	v7 =	vld [tilespmem:s15+$0xFFFFF3E0]  }
0x4b0: {  	v8 =	vld [tilespmem:s15+$0xFFFFFA00]  }
0x4b1: {  	v9 =	vld [tilespmem:s15+$0xFFFFF3F0]  }
0x4b2: {  	v10 =	vld [tilespmem:s15+$0xFFFFFA10]  }
0x4b3: {  	v11 =	vld [tilespmem:s15+$0xFFFFF400]  }
0x4b4: {  	v60 =	vld [tilespmem:s15+$0xFFFFFA20]  }
0x4b5: {  	v13 =	vld [tilespmem:s15+$0xFFFFF410]  }
0x4b6: {  	v14 =	vld [tilespmem:s15+$0xFFFFFA30]  }
0x4b7: {  	v15 =	vld [tilespmem:s15+$0xFFFFF3C0]  }
0x4b8: {  	v16 =	vld [tilespmem:s15+$0x0]  }
0x4b9: {  	v17 =	vld [tilespmem:s15+$0x10]  }
0x4ba: {  	v18 =	vld [tilespmem:s15+$0x20]  }
0x4bb: {  	v19 =	vld [tilespmem:s15+$0x30]  }
0x4bc: {  	v20 =	vld [tilespmem:s15+$0x40]  }
0x4bd: {  	v21 =	vld [tilespmem:s15+$0x50]  }
0x4be: {  	v22 =	vld [tilespmem:s15+$0x620]  }
0x4bf: {  	v23 =	vld [tilespmem:s15+$0x630]  }
0x4c0: {  	v24 =	vld [tilespmem:s15+$0x640]  }
0x4c1: {  	v25 =	vld [tilespmem:s15+$0x650]  }
0x4c2: {  	v26 =	vld [tilespmem:s15+$0x660]  }
0x4c3: {  	v27 =	vld [tilespmem:s15+$0x670]  }
0x4c4: {  	v0 =	vld.idx.msk [tilespmem:v0+s2+$0x0], $0xffff  }
0x4c5: {  	v1 =	vld.idx.msk [tilespmem:v1+s2+$0x0], $0xffff  }
0x4c6: {  	v2 =	vld.idx.msk [tilespmem:v2+s2+$0x0], $0xffff  }
0x4c7: {  	v3 =	vld.idx.msk [tilespmem:v3+s2+$0x0], $0xffff  }
0x4c8: {  	v15 =	vld.idx.msk [tilespmem:v15+s2+$0x0], $0xffff  }
0x4c9: {  	v28 =	vld.idx.msk [tilespmem:v4+s2+$0x0], $0xffff  }
0x4ca: {  	v5 =	vld.idx.msk [tilespmem:v5+s2+$0x0], $0xffff  }
0x4cb: {  	v6 =	vld.idx.msk [tilespmem:v6+s2+$0x0], $0xffff  }
0x4cc: {  	v29 =	vld.idx.msk [tilespmem:v7+s2+$0x0], $0xffff  }
0x4cd: {  	v8 =	vld.idx.msk [tilespmem:v8+s2+$0x0], $0xffff  }
0x4ce: {  	v9 =	vld.idx.msk [tilespmem:v9+s2+$0x0], $0xffff  }
0x4cf: {  	v10 =	vld.idx.msk [tilespmem:v10+s2+$0x0], $0xffff  }
0x4d0: {  	v11 =	vld.idx.msk [tilespmem:v11+s2+$0x0], $0xffff  }
0x4d1: {  	v12 =	vld.idx.msk [tilespmem:v60+s2+$0x0], $0xffff  }
0x4d2: {  	v13 =	vld.idx.msk [tilespmem:v13+s2+$0x0], $0xffff  }
0x4d3: {  	v14 =	vld.idx.msk [tilespmem:v14+s2+$0x0], $0xffff  }
0x4d4: {  	v16 =	vld.idx.msk [tilespmem:v16+s2+$0x0], $0xffff  }
0x4d5: {  	v17 =	vld.idx.msk [tilespmem:v17+s2+$0x0], $0xffff  }
0x4d6: {  	v61 =	vld.idx.msk [tilespmem:v20+s2+$0x0], $0xffff  }
0x4d7: {  	v62 =	vld.idx.msk [tilespmem:v21+s2+$0x0], $0xffff  }
0x4d8: {  	v7 =	vld.idx.msk [tilespmem:v22+s2+$0x0], $0xffff  }
0x4d9: {  	v0 =	vmax.f32 v0, v1;
	v1 =	vld.idx.msk [tilespmem:v18+s2+$0x0], $0xffff  }
0x4da: {  	v0 =	vmax.f32 v0, v2;
	v2 =	vld.idx.msk [tilespmem:v19+s2+$0x0], $0xffff  }
0x4db: {  	v4 =	vld.idx.msk [tilespmem:v23+s2+$0x0], $0xffff;
	v6 =	vmax.f32 v5, v6;
	v8 =	vmax.f32 v29, v8;
	v0 =	vmax.f32 v0, v3  }
0x4dc: {  	v5 =	vld.idx.msk [tilespmem:v24+s2+$0x0], $0xffff;
	v63 =	vmax.f32 v9, v10;
	v12 =	vmax.f32 v11, v12;
	v0 =	vsub.f32 $1.000000000e+00, v0  }
0x4dd: {  	s12 =	simm.s32 $0xC430;
	v13 =	vmax.f32 v13, v14;
	v10 =	vmax.f32 v6, v17;
	v6 =	vmax.f32 v12, v61;
	v3 =	vld.idx.msk [tilespmem:v25+s2+$0x0], $0xffff  }
0x4de: {  	[tilespmem:s12+$0x30] =	vst v0;
	v0 =	vmax.f32 v15, v28;
	v9 =	vmax.f32 v8, v1;
	v1 =	vld.idx.msk [tilespmem:v26+s2+$0x0], $0xffff  }
0x4df: {  	s13 =	simm.s32 $0x0;
	s14 =	simm.s32 $0x6EB0;
	v11 =	vmax.f32 v0, v16;
	v8 =	vmax.f32 v63, v2;
	v0 =	vmax.f32 v13, v62;
	v2 =	vld.idx.msk [tilespmem:v27+s2+$0x0], $0xffff  }
.LBB2_26:
0x4e0: {  	v12 =	vld [tilespmem:s14+$0xFFFFF420];
	v7 =	vmax.f32 v11, v7  }
0x4e1: {  	s13 =	sadd.s32 $0x70, s13;
	v4 =	vmax.f32 v10, v4;
	v11 =	vld [tilespmem:s14+$0xFFFFFA40];
	v7 =	vsub.f32 $1.000000000e+00, v7  }
0x4e2: {  	p0 =	slt.u32 s13, $0x5B0;
	v4 =	vsub.f32 $1.000000000e+00, v4;
	v5 =	vmax.f32 v9, v5;
	v10 =	vld [tilespmem:s14+$0x60]  }
0x4e3: {  	v5 =	vsub.f32 $1.000000000e+00, v5;
	v3 =	vmax.f32 v8, v3;
	v9 =	vld [tilespmem:s14+$0x680];
	[tilespmem:s12+$0xFFFFFFD0] =	vst v7  }
0x4e4: {  	v3 =	vsub.f32 $1.000000000e+00, v3;
	v1 =	vmax.f32 v6, v1;
	v7 =	vld [tilespmem:s14+$0xFFFFF9E0];
	[tilespmem:s12+$0xFFFFFFE0] =	vst v4  }
0x4e5: {  	v1 =	vsub.f32 $1.000000000e+00, v1;
	v0 =	vmax.f32 v0, v2;
	v4 =	vld [tilespmem:s14+$0xFFFFF3D0];
	[tilespmem:s12+$0xFFFFFFF0] =	vst v5  }
0x4e6: {  	v0 =	vsub.f32 $1.000000000e+00, v0;
	v2 =	vld [tilespmem:s14+$0xFFFFF9F0];
	[tilespmem:s12+$0x0] =	vst v3  }
0x4e7: {  	v3 =	vld [tilespmem:s14+$0xFFFFF3E0];
	[tilespmem:s12+$0x10] =	vst v1  }
0x4e8: {  	v1 =	vld.idx.msk [tilespmem:v12+s2+$0x0], $0xffff;
	[tilespmem:s12+$0x20] =	vst v0  }
0x4e9: {  	v0 =	vld.idx.msk [tilespmem:v11+s2+$0x0], $0xffff  }
0x4ea: {  	v5 =	vld.idx.msk [tilespmem:v10+s2+$0x0], $0xffff  }
0x4eb: {  	v6 =	vld.idx.msk [tilespmem:v9+s2+$0x0], $0xffff  }
0x4ec: {  	v8 =	vld [tilespmem:s14+$0xFFFFFA00]  }
0x4ed: {  	v9 =	vld [tilespmem:s14+$0xFFFFF3F0]  }
0x4ee: {  	v10 =	vld [tilespmem:s14+$0xFFFFFA10]  }
0x4ef: {  	v0 =	vmax.f32 v1, v0;
	v11 =	vld [tilespmem:s14+$0xFFFFF400]  }
0x4f0: {  	v0 =	vmax.f32 v0, v5;
	v1 =	vld [tilespmem:s14+$0xFFFFFA20]  }
0x4f1: {  	v0 =	vmax.f32 v0, v6;
	v5 =	vld [tilespmem:s14+$0xFFFFF410]  }
0x4f2: {  	v0 =	vsub.f32 $1.000000000e+00, v0;
	v6 =	vld [tilespmem:s14+$0xFFFFFA30]  }
0x4f3: {  	s12 =	sadd.s32 $0x70, s12;
	v12 =	vld [tilespmem:s14+$0xFFFFF3C0]  }
0x4f4: {  	v13 =	vld [tilespmem:s14+$0x0];
	[tilespmem:s12+$0x30] =	vst v0  }
0x4f5: {  	v0 =	vld [tilespmem:s14+$0x10]  }
0x4f6: {  	v14 =	vld [tilespmem:s14+$0x20]  }
0x4f7: {  	v15 =	vld [tilespmem:s14+$0x30]  }
0x4f8: {  	v16 =	vld [tilespmem:s14+$0x40]  }
0x4f9: {  	v17 =	vld [tilespmem:s14+$0x50]  }
0x4fa: {  	v18 =	vld [tilespmem:s14+$0x620]  }
0x4fb: {  	v19 =	vld [tilespmem:s14+$0x630]  }
0x4fc: {  	v20 =	vld [tilespmem:s14+$0x640]  }
0x4fd: {  	v21 =	vld [tilespmem:s14+$0x650]  }
0x4fe: {  	v22 =	vld [tilespmem:s14+$0x660]  }
0x4ff: {  	v23 =	vld [tilespmem:s14+$0x670]  }
0x500: {  	v12 =	vld.idx.msk [tilespmem:v12+s2+$0x0], $0xffff  }
0x501: {  	v7 =	vld.idx.msk [tilespmem:v7+s2+$0x0], $0xffff  }
0x502: {  	v4 =	vld.idx.msk [tilespmem:v4+s2+$0x0], $0xffff  }
0x503: {  	v2 =	vld.idx.msk [tilespmem:v2+s2+$0x0], $0xffff  }
0x504: {  	v3 =	vld.idx.msk [tilespmem:v3+s2+$0x0], $0xffff  }
0x505: {  	v8 =	vld.idx.msk [tilespmem:v8+s2+$0x0], $0xffff  }
0x506: {  	v9 =	vld.idx.msk [tilespmem:v9+s2+$0x0], $0xffff  }
0x507: {  	v7 =	vmax.f32 v12, v7;
	v10 =	vld.idx.msk [tilespmem:v10+s2+$0x0], $0xffff  }
0x508: {  	v11 =	vld.idx.msk [tilespmem:v11+s2+$0x0], $0xffff  }
0x509: {  	v2 =	vmax.f32 v4, v2;
	v1 =	vld.idx.msk [tilespmem:v1+s2+$0x0], $0xffff  }
0x50a: {  	v4 =	vld.idx.msk [tilespmem:v5+s2+$0x0], $0xffff  }
0x50b: {  	v3 =	vmax.f32 v3, v8;
	v5 =	vld.idx.msk [tilespmem:v6+s2+$0x0], $0xffff  }
0x50c: {  	v6 =	vld.idx.msk [tilespmem:v13+s2+$0x0], $0xffff  }
0x50d: {  	v8 =	vmax.f32 v9, v10;
	v0 =	vld.idx.msk [tilespmem:v0+s2+$0x0], $0xffff  }
0x50e: {  	v9 =	vld.idx.msk [tilespmem:v14+s2+$0x0], $0xffff  }
0x50f: {  	v1 =	vmax.f32 v11, v1;
	v12 =	vld.idx.msk [tilespmem:v15+s2+$0x0], $0xffff  }
0x510: {  	v13 =	vld.idx.msk [tilespmem:v16+s2+$0x0], $0xffff  }
0x511: {  	v14 =	vmax.f32 v4, v5;
	v15 =	vld.idx.msk [tilespmem:v17+s2+$0x0], $0xffff  }
0x512: {  	v11 =	vmax.f32 v7, v6;
	v7 =	vld.idx.msk [tilespmem:v18+s2+$0x0], $0xffff  }
.Ltmp12:
0x513: {  	v10 =	vmax.f32 v2, v0;
	v4 =	vld.idx.msk [tilespmem:v19+s2+$0x0], $0xffff;
	(pc) =	sbr.rel @p0 .LBB2_26-.Ltmp12, $4  }
0x514: {  	v9 =	vmax.f32 v3, v9;
	v5 =	vld.idx.msk [tilespmem:v20+s2+$0x0], $0xffff  }
0x515: {  	v8 =	vmax.f32 v8, v12;
	v3 =	vld.idx.msk [tilespmem:v21+s2+$0x0], $0xffff  }
0x516: {  	v6 =	vmax.f32 v1, v13;
	v1 =	vld.idx.msk [tilespmem:v22+s2+$0x0], $0xffff  }
0x517: {  	s14 =	sadd.s32 $0x70, s14;
	v0 =	vmax.f32 v14, v15;
	v2 =	vld.idx.msk [tilespmem:v23+s2+$0x0], $0xffff  }
0x518: {  	v7 =	vmax.f32 v11, v7  }
0x519: {  	v4 =	vmax.f32 v10, v4;
	v7 =	vsub.f32 $1.000000000e+00, v7  }
0x51a: {  	v4 =	vsub.f32 $1.000000000e+00, v4;
	v5 =	vmax.f32 v9, v5  }
0x51b: {  	v5 =	vsub.f32 $1.000000000e+00, v5;
	v3 =	vmax.f32 v8, v3;
	[tilespmem:s12+$0xFFFFFFD0] =	vst v7  }
0x51c: {  	[tilespmem:s12+$0xFFFFFFE0] =	vst v4;
	v3 =	vsub.f32 $1.000000000e+00, v3;
	v1 =	vmax.f32 v6, v1  }
0x51d: {  	[tilespmem:s12+$0xFFFFFFF0] =	vst v5;
	v1 =	vsub.f32 $1.000000000e+00, v1;
	v0 =	vmax.f32 v0, v2  }
0x51e: {  	[tilespmem:s12+$0x0] =	vst v3;
	v0 =	vsub.f32 $1.000000000e+00, v0  }
0x51f: {  	[tilespmem:s12+$0x10] =	vst v1  }
0x520: {  	[tilespmem:s12+$0x20] =	vst v0  }
0x521: {  	s12 =	rddreg [dreg:$0x11]  }
0x522: {  	[hbm4b:s12+s2] =	stream.linear.scatter [tilespmem:s0], [sflag:$0x6], $0x620, $0x38;
	[tilespmem:$0xDC80] =	vst v63  }
0x523: {  	_ = 	snop  }
0x524: {  	[tilespmem:s26], [sflag:$0x2] =	stream.strided.gather [hbm4b:s16+s24], $0x1880, s25, s24, $0x38;
	[tilespmem:$0xDC80] =	vst v63  }
0x525: {  	_ =	swait.ge [sflag:s3], $0x1880  }
0x526: {  	[sflag:s3] =	ssyncset.done $0x0  }
0x527: {  	[sflag:s3] =	ssyncadd.s32 $0xFFFFE780  }
0x528: {  	_ =	swait.ge [sflag:s10], $0x620  }
0x529: {  	[sflag:s10] =	ssyncset.done $0x0  }
0x52a: {  	s15 =	simm.s32 $0x8D40;
	[sflag:s10] =	ssyncadd.s32 $0xFFFFF9E0  }
0x52b: {  	v0 =	vld [tilespmem:s15+$0xFFFFEDA0]  }
0x52c: {  	v1 =	vld [tilespmem:s15+$0xFFFFF3C0]  }
0x52d: {  	v2 =	vld [tilespmem:s15+$0xFFFFF9E0]  }
0x52e: {  	v3 =	vld [tilespmem:s15+$0x0]  }
0x52f: {  	v4 =	vld [tilespmem:s15+$0xFFFFF360]  }
0x530: {  	v5 =	vld [tilespmem:s15+$0xFFFFED50]  }
0x531: {  	v6 =	vld [tilespmem:s15+$0xFFFFF370]  }
0x532: {  	v7 =	vld [tilespmem:s15+$0xFFFFED60]  }
0x533: {  	v8 =	vld [tilespmem:s15+$0xFFFFF380]  }
0x534: {  	v9 =	vld [tilespmem:s15+$0xFFFFED70]  }
0x535: {  	v10 =	vld [tilespmem:s15+$0xFFFFF390]  }
0x536: {  	v11 =	vld [tilespmem:s15+$0xFFFFED80]  }
0x537: {  	v12 =	vld [tilespmem:s15+$0xFFFFF3A0]  }
0x538: {  	v13 =	vld [tilespmem:s15+$0xFFFFED90]  }
0x539: {  	v14 =	vld [tilespmem:s15+$0xFFFFF3B0]  }
0x53a: {  	v15 =	vld [tilespmem:s15+$0xFFFFED40]  }
0x53b: {  	v16 =	vld [tilespmem:s15+$0xFFFFF980]  }
0x53c: {  	v17 =	vld [tilespmem:s15+$0xFFFFF990]  }
0x53d: {  	v18 =	vld [tilespmem:s15+$0xFFFFF9A0]  }
0x53e: {  	v19 =	vld [tilespmem:s15+$0xFFFFF9B0]  }
0x53f: {  	v20 =	vld [tilespmem:s15+$0xFFFFF9C0]  }
0x540: {  	v21 =	vld [tilespmem:s15+$0xFFFFF9D0]  }
0x541: {  	v22 =	vld [tilespmem:s15+$0xFFFFFFA0]  }
0x542: {  	v23 =	vld [tilespmem:s15+$0xFFFFFFB0]  }
0x543: {  	v24 =	vld [tilespmem:s15+$0xFFFFFFC0]  }
0x544: {  	v25 =	vld [tilespmem:s15+$0xFFFFFFD0]  }
0x545: {  	v26 =	vld [tilespmem:s15+$0xFFFFFFE0]  }
0x546: {  	v27 =	vld [tilespmem:s15+$0xFFFFFFF0]  }
0x547: {  	v0 =	vld.idx.msk [tilespmem:v0+s2+$0x0], $0xffff  }
0x548: {  	v1 =	vld.idx.msk [tilespmem:v1+s2+$0x0], $0xffff  }
0x549: {  	v2 =	vld.idx.msk [tilespmem:v2+s2+$0x0], $0xffff  }
0x54a: {  	v3 =	vld.idx.msk [tilespmem:v3+s2+$0x0], $0xffff  }
0x54b: {  	v15 =	vld.idx.msk [tilespmem:v15+s2+$0x0], $0xffff  }
0x54c: {  	v28 =	vld.idx.msk [tilespmem:v4+s2+$0x0], $0xffff  }
0x54d: {  	v5 =	vld.idx.msk [tilespmem:v5+s2+$0x0], $0xffff  }
0x54e: {  	v6 =	vld.idx.msk [tilespmem:v6+s2+$0x0], $0xffff  }
0x54f: {  	v29 =	vld.idx.msk [tilespmem:v7+s2+$0x0], $0xffff  }
0x550: {  	v8 =	vld.idx.msk [tilespmem:v8+s2+$0x0], $0xffff  }
0x551: {  	v9 =	vld.idx.msk [tilespmem:v9+s2+$0x0], $0xffff  }
0x552: {  	v10 =	vld.idx.msk [tilespmem:v10+s2+$0x0], $0xffff  }
0x553: {  	v11 =	vld.idx.msk [tilespmem:v11+s2+$0x0], $0xffff  }
0x554: {  	v12 =	vld.idx.msk [tilespmem:v12+s2+$0x0], $0xffff  }
0x555: {  	v13 =	vld.idx.msk [tilespmem:v13+s2+$0x0], $0xffff  }
0x556: {  	v14 =	vld.idx.msk [tilespmem:v14+s2+$0x0], $0xffff  }
0x557: {  	v16 =	vld.idx.msk [tilespmem:v16+s2+$0x0], $0xffff  }
0x558: {  	v17 =	vld.idx.msk [tilespmem:v17+s2+$0x0], $0xffff  }
0x559: {  	v61 =	vld.idx.msk [tilespmem:v20+s2+$0x0], $0xffff  }
0x55a: {  	v62 =	vld.idx.msk [tilespmem:v21+s2+$0x0], $0xffff  }
0x55b: {  	v7 =	vld.idx.msk [tilespmem:v22+s2+$0x0], $0xffff  }
0x55c: {  	v0 =	vmax.f32 v0, v1;
	v1 =	vld.idx.msk [tilespmem:v18+s2+$0x0], $0xffff  }
0x55d: {  	v0 =	vmax.f32 v0, v2;
	v2 =	vld.idx.msk [tilespmem:v19+s2+$0x0], $0xffff  }
0x55e: {  	v4 =	vld.idx.msk [tilespmem:v23+s2+$0x0], $0xffff;
	v6 =	vmax.f32 v5, v6;
	v8 =	vmax.f32 v29, v8;
	v0 =	vmax.f32 v0, v3  }
0x55f: {  	v5 =	vld.idx.msk [tilespmem:v24+s2+$0x0], $0xffff;
	v63 =	vmax.f32 v9, v10;
	v12 =	vmax.f32 v11, v12;
	v0 =	vsub.f32 $1.000000000e+00, v0  }
0x560: {  	s12 =	simm.s32 $0xCA80;
	v13 =	vmax.f32 v13, v14;
	v10 =	vmax.f32 v6, v17;
	v6 =	vmax.f32 v12, v61;
	v3 =	vld.idx.msk [tilespmem:v25+s2+$0x0], $0xffff  }
0x561: {  	[tilespmem:s12+$0x0] =	vst v0;
	v0 =	vmax.f32 v15, v28;
	v9 =	vmax.f32 v8, v1;
	v1 =	vld.idx.msk [tilespmem:v26+s2+$0x0], $0xffff  }
0x562: {  	s13 =	simm.s32 $0x0;
	s14 =	simm.s32 $0x8DB0;
	v11 =	vmax.f32 v0, v16;
	v8 =	vmax.f32 v63, v2;
	v0 =	vmax.f32 v13, v62;
	v2 =	vld.idx.msk [tilespmem:v27+s2+$0x0], $0xffff  }
.LBB2_28:
0x563: {  	v12 =	vld [tilespmem:s14+$0xFFFFEDA0];
	v7 =	vmax.f32 v11, v7  }
0x564: {  	s13 =	sadd.s32 $0x70, s13;
	v4 =	vmax.f32 v10, v4;
	v11 =	vld [tilespmem:s14+$0xFFFFF3C0];
	v7 =	vsub.f32 $1.000000000e+00, v7  }
0x565: {  	p0 =	slt.u32 s13, $0x5B0;
	v4 =	vsub.f32 $1.000000000e+00, v4;
	v5 =	vmax.f32 v9, v5;
	v10 =	vld [tilespmem:s14+$0xFFFFF9E0]  }
0x566: {  	v5 =	vsub.f32 $1.000000000e+00, v5;
	v3 =	vmax.f32 v8, v3;
	v9 =	vld [tilespmem:s14+$0x0];
	[tilespmem:s12+$0xFFFFFFA0] =	vst v7  }
0x567: {  	v3 =	vsub.f32 $1.000000000e+00, v3;
	v1 =	vmax.f32 v6, v1;
	v7 =	vld [tilespmem:s14+$0xFFFFF360];
	[tilespmem:s12+$0xFFFFFFB0] =	vst v4  }
0x568: {  	v1 =	vsub.f32 $1.000000000e+00, v1;
	v0 =	vmax.f32 v0, v2;
	v4 =	vld [tilespmem:s14+$0xFFFFED50];
	[tilespmem:s12+$0xFFFFFFC0] =	vst v5  }
0x569: {  	v0 =	vsub.f32 $1.000000000e+00, v0;
	v2 =	vld [tilespmem:s14+$0xFFFFF370];
	[tilespmem:s12+$0xFFFFFFD0] =	vst v3  }
0x56a: {  	v3 =	vld [tilespmem:s14+$0xFFFFED60];
	[tilespmem:s12+$0xFFFFFFE0] =	vst v1  }
0x56b: {  	v1 =	vld.idx.msk [tilespmem:v12+s2+$0x0], $0xffff;
	[tilespmem:s12+$0xFFFFFFF0] =	vst v0  }
0x56c: {  	v0 =	vld.idx.msk [tilespmem:v11+s2+$0x0], $0xffff  }
0x56d: {  	v5 =	vld.idx.msk [tilespmem:v10+s2+$0x0], $0xffff  }
0x56e: {  	v6 =	vld.idx.msk [tilespmem:v9+s2+$0x0], $0xffff  }
0x56f: {  	v8 =	vld [tilespmem:s14+$0xFFFFF380]  }
0x570: {  	v9 =	vld [tilespmem:s14+$0xFFFFED70]  }
0x571: {  	v10 =	vld [tilespmem:s14+$0xFFFFF390]  }
0x572: {  	v0 =	vmax.f32 v1, v0;
	v11 =	vld [tilespmem:s14+$0xFFFFED80]  }
0x573: {  	v0 =	vmax.f32 v0, v5;
	v1 =	vld [tilespmem:s14+$0xFFFFF3A0]  }
0x574: {  	v0 =	vmax.f32 v0, v6;
	v5 =	vld [tilespmem:s14+$0xFFFFED90]  }
0x575: {  	v0 =	vsub.f32 $1.000000000e+00, v0;
	v6 =	vld [tilespmem:s14+$0xFFFFF3B0]  }
0x576: {  	s12 =	sadd.s32 $0x70, s12;
	v12 =	vld [tilespmem:s14+$0xFFFFED40]  }
0x577: {  	v13 =	vld [tilespmem:s14+$0xFFFFF980];
	[tilespmem:s12+$0x0] =	vst v0  }
0x578: {  	v0 =	vld [tilespmem:s14+$0xFFFFF990]  }
0x579: {  	v14 =	vld [tilespmem:s14+$0xFFFFF9A0]  }
0x57a: {  	v15 =	vld [tilespmem:s14+$0xFFFFF9B0]  }
0x57b: {  	v16 =	vld [tilespmem:s14+$0xFFFFF9C0]  }
0x57c: {  	v17 =	vld [tilespmem:s14+$0xFFFFF9D0]  }
0x57d: {  	v18 =	vld [tilespmem:s14+$0xFFFFFFA0]  }
0x57e: {  	v19 =	vld [tilespmem:s14+$0xFFFFFFB0]  }
0x57f: {  	v20 =	vld [tilespmem:s14+$0xFFFFFFC0]  }
0x580: {  	v21 =	vld [tilespmem:s14+$0xFFFFFFD0]  }
0x581: {  	v22 =	vld [tilespmem:s14+$0xFFFFFFE0]  }
0x582: {  	v23 =	vld [tilespmem:s14+$0xFFFFFFF0]  }
0x583: {  	v12 =	vld.idx.msk [tilespmem:v12+s2+$0x0], $0xffff  }
0x584: {  	v7 =	vld.idx.msk [tilespmem:v7+s2+$0x0], $0xffff  }
0x585: {  	v4 =	vld.idx.msk [tilespmem:v4+s2+$0x0], $0xffff  }
0x586: {  	v2 =	vld.idx.msk [tilespmem:v2+s2+$0x0], $0xffff  }
0x587: {  	v3 =	vld.idx.msk [tilespmem:v3+s2+$0x0], $0xffff  }
0x588: {  	v8 =	vld.idx.msk [tilespmem:v8+s2+$0x0], $0xffff  }
0x589: {  	v9 =	vld.idx.msk [tilespmem:v9+s2+$0x0], $0xffff  }
0x58a: {  	v7 =	vmax.f32 v12, v7;
	v10 =	vld.idx.msk [tilespmem:v10+s2+$0x0], $0xffff  }
0x58b: {  	v11 =	vld.idx.msk [tilespmem:v11+s2+$0x0], $0xffff  }
0x58c: {  	v2 =	vmax.f32 v4, v2;
	v1 =	vld.idx.msk [tilespmem:v1+s2+$0x0], $0xffff  }
0x58d: {  	v4 =	vld.idx.msk [tilespmem:v5+s2+$0x0], $0xffff  }
0x58e: {  	v3 =	vmax.f32 v3, v8;
	v5 =	vld.idx.msk [tilespmem:v6+s2+$0x0], $0xffff  }
0x58f: {  	v6 =	vld.idx.msk [tilespmem:v13+s2+$0x0], $0xffff  }
0x590: {  	v8 =	vmax.f32 v9, v10;
	v0 =	vld.idx.msk [tilespmem:v0+s2+$0x0], $0xffff  }
0x591: {  	v9 =	vld.idx.msk [tilespmem:v14+s2+$0x0], $0xffff  }
0x592: {  	v1 =	vmax.f32 v11, v1;
	v12 =	vld.idx.msk [tilespmem:v15+s2+$0x0], $0xffff  }
0x593: {  	v13 =	vld.idx.msk [tilespmem:v16+s2+$0x0], $0xffff  }
0x594: {  	v14 =	vmax.f32 v4, v5;
	v15 =	vld.idx.msk [tilespmem:v17+s2+$0x0], $0xffff  }
0x595: {  	v11 =	vmax.f32 v7, v6;
	v7 =	vld.idx.msk [tilespmem:v18+s2+$0x0], $0xffff  }
.Ltmp13:
0x596: {  	v10 =	vmax.f32 v2, v0;
	v4 =	vld.idx.msk [tilespmem:v19+s2+$0x0], $0xffff;
	(pc) =	sbr.rel @p0 .LBB2_28-.Ltmp13, $4  }
0x597: {  	v9 =	vmax.f32 v3, v9;
	v5 =	vld.idx.msk [tilespmem:v20+s2+$0x0], $0xffff  }
0x598: {  	v8 =	vmax.f32 v8, v12;
	v3 =	vld.idx.msk [tilespmem:v21+s2+$0x0], $0xffff  }
0x599: {  	v6 =	vmax.f32 v1, v13;
	v1 =	vld.idx.msk [tilespmem:v22+s2+$0x0], $0xffff  }
0x59a: {  	s14 =	sadd.s32 $0x70, s14;
	v0 =	vmax.f32 v14, v15;
	v2 =	vld.idx.msk [tilespmem:v23+s2+$0x0], $0xffff  }
0x59b: {  	v7 =	vmax.f32 v11, v7  }
0x59c: {  	v4 =	vmax.f32 v10, v4;
	v7 =	vsub.f32 $1.000000000e+00, v7  }
0x59d: {  	v4 =	vsub.f32 $1.000000000e+00, v4;
	v5 =	vmax.f32 v9, v5  }
0x59e: {  	v5 =	vsub.f32 $1.000000000e+00, v5;
	v3 =	vmax.f32 v8, v3;
	[tilespmem:s12+$0xFFFFFFA0] =	vst v7  }
0x59f: {  	[tilespmem:s12+$0xFFFFFFB0] =	vst v4;
	v3 =	vsub.f32 $1.000000000e+00, v3;
	v1 =	vmax.f32 v6, v1  }
0x5a0: {  	[tilespmem:s12+$0xFFFFFFC0] =	vst v5;
	v1 =	vsub.f32 $1.000000000e+00, v1;
	v0 =	vmax.f32 v0, v2  }
0x5a1: {  	[tilespmem:s12+$0xFFFFFFD0] =	vst v3;
	v0 =	vsub.f32 $1.000000000e+00, v0  }
0x5a2: {  	[tilespmem:s12+$0xFFFFFFE0] =	vst v1  }
0x5a3: {  	[tilespmem:s12+$0xFFFFFFF0] =	vst v0  }
0x5a4: {  	s15 =	simm.s32 $0x0;
	s13 =	rddreg [dreg:$0x12]  }
0x5a5: {  	[hbm4b:s13+s15] =	stream.linear.scatter [tilespmem:s5], [sflag:$0x6], $0x620, $0x38;
	[tilespmem:$0xDC80] =	vst v63  }
0x5a6: {  	_ = 	snop  }
0x5a7: {  	[tilespmem:s28], [sflag:$0x3] =	stream.strided.gather [hbm4b:s17+s24], $0x1880, s25, s24, $0x38;
	[tilespmem:$0xDC80] =	vst v63  }
0x5a8: {  	_ =	swait.ge [sflag:s6], $0x1880  }
0x5a9: {  	[sflag:s6] =	ssyncset.done $0x0  }
0x5aa: {  	[sflag:s6] =	ssyncadd.s32 $0xFFFFE780  }
0x5ab: {  	_ =	swait.ge [sflag:s10], $0x620  }
0x5ac: {  	[sflag:s10] =	ssyncset.done $0x0  }
0x5ad: {  	s12 =	simm.s32 $0x0;
	[sflag:s10] =	ssyncadd.s32 $0xFFFFF9E0  }
0x5ae: {  	v0 =	vld [tilespmem:s12+$0x9360]  }
0x5af: {  	v1 =	vld [tilespmem:s12+$0x9980]  }
0x5b0: {  	v2 =	vld [tilespmem:s12+$0x9FA0]  }
0x5b1: {  	v3 =	vld [tilespmem:s12+$0xA5C0]  }
0x5b2: {  	v4 =	vld [tilespmem:s12+$0x9300]  }
0x5b3: {  	v5 =	vld [tilespmem:s12+$0x9920]  }
0x5b4: {  	v6 =	vld [tilespmem:s12+$0x9310]  }
0x5b5: {  	v7 =	vld [tilespmem:s12+$0x9930]  }
0x5b6: {  	v9 =	vld [tilespmem:s12+$0x9320]  }
0x5b7: {  	v10 =	vld [tilespmem:s12+$0x9940]  }
0x5b8: {  	v11 =	vld [tilespmem:s12+$0x9330]  }
0x5b9: {  	v12 =	vld [tilespmem:s12+$0x9950]  }
0x5ba: {  	v13 =	vld [tilespmem:s12+$0x9340]  }
0x5bb: {  	v14 =	vld [tilespmem:s12+$0x9960]  }
0x5bc: {  	v15 =	vld [tilespmem:s12+$0x9350]  }
0x5bd: {  	v16 =	vld [tilespmem:s12+$0x9970]  }
0x5be: {  	v17 =	vld [tilespmem:s12+$0x9F40]  }
0x5bf: {  	v18 =	vld [tilespmem:s12+$0x9F50]  }
0x5c0: {  	v19 =	vld [tilespmem:s12+$0x9F60]  }
0x5c1: {  	v20 =	vld [tilespmem:s12+$0x9F70]  }
0x5c2: {  	v21 =	vld [tilespmem:s12+$0x9F80]  }
0x5c3: {  	v22 =	vld [tilespmem:s12+$0x9F90]  }
0x5c4: {  	v23 =	vld [tilespmem:s12+$0xA560]  }
0x5c5: {  	v24 =	vld [tilespmem:s12+$0xA570]  }
0x5c6: {  	v25 =	vld [tilespmem:s12+$0xA580]  }
0x5c7: {  	v26 =	vld [tilespmem:s12+$0xA590]  }
0x5c8: {  	v27 =	vld [tilespmem:s12+$0xA5A0]  }
0x5c9: {  	v8 =	vld.idx.msk [tilespmem:v0+s2+$0x0], $0xffff  }
0x5ca: {  	v1 =	vld.idx.msk [tilespmem:v1+s2+$0x0], $0xffff  }
0x5cb: {  	v2 =	vld.idx.msk [tilespmem:v2+s2+$0x0], $0xffff  }
0x5cc: {  	v3 =	vld.idx.msk [tilespmem:v3+s2+$0x0], $0xffff  }
0x5cd: {  	v0 =	vld [tilespmem:s12+$0xA5B0]  }
0x5ce: {  	v28 =	vld.idx.msk [tilespmem:v4+s2+$0x0], $0xffff  }
0x5cf: {  	v5 =	vld.idx.msk [tilespmem:v5+s2+$0x0], $0xffff  }
0x5d0: {  	v6 =	vld.idx.msk [tilespmem:v6+s2+$0x0], $0xffff  }
0x5d1: {  	v7 =	vld.idx.msk [tilespmem:v7+s2+$0x0], $0xffff  }
0x5d2: {  	v9 =	vld.idx.msk [tilespmem:v9+s2+$0x0], $0xffff  }
0x5d3: {  	v10 =	vld.idx.msk [tilespmem:v10+s2+$0x0], $0xffff  }
0x5d4: {  	v11 =	vld.idx.msk [tilespmem:v11+s2+$0x0], $0xffff  }
0x5d5: {  	v12 =	vld.idx.msk [tilespmem:v12+s2+$0x0], $0xffff  }
0x5d6: {  	v13 =	vld.idx.msk [tilespmem:v13+s2+$0x0], $0xffff  }
0x5d7: {  	v14 =	vld.idx.msk [tilespmem:v14+s2+$0x0], $0xffff  }
0x5d8: {  	v15 =	vld.idx.msk [tilespmem:v15+s2+$0x0], $0xffff  }
0x5d9: {  	v16 =	vld.idx.msk [tilespmem:v16+s2+$0x0], $0xffff  }
0x5da: {  	v17 =	vld.idx.msk [tilespmem:v17+s2+$0x0], $0xffff  }
0x5db: {  	v18 =	vld.idx.msk [tilespmem:v18+s2+$0x0], $0xffff  }
0x5dc: {  	v19 =	vld.idx.msk [tilespmem:v19+s2+$0x0], $0xffff  }
0x5dd: {  	v4 =	vld.idx.msk [tilespmem:v23+s2+$0x0], $0xffff;
	v1 =	vmax.f32 v8, v1  }
0x5de: {  	v1 =	vmax.f32 v1, v2;
	v2 =	vld.idx.msk [tilespmem:v20+s2+$0x0], $0xffff  }
0x5df: {  	v1 =	vmax.f32 v1, v3;
	v3 =	vld.idx.msk [tilespmem:v21+s2+$0x0], $0xffff  }
0x5e0: {  	v8 =	vsub.f32 $1.000000000e+00, v1;
	v1 =	vld.idx.msk [tilespmem:v22+s2+$0x0], $0xffff  }
0x5e1: {  	v62 =	vmax.f32 v28, v5;
	v6 =	vmax.f32 v6, v7;
	v5 =	vld.idx.msk [tilespmem:v24+s2+$0x0], $0xffff;
	v9 =	vmax.f32 v9, v10  }
0x5e2: {  	v63 =	vmax.f32 v11, v12;
	v13 =	vmax.f32 v13, v14;
	v7 =	vld.idx.msk [tilespmem:v25+s2+$0x0], $0xffff;
	v12 =	vmax.f32 v62, v17  }
0x5e3: {  	v10 =	vmax.f32 v6, v18;
	v6 =	vld.idx.msk [tilespmem:v26+s2+$0x0], $0xffff;
	v11 =	vmax.f32 v9, v19;
	[tilespmem:s12+$0xD0A0] =	vst v8  }
0x5e4: {  	s14 =	simm.s32 $0x1C0;
	s13 =	simm.s32 $0x0;
	v8 =	vmax.f32 v15, v16;
	v9 =	vmax.f32 v63, v2;
	v2 =	vmax.f32 v13, v3;
	v3 =	vld.idx.msk [tilespmem:v27+s2+$0x0], $0xffff  }
.LBB2_30:
0x5e5: {  	s15 =	sshra.s32 s14, $0x2;
	v1 =	vmax.f32 v8, v1;
	v0 =	vld.idx.msk [tilespmem:v0+s2+$0x0], $0xffff  }
0x5e6: {  	s13 =	sadd.s32 $0x70, s13;
	v4 =	vmax.f32 v12, v4;
	v8 =	vld [tilespmem:s15+$0x9360]  }
0x5e7: {  	p0 =	slt.u32 s13, $0x5B0;
	v4 =	vsub.f32 $1.000000000e+00, v4;
	v5 =	vmax.f32 v10, v5;
	v12 =	vld [tilespmem:s15+$0x9980]  }
0x5e8: {  	v5 =	vsub.f32 $1.000000000e+00, v5;
	v7 =	vmax.f32 v11, v7;
	v10 =	vld [tilespmem:s15+$0x9FA0]  }
0x5e9: {  	v6 =	vmax.f32 v9, v6;
	v11 =	vld [tilespmem:s15+$0xA5C0];
	[tilespmem:s12+$0xD040] =	vst v4;
	v4 =	vsub.f32 $1.000000000e+00, v7  }
0x5ea: {  	v2 =	vmax.f32 v2, v3;
	v7 =	vld [tilespmem:s15+$0x9300];
	[tilespmem:s12+$0xD050] =	vst v5;
	v5 =	vsub.f32 $1.000000000e+00, v6  }
0x5eb: {  	v2 =	vsub.f32 $1.000000000e+00, v2;
	v0 =	vmax.f32 v1, v0;
	v3 =	vld [tilespmem:s15+$0x9920];
	[tilespmem:s12+$0xD060] =	vst v4  }
0x5ec: {  	v0 =	vsub.f32 $1.000000000e+00, v0;
	v1 =	vld [tilespmem:s15+$0x9310];
	[tilespmem:s12+$0xD070] =	vst v5  }
0x5ed: {  	v4 =	vld [tilespmem:s15+$0x9930];
	[tilespmem:s12+$0xD080] =	vst v2  }
0x5ee: {  	v2 =	vld.idx.msk [tilespmem:v8+s2+$0x0], $0xffff;
	[tilespmem:s12+$0xD090] =	vst v0;
	s12 =	smov.u32 s15  }
0x5ef: {  	v0 =	vld.idx.msk [tilespmem:v12+s2+$0x0], $0xffff  }
0x5f0: {  	v5 =	vld.idx.msk [tilespmem:v10+s2+$0x0], $0xffff  }
0x5f1: {  	v6 =	vld.idx.msk [tilespmem:v11+s2+$0x0], $0xffff  }
0x5f2: {  	v8 =	vld [tilespmem:s12+$0x9320]  }
0x5f3: {  	v9 =	vld [tilespmem:s12+$0x9940]  }
0x5f4: {  	v10 =	vld [tilespmem:s12+$0x9330]  }
0x5f5: {  	v0 =	vmax.f32 v2, v0;
	v11 =	vld [tilespmem:s12+$0x9950]  }
0x5f6: {  	v0 =	vmax.f32 v0, v5;
	v2 =	vld [tilespmem:s12+$0x9340]  }
0x5f7: {  	v0 =	vmax.f32 v0, v6;
	v5 =	vld [tilespmem:s12+$0x9960]  }
0x5f8: {  	v0 =	vsub.f32 $1.000000000e+00, v0;
	v6 =	vld [tilespmem:s12+$0x9350]  }
0x5f9: {  	v12 =	vld [tilespmem:s12+$0x9970]  }
0x5fa: {  	v13 =	vld [tilespmem:s12+$0x9F40];
	[tilespmem:s12+$0xD0A0] =	vst v0  }
0x5fb: {  	v14 =	vld [tilespmem:s12+$0x9F50]  }
0x5fc: {  	v15 =	vld [tilespmem:s12+$0x9F60]  }
0x5fd: {  	v16 =	vld [tilespmem:s12+$0x9F70]  }
0x5fe: {  	v17 =	vld [tilespmem:s12+$0x9F80]  }
0x5ff: {  	v18 =	vld [tilespmem:s12+$0x9F90]  }
0x600: {  	v19 =	vld [tilespmem:s12+$0xA560]  }
0x601: {  	v20 =	vld [tilespmem:s12+$0xA570]  }
0x602: {  	v21 =	vld [tilespmem:s12+$0xA580]  }
0x603: {  	v22 =	vld [tilespmem:s12+$0xA590]  }
0x604: {  	v23 =	vld [tilespmem:s12+$0xA5A0]  }
0x605: {  	v0 =	vld [tilespmem:s12+$0xA5B0]  }
0x606: {  	v7 =	vld.idx.msk [tilespmem:v7+s2+$0x0], $0xffff  }
0x607: {  	v3 =	vld.idx.msk [tilespmem:v3+s2+$0x0], $0xffff  }
0x608: {  	v1 =	vld.idx.msk [tilespmem:v1+s2+$0x0], $0xffff  }
0x609: {  	v4 =	vld.idx.msk [tilespmem:v4+s2+$0x0], $0xffff  }
0x60a: {  	v8 =	vld.idx.msk [tilespmem:v8+s2+$0x0], $0xffff  }
0x60b: {  	v9 =	vld.idx.msk [tilespmem:v9+s2+$0x0], $0xffff  }
0x60c: {  	v10 =	vld.idx.msk [tilespmem:v10+s2+$0x0], $0xffff  }
0x60d: {  	v3 =	vmax.f32 v7, v3;
	v7 =	vld.idx.msk [tilespmem:v11+s2+$0x0], $0xffff  }
0x60e: {  	v2 =	vld.idx.msk [tilespmem:v2+s2+$0x0], $0xffff  }
0x60f: {  	v11 =	vmax.f32 v1, v4;
	v1 =	vld.idx.msk [tilespmem:v5+s2+$0x0], $0xffff  }
0x610: {  	v4 =	vld.idx.msk [tilespmem:v6+s2+$0x0], $0xffff  }
0x611: {  	v6 =	vmax.f32 v8, v9;
	v5 =	vld.idx.msk [tilespmem:v12+s2+$0x0], $0xffff  }
0x612: {  	v9 =	vld.idx.msk [tilespmem:v13+s2+$0x0], $0xffff  }
0x613: {  	v13 =	vld.idx.msk [tilespmem:v14+s2+$0x0], $0xffff;
	v14 =	vmax.f32 v10, v7  }
0x614: {  	v7 =	vld.idx.msk [tilespmem:v15+s2+$0x0], $0xffff  }
0x615: {  	v2 =	vmax.f32 v2, v1;
	v15 =	vld.idx.msk [tilespmem:v16+s2+$0x0], $0xffff  }
0x616: {  	v16 =	vld.idx.msk [tilespmem:v17+s2+$0x0], $0xffff  }
0x617: {  	v8 =	vmax.f32 v4, v5;
	v1 =	vld.idx.msk [tilespmem:v18+s2+$0x0], $0xffff  }
.Ltmp14:
0x618: {  	v12 =	vmax.f32 v3, v9;
	v4 =	vld.idx.msk [tilespmem:v19+s2+$0x0], $0xffff;
	(pc) =	sbr.rel @p0 .LBB2_30-.Ltmp14, $4  }
0x619: {  	v10 =	vmax.f32 v11, v13;
	v5 =	vld.idx.msk [tilespmem:v20+s2+$0x0], $0xffff  }
0x61a: {  	v11 =	vmax.f32 v6, v7;
	v7 =	vld.idx.msk [tilespmem:v21+s2+$0x0], $0xffff  }
0x61b: {  	v9 =	vmax.f32 v14, v15;
	v6 =	vld.idx.msk [tilespmem:v22+s2+$0x0], $0xffff  }
0x61c: {  	s14 =	sadd.s32 $0x1C0, s14;
	v2 =	vmax.f32 v2, v16;
	v3 =	vld.idx.msk [tilespmem:v23+s2+$0x0], $0xffff  }
0x61d: {  	_ =	sdelay $0x3  }
0x61e: {  	v0 =	vld.idx.msk [tilespmem:v0+s2+$0x0], $0xffff;
	v4 =	vmax.f32 v12, v4  }
0x61f: {  	v4 =	vsub.f32 $1.000000000e+00, v4;
	v5 =	vmax.f32 v10, v5  }
0x620: {  	v5 =	vsub.f32 $1.000000000e+00, v5;
	v7 =	vmax.f32 v11, v7  }
0x621: {  	[tilespmem:s12+$0xD040] =	vst v4;
	v4 =	vsub.f32 $1.000000000e+00, v7;
	v6 =	vmax.f32 v9, v6  }
0x622: {  	v1 =	vmax.f32 v8, v1;
	[tilespmem:s12+$0xD050] =	vst v5;
	v5 =	vsub.f32 $1.000000000e+00, v6;
	v2 =	vmax.f32 v2, v3  }
0x623: {  	[tilespmem:s12+$0xD060] =	vst v4;
	v2 =	vsub.f32 $1.000000000e+00, v2;
	v0 =	vmax.f32 v1, v0  }
0x624: {  	[tilespmem:s12+$0xD070] =	vst v5;
	v0 =	vsub.f32 $1.000000000e+00, v0  }
0x625: {  	[tilespmem:s12+$0xD080] =	vst v2  }
0x626: {  	[tilespmem:s12+$0xD090] =	vst v0  }
0x627: {  	s15 =	simm.s32 $0x0;
	s13 =	rddreg [dreg:$0x13]  }
0x628: {  	[hbm4b:s13+s15] =	stream.linear.scatter [tilespmem:s7], [sflag:$0x6], $0x620, $0x38;
	[tilespmem:$0xDC80] =	vst v63  }
0x629: {  	_ = 	snop  }
0x62a: {  	[tilespmem:s29], [sflag:$0x4] =	stream.strided.gather [hbm4b:s18+s24], $0x1880, s25, s24, $0x38;
	[tilespmem:$0xDC80] =	vst v63  }
0x62b: {  	_ =	swait.ge [sflag:s8], $0x1880  }
0x62c: {  	[sflag:s8] =	ssyncset.done $0x0  }
0x62d: {  	[sflag:s8] =	ssyncadd.s32 $0xFFFFE780  }
0x62e: {  	_ =	swait.ge [sflag:s10], $0x620  }
0x62f: {  	[sflag:s10] =	ssyncset.done $0x0  }
0x630: {  	s12 =	simm.s32 $0x0;
	[sflag:s10] =	ssyncadd.s32 $0xFFFFF9E0  }
0x631: {  	v0 =	vld [tilespmem:s12+$0xABE0]  }
0x632: {  	v1 =	vld [tilespmem:s12+$0xB200]  }
0x633: {  	v2 =	vld [tilespmem:s12+$0xB820]  }
0x634: {  	v3 =	vld [tilespmem:s12+$0xBE40]  }
0x635: {  	v4 =	vld [tilespmem:s12+$0xAB80]  }
0x636: {  	v5 =	vld [tilespmem:s12+$0xB1A0]  }
0x637: {  	v6 =	vld [tilespmem:s12+$0xAB90]  }
0x638: {  	v7 =	vld [tilespmem:s12+$0xB1B0]  }
0x639: {  	v9 =	vld [tilespmem:s12+$0xABA0]  }
0x63a: {  	v10 =	vld [tilespmem:s12+$0xB1C0]  }
0x63b: {  	v11 =	vld [tilespmem:s12+$0xABB0]  }
0x63c: {  	v12 =	vld [tilespmem:s12+$0xB1D0]  }
0x63d: {  	v13 =	vld [tilespmem:s12+$0xABC0]  }
0x63e: {  	v14 =	vld [tilespmem:s12+$0xB1E0]  }
0x63f: {  	v15 =	vld [tilespmem:s12+$0xABD0]  }
0x640: {  	v16 =	vld [tilespmem:s12+$0xB1F0]  }
0x641: {  	v17 =	vld [tilespmem:s12+$0xB7C0]  }
0x642: {  	v18 =	vld [tilespmem:s12+$0xB7D0]  }
0x643: {  	v19 =	vld [tilespmem:s12+$0xB7E0]  }
0x644: {  	v20 =	vld [tilespmem:s12+$0xB7F0]  }
0x645: {  	v21 =	vld [tilespmem:s12+$0xB800]  }
0x646: {  	v22 =	vld [tilespmem:s12+$0xB810]  }
0x647: {  	v23 =	vld [tilespmem:s12+$0xBDE0]  }
0x648: {  	v24 =	vld [tilespmem:s12+$0xBDF0]  }
0x649: {  	v25 =	vld [tilespmem:s12+$0xBE00]  }
0x64a: {  	v26 =	vld [tilespmem:s12+$0xBE10]  }
0x64b: {  	v27 =	vld [tilespmem:s12+$0xBE20]  }
0x64c: {  	v8 =	vld.idx.msk [tilespmem:v0+s2+$0x0], $0xffff  }
0x64d: {  	v1 =	vld.idx.msk [tilespmem:v1+s2+$0x0], $0xffff  }
0x64e: {  	v2 =	vld.idx.msk [tilespmem:v2+s2+$0x0], $0xffff  }
0x64f: {  	v3 =	vld.idx.msk [tilespmem:v3+s2+$0x0], $0xffff  }
0x650: {  	v0 =	vld [tilespmem:s12+$0xBE30]  }
0x651: {  	v28 =	vld.idx.msk [tilespmem:v4+s2+$0x0], $0xffff  }
0x652: {  	v5 =	vld.idx.msk [tilespmem:v5+s2+$0x0], $0xffff  }
0x653: {  	v6 =	vld.idx.msk [tilespmem:v6+s2+$0x0], $0xffff  }
0x654: {  	v7 =	vld.idx.msk [tilespmem:v7+s2+$0x0], $0xffff  }
0x655: {  	v9 =	vld.idx.msk [tilespmem:v9+s2+$0x0], $0xffff  }
0x656: {  	v10 =	vld.idx.msk [tilespmem:v10+s2+$0x0], $0xffff  }
0x657: {  	v11 =	vld.idx.msk [tilespmem:v11+s2+$0x0], $0xffff  }
0x658: {  	v12 =	vld.idx.msk [tilespmem:v12+s2+$0x0], $0xffff  }
0x659: {  	v13 =	vld.idx.msk [tilespmem:v13+s2+$0x0], $0xffff  }
0x65a: {  	v14 =	vld.idx.msk [tilespmem:v14+s2+$0x0], $0xffff  }
0x65b: {  	v15 =	vld.idx.msk [tilespmem:v15+s2+$0x0], $0xffff  }
0x65c: {  	v16 =	vld.idx.msk [tilespmem:v16+s2+$0x0], $0xffff  }
0x65d: {  	v17 =	vld.idx.msk [tilespmem:v17+s2+$0x0], $0xffff  }
0x65e: {  	v18 =	vld.idx.msk [tilespmem:v18+s2+$0x0], $0xffff  }
0x65f: {  	v19 =	vld.idx.msk [tilespmem:v19+s2+$0x0], $0xffff  }
0x660: {  	v4 =	vld.idx.msk [tilespmem:v23+s2+$0x0], $0xffff;
	v1 =	vmax.f32 v8, v1  }
0x661: {  	v1 =	vmax.f32 v1, v2;
	v2 =	vld.idx.msk [tilespmem:v20+s2+$0x0], $0xffff  }
0x662: {  	v1 =	vmax.f32 v1, v3;
	v3 =	vld.idx.msk [tilespmem:v21+s2+$0x0], $0xffff  }
0x663: {  	v8 =	vsub.f32 $1.000000000e+00, v1;
	v1 =	vld.idx.msk [tilespmem:v22+s2+$0x0], $0xffff  }
0x664: {  	v62 =	vmax.f32 v28, v5;
	v6 =	vmax.f32 v6, v7;
	v5 =	vld.idx.msk [tilespmem:v24+s2+$0x0], $0xffff;
	v9 =	vmax.f32 v9, v10  }
0x665: {  	v63 =	vmax.f32 v11, v12;
	v13 =	vmax.f32 v13, v14;
	v7 =	vld.idx.msk [tilespmem:v25+s2+$0x0], $0xffff;
	v12 =	vmax.f32 v62, v17  }
0x666: {  	v10 =	vmax.f32 v6, v18;
	v6 =	vld.idx.msk [tilespmem:v26+s2+$0x0], $0xffff;
	v11 =	vmax.f32 v9, v19;
	[tilespmem:s12+$0xD6C0] =	vst v8  }
0x667: {  	s14 =	simm.s32 $0x1C0;
	s13 =	simm.s32 $0x0;
	v8 =	vmax.f32 v15, v16;
	v9 =	vmax.f32 v63, v2;
	v2 =	vmax.f32 v13, v3;
	v3 =	vld.idx.msk [tilespmem:v27+s2+$0x0], $0xffff  }
.LBB2_32:
0x668: {  	s15 =	sshra.s32 s14, $0x2;
	v1 =	vmax.f32 v8, v1;
	v0 =	vld.idx.msk [tilespmem:v0+s2+$0x0], $0xffff  }
0x669: {  	s13 =	sadd.s32 $0x70, s13;
	v4 =	vmax.f32 v12, v4;
	v8 =	vld [tilespmem:s15+$0xABE0]  }
0x66a: {  	p0 =	slt.u32 s13, $0x5B0;
	v4 =	vsub.f32 $1.000000000e+00, v4;
	v5 =	vmax.f32 v10, v5;
	v12 =	vld [tilespmem:s15+$0xB200]  }
0x66b: {  	v5 =	vsub.f32 $1.000000000e+00, v5;
	v7 =	vmax.f32 v11, v7;
	v10 =	vld [tilespmem:s15+$0xB820]  }
0x66c: {  	v6 =	vmax.f32 v9, v6;
	v11 =	vld [tilespmem:s15+$0xBE40];
	[tilespmem:s12+$0xD660] =	vst v4;
	v4 =	vsub.f32 $1.000000000e+00, v7  }
0x66d: {  	v2 =	vmax.f32 v2, v3;
	v7 =	vld [tilespmem:s15+$0xAB80];
	[tilespmem:s12+$0xD670] =	vst v5;
	v5 =	vsub.f32 $1.000000000e+00, v6  }
0x66e: {  	v2 =	vsub.f32 $1.000000000e+00, v2;
	v0 =	vmax.f32 v1, v0;
	v3 =	vld [tilespmem:s15+$0xB1A0];
	[tilespmem:s12+$0xD680] =	vst v4  }
0x66f: {  	v0 =	vsub.f32 $1.000000000e+00, v0;
	v1 =	vld [tilespmem:s15+$0xAB90];
	[tilespmem:s12+$0xD690] =	vst v5  }
0x670: {  	v4 =	vld [tilespmem:s15+$0xB1B0];
	[tilespmem:s12+$0xD6A0] =	vst v2  }
0x671: {  	v2 =	vld.idx.msk [tilespmem:v8+s2+$0x0], $0xffff;
	[tilespmem:s12+$0xD6B0] =	vst v0;
	s12 =	smov.u32 s15  }
0x672: {  	v0 =	vld.idx.msk [tilespmem:v12+s2+$0x0], $0xffff  }
0x673: {  	v5 =	vld.idx.msk [tilespmem:v10+s2+$0x0], $0xffff  }
0x674: {  	v6 =	vld.idx.msk [tilespmem:v11+s2+$0x0], $0xffff  }
0x675: {  	v8 =	vld [tilespmem:s12+$0xABA0]  }
0x676: {  	v9 =	vld [tilespmem:s12+$0xB1C0]  }
0x677: {  	v10 =	vld [tilespmem:s12+$0xABB0]  }
0x678: {  	v0 =	vmax.f32 v2, v0;
	v11 =	vld [tilespmem:s12+$0xB1D0]  }
0x679: {  	v0 =	vmax.f32 v0, v5;
	v2 =	vld [tilespmem:s12+$0xABC0]  }
0x67a: {  	v0 =	vmax.f32 v0, v6;
	v5 =	vld [tilespmem:s12+$0xB1E0]  }
0x67b: {  	v0 =	vsub.f32 $1.000000000e+00, v0;
	v6 =	vld [tilespmem:s12+$0xABD0]  }
0x67c: {  	v12 =	vld [tilespmem:s12+$0xB1F0]  }
0x67d: {  	v13 =	vld [tilespmem:s12+$0xB7C0];
	[tilespmem:s12+$0xD6C0] =	vst v0  }
0x67e: {  	v14 =	vld [tilespmem:s12+$0xB7D0]  }
0x67f: {  	v15 =	vld [tilespmem:s12+$0xB7E0]  }
0x680: {  	v16 =	vld [tilespmem:s12+$0xB7F0]  }
0x681: {  	v17 =	vld [tilespmem:s12+$0xB800]  }
0x682: {  	v18 =	vld [tilespmem:s12+$0xB810]  }
0x683: {  	v19 =	vld [tilespmem:s12+$0xBDE0]  }
0x684: {  	v20 =	vld [tilespmem:s12+$0xBDF0]  }
0x685: {  	v21 =	vld [tilespmem:s12+$0xBE00]  }
0x686: {  	v22 =	vld [tilespmem:s12+$0xBE10]  }
0x687: {  	v23 =	vld [tilespmem:s12+$0xBE20]  }
0x688: {  	v0 =	vld [tilespmem:s12+$0xBE30]  }
0x689: {  	v7 =	vld.idx.msk [tilespmem:v7+s2+$0x0], $0xffff  }
0x68a: {  	v3 =	vld.idx.msk [tilespmem:v3+s2+$0x0], $0xffff  }
0x68b: {  	v1 =	vld.idx.msk [tilespmem:v1+s2+$0x0], $0xffff  }
0x68c: {  	v4 =	vld.idx.msk [tilespmem:v4+s2+$0x0], $0xffff  }
0x68d: {  	v8 =	vld.idx.msk [tilespmem:v8+s2+$0x0], $0xffff  }
0x68e: {  	v9 =	vld.idx.msk [tilespmem:v9+s2+$0x0], $0xffff  }
0x68f: {  	v10 =	vld.idx.msk [tilespmem:v10+s2+$0x0], $0xffff  }
0x690: {  	v3 =	vmax.f32 v7, v3;
	v7 =	vld.idx.msk [tilespmem:v11+s2+$0x0], $0xffff  }
0x691: {  	v2 =	vld.idx.msk [tilespmem:v2+s2+$0x0], $0xffff  }
0x692: {  	v11 =	vmax.f32 v1, v4;
	v1 =	vld.idx.msk [tilespmem:v5+s2+$0x0], $0xffff  }
0x693: {  	v4 =	vld.idx.msk [tilespmem:v6+s2+$0x0], $0xffff  }
0x694: {  	v6 =	vmax.f32 v8, v9;
	v5 =	vld.idx.msk [tilespmem:v12+s2+$0x0], $0xffff  }
0x695: {  	v9 =	vld.idx.msk [tilespmem:v13+s2+$0x0], $0xffff  }
0x696: {  	v13 =	vld.idx.msk [tilespmem:v14+s2+$0x0], $0xffff;
	v14 =	vmax.f32 v10, v7  }
0x697: {  	v7 =	vld.idx.msk [tilespmem:v15+s2+$0x0], $0xffff  }
0x698: {  	v2 =	vmax.f32 v2, v1;
	v15 =	vld.idx.msk [tilespmem:v16+s2+$0x0], $0xffff  }
0x699: {  	v16 =	vld.idx.msk [tilespmem:v17+s2+$0x0], $0xffff  }
0x69a: {  	v8 =	vmax.f32 v4, v5;
	v1 =	vld.idx.msk [tilespmem:v18+s2+$0x0], $0xffff  }
.Ltmp15:
0x69b: {  	v12 =	vmax.f32 v3, v9;
	v4 =	vld.idx.msk [tilespmem:v19+s2+$0x0], $0xffff;
	(pc) =	sbr.rel @p0 .LBB2_32-.Ltmp15, $4  }
0x69c: {  	v10 =	vmax.f32 v11, v13;
	v5 =	vld.idx.msk [tilespmem:v20+s2+$0x0], $0xffff  }
0x69d: {  	v11 =	vmax.f32 v6, v7;
	v7 =	vld.idx.msk [tilespmem:v21+s2+$0x0], $0xffff  }
0x69e: {  	v9 =	vmax.f32 v14, v15;
	v6 =	vld.idx.msk [tilespmem:v22+s2+$0x0], $0xffff  }
0x69f: {  	s14 =	sadd.s32 $0x1C0, s14;
	v2 =	vmax.f32 v2, v16;
	v3 =	vld.idx.msk [tilespmem:v23+s2+$0x0], $0xffff  }
0x6a0: {  	_ =	sdelay $0x3  }
0x6a1: {  	v0 =	vld.idx.msk [tilespmem:v0+s2+$0x0], $0xffff;
	v4 =	vmax.f32 v12, v4  }
0x6a2: {  	v4 =	vsub.f32 $1.000000000e+00, v4;
	v5 =	vmax.f32 v10, v5  }
0x6a3: {  	v5 =	vsub.f32 $1.000000000e+00, v5;
	v7 =	vmax.f32 v11, v7  }
0x6a4: {  	[tilespmem:s12+$0xD660] =	vst v4;
	v4 =	vsub.f32 $1.000000000e+00, v7;
	v6 =	vmax.f32 v9, v6  }
0x6a5: {  	v1 =	vmax.f32 v8, v1;
	[tilespmem:s12+$0xD670] =	vst v5;
	v5 =	vsub.f32 $1.000000000e+00, v6;
	v2 =	vmax.f32 v2, v3  }
0x6a6: {  	[tilespmem:s12+$0xD680] =	vst v4;
	v2 =	vsub.f32 $1.000000000e+00, v2;
	v0 =	vmax.f32 v1, v0  }
0x6a7: {  	[tilespmem:s12+$0xD690] =	vst v5;
	v0 =	vsub.f32 $1.000000000e+00, v0  }
0x6a8: {  	[tilespmem:s12+$0xD6A0] =	vst v2  }
0x6a9: {  	[tilespmem:s12+$0xD6B0] =	vst v0  }
0x6aa: {  	s12 =	rddreg [dreg:$0x14]  }
0x6ab: {  	[hbm4b:s12+s2] =	stream.linear.scatter [tilespmem:s9], [sflag:$0x6], $0x620, $0x38;
	[tilespmem:$0xDC80] =	vst v63  }
0x6ac: {  	_ = 	snop  }
0x6ad: {  	[tilespmem:s30], [sflag:$0x5] =	stream.strided.gather [hbm4b:s19+s24], $0x1880, s25, s24, $0x38;
	[tilespmem:$0xDC80] =	vst v63  }
0x6ae: {  	_ =	swait.ge [sflag:s31], $0x1880  }
0x6af: {  	[sflag:s31] =	ssyncset.done $0x0  }
0x6b0: {  	[sflag:s31] =	ssyncadd.s32 $0xFFFFE780  }
0x6b1: {  	_ =	swait.ge [sflag:s10], $0x620  }
0x6b2: {  	[sflag:s10] =	ssyncset.done $0x0  }
0x6b3: {  	s15 =	simm.s32 $0x6E40;
	[sflag:s10] =	ssyncadd.s32 $0xFFFFF9E0  }
0x6b4: {  	v0 =	vld [tilespmem:s15+$0xFFFFF420]  }
0x6b5: {  	v1 =	vld [tilespmem:s15+$0xFFFFFA40]  }
0x6b6: {  	v2 =	vld [tilespmem:s15+$0x60]  }
0x6b7: {  	v3 =	vld [tilespmem:s15+$0x680]  }
0x6b8: {  	v4 =	vld [tilespmem:s15+$0xFFFFF9E0]  }
0x6b9: {  	v5 =	vld [tilespmem:s15+$0xFFFFF3D0]  }
0x6ba: {  	v6 =	vld [tilespmem:s15+$0xFFFFF9F0]  }
0x6bb: {  	v7 =	vld [tilespmem:s15+$0xFFFFF3E0]  }
0x6bc: {  	v8 =	vld [tilespmem:s15+$0xFFFFFA00]  }
0x6bd: {  	v9 =	vld [tilespmem:s15+$0xFFFFF3F0]  }
0x6be: {  	v10 =	vld [tilespmem:s15+$0xFFFFFA10]  }
0x6bf: {  	v11 =	vld [tilespmem:s15+$0xFFFFF400]  }
0x6c0: {  	v60 =	vld [tilespmem:s15+$0xFFFFFA20]  }
0x6c1: {  	v13 =	vld [tilespmem:s15+$0xFFFFF410]  }
0x6c2: {  	v14 =	vld [tilespmem:s15+$0xFFFFFA30]  }
0x6c3: {  	v15 =	vld [tilespmem:s15+$0xFFFFF3C0]  }
0x6c4: {  	v16 =	vld [tilespmem:s15+$0x0]  }
0x6c5: {  	v17 =	vld [tilespmem:s15+$0x10]  }
0x6c6: {  	v18 =	vld [tilespmem:s15+$0x20]  }
0x6c7: {  	v19 =	vld [tilespmem:s15+$0x30]  }
0x6c8: {  	v20 =	vld [tilespmem:s15+$0x40]  }
0x6c9: {  	v21 =	vld [tilespmem:s15+$0x50]  }
0x6ca: {  	v22 =	vld [tilespmem:s15+$0x620]  }
0x6cb: {  	v23 =	vld [tilespmem:s15+$0x630]  }
0x6cc: {  	v24 =	vld [tilespmem:s15+$0x640]  }
0x6cd: {  	v25 =	vld [tilespmem:s15+$0x650]  }
0x6ce: {  	v26 =	vld [tilespmem:s15+$0x660]  }
0x6cf: {  	v27 =	vld [tilespmem:s15+$0x670]  }
0x6d0: {  	v0 =	vld.idx.msk [tilespmem:v0+s2+$0x0], $0xffff  }
0x6d1: {  	v1 =	vld.idx.msk [tilespmem:v1+s2+$0x0], $0xffff  }
0x6d2: {  	v2 =	vld.idx.msk [tilespmem:v2+s2+$0x0], $0xffff  }
0x6d3: {  	v3 =	vld.idx.msk [tilespmem:v3+s2+$0x0], $0xffff  }
0x6d4: {  	v15 =	vld.idx.msk [tilespmem:v15+s2+$0x0], $0xffff  }
0x6d5: {  	v28 =	vld.idx.msk [tilespmem:v4+s2+$0x0], $0xffff  }
0x6d6: {  	v5 =	vld.idx.msk [tilespmem:v5+s2+$0x0], $0xffff  }
0x6d7: {  	v6 =	vld.idx.msk [tilespmem:v6+s2+$0x0], $0xffff  }
0x6d8: {  	v29 =	vld.idx.msk [tilespmem:v7+s2+$0x0], $0xffff  }
0x6d9: {  	v8 =	vld.idx.msk [tilespmem:v8+s2+$0x0], $0xffff  }
0x6da: {  	v9 =	vld.idx.msk [tilespmem:v9+s2+$0x0], $0xffff  }
0x6db: {  	v10 =	vld.idx.msk [tilespmem:v10+s2+$0x0], $0xffff  }
0x6dc: {  	v11 =	vld.idx.msk [tilespmem:v11+s2+$0x0], $0xffff  }
0x6dd: {  	v12 =	vld.idx.msk [tilespmem:v60+s2+$0x0], $0xffff  }
0x6de: {  	v13 =	vld.idx.msk [tilespmem:v13+s2+$0x0], $0xffff  }
0x6df: {  	v14 =	vld.idx.msk [tilespmem:v14+s2+$0x0], $0xffff  }
0x6e0: {  	v16 =	vld.idx.msk [tilespmem:v16+s2+$0x0], $0xffff  }
0x6e1: {  	v17 =	vld.idx.msk [tilespmem:v17+s2+$0x0], $0xffff  }
0x6e2: {  	v61 =	vld.idx.msk [tilespmem:v20+s2+$0x0], $0xffff  }
0x6e3: {  	v62 =	vld.idx.msk [tilespmem:v21+s2+$0x0], $0xffff  }
0x6e4: {  	v7 =	vld.idx.msk [tilespmem:v22+s2+$0x0], $0xffff  }
0x6e5: {  	v0 =	vmax.f32 v0, v1;
	v1 =	vld.idx.msk [tilespmem:v18+s2+$0x0], $0xffff  }
0x6e6: {  	v0 =	vmax.f32 v0, v2;
	v2 =	vld.idx.msk [tilespmem:v19+s2+$0x0], $0xffff  }
0x6e7: {  	v4 =	vld.idx.msk [tilespmem:v23+s2+$0x0], $0xffff;
	v6 =	vmax.f32 v5, v6;
	v8 =	vmax.f32 v29, v8;
	v0 =	vmax.f32 v0, v3  }
0x6e8: {  	v5 =	vld.idx.msk [tilespmem:v24+s2+$0x0], $0xffff;
	v63 =	vmax.f32 v9, v10;
	v12 =	vmax.f32 v11, v12;
	v0 =	vsub.f32 $1.000000000e+00, v0  }
0x6e9: {  	s12 =	simm.s32 $0xC430;
	v13 =	vmax.f32 v13, v14;
	v10 =	vmax.f32 v6, v17;
	v6 =	vmax.f32 v12, v61;
	v3 =	vld.idx.msk [tilespmem:v25+s2+$0x0], $0xffff  }
0x6ea: {  	[tilespmem:s12+$0x30] =	vst v0;
	v0 =	vmax.f32 v15, v28;
	v9 =	vmax.f32 v8, v1;
	v1 =	vld.idx.msk [tilespmem:v26+s2+$0x0], $0xffff  }
0x6eb: {  	s13 =	simm.s32 $0x0;
	s14 =	simm.s32 $0x6EB0;
	v11 =	vmax.f32 v0, v16;
	v8 =	vmax.f32 v63, v2;
	v0 =	vmax.f32 v13, v62;
	v2 =	vld.idx.msk [tilespmem:v27+s2+$0x0], $0xffff  }
.LBB2_34:
0x6ec: {  	v12 =	vld [tilespmem:s14+$0xFFFFF420];
	v7 =	vmax.f32 v11, v7  }
0x6ed: {  	s13 =	sadd.s32 $0x70, s13;
	v4 =	vmax.f32 v10, v4;
	v11 =	vld [tilespmem:s14+$0xFFFFFA40];
	v7 =	vsub.f32 $1.000000000e+00, v7  }
0x6ee: {  	p0 =	slt.u32 s13, $0x5B0;
	v4 =	vsub.f32 $1.000000000e+00, v4;
	v5 =	vmax.f32 v9, v5;
	v10 =	vld [tilespmem:s14+$0x60]  }
0x6ef: {  	v5 =	vsub.f32 $1.000000000e+00, v5;
	v3 =	vmax.f32 v8, v3;
	v9 =	vld [tilespmem:s14+$0x680];
	[tilespmem:s12+$0xFFFFFFD0] =	vst v7  }
0x6f0: {  	v3 =	vsub.f32 $1.000000000e+00, v3;
	v1 =	vmax.f32 v6, v1;
	v7 =	vld [tilespmem:s14+$0xFFFFF9E0];
	[tilespmem:s12+$0xFFFFFFE0] =	vst v4  }
0x6f1: {  	v1 =	vsub.f32 $1.000000000e+00, v1;
	v0 =	vmax.f32 v0, v2;
	v4 =	vld [tilespmem:s14+$0xFFFFF3D0];
	[tilespmem:s12+$0xFFFFFFF0] =	vst v5  }
0x6f2: {  	v0 =	vsub.f32 $1.000000000e+00, v0;
	v2 =	vld [tilespmem:s14+$0xFFFFF9F0];
	[tilespmem:s12+$0x0] =	vst v3  }
0x6f3: {  	v3 =	vld [tilespmem:s14+$0xFFFFF3E0];
	[tilespmem:s12+$0x10] =	vst v1  }
0x6f4: {  	v1 =	vld.idx.msk [tilespmem:v12+s2+$0x0], $0xffff;
	[tilespmem:s12+$0x20] =	vst v0  }
0x6f5: {  	v0 =	vld.idx.msk [tilespmem:v11+s2+$0x0], $0xffff  }
0x6f6: {  	v5 =	vld.idx.msk [tilespmem:v10+s2+$0x0], $0xffff  }
0x6f7: {  	v6 =	vld.idx.msk [tilespmem:v9+s2+$0x0], $0xffff  }
0x6f8: {  	v8 =	vld [tilespmem:s14+$0xFFFFFA00]  }
0x6f9: {  	v9 =	vld [tilespmem:s14+$0xFFFFF3F0]  }
0x6fa: {  	v10 =	vld [tilespmem:s14+$0xFFFFFA10]  }
0x6fb: {  	v0 =	vmax.f32 v1, v0;
	v11 =	vld [tilespmem:s14+$0xFFFFF400]  }
0x6fc: {  	v0 =	vmax.f32 v0, v5;
	v1 =	vld [tilespmem:s14+$0xFFFFFA20]  }
0x6fd: {  	v0 =	vmax.f32 v0, v6;
	v5 =	vld [tilespmem:s14+$0xFFFFF410]  }
0x6fe: {  	v0 =	vsub.f32 $1.000000000e+00, v0;
	v6 =	vld [tilespmem:s14+$0xFFFFFA30]  }
0x6ff: {  	s12 =	sadd.s32 $0x70, s12;
	v12 =	vld [tilespmem:s14+$0xFFFFF3C0]  }
0x700: {  	v13 =	vld [tilespmem:s14+$0x0];
	[tilespmem:s12+$0x30] =	vst v0  }
0x701: {  	v0 =	vld [tilespmem:s14+$0x10]  }
0x702: {  	v14 =	vld [tilespmem:s14+$0x20]  }
0x703: {  	v15 =	vld [tilespmem:s14+$0x30]  }
0x704: {  	v16 =	vld [tilespmem:s14+$0x40]  }
0x705: {  	v17 =	vld [tilespmem:s14+$0x50]  }
0x706: {  	v18 =	vld [tilespmem:s14+$0x620]  }
0x707: {  	v19 =	vld [tilespmem:s14+$0x630]  }
0x708: {  	v20 =	vld [tilespmem:s14+$0x640]  }
0x709: {  	v21 =	vld [tilespmem:s14+$0x650]  }
0x70a: {  	v22 =	vld [tilespmem:s14+$0x660]  }
0x70b: {  	v23 =	vld [tilespmem:s14+$0x670]  }
0x70c: {  	v12 =	vld.idx.msk [tilespmem:v12+s2+$0x0], $0xffff  }
0x70d: {  	v7 =	vld.idx.msk [tilespmem:v7+s2+$0x0], $0xffff  }
0x70e: {  	v4 =	vld.idx.msk [tilespmem:v4+s2+$0x0], $0xffff  }
0x70f: {  	v2 =	vld.idx.msk [tilespmem:v2+s2+$0x0], $0xffff  }
0x710: {  	v3 =	vld.idx.msk [tilespmem:v3+s2+$0x0], $0xffff  }
0x711: {  	v8 =	vld.idx.msk [tilespmem:v8+s2+$0x0], $0xffff  }
0x712: {  	v9 =	vld.idx.msk [tilespmem:v9+s2+$0x0], $0xffff  }
0x713: {  	v7 =	vmax.f32 v12, v7;
	v10 =	vld.idx.msk [tilespmem:v10+s2+$0x0], $0xffff  }
0x714: {  	v11 =	vld.idx.msk [tilespmem:v11+s2+$0x0], $0xffff  }
0x715: {  	v2 =	vmax.f32 v4, v2;
	v1 =	vld.idx.msk [tilespmem:v1+s2+$0x0], $0xffff  }
0x716: {  	v4 =	vld.idx.msk [tilespmem:v5+s2+$0x0], $0xffff  }
0x717: {  	v3 =	vmax.f32 v3, v8;
	v5 =	vld.idx.msk [tilespmem:v6+s2+$0x0], $0xffff  }
0x718: {  	v6 =	vld.idx.msk [tilespmem:v13+s2+$0x0], $0xffff  }
0x719: {  	v8 =	vmax.f32 v9, v10;
	v0 =	vld.idx.msk [tilespmem:v0+s2+$0x0], $0xffff  }
0x71a: {  	v9 =	vld.idx.msk [tilespmem:v14+s2+$0x0], $0xffff  }
0x71b: {  	v1 =	vmax.f32 v11, v1;
	v12 =	vld.idx.msk [tilespmem:v15+s2+$0x0], $0xffff  }
0x71c: {  	v13 =	vld.idx.msk [tilespmem:v16+s2+$0x0], $0xffff  }
0x71d: {  	v14 =	vmax.f32 v4, v5;
	v15 =	vld.idx.msk [tilespmem:v17+s2+$0x0], $0xffff  }
0x71e: {  	v11 =	vmax.f32 v7, v6;
	v7 =	vld.idx.msk [tilespmem:v18+s2+$0x0], $0xffff  }
.Ltmp16:
0x71f: {  	v10 =	vmax.f32 v2, v0;
	v4 =	vld.idx.msk [tilespmem:v19+s2+$0x0], $0xffff;
	(pc) =	sbr.rel @p0 .LBB2_34-.Ltmp16, $4  }
0x720: {  	v9 =	vmax.f32 v3, v9;
	v5 =	vld.idx.msk [tilespmem:v20+s2+$0x0], $0xffff  }
0x721: {  	v8 =	vmax.f32 v8, v12;
	v3 =	vld.idx.msk [tilespmem:v21+s2+$0x0], $0xffff  }
0x722: {  	v6 =	vmax.f32 v1, v13;
	v1 =	vld.idx.msk [tilespmem:v22+s2+$0x0], $0xffff  }
0x723: {  	s14 =	sadd.s32 $0x70, s14;
	v0 =	vmax.f32 v14, v15;
	v2 =	vld.idx.msk [tilespmem:v23+s2+$0x0], $0xffff  }
0x724: {  	v7 =	vmax.f32 v11, v7  }
0x725: {  	v4 =	vmax.f32 v10, v4;
	v7 =	vsub.f32 $1.000000000e+00, v7  }
0x726: {  	v4 =	vsub.f32 $1.000000000e+00, v4;
	v5 =	vmax.f32 v9, v5  }
0x727: {  	v5 =	vsub.f32 $1.000000000e+00, v5;
	v3 =	vmax.f32 v8, v3;
	[tilespmem:s12+$0xFFFFFFD0] =	vst v7  }
0x728: {  	[tilespmem:s12+$0xFFFFFFE0] =	vst v4;
	v3 =	vsub.f32 $1.000000000e+00, v3;
	v1 =	vmax.f32 v6, v1  }
0x729: {  	[tilespmem:s12+$0xFFFFFFF0] =	vst v5;
	v1 =	vsub.f32 $1.000000000e+00, v1;
	v0 =	vmax.f32 v0, v2  }
0x72a: {  	[tilespmem:s12+$0x0] =	vst v3;
	v0 =	vsub.f32 $1.000000000e+00, v0  }
0x72b: {  	[tilespmem:s12+$0x10] =	vst v1  }
0x72c: {  	[tilespmem:s12+$0x20] =	vst v0  }
0x72d: {  	s12 =	rddreg [dreg:$0x15]  }
0x72e: {  	[hbm4b:s12+s2] =	stream.linear.scatter [tilespmem:s0], [sflag:$0x6], $0x620, $0x38;
	[tilespmem:$0xDC80] =	vst v63  }
0x72f: {  	_ = 	snop  }
0x730: {  	[tilespmem:s26], [sflag:$0x2] =	stream.strided.gather [hbm4b:s20+s24], $0x1880, s25, s24, $0x38;
	[tilespmem:$0xDC80] =	vst v63  }
0x731: {  	_ =	swait.ge [sflag:s3], $0x1880  }
0x732: {  	[sflag:s3] =	ssyncset.done $0x0  }
0x733: {  	[sflag:s3] =	ssyncadd.s32 $0xFFFFE780  }
0x734: {  	_ =	swait.ge [sflag:s10], $0x620  }
0x735: {  	[sflag:s10] =	ssyncset.done $0x0  }
0x736: {  	s15 =	simm.s32 $0x8D40;
	[sflag:s10] =	ssyncadd.s32 $0xFFFFF9E0  }
0x737: {  	v0 =	vld [tilespmem:s15+$0xFFFFEDA0]  }
0x738: {  	v1 =	vld [tilespmem:s15+$0xFFFFF3C0]  }
0x739: {  	v2 =	vld [tilespmem:s15+$0xFFFFF9E0]  }
0x73a: {  	v3 =	vld [tilespmem:s15+$0x0]  }
0x73b: {  	v4 =	vld [tilespmem:s15+$0xFFFFF360]  }
0x73c: {  	v5 =	vld [tilespmem:s15+$0xFFFFED50]  }
0x73d: {  	v6 =	vld [tilespmem:s15+$0xFFFFF370]  }
0x73e: {  	v7 =	vld [tilespmem:s15+$0xFFFFED60]  }
0x73f: {  	v8 =	vld [tilespmem:s15+$0xFFFFF380]  }
0x740: {  	v9 =	vld [tilespmem:s15+$0xFFFFED70]  }
0x741: {  	v10 =	vld [tilespmem:s15+$0xFFFFF390]  }
0x742: {  	v11 =	vld [tilespmem:s15+$0xFFFFED80]  }
0x743: {  	v12 =	vld [tilespmem:s15+$0xFFFFF3A0]  }
0x744: {  	v13 =	vld [tilespmem:s15+$0xFFFFED90]  }
0x745: {  	v14 =	vld [tilespmem:s15+$0xFFFFF3B0]  }
0x746: {  	v15 =	vld [tilespmem:s15+$0xFFFFED40]  }
0x747: {  	v16 =	vld [tilespmem:s15+$0xFFFFF980]  }
0x748: {  	v17 =	vld [tilespmem:s15+$0xFFFFF990]  }
0x749: {  	v18 =	vld [tilespmem:s15+$0xFFFFF9A0]  }
0x74a: {  	v19 =	vld [tilespmem:s15+$0xFFFFF9B0]  }
0x74b: {  	v20 =	vld [tilespmem:s15+$0xFFFFF9C0]  }
0x74c: {  	v21 =	vld [tilespmem:s15+$0xFFFFF9D0]  }
0x74d: {  	v22 =	vld [tilespmem:s15+$0xFFFFFFA0]  }
0x74e: {  	v23 =	vld [tilespmem:s15+$0xFFFFFFB0]  }
0x74f: {  	v24 =	vld [tilespmem:s15+$0xFFFFFFC0]  }
0x750: {  	v25 =	vld [tilespmem:s15+$0xFFFFFFD0]  }
0x751: {  	v26 =	vld [tilespmem:s15+$0xFFFFFFE0]  }
0x752: {  	v27 =	vld [tilespmem:s15+$0xFFFFFFF0]  }
0x753: {  	v0 =	vld.idx.msk [tilespmem:v0+s2+$0x0], $0xffff  }
0x754: {  	v1 =	vld.idx.msk [tilespmem:v1+s2+$0x0], $0xffff  }
0x755: {  	v2 =	vld.idx.msk [tilespmem:v2+s2+$0x0], $0xffff  }
0x756: {  	v3 =	vld.idx.msk [tilespmem:v3+s2+$0x0], $0xffff  }
0x757: {  	v15 =	vld.idx.msk [tilespmem:v15+s2+$0x0], $0xffff  }
0x758: {  	v28 =	vld.idx.msk [tilespmem:v4+s2+$0x0], $0xffff  }
0x759: {  	v5 =	vld.idx.msk [tilespmem:v5+s2+$0x0], $0xffff  }
0x75a: {  	v6 =	vld.idx.msk [tilespmem:v6+s2+$0x0], $0xffff  }
0x75b: {  	v29 =	vld.idx.msk [tilespmem:v7+s2+$0x0], $0xffff  }
0x75c: {  	v8 =	vld.idx.msk [tilespmem:v8+s2+$0x0], $0xffff  }
0x75d: {  	v9 =	vld.idx.msk [tilespmem:v9+s2+$0x0], $0xffff  }
0x75e: {  	v10 =	vld.idx.msk [tilespmem:v10+s2+$0x0], $0xffff  }
0x75f: {  	v11 =	vld.idx.msk [tilespmem:v11+s2+$0x0], $0xffff  }
0x760: {  	v12 =	vld.idx.msk [tilespmem:v12+s2+$0x0], $0xffff  }
0x761: {  	v13 =	vld.idx.msk [tilespmem:v13+s2+$0x0], $0xffff  }
0x762: {  	v14 =	vld.idx.msk [tilespmem:v14+s2+$0x0], $0xffff  }
0x763: {  	v16 =	vld.idx.msk [tilespmem:v16+s2+$0x0], $0xffff  }
0x764: {  	v17 =	vld.idx.msk [tilespmem:v17+s2+$0x0], $0xffff  }
0x765: {  	v61 =	vld.idx.msk [tilespmem:v20+s2+$0x0], $0xffff  }
0x766: {  	v62 =	vld.idx.msk [tilespmem:v21+s2+$0x0], $0xffff  }
0x767: {  	v7 =	vld.idx.msk [tilespmem:v22+s2+$0x0], $0xffff  }
0x768: {  	v0 =	vmax.f32 v0, v1;
	v1 =	vld.idx.msk [tilespmem:v18+s2+$0x0], $0xffff  }
0x769: {  	v0 =	vmax.f32 v0, v2;
	v2 =	vld.idx.msk [tilespmem:v19+s2+$0x0], $0xffff  }
0x76a: {  	v4 =	vld.idx.msk [tilespmem:v23+s2+$0x0], $0xffff;
	v6 =	vmax.f32 v5, v6;
	v8 =	vmax.f32 v29, v8;
	v0 =	vmax.f32 v0, v3  }
0x76b: {  	v5 =	vld.idx.msk [tilespmem:v24+s2+$0x0], $0xffff;
	v63 =	vmax.f32 v9, v10;
	v12 =	vmax.f32 v11, v12;
	v0 =	vsub.f32 $1.000000000e+00, v0  }
0x76c: {  	s12 =	simm.s32 $0xCA80;
	v13 =	vmax.f32 v13, v14;
	v10 =	vmax.f32 v6, v17;
	v6 =	vmax.f32 v12, v61;
	v3 =	vld.idx.msk [tilespmem:v25+s2+$0x0], $0xffff  }
0x76d: {  	[tilespmem:s12+$0x0] =	vst v0;
	v0 =	vmax.f32 v15, v28;
	v9 =	vmax.f32 v8, v1;
	v1 =	vld.idx.msk [tilespmem:v26+s2+$0x0], $0xffff  }
0x76e: {  	s13 =	simm.s32 $0x0;
	s14 =	simm.s32 $0x8DB0;
	v11 =	vmax.f32 v0, v16;
	v8 =	vmax.f32 v63, v2;
	v0 =	vmax.f32 v13, v62;
	v2 =	vld.idx.msk [tilespmem:v27+s2+$0x0], $0xffff  }
.LBB2_36:
0x76f: {  	v12 =	vld [tilespmem:s14+$0xFFFFEDA0];
	v7 =	vmax.f32 v11, v7  }
0x770: {  	s13 =	sadd.s32 $0x70, s13;
	v4 =	vmax.f32 v10, v4;
	v11 =	vld [tilespmem:s14+$0xFFFFF3C0];
	v7 =	vsub.f32 $1.000000000e+00, v7  }
0x771: {  	p0 =	slt.u32 s13, $0x5B0;
	v4 =	vsub.f32 $1.000000000e+00, v4;
	v5 =	vmax.f32 v9, v5;
	v10 =	vld [tilespmem:s14+$0xFFFFF9E0]  }
0x772: {  	v5 =	vsub.f32 $1.000000000e+00, v5;
	v3 =	vmax.f32 v8, v3;
	v9 =	vld [tilespmem:s14+$0x0];
	[tilespmem:s12+$0xFFFFFFA0] =	vst v7  }
0x773: {  	v3 =	vsub.f32 $1.000000000e+00, v3;
	v1 =	vmax.f32 v6, v1;
	v7 =	vld [tilespmem:s14+$0xFFFFF360];
	[tilespmem:s12+$0xFFFFFFB0] =	vst v4  }
0x774: {  	v1 =	vsub.f32 $1.000000000e+00, v1;
	v0 =	vmax.f32 v0, v2;
	v4 =	vld [tilespmem:s14+$0xFFFFED50];
	[tilespmem:s12+$0xFFFFFFC0] =	vst v5  }
0x775: {  	v0 =	vsub.f32 $1.000000000e+00, v0;
	v2 =	vld [tilespmem:s14+$0xFFFFF370];
	[tilespmem:s12+$0xFFFFFFD0] =	vst v3  }
0x776: {  	v3 =	vld [tilespmem:s14+$0xFFFFED60];
	[tilespmem:s12+$0xFFFFFFE0] =	vst v1  }
0x777: {  	v1 =	vld.idx.msk [tilespmem:v12+s2+$0x0], $0xffff;
	[tilespmem:s12+$0xFFFFFFF0] =	vst v0  }
0x778: {  	v0 =	vld.idx.msk [tilespmem:v11+s2+$0x0], $0xffff  }
0x779: {  	v5 =	vld.idx.msk [tilespmem:v10+s2+$0x0], $0xffff  }
0x77a: {  	v6 =	vld.idx.msk [tilespmem:v9+s2+$0x0], $0xffff  }
0x77b: {  	v8 =	vld [tilespmem:s14+$0xFFFFF380]  }
0x77c: {  	v9 =	vld [tilespmem:s14+$0xFFFFED70]  }
0x77d: {  	v10 =	vld [tilespmem:s14+$0xFFFFF390]  }
0x77e: {  	v0 =	vmax.f32 v1, v0;
	v11 =	vld [tilespmem:s14+$0xFFFFED80]  }
0x77f: {  	v0 =	vmax.f32 v0, v5;
	v1 =	vld [tilespmem:s14+$0xFFFFF3A0]  }
0x780: {  	v0 =	vmax.f32 v0, v6;
	v5 =	vld [tilespmem:s14+$0xFFFFED90]  }
0x781: {  	v0 =	vsub.f32 $1.000000000e+00, v0;
	v6 =	vld [tilespmem:s14+$0xFFFFF3B0]  }
0x782: {  	s12 =	sadd.s32 $0x70, s12;
	v12 =	vld [tilespmem:s14+$0xFFFFED40]  }
0x783: {  	v13 =	vld [tilespmem:s14+$0xFFFFF980];
	[tilespmem:s12+$0x0] =	vst v0  }
0x784: {  	v0 =	vld [tilespmem:s14+$0xFFFFF990]  }
0x785: {  	v14 =	vld [tilespmem:s14+$0xFFFFF9A0]  }
0x786: {  	v15 =	vld [tilespmem:s14+$0xFFFFF9B0]  }
0x787: {  	v16 =	vld [tilespmem:s14+$0xFFFFF9C0]  }
0x788: {  	v17 =	vld [tilespmem:s14+$0xFFFFF9D0]  }
0x789: {  	v18 =	vld [tilespmem:s14+$0xFFFFFFA0]  }
0x78a: {  	v19 =	vld [tilespmem:s14+$0xFFFFFFB0]  }
0x78b: {  	v20 =	vld [tilespmem:s14+$0xFFFFFFC0]  }
0x78c: {  	v21 =	vld [tilespmem:s14+$0xFFFFFFD0]  }
0x78d: {  	v22 =	vld [tilespmem:s14+$0xFFFFFFE0]  }
0x78e: {  	v23 =	vld [tilespmem:s14+$0xFFFFFFF0]  }
0x78f: {  	v12 =	vld.idx.msk [tilespmem:v12+s2+$0x0], $0xffff  }
0x790: {  	v7 =	vld.idx.msk [tilespmem:v7+s2+$0x0], $0xffff  }
0x791: {  	v4 =	vld.idx.msk [tilespmem:v4+s2+$0x0], $0xffff  }
0x792: {  	v2 =	vld.idx.msk [tilespmem:v2+s2+$0x0], $0xffff  }
0x793: {  	v3 =	vld.idx.msk [tilespmem:v3+s2+$0x0], $0xffff  }
0x794: {  	v8 =	vld.idx.msk [tilespmem:v8+s2+$0x0], $0xffff  }
0x795: {  	v9 =	vld.idx.msk [tilespmem:v9+s2+$0x0], $0xffff  }
0x796: {  	v7 =	vmax.f32 v12, v7;
	v10 =	vld.idx.msk [tilespmem:v10+s2+$0x0], $0xffff  }
0x797: {  	v11 =	vld.idx.msk [tilespmem:v11+s2+$0x0], $0xffff  }
0x798: {  	v2 =	vmax.f32 v4, v2;
	v1 =	vld.idx.msk [tilespmem:v1+s2+$0x0], $0xffff  }
0x799: {  	v4 =	vld.idx.msk [tilespmem:v5+s2+$0x0], $0xffff  }
0x79a: {  	v3 =	vmax.f32 v3, v8;
	v5 =	vld.idx.msk [tilespmem:v6+s2+$0x0], $0xffff  }
0x79b: {  	v6 =	vld.idx.msk [tilespmem:v13+s2+$0x0], $0xffff  }
0x79c: {  	v8 =	vmax.f32 v9, v10;
	v0 =	vld.idx.msk [tilespmem:v0+s2+$0x0], $0xffff  }
0x79d: {  	v9 =	vld.idx.msk [tilespmem:v14+s2+$0x0], $0xffff  }
0x79e: {  	v1 =	vmax.f32 v11, v1;
	v12 =	vld.idx.msk [tilespmem:v15+s2+$0x0], $0xffff  }
0x79f: {  	v13 =	vld.idx.msk [tilespmem:v16+s2+$0x0], $0xffff  }
0x7a0: {  	v14 =	vmax.f32 v4, v5;
	v15 =	vld.idx.msk [tilespmem:v17+s2+$0x0], $0xffff  }
0x7a1: {  	v11 =	vmax.f32 v7, v6;
	v7 =	vld.idx.msk [tilespmem:v18+s2+$0x0], $0xffff  }
.Ltmp17:
0x7a2: {  	v10 =	vmax.f32 v2, v0;
	v4 =	vld.idx.msk [tilespmem:v19+s2+$0x0], $0xffff;
	(pc) =	sbr.rel @p0 .LBB2_36-.Ltmp17, $4  }
0x7a3: {  	v9 =	vmax.f32 v3, v9;
	v5 =	vld.idx.msk [tilespmem:v20+s2+$0x0], $0xffff  }
0x7a4: {  	v8 =	vmax.f32 v8, v12;
	v3 =	vld.idx.msk [tilespmem:v21+s2+$0x0], $0xffff  }
0x7a5: {  	v6 =	vmax.f32 v1, v13;
	v1 =	vld.idx.msk [tilespmem:v22+s2+$0x0], $0xffff  }
0x7a6: {  	s14 =	sadd.s32 $0x70, s14;
	v0 =	vmax.f32 v14, v15;
	v2 =	vld.idx.msk [tilespmem:v23+s2+$0x0], $0xffff  }
0x7a7: {  	v7 =	vmax.f32 v11, v7  }
0x7a8: {  	v4 =	vmax.f32 v10, v4;
	v7 =	vsub.f32 $1.000000000e+00, v7  }
0x7a9: {  	v4 =	vsub.f32 $1.000000000e+00, v4;
	v5 =	vmax.f32 v9, v5  }
0x7aa: {  	v5 =	vsub.f32 $1.000000000e+00, v5;
	v3 =	vmax.f32 v8, v3;
	[tilespmem:s12+$0xFFFFFFA0] =	vst v7  }
0x7ab: {  	[tilespmem:s12+$0xFFFFFFB0] =	vst v4;
	v3 =	vsub.f32 $1.000000000e+00, v3;
	v1 =	vmax.f32 v6, v1  }
0x7ac: {  	[tilespmem:s12+$0xFFFFFFC0] =	vst v5;
	v1 =	vsub.f32 $1.000000000e+00, v1;
	v0 =	vmax.f32 v0, v2  }
0x7ad: {  	[tilespmem:s12+$0xFFFFFFD0] =	vst v3;
	v0 =	vsub.f32 $1.000000000e+00, v0  }
0x7ae: {  	[tilespmem:s12+$0xFFFFFFE0] =	vst v1  }
0x7af: {  	[tilespmem:s12+$0xFFFFFFF0] =	vst v0  }
0x7b0: {  	s15 =	simm.s32 $0x0;
	s13 =	rddreg [dreg:$0x16]  }
0x7b1: {  	[hbm4b:s13+s15] =	stream.linear.scatter [tilespmem:s5], [sflag:$0x6], $0x620, $0x38;
	[tilespmem:$0xDC80] =	vst v63  }
0x7b2: {  	_ = 	snop  }
0x7b3: {  	[tilespmem:s28], [sflag:$0x3] =	stream.strided.gather [hbm4b:s21+s24], $0x1880, s25, s24, $0x38;
	[tilespmem:$0xDC80] =	vst v63  }
0x7b4: {  	_ =	swait.ge [sflag:s6], $0x1880  }
0x7b5: {  	[sflag:s6] =	ssyncset.done $0x0  }
0x7b6: {  	[sflag:s6] =	ssyncadd.s32 $0xFFFFE780  }
0x7b7: {  	_ =	swait.ge [sflag:s10], $0x620  }
0x7b8: {  	[sflag:s10] =	ssyncset.done $0x0  }
0x7b9: {  	s12 =	simm.s32 $0x0;
	[sflag:s10] =	ssyncadd.s32 $0xFFFFF9E0  }
0x7ba: {  	v0 =	vld [tilespmem:s12+$0x9360]  }
0x7bb: {  	v1 =	vld [tilespmem:s12+$0x9980]  }
0x7bc: {  	v2 =	vld [tilespmem:s12+$0x9FA0]  }
0x7bd: {  	v3 =	vld [tilespmem:s12+$0xA5C0]  }
0x7be: {  	v4 =	vld [tilespmem:s12+$0x9300]  }
0x7bf: {  	v5 =	vld [tilespmem:s12+$0x9920]  }
0x7c0: {  	v6 =	vld [tilespmem:s12+$0x9310]  }
0x7c1: {  	v7 =	vld [tilespmem:s12+$0x9930]  }
0x7c2: {  	v9 =	vld [tilespmem:s12+$0x9320]  }
0x7c3: {  	v10 =	vld [tilespmem:s12+$0x9940]  }
0x7c4: {  	v11 =	vld [tilespmem:s12+$0x9330]  }
0x7c5: {  	v12 =	vld [tilespmem:s12+$0x9950]  }
0x7c6: {  	v13 =	vld [tilespmem:s12+$0x9340]  }
0x7c7: {  	v14 =	vld [tilespmem:s12+$0x9960]  }
0x7c8: {  	v15 =	vld [tilespmem:s12+$0x9350]  }
0x7c9: {  	v16 =	vld [tilespmem:s12+$0x9970]  }
0x7ca: {  	v17 =	vld [tilespmem:s12+$0x9F40]  }
0x7cb: {  	v18 =	vld [tilespmem:s12+$0x9F50]  }
0x7cc: {  	v19 =	vld [tilespmem:s12+$0x9F60]  }
0x7cd: {  	v20 =	vld [tilespmem:s12+$0x9F70]  }
0x7ce: {  	v21 =	vld [tilespmem:s12+$0x9F80]  }
0x7cf: {  	v22 =	vld [tilespmem:s12+$0x9F90]  }
0x7d0: {  	v23 =	vld [tilespmem:s12+$0xA560]  }
0x7d1: {  	v24 =	vld [tilespmem:s12+$0xA570]  }
0x7d2: {  	v25 =	vld [tilespmem:s12+$0xA580]  }
0x7d3: {  	v26 =	vld [tilespmem:s12+$0xA590]  }
0x7d4: {  	v27 =	vld [tilespmem:s12+$0xA5A0]  }
0x7d5: {  	v8 =	vld.idx.msk [tilespmem:v0+s2+$0x0], $0xffff  }
0x7d6: {  	v1 =	vld.idx.msk [tilespmem:v1+s2+$0x0], $0xffff  }
0x7d7: {  	v2 =	vld.idx.msk [tilespmem:v2+s2+$0x0], $0xffff  }
0x7d8: {  	v3 =	vld.idx.msk [tilespmem:v3+s2+$0x0], $0xffff  }
0x7d9: {  	v0 =	vld [tilespmem:s12+$0xA5B0]  }
0x7da: {  	v28 =	vld.idx.msk [tilespmem:v4+s2+$0x0], $0xffff  }
0x7db: {  	v5 =	vld.idx.msk [tilespmem:v5+s2+$0x0], $0xffff  }
0x7dc: {  	v6 =	vld.idx.msk [tilespmem:v6+s2+$0x0], $0xffff  }
0x7dd: {  	v7 =	vld.idx.msk [tilespmem:v7+s2+$0x0], $0xffff  }
0x7de: {  	v9 =	vld.idx.msk [tilespmem:v9+s2+$0x0], $0xffff  }
0x7df: {  	v10 =	vld.idx.msk [tilespmem:v10+s2+$0x0], $0xffff  }
0x7e0: {  	v11 =	vld.idx.msk [tilespmem:v11+s2+$0x0], $0xffff  }
0x7e1: {  	v12 =	vld.idx.msk [tilespmem:v12+s2+$0x0], $0xffff  }
0x7e2: {  	v13 =	vld.idx.msk [tilespmem:v13+s2+$0x0], $0xffff  }
0x7e3: {  	v14 =	vld.idx.msk [tilespmem:v14+s2+$0x0], $0xffff  }
0x7e4: {  	v15 =	vld.idx.msk [tilespmem:v15+s2+$0x0], $0xffff  }
0x7e5: {  	v16 =	vld.idx.msk [tilespmem:v16+s2+$0x0], $0xffff  }
0x7e6: {  	v17 =	vld.idx.msk [tilespmem:v17+s2+$0x0], $0xffff  }
0x7e7: {  	v18 =	vld.idx.msk [tilespmem:v18+s2+$0x0], $0xffff  }
0x7e8: {  	v19 =	vld.idx.msk [tilespmem:v19+s2+$0x0], $0xffff  }
0x7e9: {  	v4 =	vld.idx.msk [tilespmem:v23+s2+$0x0], $0xffff;
	v1 =	vmax.f32 v8, v1  }
0x7ea: {  	v1 =	vmax.f32 v1, v2;
	v2 =	vld.idx.msk [tilespmem:v20+s2+$0x0], $0xffff  }
0x7eb: {  	v1 =	vmax.f32 v1, v3;
	v3 =	vld.idx.msk [tilespmem:v21+s2+$0x0], $0xffff  }
0x7ec: {  	v8 =	vsub.f32 $1.000000000e+00, v1;
	v1 =	vld.idx.msk [tilespmem:v22+s2+$0x0], $0xffff  }
0x7ed: {  	v62 =	vmax.f32 v28, v5;
	v6 =	vmax.f32 v6, v7;
	v5 =	vld.idx.msk [tilespmem:v24+s2+$0x0], $0xffff;
	v9 =	vmax.f32 v9, v10  }
0x7ee: {  	v63 =	vmax.f32 v11, v12;
	v13 =	vmax.f32 v13, v14;
	v7 =	vld.idx.msk [tilespmem:v25+s2+$0x0], $0xffff;
	v12 =	vmax.f32 v62, v17  }
0x7ef: {  	v10 =	vmax.f32 v6, v18;
	v6 =	vld.idx.msk [tilespmem:v26+s2+$0x0], $0xffff;
	v11 =	vmax.f32 v9, v19;
	[tilespmem:s12+$0xD0A0] =	vst v8  }
0x7f0: {  	s14 =	simm.s32 $0x1C0;
	s13 =	simm.s32 $0x0;
	v8 =	vmax.f32 v15, v16;
	v9 =	vmax.f32 v63, v2;
	v2 =	vmax.f32 v13, v3;
	v3 =	vld.idx.msk [tilespmem:v27+s2+$0x0], $0xffff  }
.LBB2_38:
0x7f1: {  	s15 =	sshra.s32 s14, $0x2;
	v1 =	vmax.f32 v8, v1;
	v0 =	vld.idx.msk [tilespmem:v0+s2+$0x0], $0xffff  }
0x7f2: {  	s13 =	sadd.s32 $0x70, s13;
	v4 =	vmax.f32 v12, v4;
	v8 =	vld [tilespmem:s15+$0x9360]  }
0x7f3: {  	p0 =	slt.u32 s13, $0x5B0;
	v4 =	vsub.f32 $1.000000000e+00, v4;
	v5 =	vmax.f32 v10, v5;
	v12 =	vld [tilespmem:s15+$0x9980]  }
0x7f4: {  	v5 =	vsub.f32 $1.000000000e+00, v5;
	v7 =	vmax.f32 v11, v7;
	v10 =	vld [tilespmem:s15+$0x9FA0]  }
0x7f5: {  	v6 =	vmax.f32 v9, v6;
	v11 =	vld [tilespmem:s15+$0xA5C0];
	[tilespmem:s12+$0xD040] =	vst v4;
	v4 =	vsub.f32 $1.000000000e+00, v7  }
0x7f6: {  	v2 =	vmax.f32 v2, v3;
	v7 =	vld [tilespmem:s15+$0x9300];
	[tilespmem:s12+$0xD050] =	vst v5;
	v5 =	vsub.f32 $1.000000000e+00, v6  }
0x7f7: {  	v2 =	vsub.f32 $1.000000000e+00, v2;
	v0 =	vmax.f32 v1, v0;
	v3 =	vld [tilespmem:s15+$0x9920];
	[tilespmem:s12+$0xD060] =	vst v4  }
0x7f8: {  	v0 =	vsub.f32 $1.000000000e+00, v0;
	v1 =	vld [tilespmem:s15+$0x9310];
	[tilespmem:s12+$0xD070] =	vst v5  }
0x7f9: {  	v4 =	vld [tilespmem:s15+$0x9930];
	[tilespmem:s12+$0xD080] =	vst v2  }
0x7fa: {  	v2 =	vld.idx.msk [tilespmem:v8+s2+$0x0], $0xffff;
	[tilespmem:s12+$0xD090] =	vst v0;
	s12 =	smov.u32 s15  }
0x7fb: {  	v0 =	vld.idx.msk [tilespmem:v12+s2+$0x0], $0xffff  }
0x7fc: {  	v5 =	vld.idx.msk [tilespmem:v10+s2+$0x0], $0xffff  }
0x7fd: {  	v6 =	vld.idx.msk [tilespmem:v11+s2+$0x0], $0xffff  }
0x7fe: {  	v8 =	vld [tilespmem:s12+$0x9320]  }
0x7ff: {  	v9 =	vld [tilespmem:s12+$0x9940]  }
0x800: {  	v10 =	vld [tilespmem:s12+$0x9330]  }
0x801: {  	v0 =	vmax.f32 v2, v0;
	v11 =	vld [tilespmem:s12+$0x9950]  }
0x802: {  	v0 =	vmax.f32 v0, v5;
	v2 =	vld [tilespmem:s12+$0x9340]  }
0x803: {  	v0 =	vmax.f32 v0, v6;
	v5 =	vld [tilespmem:s12+$0x9960]  }
0x804: {  	v0 =	vsub.f32 $1.000000000e+00, v0;
	v6 =	vld [tilespmem:s12+$0x9350]  }
0x805: {  	v12 =	vld [tilespmem:s12+$0x9970]  }
0x806: {  	v13 =	vld [tilespmem:s12+$0x9F40];
	[tilespmem:s12+$0xD0A0] =	vst v0  }
0x807: {  	v14 =	vld [tilespmem:s12+$0x9F50]  }
0x808: {  	v15 =	vld [tilespmem:s12+$0x9F60]  }
0x809: {  	v16 =	vld [tilespmem:s12+$0x9F70]  }
0x80a: {  	v17 =	vld [tilespmem:s12+$0x9F80]  }
0x80b: {  	v18 =	vld [tilespmem:s12+$0x9F90]  }
0x80c: {  	v19 =	vld [tilespmem:s12+$0xA560]  }
0x80d: {  	v20 =	vld [tilespmem:s12+$0xA570]  }
0x80e: {  	v21 =	vld [tilespmem:s12+$0xA580]  }
0x80f: {  	v22 =	vld [tilespmem:s12+$0xA590]  }
0x810: {  	v23 =	vld [tilespmem:s12+$0xA5A0]  }
0x811: {  	v0 =	vld [tilespmem:s12+$0xA5B0]  }
0x812: {  	v7 =	vld.idx.msk [tilespmem:v7+s2+$0x0], $0xffff  }
0x813: {  	v3 =	vld.idx.msk [tilespmem:v3+s2+$0x0], $0xffff  }
0x814: {  	v1 =	vld.idx.msk [tilespmem:v1+s2+$0x0], $0xffff  }
0x815: {  	v4 =	vld.idx.msk [tilespmem:v4+s2+$0x0], $0xffff  }
0x816: {  	v8 =	vld.idx.msk [tilespmem:v8+s2+$0x0], $0xffff  }
0x817: {  	v9 =	vld.idx.msk [tilespmem:v9+s2+$0x0], $0xffff  }
0x818: {  	v10 =	vld.idx.msk [tilespmem:v10+s2+$0x0], $0xffff  }
0x819: {  	v3 =	vmax.f32 v7, v3;
	v7 =	vld.idx.msk [tilespmem:v11+s2+$0x0], $0xffff  }
0x81a: {  	v2 =	vld.idx.msk [tilespmem:v2+s2+$0x0], $0xffff  }
0x81b: {  	v11 =	vmax.f32 v1, v4;
	v1 =	vld.idx.msk [tilespmem:v5+s2+$0x0], $0xffff  }
0x81c: {  	v4 =	vld.idx.msk [tilespmem:v6+s2+$0x0], $0xffff  }
0x81d: {  	v6 =	vmax.f32 v8, v9;
	v5 =	vld.idx.msk [tilespmem:v12+s2+$0x0], $0xffff  }
0x81e: {  	v9 =	vld.idx.msk [tilespmem:v13+s2+$0x0], $0xffff  }
0x81f: {  	v13 =	vld.idx.msk [tilespmem:v14+s2+$0x0], $0xffff;
	v14 =	vmax.f32 v10, v7  }
0x820: {  	v7 =	vld.idx.msk [tilespmem:v15+s2+$0x0], $0xffff  }
0x821: {  	v2 =	vmax.f32 v2, v1;
	v15 =	vld.idx.msk [tilespmem:v16+s2+$0x0], $0xffff  }
0x822: {  	v16 =	vld.idx.msk [tilespmem:v17+s2+$0x0], $0xffff  }
0x823: {  	v8 =	vmax.f32 v4, v5;
	v1 =	vld.idx.msk [tilespmem:v18+s2+$0x0], $0xffff  }
.Ltmp18:
0x824: {  	v12 =	vmax.f32 v3, v9;
	v4 =	vld.idx.msk [tilespmem:v19+s2+$0x0], $0xffff;
	(pc) =	sbr.rel @p0 .LBB2_38-.Ltmp18, $4  }
0x825: {  	v10 =	vmax.f32 v11, v13;
	v5 =	vld.idx.msk [tilespmem:v20+s2+$0x0], $0xffff  }
0x826: {  	v11 =	vmax.f32 v6, v7;
	v7 =	vld.idx.msk [tilespmem:v21+s2+$0x0], $0xffff  }
0x827: {  	v9 =	vmax.f32 v14, v15;
	v6 =	vld.idx.msk [tilespmem:v22+s2+$0x0], $0xffff  }
0x828: {  	s14 =	sadd.s32 $0x1C0, s14;
	v2 =	vmax.f32 v2, v16;
	v3 =	vld.idx.msk [tilespmem:v23+s2+$0x0], $0xffff  }
0x829: {  	_ =	sdelay $0x3  }
0x82a: {  	v0 =	vld.idx.msk [tilespmem:v0+s2+$0x0], $0xffff;
	v4 =	vmax.f32 v12, v4  }
0x82b: {  	v4 =	vsub.f32 $1.000000000e+00, v4;
	v5 =	vmax.f32 v10, v5  }
0x82c: {  	v5 =	vsub.f32 $1.000000000e+00, v5;
	v7 =	vmax.f32 v11, v7  }
0x82d: {  	[tilespmem:s12+$0xD040] =	vst v4;
	v4 =	vsub.f32 $1.000000000e+00, v7;
	v6 =	vmax.f32 v9, v6  }
0x82e: {  	v1 =	vmax.f32 v8, v1;
	[tilespmem:s12+$0xD050] =	vst v5;
	v5 =	vsub.f32 $1.000000000e+00, v6;
	v2 =	vmax.f32 v2, v3  }
0x82f: {  	[tilespmem:s12+$0xD060] =	vst v4;
	v2 =	vsub.f32 $1.000000000e+00, v2;
	v0 =	vmax.f32 v1, v0  }
0x830: {  	[tilespmem:s12+$0xD070] =	vst v5;
	v0 =	vsub.f32 $1.000000000e+00, v0  }
0x831: {  	[tilespmem:s12+$0xD080] =	vst v2  }
0x832: {  	[tilespmem:s12+$0xD090] =	vst v0  }
0x833: {  	s15 =	simm.s32 $0x0;
	s13 =	rddreg [dreg:$0x17]  }
0x834: {  	[hbm4b:s13+s15] =	stream.linear.scatter [tilespmem:s7], [sflag:$0x6], $0x620, $0x38;
	[tilespmem:$0xDC80] =	vst v63  }
0x835: {  	_ = 	snop  }
0x836: {  	[tilespmem:s29], [sflag:$0x4] =	stream.strided.gather [hbm4b:s22+s24], $0x1880, s25, s24, $0x38;
	[tilespmem:$0xDC80] =	vst v63  }
0x837: {  	_ =	swait.ge [sflag:s8], $0x1880  }
0x838: {  	[sflag:s8] =	ssyncset.done $0x0  }
0x839: {  	[sflag:s8] =	ssyncadd.s32 $0xFFFFE780  }
0x83a: {  	_ =	swait.ge [sflag:s10], $0x620  }
0x83b: {  	[sflag:s10] =	ssyncset.done $0x0  }
0x83c: {  	s12 =	simm.s32 $0x0;
	[sflag:s10] =	ssyncadd.s32 $0xFFFFF9E0  }
0x83d: {  	v0 =	vld [tilespmem:s12+$0xABE0]  }
0x83e: {  	v1 =	vld [tilespmem:s12+$0xB200]  }
0x83f: {  	v2 =	vld [tilespmem:s12+$0xB820]  }
0x840: {  	v3 =	vld [tilespmem:s12+$0xBE40]  }
0x841: {  	v4 =	vld [tilespmem:s12+$0xAB80]  }
0x842: {  	v5 =	vld [tilespmem:s12+$0xB1A0]  }
0x843: {  	v6 =	vld [tilespmem:s12+$0xAB90]  }
0x844: {  	v7 =	vld [tilespmem:s12+$0xB1B0]  }
0x845: {  	v9 =	vld [tilespmem:s12+$0xABA0]  }
0x846: {  	v10 =	vld [tilespmem:s12+$0xB1C0]  }
0x847: {  	v11 =	vld [tilespmem:s12+$0xABB0]  }
0x848: {  	v12 =	vld [tilespmem:s12+$0xB1D0]  }
0x849: {  	v13 =	vld [tilespmem:s12+$0xABC0]  }
0x84a: {  	v14 =	vld [tilespmem:s12+$0xB1E0]  }
0x84b: {  	v15 =	vld [tilespmem:s12+$0xABD0]  }
0x84c: {  	v16 =	vld [tilespmem:s12+$0xB1F0]  }
0x84d: {  	v17 =	vld [tilespmem:s12+$0xB7C0]  }
0x84e: {  	v18 =	vld [tilespmem:s12+$0xB7D0]  }
0x84f: {  	v19 =	vld [tilespmem:s12+$0xB7E0]  }
0x850: {  	v20 =	vld [tilespmem:s12+$0xB7F0]  }
0x851: {  	v21 =	vld [tilespmem:s12+$0xB800]  }
0x852: {  	v22 =	vld [tilespmem:s12+$0xB810]  }
0x853: {  	v23 =	vld [tilespmem:s12+$0xBDE0]  }
0x854: {  	v24 =	vld [tilespmem:s12+$0xBDF0]  }
0x855: {  	v25 =	vld [tilespmem:s12+$0xBE00]  }
0x856: {  	v26 =	vld [tilespmem:s12+$0xBE10]  }
0x857: {  	v27 =	vld [tilespmem:s12+$0xBE20]  }
0x858: {  	v8 =	vld.idx.msk [tilespmem:v0+s2+$0x0], $0xffff  }
0x859: {  	v1 =	vld.idx.msk [tilespmem:v1+s2+$0x0], $0xffff  }
0x85a: {  	v2 =	vld.idx.msk [tilespmem:v2+s2+$0x0], $0xffff  }
0x85b: {  	v3 =	vld.idx.msk [tilespmem:v3+s2+$0x0], $0xffff  }
0x85c: {  	v0 =	vld [tilespmem:s12+$0xBE30]  }
0x85d: {  	v28 =	vld.idx.msk [tilespmem:v4+s2+$0x0], $0xffff  }
0x85e: {  	v5 =	vld.idx.msk [tilespmem:v5+s2+$0x0], $0xffff  }
0x85f: {  	v6 =	vld.idx.msk [tilespmem:v6+s2+$0x0], $0xffff  }
0x860: {  	v7 =	vld.idx.msk [tilespmem:v7+s2+$0x0], $0xffff  }
0x861: {  	v9 =	vld.idx.msk [tilespmem:v9+s2+$0x0], $0xffff  }
0x862: {  	v10 =	vld.idx.msk [tilespmem:v10+s2+$0x0], $0xffff  }
0x863: {  	v11 =	vld.idx.msk [tilespmem:v11+s2+$0x0], $0xffff  }
0x864: {  	v12 =	vld.idx.msk [tilespmem:v12+s2+$0x0], $0xffff  }
0x865: {  	v13 =	vld.idx.msk [tilespmem:v13+s2+$0x0], $0xffff  }
0x866: {  	v14 =	vld.idx.msk [tilespmem:v14+s2+$0x0], $0xffff  }
0x867: {  	v15 =	vld.idx.msk [tilespmem:v15+s2+$0x0], $0xffff  }
0x868: {  	v16 =	vld.idx.msk [tilespmem:v16+s2+$0x0], $0xffff  }
0x869: {  	v17 =	vld.idx.msk [tilespmem:v17+s2+$0x0], $0xffff  }
0x86a: {  	v18 =	vld.idx.msk [tilespmem:v18+s2+$0x0], $0xffff  }
0x86b: {  	v19 =	vld.idx.msk [tilespmem:v19+s2+$0x0], $0xffff  }
0x86c: {  	v4 =	vld.idx.msk [tilespmem:v23+s2+$0x0], $0xffff;
	v1 =	vmax.f32 v8, v1  }
0x86d: {  	v1 =	vmax.f32 v1, v2;
	v2 =	vld.idx.msk [tilespmem:v20+s2+$0x0], $0xffff  }
0x86e: {  	v1 =	vmax.f32 v1, v3;
	v3 =	vld.idx.msk [tilespmem:v21+s2+$0x0], $0xffff  }
0x86f: {  	v8 =	vsub.f32 $1.000000000e+00, v1;
	v1 =	vld.idx.msk [tilespmem:v22+s2+$0x0], $0xffff  }
0x870: {  	v62 =	vmax.f32 v28, v5;
	v6 =	vmax.f32 v6, v7;
	v5 =	vld.idx.msk [tilespmem:v24+s2+$0x0], $0xffff;
	v9 =	vmax.f32 v9, v10  }
0x871: {  	v63 =	vmax.f32 v11, v12;
	v13 =	vmax.f32 v13, v14;
	v7 =	vld.idx.msk [tilespmem:v25+s2+$0x0], $0xffff;
	v12 =	vmax.f32 v62, v17  }
0x872: {  	v10 =	vmax.f32 v6, v18;
	v6 =	vld.idx.msk [tilespmem:v26+s2+$0x0], $0xffff;
	v11 =	vmax.f32 v9, v19;
	[tilespmem:s12+$0xD6C0] =	vst v8  }
0x873: {  	s14 =	simm.s32 $0x1C0;
	s13 =	simm.s32 $0x0;
	v8 =	vmax.f32 v15, v16;
	v9 =	vmax.f32 v63, v2;
	v2 =	vmax.f32 v13, v3;
	v3 =	vld.idx.msk [tilespmem:v27+s2+$0x0], $0xffff  }
.LBB2_40:
0x874: {  	s15 =	sshra.s32 s14, $0x2;
	v1 =	vmax.f32 v8, v1;
	v0 =	vld.idx.msk [tilespmem:v0+s2+$0x0], $0xffff  }
0x875: {  	s13 =	sadd.s32 $0x70, s13;
	v4 =	vmax.f32 v12, v4;
	v8 =	vld [tilespmem:s15+$0xABE0]  }
0x876: {  	p0 =	slt.u32 s13, $0x5B0;
	v4 =	vsub.f32 $1.000000000e+00, v4;
	v5 =	vmax.f32 v10, v5;
	v12 =	vld [tilespmem:s15+$0xB200]  }
0x877: {  	v5 =	vsub.f32 $1.000000000e+00, v5;
	v7 =	vmax.f32 v11, v7;
	v10 =	vld [tilespmem:s15+$0xB820]  }
0x878: {  	v6 =	vmax.f32 v9, v6;
	v11 =	vld [tilespmem:s15+$0xBE40];
	[tilespmem:s12+$0xD660] =	vst v4;
	v4 =	vsub.f32 $1.000000000e+00, v7  }
0x879: {  	v2 =	vmax.f32 v2, v3;
	v7 =	vld [tilespmem:s15+$0xAB80];
	[tilespmem:s12+$0xD670] =	vst v5;
	v5 =	vsub.f32 $1.000000000e+00, v6  }
0x87a: {  	v2 =	vsub.f32 $1.000000000e+00, v2;
	v0 =	vmax.f32 v1, v0;
	v3 =	vld [tilespmem:s15+$0xB1A0];
	[tilespmem:s12+$0xD680] =	vst v4  }
0x87b: {  	v0 =	vsub.f32 $1.000000000e+00, v0;
	v1 =	vld [tilespmem:s15+$0xAB90];
	[tilespmem:s12+$0xD690] =	vst v5  }
0x87c: {  	v4 =	vld [tilespmem:s15+$0xB1B0];
	[tilespmem:s12+$0xD6A0] =	vst v2  }
0x87d: {  	v2 =	vld.idx.msk [tilespmem:v8+s2+$0x0], $0xffff;
	[tilespmem:s12+$0xD6B0] =	vst v0;
	s12 =	smov.u32 s15  }
0x87e: {  	v0 =	vld.idx.msk [tilespmem:v12+s2+$0x0], $0xffff  }
0x87f: {  	v5 =	vld.idx.msk [tilespmem:v10+s2+$0x0], $0xffff  }
0x880: {  	v6 =	vld.idx.msk [tilespmem:v11+s2+$0x0], $0xffff  }
0x881: {  	v8 =	vld [tilespmem:s12+$0xABA0]  }
0x882: {  	v9 =	vld [tilespmem:s12+$0xB1C0]  }
0x883: {  	v10 =	vld [tilespmem:s12+$0xABB0]  }
0x884: {  	v0 =	vmax.f32 v2, v0;
	v11 =	vld [tilespmem:s12+$0xB1D0]  }
0x885: {  	v0 =	vmax.f32 v0, v5;
	v2 =	vld [tilespmem:s12+$0xABC0]  }
0x886: {  	v0 =	vmax.f32 v0, v6;
	v5 =	vld [tilespmem:s12+$0xB1E0]  }
0x887: {  	v0 =	vsub.f32 $1.000000000e+00, v0;
	v6 =	vld [tilespmem:s12+$0xABD0]  }
0x888: {  	v12 =	vld [tilespmem:s12+$0xB1F0]  }
0x889: {  	v13 =	vld [tilespmem:s12+$0xB7C0];
	[tilespmem:s12+$0xD6C0] =	vst v0  }
0x88a: {  	v14 =	vld [tilespmem:s12+$0xB7D0]  }
0x88b: {  	v15 =	vld [tilespmem:s12+$0xB7E0]  }
0x88c: {  	v16 =	vld [tilespmem:s12+$0xB7F0]  }
0x88d: {  	v17 =	vld [tilespmem:s12+$0xB800]  }
0x88e: {  	v18 =	vld [tilespmem:s12+$0xB810]  }
0x88f: {  	v19 =	vld [tilespmem:s12+$0xBDE0]  }
0x890: {  	v20 =	vld [tilespmem:s12+$0xBDF0]  }
0x891: {  	v21 =	vld [tilespmem:s12+$0xBE00]  }
0x892: {  	v22 =	vld [tilespmem:s12+$0xBE10]  }
0x893: {  	v23 =	vld [tilespmem:s12+$0xBE20]  }
0x894: {  	v0 =	vld [tilespmem:s12+$0xBE30]  }
0x895: {  	v7 =	vld.idx.msk [tilespmem:v7+s2+$0x0], $0xffff  }
0x896: {  	v3 =	vld.idx.msk [tilespmem:v3+s2+$0x0], $0xffff  }
0x897: {  	v1 =	vld.idx.msk [tilespmem:v1+s2+$0x0], $0xffff  }
0x898: {  	v4 =	vld.idx.msk [tilespmem:v4+s2+$0x0], $0xffff  }
0x899: {  	v8 =	vld.idx.msk [tilespmem:v8+s2+$0x0], $0xffff  }
0x89a: {  	v9 =	vld.idx.msk [tilespmem:v9+s2+$0x0], $0xffff  }
0x89b: {  	v10 =	vld.idx.msk [tilespmem:v10+s2+$0x0], $0xffff  }
0x89c: {  	v3 =	vmax.f32 v7, v3;
	v7 =	vld.idx.msk [tilespmem:v11+s2+$0x0], $0xffff  }
0x89d: {  	v2 =	vld.idx.msk [tilespmem:v2+s2+$0x0], $0xffff  }
0x89e: {  	v11 =	vmax.f32 v1, v4;
	v1 =	vld.idx.msk [tilespmem:v5+s2+$0x0], $0xffff  }
0x89f: {  	v4 =	vld.idx.msk [tilespmem:v6+s2+$0x0], $0xffff  }
0x8a0: {  	v6 =	vmax.f32 v8, v9;
	v5 =	vld.idx.msk [tilespmem:v12+s2+$0x0], $0xffff  }
0x8a1: {  	v9 =	vld.idx.msk [tilespmem:v13+s2+$0x0], $0xffff  }
0x8a2: {  	v13 =	vld.idx.msk [tilespmem:v14+s2+$0x0], $0xffff;
	v14 =	vmax.f32 v10, v7  }
0x8a3: {  	v7 =	vld.idx.msk [tilespmem:v15+s2+$0x0], $0xffff  }
0x8a4: {  	v2 =	vmax.f32 v2, v1;
	v15 =	vld.idx.msk [tilespmem:v16+s2+$0x0], $0xffff  }
0x8a5: {  	v16 =	vld.idx.msk [tilespmem:v17+s2+$0x0], $0xffff  }
0x8a6: {  	v8 =	vmax.f32 v4, v5;
	v1 =	vld.idx.msk [tilespmem:v18+s2+$0x0], $0xffff  }
.Ltmp19:
0x8a7: {  	v12 =	vmax.f32 v3, v9;
	v4 =	vld.idx.msk [tilespmem:v19+s2+$0x0], $0xffff;
	(pc) =	sbr.rel @p0 .LBB2_40-.Ltmp19, $4  }
0x8a8: {  	v10 =	vmax.f32 v11, v13;
	v5 =	vld.idx.msk [tilespmem:v20+s2+$0x0], $0xffff  }
0x8a9: {  	v11 =	vmax.f32 v6, v7;
	v7 =	vld.idx.msk [tilespmem:v21+s2+$0x0], $0xffff  }
0x8aa: {  	v9 =	vmax.f32 v14, v15;
	v6 =	vld.idx.msk [tilespmem:v22+s2+$0x0], $0xffff  }
0x8ab: {  	s14 =	sadd.s32 $0x1C0, s14;
	v2 =	vmax.f32 v2, v16;
	v3 =	vld.idx.msk [tilespmem:v23+s2+$0x0], $0xffff  }
0x8ac: {  	_ =	sdelay $0x3  }
0x8ad: {  	v0 =	vld.idx.msk [tilespmem:v0+s2+$0x0], $0xffff;
	v4 =	vmax.f32 v12, v4  }
0x8ae: {  	v4 =	vsub.f32 $1.000000000e+00, v4;
	v5 =	vmax.f32 v10, v5  }
0x8af: {  	v5 =	vsub.f32 $1.000000000e+00, v5;
	v7 =	vmax.f32 v11, v7  }
0x8b0: {  	[tilespmem:s12+$0xD660] =	vst v4;
	v4 =	vsub.f32 $1.000000000e+00, v7;
	v6 =	vmax.f32 v9, v6  }
0x8b1: {  	v1 =	vmax.f32 v8, v1;
	[tilespmem:s12+$0xD670] =	vst v5;
	v5 =	vsub.f32 $1.000000000e+00, v6;
	v2 =	vmax.f32 v2, v3  }
0x8b2: {  	[tilespmem:s12+$0xD680] =	vst v4;
	v2 =	vsub.f32 $1.000000000e+00, v2;
	v0 =	vmax.f32 v1, v0  }
0x8b3: {  	[tilespmem:s12+$0xD690] =	vst v5;
	v0 =	vsub.f32 $1.000000000e+00, v0  }
0x8b4: {  	[tilespmem:s12+$0xD6A0] =	vst v2  }
0x8b5: {  	[tilespmem:s12+$0xD6B0] =	vst v0  }
0x8b6: {  	s12 =	rddreg [dreg:$0x18]  }
0x8b7: {  	[hbm4b:s12+s2] =	stream.linear.scatter [tilespmem:s9], [sflag:$0x6], $0x620, $0x38;
	[tilespmem:$0xDC80] =	vst v63  }
0x8b8: {  	_ = 	snop  }
0x8b9: {  	[tilespmem:s30], [sflag:$0x5] =	stream.strided.gather [hbm4b:s23+s24], $0x1880, s25, s24, $0x38;
	[tilespmem:$0xDC80] =	vst v63  }
0x8ba: {  	_ =	swait.ge [sflag:s31], $0x1880  }
0x8bb: {  	[sflag:s31] =	ssyncset.done $0x0  }
0x8bc: {  	[sflag:s31] =	ssyncadd.s32 $0xFFFFE780  }
0x8bd: {  	_ =	swait.ge [sflag:s10], $0x620  }
0x8be: {  	[sflag:s10] =	ssyncset.done $0x0  }
0x8bf: {  	s15 =	simm.s32 $0x6E40;
	[sflag:s10] =	ssyncadd.s32 $0xFFFFF9E0  }
0x8c0: {  	v0 =	vld [tilespmem:s15+$0xFFFFF420]  }
0x8c1: {  	v1 =	vld [tilespmem:s15+$0xFFFFFA40]  }
0x8c2: {  	v2 =	vld [tilespmem:s15+$0x60]  }
0x8c3: {  	v3 =	vld [tilespmem:s15+$0x680]  }
0x8c4: {  	v4 =	vld [tilespmem:s15+$0xFFFFF9E0]  }
0x8c5: {  	v5 =	vld [tilespmem:s15+$0xFFFFF3D0]  }
0x8c6: {  	v6 =	vld [tilespmem:s15+$0xFFFFF9F0]  }
0x8c7: {  	v7 =	vld [tilespmem:s15+$0xFFFFF3E0]  }
0x8c8: {  	v8 =	vld [tilespmem:s15+$0xFFFFFA00]  }
0x8c9: {  	v9 =	vld [tilespmem:s15+$0xFFFFF3F0]  }
0x8ca: {  	v10 =	vld [tilespmem:s15+$0xFFFFFA10]  }
0x8cb: {  	v11 =	vld [tilespmem:s15+$0xFFFFF400]  }
0x8cc: {  	v60 =	vld [tilespmem:s15+$0xFFFFFA20]  }
0x8cd: {  	v13 =	vld [tilespmem:s15+$0xFFFFF410]  }
0x8ce: {  	v14 =	vld [tilespmem:s15+$0xFFFFFA30]  }
0x8cf: {  	v15 =	vld [tilespmem:s15+$0xFFFFF3C0]  }
0x8d0: {  	v16 =	vld [tilespmem:s15+$0x0]  }
0x8d1: {  	v17 =	vld [tilespmem:s15+$0x10]  }
0x8d2: {  	v18 =	vld [tilespmem:s15+$0x20]  }
0x8d3: {  	v19 =	vld [tilespmem:s15+$0x30]  }
0x8d4: {  	v20 =	vld [tilespmem:s15+$0x40]  }
0x8d5: {  	v21 =	vld [tilespmem:s15+$0x50]  }
0x8d6: {  	v22 =	vld [tilespmem:s15+$0x620]  }
0x8d7: {  	v23 =	vld [tilespmem:s15+$0x630]  }
0x8d8: {  	v24 =	vld [tilespmem:s15+$0x640]  }
0x8d9: {  	v25 =	vld [tilespmem:s15+$0x650]  }
0x8da: {  	v26 =	vld [tilespmem:s15+$0x660]  }
0x8db: {  	v27 =	vld [tilespmem:s15+$0x670]  }
0x8dc: {  	v0 =	vld.idx.msk [tilespmem:v0+s2+$0x0], $0xffff  }
0x8dd: {  	v1 =	vld.idx.msk [tilespmem:v1+s2+$0x0], $0xffff  }
0x8de: {  	v2 =	vld.idx.msk [tilespmem:v2+s2+$0x0], $0xffff  }
0x8df: {  	v3 =	vld.idx.msk [tilespmem:v3+s2+$0x0], $0xffff  }
0x8e0: {  	v15 =	vld.idx.msk [tilespmem:v15+s2+$0x0], $0xffff  }
0x8e1: {  	v28 =	vld.idx.msk [tilespmem:v4+s2+$0x0], $0xffff  }
0x8e2: {  	v5 =	vld.idx.msk [tilespmem:v5+s2+$0x0], $0xffff  }
0x8e3: {  	v6 =	vld.idx.msk [tilespmem:v6+s2+$0x0], $0xffff  }
0x8e4: {  	v29 =	vld.idx.msk [tilespmem:v7+s2+$0x0], $0xffff  }
0x8e5: {  	v8 =	vld.idx.msk [tilespmem:v8+s2+$0x0], $0xffff  }
0x8e6: {  	v9 =	vld.idx.msk [tilespmem:v9+s2+$0x0], $0xffff  }
0x8e7: {  	v10 =	vld.idx.msk [tilespmem:v10+s2+$0x0], $0xffff  }
0x8e8: {  	v11 =	vld.idx.msk [tilespmem:v11+s2+$0x0], $0xffff  }
0x8e9: {  	v12 =	vld.idx.msk [tilespmem:v60+s2+$0x0], $0xffff  }
0x8ea: {  	v13 =	vld.idx.msk [tilespmem:v13+s2+$0x0], $0xffff  }
0x8eb: {  	v14 =	vld.idx.msk [tilespmem:v14+s2+$0x0], $0xffff  }
0x8ec: {  	v16 =	vld.idx.msk [tilespmem:v16+s2+$0x0], $0xffff  }
0x8ed: {  	v17 =	vld.idx.msk [tilespmem:v17+s2+$0x0], $0xffff  }
0x8ee: {  	v61 =	vld.idx.msk [tilespmem:v20+s2+$0x0], $0xffff  }
0x8ef: {  	v62 =	vld.idx.msk [tilespmem:v21+s2+$0x0], $0xffff  }
0x8f0: {  	v7 =	vld.idx.msk [tilespmem:v22+s2+$0x0], $0xffff  }
0x8f1: {  	v0 =	vmax.f32 v0, v1;
	v1 =	vld.idx.msk [tilespmem:v18+s2+$0x0], $0xffff  }
0x8f2: {  	v0 =	vmax.f32 v0, v2;
	v2 =	vld.idx.msk [tilespmem:v19+s2+$0x0], $0xffff  }
0x8f3: {  	v4 =	vld.idx.msk [tilespmem:v23+s2+$0x0], $0xffff;
	v6 =	vmax.f32 v5, v6;
	v8 =	vmax.f32 v29, v8;
	v0 =	vmax.f32 v0, v3  }
0x8f4: {  	v5 =	vld.idx.msk [tilespmem:v24+s2+$0x0], $0xffff;
	v63 =	vmax.f32 v9, v10;
	v12 =	vmax.f32 v11, v12;
	v0 =	vsub.f32 $1.000000000e+00, v0  }
0x8f5: {  	s12 =	simm.s32 $0xC430;
	v13 =	vmax.f32 v13, v14;
	v10 =	vmax.f32 v6, v17;
	v6 =	vmax.f32 v12, v61;
	v3 =	vld.idx.msk [tilespmem:v25+s2+$0x0], $0xffff  }
0x8f6: {  	[tilespmem:s12+$0x30] =	vst v0;
	v0 =	vmax.f32 v15, v28;
	v9 =	vmax.f32 v8, v1;
	v1 =	vld.idx.msk [tilespmem:v26+s2+$0x0], $0xffff  }
0x8f7: {  	s13 =	simm.s32 $0x0;
	s14 =	simm.s32 $0x6EB0;
	v11 =	vmax.f32 v0, v16;
	v8 =	vmax.f32 v63, v2;
	v0 =	vmax.f32 v13, v62;
	v2 =	vld.idx.msk [tilespmem:v27+s2+$0x0], $0xffff  }
.LBB2_42:
0x8f8: {  	v12 =	vld [tilespmem:s14+$0xFFFFF420];
	v7 =	vmax.f32 v11, v7  }
0x8f9: {  	s13 =	sadd.s32 $0x70, s13;
	v4 =	vmax.f32 v10, v4;
	v11 =	vld [tilespmem:s14+$0xFFFFFA40];
	v7 =	vsub.f32 $1.000000000e+00, v7  }
0x8fa: {  	p0 =	slt.u32 s13, $0x5B0;
	v4 =	vsub.f32 $1.000000000e+00, v4;
	v5 =	vmax.f32 v9, v5;
	v10 =	vld [tilespmem:s14+$0x60]  }
0x8fb: {  	v5 =	vsub.f32 $1.000000000e+00, v5;
	v3 =	vmax.f32 v8, v3;
	v9 =	vld [tilespmem:s14+$0x680];
	[tilespmem:s12+$0xFFFFFFD0] =	vst v7  }
0x8fc: {  	v3 =	vsub.f32 $1.000000000e+00, v3;
	v1 =	vmax.f32 v6, v1;
	v7 =	vld [tilespmem:s14+$0xFFFFF9E0];
	[tilespmem:s12+$0xFFFFFFE0] =	vst v4  }
0x8fd: {  	v1 =	vsub.f32 $1.000000000e+00, v1;
	v0 =	vmax.f32 v0, v2;
	v4 =	vld [tilespmem:s14+$0xFFFFF3D0];
	[tilespmem:s12+$0xFFFFFFF0] =	vst v5  }
0x8fe: {  	v0 =	vsub.f32 $1.000000000e+00, v0;
	v2 =	vld [tilespmem:s14+$0xFFFFF9F0];
	[tilespmem:s12+$0x0] =	vst v3  }
0x8ff: {  	v3 =	vld [tilespmem:s14+$0xFFFFF3E0];
	[tilespmem:s12+$0x10] =	vst v1  }
0x900: {  	v1 =	vld.idx.msk [tilespmem:v12+s2+$0x0], $0xffff;
	[tilespmem:s12+$0x20] =	vst v0  }
0x901: {  	v0 =	vld.idx.msk [tilespmem:v11+s2+$0x0], $0xffff  }
0x902: {  	v5 =	vld.idx.msk [tilespmem:v10+s2+$0x0], $0xffff  }
0x903: {  	v6 =	vld.idx.msk [tilespmem:v9+s2+$0x0], $0xffff  }
0x904: {  	v8 =	vld [tilespmem:s14+$0xFFFFFA00]  }
0x905: {  	v9 =	vld [tilespmem:s14+$0xFFFFF3F0]  }
0x906: {  	v10 =	vld [tilespmem:s14+$0xFFFFFA10]  }
0x907: {  	v0 =	vmax.f32 v1, v0;
	v11 =	vld [tilespmem:s14+$0xFFFFF400]  }
0x908: {  	v0 =	vmax.f32 v0, v5;
	v1 =	vld [tilespmem:s14+$0xFFFFFA20]  }
0x909: {  	v0 =	vmax.f32 v0, v6;
	v5 =	vld [tilespmem:s14+$0xFFFFF410]  }
0x90a: {  	v0 =	vsub.f32 $1.000000000e+00, v0;
	v6 =	vld [tilespmem:s14+$0xFFFFFA30]  }
0x90b: {  	s12 =	sadd.s32 $0x70, s12;
	v12 =	vld [tilespmem:s14+$0xFFFFF3C0]  }
0x90c: {  	v13 =	vld [tilespmem:s14+$0x0];
	[tilespmem:s12+$0x30] =	vst v0  }
0x90d: {  	v0 =	vld [tilespmem:s14+$0x10]  }
0x90e: {  	v14 =	vld [tilespmem:s14+$0x20]  }
0x90f: {  	v15 =	vld [tilespmem:s14+$0x30]  }
0x910: {  	v16 =	vld [tilespmem:s14+$0x40]  }
0x911: {  	v17 =	vld [tilespmem:s14+$0x50]  }
0x912: {  	v18 =	vld [tilespmem:s14+$0x620]  }
0x913: {  	v19 =	vld [tilespmem:s14+$0x630]  }
0x914: {  	v20 =	vld [tilespmem:s14+$0x640]  }
0x915: {  	v21 =	vld [tilespmem:s14+$0x650]  }
0x916: {  	v22 =	vld [tilespmem:s14+$0x660]  }
0x917: {  	v23 =	vld [tilespmem:s14+$0x670]  }
0x918: {  	v12 =	vld.idx.msk [tilespmem:v12+s2+$0x0], $0xffff  }
0x919: {  	v7 =	vld.idx.msk [tilespmem:v7+s2+$0x0], $0xffff  }
0x91a: {  	v4 =	vld.idx.msk [tilespmem:v4+s2+$0x0], $0xffff  }
0x91b: {  	v2 =	vld.idx.msk [tilespmem:v2+s2+$0x0], $0xffff  }
0x91c: {  	v3 =	vld.idx.msk [tilespmem:v3+s2+$0x0], $0xffff  }
0x91d: {  	v8 =	vld.idx.msk [tilespmem:v8+s2+$0x0], $0xffff  }
0x91e: {  	v9 =	vld.idx.msk [tilespmem:v9+s2+$0x0], $0xffff  }
0x91f: {  	v7 =	vmax.f32 v12, v7;
	v10 =	vld.idx.msk [tilespmem:v10+s2+$0x0], $0xffff  }
0x920: {  	v11 =	vld.idx.msk [tilespmem:v11+s2+$0x0], $0xffff  }
0x921: {  	v2 =	vmax.f32 v4, v2;
	v1 =	vld.idx.msk [tilespmem:v1+s2+$0x0], $0xffff  }
0x922: {  	v4 =	vld.idx.msk [tilespmem:v5+s2+$0x0], $0xffff  }
0x923: {  	v3 =	vmax.f32 v3, v8;
	v5 =	vld.idx.msk [tilespmem:v6+s2+$0x0], $0xffff  }
0x924: {  	v6 =	vld.idx.msk [tilespmem:v13+s2+$0x0], $0xffff  }
0x925: {  	v8 =	vmax.f32 v9, v10;
	v0 =	vld.idx.msk [tilespmem:v0+s2+$0x0], $0xffff  }
0x926: {  	v9 =	vld.idx.msk [tilespmem:v14+s2+$0x0], $0xffff  }
0x927: {  	v1 =	vmax.f32 v11, v1;
	v12 =	vld.idx.msk [tilespmem:v15+s2+$0x0], $0xffff  }
0x928: {  	v13 =	vld.idx.msk [tilespmem:v16+s2+$0x0], $0xffff  }
0x929: {  	v14 =	vmax.f32 v4, v5;
	v15 =	vld.idx.msk [tilespmem:v17+s2+$0x0], $0xffff  }
0x92a: {  	v11 =	vmax.f32 v7, v6;
	v7 =	vld.idx.msk [tilespmem:v18+s2+$0x0], $0xffff  }
.Ltmp20:
0x92b: {  	v10 =	vmax.f32 v2, v0;
	v4 =	vld.idx.msk [tilespmem:v19+s2+$0x0], $0xffff;
	(pc) =	sbr.rel @p0 .LBB2_42-.Ltmp20, $4  }
0x92c: {  	v9 =	vmax.f32 v3, v9;
	v5 =	vld.idx.msk [tilespmem:v20+s2+$0x0], $0xffff  }
0x92d: {  	v8 =	vmax.f32 v8, v12;
	v3 =	vld.idx.msk [tilespmem:v21+s2+$0x0], $0xffff  }
0x92e: {  	v6 =	vmax.f32 v1, v13;
	v1 =	vld.idx.msk [tilespmem:v22+s2+$0x0], $0xffff  }
0x92f: {  	s14 =	sadd.s32 $0x70, s14;
	v0 =	vmax.f32 v14, v15;
	v2 =	vld.idx.msk [tilespmem:v23+s2+$0x0], $0xffff  }
0x930: {  	v7 =	vmax.f32 v11, v7  }
0x931: {  	v4 =	vmax.f32 v10, v4;
	v7 =	vsub.f32 $1.000000000e+00, v7  }
0x932: {  	v4 =	vsub.f32 $1.000000000e+00, v4;
	v5 =	vmax.f32 v9, v5  }
0x933: {  	v5 =	vsub.f32 $1.000000000e+00, v5;
	v3 =	vmax.f32 v8, v3;
	[tilespmem:s12+$0xFFFFFFD0] =	vst v7  }
0x934: {  	[tilespmem:s12+$0xFFFFFFE0] =	vst v4;
	v3 =	vsub.f32 $1.000000000e+00, v3;
	v1 =	vmax.f32 v6, v1  }
0x935: {  	[tilespmem:s12+$0xFFFFFFF0] =	vst v5;
	v1 =	vsub.f32 $1.000000000e+00, v1;
	v0 =	vmax.f32 v0, v2  }
0x936: {  	[tilespmem:s12+$0x0] =	vst v3;
	v0 =	vsub.f32 $1.000000000e+00, v0  }
0x937: {  	[tilespmem:s12+$0x10] =	vst v1  }
0x938: {  	[tilespmem:s12+$0x20] =	vst v0  }
0x939: {  	s12 =	rddreg [dreg:$0x19]  }
0x93a: {  	[hbm4b:s12+s2] =	stream.linear.scatter [tilespmem:s0], [sflag:$0x6], $0x620, $0x38;
	[tilespmem:$0xDC80] =	vst v63  }
0x93b: {  	_ =	swait.ge [sflag:s3], $0x1880  }
0x93c: {  	[sflag:s3] =	ssyncset.done $0x0  }
0x93d: {  	[sflag:s3] =	ssyncadd.s32 $0xFFFFE780  }
0x93e: {  	_ =	swait.ge [sflag:s10], $0x620  }
0x93f: {  	[sflag:s10] =	ssyncset.done $0x0  }
0x940: {  	s15 =	simm.s32 $0x8D40;
	[sflag:s10] =	ssyncadd.s32 $0xFFFFF9E0  }
0x941: {  	v0 =	vld [tilespmem:s15+$0xFFFFEDA0]  }
0x942: {  	v1 =	vld [tilespmem:s15+$0xFFFFF3C0]  }
0x943: {  	v2 =	vld [tilespmem:s15+$0xFFFFF9E0]  }
0x944: {  	v3 =	vld [tilespmem:s15+$0x0]  }
0x945: {  	v4 =	vld [tilespmem:s15+$0xFFFFF360]  }
0x946: {  	v5 =	vld [tilespmem:s15+$0xFFFFED50]  }
0x947: {  	v6 =	vld [tilespmem:s15+$0xFFFFF370]  }
0x948: {  	v7 =	vld [tilespmem:s15+$0xFFFFED60]  }
0x949: {  	v8 =	vld [tilespmem:s15+$0xFFFFF380]  }
0x94a: {  	v9 =	vld [tilespmem:s15+$0xFFFFED70]  }
0x94b: {  	v10 =	vld [tilespmem:s15+$0xFFFFF390]  }
0x94c: {  	v11 =	vld [tilespmem:s15+$0xFFFFED80]  }
0x94d: {  	v12 =	vld [tilespmem:s15+$0xFFFFF3A0]  }
0x94e: {  	v13 =	vld [tilespmem:s15+$0xFFFFED90]  }
0x94f: {  	v14 =	vld [tilespmem:s15+$0xFFFFF3B0]  }
0x950: {  	v15 =	vld [tilespmem:s15+$0xFFFFED40]  }
0x951: {  	v16 =	vld [tilespmem:s15+$0xFFFFF980]  }
0x952: {  	v17 =	vld [tilespmem:s15+$0xFFFFF990]  }
0x953: {  	v18 =	vld [tilespmem:s15+$0xFFFFF9A0]  }
0x954: {  	v19 =	vld [tilespmem:s15+$0xFFFFF9B0]  }
0x955: {  	v20 =	vld [tilespmem:s15+$0xFFFFF9C0]  }
0x956: {  	v21 =	vld [tilespmem:s15+$0xFFFFF9D0]  }
0x957: {  	v22 =	vld [tilespmem:s15+$0xFFFFFFA0]  }
0x958: {  	v23 =	vld [tilespmem:s15+$0xFFFFFFB0]  }
0x959: {  	v24 =	vld [tilespmem:s15+$0xFFFFFFC0]  }
0x95a: {  	v25 =	vld [tilespmem:s15+$0xFFFFFFD0]  }
0x95b: {  	v26 =	vld [tilespmem:s15+$0xFFFFFFE0]  }
0x95c: {  	v27 =	vld [tilespmem:s15+$0xFFFFFFF0]  }
0x95d: {  	v0 =	vld.idx.msk [tilespmem:v0+s2+$0x0], $0xffff  }
0x95e: {  	v1 =	vld.idx.msk [tilespmem:v1+s2+$0x0], $0xffff  }
0x95f: {  	v2 =	vld.idx.msk [tilespmem:v2+s2+$0x0], $0xffff  }
0x960: {  	v3 =	vld.idx.msk [tilespmem:v3+s2+$0x0], $0xffff  }
0x961: {  	v15 =	vld.idx.msk [tilespmem:v15+s2+$0x0], $0xffff  }
0x962: {  	v28 =	vld.idx.msk [tilespmem:v4+s2+$0x0], $0xffff  }
0x963: {  	v5 =	vld.idx.msk [tilespmem:v5+s2+$0x0], $0xffff  }
0x964: {  	v6 =	vld.idx.msk [tilespmem:v6+s2+$0x0], $0xffff  }
0x965: {  	v29 =	vld.idx.msk [tilespmem:v7+s2+$0x0], $0xffff  }
0x966: {  	v8 =	vld.idx.msk [tilespmem:v8+s2+$0x0], $0xffff  }
0x967: {  	v9 =	vld.idx.msk [tilespmem:v9+s2+$0x0], $0xffff  }
0x968: {  	v10 =	vld.idx.msk [tilespmem:v10+s2+$0x0], $0xffff  }
0x969: {  	v11 =	vld.idx.msk [tilespmem:v11+s2+$0x0], $0xffff  }
0x96a: {  	v12 =	vld.idx.msk [tilespmem:v12+s2+$0x0], $0xffff  }
0x96b: {  	v13 =	vld.idx.msk [tilespmem:v13+s2+$0x0], $0xffff  }
0x96c: {  	v14 =	vld.idx.msk [tilespmem:v14+s2+$0x0], $0xffff  }
0x96d: {  	v16 =	vld.idx.msk [tilespmem:v16+s2+$0x0], $0xffff  }
0x96e: {  	v17 =	vld.idx.msk [tilespmem:v17+s2+$0x0], $0xffff  }
0x96f: {  	v61 =	vld.idx.msk [tilespmem:v20+s2+$0x0], $0xffff  }
0x970: {  	v62 =	vld.idx.msk [tilespmem:v21+s2+$0x0], $0xffff  }
0x971: {  	v7 =	vld.idx.msk [tilespmem:v22+s2+$0x0], $0xffff  }
0x972: {  	v0 =	vmax.f32 v0, v1;
	v1 =	vld.idx.msk [tilespmem:v18+s2+$0x0], $0xffff  }
0x973: {  	v0 =	vmax.f32 v0, v2;
	v2 =	vld.idx.msk [tilespmem:v19+s2+$0x0], $0xffff  }
0x974: {  	v4 =	vld.idx.msk [tilespmem:v23+s2+$0x0], $0xffff;
	v6 =	vmax.f32 v5, v6;
	v8 =	vmax.f32 v29, v8;
	v0 =	vmax.f32 v0, v3  }
0x975: {  	v5 =	vld.idx.msk [tilespmem:v24+s2+$0x0], $0xffff;
	v63 =	vmax.f32 v9, v10;
	v12 =	vmax.f32 v11, v12;
	v0 =	vsub.f32 $1.000000000e+00, v0  }
0x976: {  	s12 =	simm.s32 $0xCA80;
	v13 =	vmax.f32 v13, v14;
	v10 =	vmax.f32 v6, v17;
	v6 =	vmax.f32 v12, v61;
	v3 =	vld.idx.msk [tilespmem:v25+s2+$0x0], $0xffff  }
0x977: {  	[tilespmem:s12+$0x0] =	vst v0;
	v0 =	vmax.f32 v15, v28;
	v9 =	vmax.f32 v8, v1;
	v1 =	vld.idx.msk [tilespmem:v26+s2+$0x0], $0xffff  }
0x978: {  	s13 =	simm.s32 $0x0;
	s14 =	simm.s32 $0x8DB0;
	v11 =	vmax.f32 v0, v16;
	v8 =	vmax.f32 v63, v2;
	v0 =	vmax.f32 v13, v62;
	v2 =	vld.idx.msk [tilespmem:v27+s2+$0x0], $0xffff  }
.LBB2_44:
0x979: {  	v12 =	vld [tilespmem:s14+$0xFFFFEDA0];
	v7 =	vmax.f32 v11, v7  }
0x97a: {  	s13 =	sadd.s32 $0x70, s13;
	v4 =	vmax.f32 v10, v4;
	v11 =	vld [tilespmem:s14+$0xFFFFF3C0];
	v7 =	vsub.f32 $1.000000000e+00, v7  }
0x97b: {  	p0 =	slt.u32 s13, $0x5B0;
	v4 =	vsub.f32 $1.000000000e+00, v4;
	v5 =	vmax.f32 v9, v5;
	v10 =	vld [tilespmem:s14+$0xFFFFF9E0]  }
0x97c: {  	v5 =	vsub.f32 $1.000000000e+00, v5;
	v3 =	vmax.f32 v8, v3;
	v9 =	vld [tilespmem:s14+$0x0];
	[tilespmem:s12+$0xFFFFFFA0] =	vst v7  }
0x97d: {  	v3 =	vsub.f32 $1.000000000e+00, v3;
	v1 =	vmax.f32 v6, v1;
	v7 =	vld [tilespmem:s14+$0xFFFFF360];
	[tilespmem:s12+$0xFFFFFFB0] =	vst v4  }
0x97e: {  	v1 =	vsub.f32 $1.000000000e+00, v1;
	v0 =	vmax.f32 v0, v2;
	v4 =	vld [tilespmem:s14+$0xFFFFED50];
	[tilespmem:s12+$0xFFFFFFC0] =	vst v5  }
0x97f: {  	v0 =	vsub.f32 $1.000000000e+00, v0;
	v2 =	vld [tilespmem:s14+$0xFFFFF370];
	[tilespmem:s12+$0xFFFFFFD0] =	vst v3  }
0x980: {  	v3 =	vld [tilespmem:s14+$0xFFFFED60];
	[tilespmem:s12+$0xFFFFFFE0] =	vst v1  }
0x981: {  	v1 =	vld.idx.msk [tilespmem:v12+s2+$0x0], $0xffff;
	[tilespmem:s12+$0xFFFFFFF0] =	vst v0  }
0x982: {  	v0 =	vld.idx.msk [tilespmem:v11+s2+$0x0], $0xffff  }
0x983: {  	v5 =	vld.idx.msk [tilespmem:v10+s2+$0x0], $0xffff  }
0x984: {  	v6 =	vld.idx.msk [tilespmem:v9+s2+$0x0], $0xffff  }
0x985: {  	v8 =	vld [tilespmem:s14+$0xFFFFF380]  }
0x986: {  	v9 =	vld [tilespmem:s14+$0xFFFFED70]  }
0x987: {  	v10 =	vld [tilespmem:s14+$0xFFFFF390]  }
0x988: {  	v0 =	vmax.f32 v1, v0;
	v11 =	vld [tilespmem:s14+$0xFFFFED80]  }
0x989: {  	v0 =	vmax.f32 v0, v5;
	v1 =	vld [tilespmem:s14+$0xFFFFF3A0]  }
0x98a: {  	v0 =	vmax.f32 v0, v6;
	v5 =	vld [tilespmem:s14+$0xFFFFED90]  }
0x98b: {  	v0 =	vsub.f32 $1.000000000e+00, v0;
	v6 =	vld [tilespmem:s14+$0xFFFFF3B0]  }
0x98c: {  	s12 =	sadd.s32 $0x70, s12;
	v12 =	vld [tilespmem:s14+$0xFFFFED40]  }
0x98d: {  	v13 =	vld [tilespmem:s14+$0xFFFFF980];
	[tilespmem:s12+$0x0] =	vst v0  }
0x98e: {  	v0 =	vld [tilespmem:s14+$0xFFFFF990]  }
0x98f: {  	v14 =	vld [tilespmem:s14+$0xFFFFF9A0]  }
0x990: {  	v15 =	vld [tilespmem:s14+$0xFFFFF9B0]  }
0x991: {  	v16 =	vld [tilespmem:s14+$0xFFFFF9C0]  }
0x992: {  	v17 =	vld [tilespmem:s14+$0xFFFFF9D0]  }
0x993: {  	v18 =	vld [tilespmem:s14+$0xFFFFFFA0]  }
0x994: {  	v19 =	vld [tilespmem:s14+$0xFFFFFFB0]  }
0x995: {  	v20 =	vld [tilespmem:s14+$0xFFFFFFC0]  }
0x996: {  	v21 =	vld [tilespmem:s14+$0xFFFFFFD0]  }
0x997: {  	v22 =	vld [tilespmem:s14+$0xFFFFFFE0]  }
0x998: {  	v23 =	vld [tilespmem:s14+$0xFFFFFFF0]  }
0x999: {  	v12 =	vld.idx.msk [tilespmem:v12+s2+$0x0], $0xffff  }
0x99a: {  	v7 =	vld.idx.msk [tilespmem:v7+s2+$0x0], $0xffff  }
0x99b: {  	v4 =	vld.idx.msk [tilespmem:v4+s2+$0x0], $0xffff  }
0x99c: {  	v2 =	vld.idx.msk [tilespmem:v2+s2+$0x0], $0xffff  }
0x99d: {  	v3 =	vld.idx.msk [tilespmem:v3+s2+$0x0], $0xffff  }
0x99e: {  	v8 =	vld.idx.msk [tilespmem:v8+s2+$0x0], $0xffff  }
0x99f: {  	v9 =	vld.idx.msk [tilespmem:v9+s2+$0x0], $0xffff  }
0x9a0: {  	v7 =	vmax.f32 v12, v7;
	v10 =	vld.idx.msk [tilespmem:v10+s2+$0x0], $0xffff  }
0x9a1: {  	v11 =	vld.idx.msk [tilespmem:v11+s2+$0x0], $0xffff  }
0x9a2: {  	v2 =	vmax.f32 v4, v2;
	v1 =	vld.idx.msk [tilespmem:v1+s2+$0x0], $0xffff  }
0x9a3: {  	v4 =	vld.idx.msk [tilespmem:v5+s2+$0x0], $0xffff  }
0x9a4: {  	v3 =	vmax.f32 v3, v8;
	v5 =	vld.idx.msk [tilespmem:v6+s2+$0x0], $0xffff  }
0x9a5: {  	v6 =	vld.idx.msk [tilespmem:v13+s2+$0x0], $0xffff  }
0x9a6: {  	v8 =	vmax.f32 v9, v10;
	v0 =	vld.idx.msk [tilespmem:v0+s2+$0x0], $0xffff  }
0x9a7: {  	v9 =	vld.idx.msk [tilespmem:v14+s2+$0x0], $0xffff  }
0x9a8: {  	v1 =	vmax.f32 v11, v1;
	v12 =	vld.idx.msk [tilespmem:v15+s2+$0x0], $0xffff  }
0x9a9: {  	v13 =	vld.idx.msk [tilespmem:v16+s2+$0x0], $0xffff  }
0x9aa: {  	v14 =	vmax.f32 v4, v5;
	v15 =	vld.idx.msk [tilespmem:v17+s2+$0x0], $0xffff  }
0x9ab: {  	v11 =	vmax.f32 v7, v6;
	v7 =	vld.idx.msk [tilespmem:v18+s2+$0x0], $0xffff  }
.Ltmp21:
0x9ac: {  	v10 =	vmax.f32 v2, v0;
	v4 =	vld.idx.msk [tilespmem:v19+s2+$0x0], $0xffff;
	(pc) =	sbr.rel @p0 .LBB2_44-.Ltmp21, $4  }
0x9ad: {  	v9 =	vmax.f32 v3, v9;
	v5 =	vld.idx.msk [tilespmem:v20+s2+$0x0], $0xffff  }
0x9ae: {  	v8 =	vmax.f32 v8, v12;
	v3 =	vld.idx.msk [tilespmem:v21+s2+$0x0], $0xffff  }
0x9af: {  	v6 =	vmax.f32 v1, v13;
	v1 =	vld.idx.msk [tilespmem:v22+s2+$0x0], $0xffff  }
0x9b0: {  	s14 =	sadd.s32 $0x70, s14;
	v0 =	vmax.f32 v14, v15;
	v2 =	vld.idx.msk [tilespmem:v23+s2+$0x0], $0xffff  }
0x9b1: {  	v7 =	vmax.f32 v11, v7  }
0x9b2: {  	v4 =	vmax.f32 v10, v4;
	v7 =	vsub.f32 $1.000000000e+00, v7  }
0x9b3: {  	v4 =	vsub.f32 $1.000000000e+00, v4;
	v5 =	vmax.f32 v9, v5  }
0x9b4: {  	v5 =	vsub.f32 $1.000000000e+00, v5;
	v3 =	vmax.f32 v8, v3;
	[tilespmem:s12+$0xFFFFFFA0] =	vst v7  }
0x9b5: {  	[tilespmem:s12+$0xFFFFFFB0] =	vst v4;
	v3 =	vsub.f32 $1.000000000e+00, v3;
	v1 =	vmax.f32 v6, v1  }
0x9b6: {  	[tilespmem:s12+$0xFFFFFFC0] =	vst v5;
	v1 =	vsub.f32 $1.000000000e+00, v1;
	v0 =	vmax.f32 v0, v2  }
0x9b7: {  	[tilespmem:s12+$0xFFFFFFD0] =	vst v3;
	v0 =	vsub.f32 $1.000000000e+00, v0  }
0x9b8: {  	[tilespmem:s12+$0xFFFFFFE0] =	vst v1  }
0x9b9: {  	[tilespmem:s12+$0xFFFFFFF0] =	vst v0  }
0x9ba: {  	s15 =	simm.s32 $0x0;
	s13 =	rddreg [dreg:$0x1a]  }
0x9bb: {  	[hbm4b:s13+s15] =	stream.linear.scatter [tilespmem:s5], [sflag:$0x6], $0x620, $0x38;
	[tilespmem:$0xDC80] =	vst v63  }
0x9bc: {  	_ =	swait.ge [sflag:s6], $0x1880  }
0x9bd: {  	[sflag:s6] =	ssyncset.done $0x0  }
0x9be: {  	[sflag:s6] =	ssyncadd.s32 $0xFFFFE780  }
0x9bf: {  	_ =	swait.ge [sflag:s10], $0x620  }
0x9c0: {  	[sflag:s10] =	ssyncset.done $0x0  }
0x9c1: {  	s12 =	simm.s32 $0x0;
	[sflag:s10] =	ssyncadd.s32 $0xFFFFF9E0  }
0x9c2: {  	v0 =	vld [tilespmem:s12+$0x9360]  }
0x9c3: {  	v1 =	vld [tilespmem:s12+$0x9980]  }
0x9c4: {  	v2 =	vld [tilespmem:s12+$0x9FA0]  }
0x9c5: {  	v3 =	vld [tilespmem:s12+$0xA5C0]  }
0x9c6: {  	v4 =	vld [tilespmem:s12+$0x9300]  }
0x9c7: {  	v5 =	vld [tilespmem:s12+$0x9920]  }
0x9c8: {  	v6 =	vld [tilespmem:s12+$0x9310]  }
0x9c9: {  	v7 =	vld [tilespmem:s12+$0x9930]  }
0x9ca: {  	v9 =	vld [tilespmem:s12+$0x9320]  }
0x9cb: {  	v10 =	vld [tilespmem:s12+$0x9940]  }
0x9cc: {  	v11 =	vld [tilespmem:s12+$0x9330]  }
0x9cd: {  	v12 =	vld [tilespmem:s12+$0x9950]  }
0x9ce: {  	v13 =	vld [tilespmem:s12+$0x9340]  }
0x9cf: {  	v14 =	vld [tilespmem:s12+$0x9960]  }
0x9d0: {  	v15 =	vld [tilespmem:s12+$0x9350]  }
0x9d1: {  	v16 =	vld [tilespmem:s12+$0x9970]  }
0x9d2: {  	v17 =	vld [tilespmem:s12+$0x9F40]  }
0x9d3: {  	v18 =	vld [tilespmem:s12+$0x9F50]  }
0x9d4: {  	v19 =	vld [tilespmem:s12+$0x9F60]  }
0x9d5: {  	v20 =	vld [tilespmem:s12+$0x9F70]  }
0x9d6: {  	v21 =	vld [tilespmem:s12+$0x9F80]  }
0x9d7: {  	v22 =	vld [tilespmem:s12+$0x9F90]  }
0x9d8: {  	v23 =	vld [tilespmem:s12+$0xA560]  }
0x9d9: {  	v24 =	vld [tilespmem:s12+$0xA570]  }
0x9da: {  	v25 =	vld [tilespmem:s12+$0xA580]  }
0x9db: {  	v26 =	vld [tilespmem:s12+$0xA590]  }
0x9dc: {  	v27 =	vld [tilespmem:s12+$0xA5A0]  }
0x9dd: {  	v8 =	vld.idx.msk [tilespmem:v0+s2+$0x0], $0xffff  }
0x9de: {  	v1 =	vld.idx.msk [tilespmem:v1+s2+$0x0], $0xffff  }
0x9df: {  	v2 =	vld.idx.msk [tilespmem:v2+s2+$0x0], $0xffff  }
0x9e0: {  	v3 =	vld.idx.msk [tilespmem:v3+s2+$0x0], $0xffff  }
0x9e1: {  	v0 =	vld [tilespmem:s12+$0xA5B0]  }
0x9e2: {  	v28 =	vld.idx.msk [tilespmem:v4+s2+$0x0], $0xffff  }
0x9e3: {  	v5 =	vld.idx.msk [tilespmem:v5+s2+$0x0], $0xffff  }
0x9e4: {  	v6 =	vld.idx.msk [tilespmem:v6+s2+$0x0], $0xffff  }
0x9e5: {  	v7 =	vld.idx.msk [tilespmem:v7+s2+$0x0], $0xffff  }
0x9e6: {  	v9 =	vld.idx.msk [tilespmem:v9+s2+$0x0], $0xffff  }
0x9e7: {  	v10 =	vld.idx.msk [tilespmem:v10+s2+$0x0], $0xffff  }
0x9e8: {  	v11 =	vld.idx.msk [tilespmem:v11+s2+$0x0], $0xffff  }
0x9e9: {  	v12 =	vld.idx.msk [tilespmem:v12+s2+$0x0], $0xffff  }
0x9ea: {  	v13 =	vld.idx.msk [tilespmem:v13+s2+$0x0], $0xffff  }
0x9eb: {  	v14 =	vld.idx.msk [tilespmem:v14+s2+$0x0], $0xffff  }
0x9ec: {  	v15 =	vld.idx.msk [tilespmem:v15+s2+$0x0], $0xffff  }
0x9ed: {  	v16 =	vld.idx.msk [tilespmem:v16+s2+$0x0], $0xffff  }
0x9ee: {  	v17 =	vld.idx.msk [tilespmem:v17+s2+$0x0], $0xffff  }
0x9ef: {  	v18 =	vld.idx.msk [tilespmem:v18+s2+$0x0], $0xffff  }
0x9f0: {  	v19 =	vld.idx.msk [tilespmem:v19+s2+$0x0], $0xffff  }
0x9f1: {  	v4 =	vld.idx.msk [tilespmem:v23+s2+$0x0], $0xffff;
	v1 =	vmax.f32 v8, v1  }
0x9f2: {  	v1 =	vmax.f32 v1, v2;
	v2 =	vld.idx.msk [tilespmem:v20+s2+$0x0], $0xffff  }
0x9f3: {  	v1 =	vmax.f32 v1, v3;
	v3 =	vld.idx.msk [tilespmem:v21+s2+$0x0], $0xffff  }
0x9f4: {  	v8 =	vsub.f32 $1.000000000e+00, v1;
	v1 =	vld.idx.msk [tilespmem:v22+s2+$0x0], $0xffff  }
0x9f5: {  	v62 =	vmax.f32 v28, v5;
	v6 =	vmax.f32 v6, v7;
	v5 =	vld.idx.msk [tilespmem:v24+s2+$0x0], $0xffff;
	v9 =	vmax.f32 v9, v10  }
0x9f6: {  	v63 =	vmax.f32 v11, v12;
	v13 =	vmax.f32 v13, v14;
	v7 =	vld.idx.msk [tilespmem:v25+s2+$0x0], $0xffff;
	v12 =	vmax.f32 v62, v17  }
0x9f7: {  	v10 =	vmax.f32 v6, v18;
	v6 =	vld.idx.msk [tilespmem:v26+s2+$0x0], $0xffff;
	v11 =	vmax.f32 v9, v19;
	[tilespmem:s12+$0xD0A0] =	vst v8  }
0x9f8: {  	s14 =	simm.s32 $0x1C0;
	s13 =	simm.s32 $0x0;
	v8 =	vmax.f32 v15, v16;
	v9 =	vmax.f32 v63, v2;
	v2 =	vmax.f32 v13, v3;
	v3 =	vld.idx.msk [tilespmem:v27+s2+$0x0], $0xffff  }
.LBB2_46:
0x9f9: {  	s15 =	sshra.s32 s14, $0x2;
	v1 =	vmax.f32 v8, v1;
	v0 =	vld.idx.msk [tilespmem:v0+s2+$0x0], $0xffff  }
0x9fa: {  	s13 =	sadd.s32 $0x70, s13;
	v4 =	vmax.f32 v12, v4;
	v8 =	vld [tilespmem:s15+$0x9360]  }
0x9fb: {  	p0 =	slt.u32 s13, $0x5B0;
	v4 =	vsub.f32 $1.000000000e+00, v4;
	v5 =	vmax.f32 v10, v5;
	v12 =	vld [tilespmem:s15+$0x9980]  }
0x9fc: {  	v5 =	vsub.f32 $1.000000000e+00, v5;
	v7 =	vmax.f32 v11, v7;
	v10 =	vld [tilespmem:s15+$0x9FA0]  }
0x9fd: {  	v6 =	vmax.f32 v9, v6;
	v11 =	vld [tilespmem:s15+$0xA5C0];
	[tilespmem:s12+$0xD040] =	vst v4;
	v4 =	vsub.f32 $1.000000000e+00, v7  }
0x9fe: {  	v2 =	vmax.f32 v2, v3;
	v7 =	vld [tilespmem:s15+$0x9300];
	[tilespmem:s12+$0xD050] =	vst v5;
	v5 =	vsub.f32 $1.000000000e+00, v6  }
0x9ff: {  	v2 =	vsub.f32 $1.000000000e+00, v2;
	v0 =	vmax.f32 v1, v0;
	v3 =	vld [tilespmem:s15+$0x9920];
	[tilespmem:s12+$0xD060] =	vst v4  }
0xa00: {  	v0 =	vsub.f32 $1.000000000e+00, v0;
	v1 =	vld [tilespmem:s15+$0x9310];
	[tilespmem:s12+$0xD070] =	vst v5  }
0xa01: {  	v4 =	vld [tilespmem:s15+$0x9930];
	[tilespmem:s12+$0xD080] =	vst v2  }
0xa02: {  	v2 =	vld.idx.msk [tilespmem:v8+s2+$0x0], $0xffff;
	[tilespmem:s12+$0xD090] =	vst v0;
	s12 =	smov.u32 s15  }
0xa03: {  	v0 =	vld.idx.msk [tilespmem:v12+s2+$0x0], $0xffff  }
0xa04: {  	v5 =	vld.idx.msk [tilespmem:v10+s2+$0x0], $0xffff  }
0xa05: {  	v6 =	vld.idx.msk [tilespmem:v11+s2+$0x0], $0xffff  }
0xa06: {  	v8 =	vld [tilespmem:s12+$0x9320]  }
0xa07: {  	v9 =	vld [tilespmem:s12+$0x9940]  }
0xa08: {  	v10 =	vld [tilespmem:s12+$0x9330]  }
0xa09: {  	v0 =	vmax.f32 v2, v0;
	v11 =	vld [tilespmem:s12+$0x9950]  }
0xa0a: {  	v0 =	vmax.f32 v0, v5;
	v2 =	vld [tilespmem:s12+$0x9340]  }
0xa0b: {  	v0 =	vmax.f32 v0, v6;
	v5 =	vld [tilespmem:s12+$0x9960]  }
0xa0c: {  	v0 =	vsub.f32 $1.000000000e+00, v0;
	v6 =	vld [tilespmem:s12+$0x9350]  }
0xa0d: {  	v12 =	vld [tilespmem:s12+$0x9970]  }
0xa0e: {  	v13 =	vld [tilespmem:s12+$0x9F40];
	[tilespmem:s12+$0xD0A0] =	vst v0  }
0xa0f: {  	v14 =	vld [tilespmem:s12+$0x9F50]  }
0xa10: {  	v15 =	vld [tilespmem:s12+$0x9F60]  }
0xa11: {  	v16 =	vld [tilespmem:s12+$0x9F70]  }
0xa12: {  	v17 =	vld [tilespmem:s12+$0x9F80]  }
0xa13: {  	v18 =	vld [tilespmem:s12+$0x9F90]  }
0xa14: {  	v19 =	vld [tilespmem:s12+$0xA560]  }
0xa15: {  	v20 =	vld [tilespmem:s12+$0xA570]  }
0xa16: {  	v21 =	vld [tilespmem:s12+$0xA580]  }
0xa17: {  	v22 =	vld [tilespmem:s12+$0xA590]  }
0xa18: {  	v23 =	vld [tilespmem:s12+$0xA5A0]  }
0xa19: {  	v0 =	vld [tilespmem:s12+$0xA5B0]  }
0xa1a: {  	v7 =	vld.idx.msk [tilespmem:v7+s2+$0x0], $0xffff  }
0xa1b: {  	v3 =	vld.idx.msk [tilespmem:v3+s2+$0x0], $0xffff  }
0xa1c: {  	v1 =	vld.idx.msk [tilespmem:v1+s2+$0x0], $0xffff  }
0xa1d: {  	v4 =	vld.idx.msk [tilespmem:v4+s2+$0x0], $0xffff  }
0xa1e: {  	v8 =	vld.idx.msk [tilespmem:v8+s2+$0x0], $0xffff  }
0xa1f: {  	v9 =	vld.idx.msk [tilespmem:v9+s2+$0x0], $0xffff  }
0xa20: {  	v10 =	vld.idx.msk [tilespmem:v10+s2+$0x0], $0xffff  }
0xa21: {  	v3 =	vmax.f32 v7, v3;
	v7 =	vld.idx.msk [tilespmem:v11+s2+$0x0], $0xffff  }
0xa22: {  	v2 =	vld.idx.msk [tilespmem:v2+s2+$0x0], $0xffff  }
0xa23: {  	v11 =	vmax.f32 v1, v4;
	v1 =	vld.idx.msk [tilespmem:v5+s2+$0x0], $0xffff  }
0xa24: {  	v4 =	vld.idx.msk [tilespmem:v6+s2+$0x0], $0xffff  }
0xa25: {  	v6 =	vmax.f32 v8, v9;
	v5 =	vld.idx.msk [tilespmem:v12+s2+$0x0], $0xffff  }
0xa26: {  	v9 =	vld.idx.msk [tilespmem:v13+s2+$0x0], $0xffff  }
0xa27: {  	v13 =	vld.idx.msk [tilespmem:v14+s2+$0x0], $0xffff;
	v14 =	vmax.f32 v10, v7  }
0xa28: {  	v7 =	vld.idx.msk [tilespmem:v15+s2+$0x0], $0xffff  }
0xa29: {  	v2 =	vmax.f32 v2, v1;
	v15 =	vld.idx.msk [tilespmem:v16+s2+$0x0], $0xffff  }
0xa2a: {  	v16 =	vld.idx.msk [tilespmem:v17+s2+$0x0], $0xffff  }
0xa2b: {  	v8 =	vmax.f32 v4, v5;
	v1 =	vld.idx.msk [tilespmem:v18+s2+$0x0], $0xffff  }
.Ltmp22:
0xa2c: {  	v12 =	vmax.f32 v3, v9;
	v4 =	vld.idx.msk [tilespmem:v19+s2+$0x0], $0xffff;
	(pc) =	sbr.rel @p0 .LBB2_46-.Ltmp22, $4  }
0xa2d: {  	v10 =	vmax.f32 v11, v13;
	v5 =	vld.idx.msk [tilespmem:v20+s2+$0x0], $0xffff  }
0xa2e: {  	v11 =	vmax.f32 v6, v7;
	v7 =	vld.idx.msk [tilespmem:v21+s2+$0x0], $0xffff  }
0xa2f: {  	v9 =	vmax.f32 v14, v15;
	v6 =	vld.idx.msk [tilespmem:v22+s2+$0x0], $0xffff  }
0xa30: {  	s14 =	sadd.s32 $0x1C0, s14;
	v2 =	vmax.f32 v2, v16;
	v3 =	vld.idx.msk [tilespmem:v23+s2+$0x0], $0xffff  }
0xa31: {  	_ =	sdelay $0x3  }
0xa32: {  	v0 =	vld.idx.msk [tilespmem:v0+s2+$0x0], $0xffff;
	v4 =	vmax.f32 v12, v4  }
0xa33: {  	v4 =	vsub.f32 $1.000000000e+00, v4;
	v5 =	vmax.f32 v10, v5  }
0xa34: {  	v5 =	vsub.f32 $1.000000000e+00, v5;
	v7 =	vmax.f32 v11, v7  }
0xa35: {  	[tilespmem:s12+$0xD040] =	vst v4;
	v4 =	vsub.f32 $1.000000000e+00, v7;
	v6 =	vmax.f32 v9, v6  }
0xa36: {  	v1 =	vmax.f32 v8, v1;
	[tilespmem:s12+$0xD050] =	vst v5;
	v5 =	vsub.f32 $1.000000000e+00, v6;
	v2 =	vmax.f32 v2, v3  }
0xa37: {  	[tilespmem:s12+$0xD060] =	vst v4;
	v2 =	vsub.f32 $1.000000000e+00, v2;
	v0 =	vmax.f32 v1, v0  }
0xa38: {  	[tilespmem:s12+$0xD070] =	vst v5;
	v0 =	vsub.f32 $1.000000000e+00, v0  }
0xa39: {  	[tilespmem:s12+$0xD080] =	vst v2  }
0xa3a: {  	[tilespmem:s12+$0xD090] =	vst v0  }
0xa3b: {  	s15 =	simm.s32 $0x0;
	s13 =	rddreg [dreg:$0x1b]  }
0xa3c: {  	[hbm4b:s13+s15] =	stream.linear.scatter [tilespmem:s7], [sflag:$0x6], $0x620, $0x38;
	[tilespmem:$0xDC80] =	vst v63  }
0xa3d: {  	_ =	swait.ge [sflag:s8], $0x1880  }
0xa3e: {  	[sflag:s8] =	ssyncset.done $0x0  }
0xa3f: {  	[sflag:s8] =	ssyncadd.s32 $0xFFFFE780  }
0xa40: {  	_ =	swait.ge [sflag:s10], $0x620  }
0xa41: {  	[sflag:s10] =	ssyncset.done $0x0  }
0xa42: {  	s12 =	simm.s32 $0x0;
	[sflag:s10] =	ssyncadd.s32 $0xFFFFF9E0  }
0xa43: {  	v0 =	vld [tilespmem:s12+$0xABE0]  }
0xa44: {  	v1 =	vld [tilespmem:s12+$0xB200]  }
0xa45: {  	v2 =	vld [tilespmem:s12+$0xB820]  }
0xa46: {  	v3 =	vld [tilespmem:s12+$0xBE40]  }
0xa47: {  	v4 =	vld [tilespmem:s12+$0xAB80]  }
0xa48: {  	v5 =	vld [tilespmem:s12+$0xB1A0]  }
0xa49: {  	v6 =	vld [tilespmem:s12+$0xAB90]  }
0xa4a: {  	v7 =	vld [tilespmem:s12+$0xB1B0]  }
0xa4b: {  	v9 =	vld [tilespmem:s12+$0xABA0]  }
0xa4c: {  	v10 =	vld [tilespmem:s12+$0xB1C0]  }
0xa4d: {  	v11 =	vld [tilespmem:s12+$0xABB0]  }
0xa4e: {  	v12 =	vld [tilespmem:s12+$0xB1D0]  }
0xa4f: {  	v13 =	vld [tilespmem:s12+$0xABC0]  }
0xa50: {  	v14 =	vld [tilespmem:s12+$0xB1E0]  }
0xa51: {  	v15 =	vld [tilespmem:s12+$0xABD0]  }
0xa52: {  	v16 =	vld [tilespmem:s12+$0xB1F0]  }
0xa53: {  	v17 =	vld [tilespmem:s12+$0xB7C0]  }
0xa54: {  	v18 =	vld [tilespmem:s12+$0xB7D0]  }
0xa55: {  	v19 =	vld [tilespmem:s12+$0xB7E0]  }
0xa56: {  	v20 =	vld [tilespmem:s12+$0xB7F0]  }
0xa57: {  	v21 =	vld [tilespmem:s12+$0xB800]  }
0xa58: {  	v22 =	vld [tilespmem:s12+$0xB810]  }
0xa59: {  	v23 =	vld [tilespmem:s12+$0xBDE0]  }
0xa5a: {  	v24 =	vld [tilespmem:s12+$0xBDF0]  }
0xa5b: {  	v25 =	vld [tilespmem:s12+$0xBE00]  }
0xa5c: {  	v26 =	vld [tilespmem:s12+$0xBE10]  }
0xa5d: {  	v27 =	vld [tilespmem:s12+$0xBE20]  }
0xa5e: {  	v8 =	vld.idx.msk [tilespmem:v0+s2+$0x0], $0xffff  }
0xa5f: {  	v1 =	vld.idx.msk [tilespmem:v1+s2+$0x0], $0xffff  }
0xa60: {  	v2 =	vld.idx.msk [tilespmem:v2+s2+$0x0], $0xffff  }
0xa61: {  	v3 =	vld.idx.msk [tilespmem:v3+s2+$0x0], $0xffff  }
0xa62: {  	v0 =	vld [tilespmem:s12+$0xBE30]  }
0xa63: {  	v28 =	vld.idx.msk [tilespmem:v4+s2+$0x0], $0xffff  }
0xa64: {  	v5 =	vld.idx.msk [tilespmem:v5+s2+$0x0], $0xffff  }
0xa65: {  	v6 =	vld.idx.msk [tilespmem:v6+s2+$0x0], $0xffff  }
0xa66: {  	v7 =	vld.idx.msk [tilespmem:v7+s2+$0x0], $0xffff  }
0xa67: {  	v9 =	vld.idx.msk [tilespmem:v9+s2+$0x0], $0xffff  }
0xa68: {  	v10 =	vld.idx.msk [tilespmem:v10+s2+$0x0], $0xffff  }
0xa69: {  	v11 =	vld.idx.msk [tilespmem:v11+s2+$0x0], $0xffff  }
0xa6a: {  	v12 =	vld.idx.msk [tilespmem:v12+s2+$0x0], $0xffff  }
0xa6b: {  	v13 =	vld.idx.msk [tilespmem:v13+s2+$0x0], $0xffff  }
0xa6c: {  	v14 =	vld.idx.msk [tilespmem:v14+s2+$0x0], $0xffff  }
0xa6d: {  	v15 =	vld.idx.msk [tilespmem:v15+s2+$0x0], $0xffff  }
0xa6e: {  	v16 =	vld.idx.msk [tilespmem:v16+s2+$0x0], $0xffff  }
0xa6f: {  	v17 =	vld.idx.msk [tilespmem:v17+s2+$0x0], $0xffff  }
0xa70: {  	v18 =	vld.idx.msk [tilespmem:v18+s2+$0x0], $0xffff  }
0xa71: {  	v19 =	vld.idx.msk [tilespmem:v19+s2+$0x0], $0xffff  }
0xa72: {  	v4 =	vld.idx.msk [tilespmem:v23+s2+$0x0], $0xffff;
	v1 =	vmax.f32 v8, v1  }
0xa73: {  	v1 =	vmax.f32 v1, v2;
	v2 =	vld.idx.msk [tilespmem:v20+s2+$0x0], $0xffff  }
0xa74: {  	v1 =	vmax.f32 v1, v3;
	v3 =	vld.idx.msk [tilespmem:v21+s2+$0x0], $0xffff  }
0xa75: {  	v8 =	vsub.f32 $1.000000000e+00, v1;
	v1 =	vld.idx.msk [tilespmem:v22+s2+$0x0], $0xffff  }
0xa76: {  	v62 =	vmax.f32 v28, v5;
	v6 =	vmax.f32 v6, v7;
	v5 =	vld.idx.msk [tilespmem:v24+s2+$0x0], $0xffff;
	v9 =	vmax.f32 v9, v10  }
0xa77: {  	v63 =	vmax.f32 v11, v12;
	v13 =	vmax.f32 v13, v14;
	v7 =	vld.idx.msk [tilespmem:v25+s2+$0x0], $0xffff;
	v12 =	vmax.f32 v62, v17  }
0xa78: {  	v10 =	vmax.f32 v6, v18;
	v6 =	vld.idx.msk [tilespmem:v26+s2+$0x0], $0xffff;
	v11 =	vmax.f32 v9, v19;
	[tilespmem:s12+$0xD6C0] =	vst v8  }
0xa79: {  	s14 =	simm.s32 $0x1C0;
	s13 =	simm.s32 $0x0;
	v8 =	vmax.f32 v15, v16;
	v9 =	vmax.f32 v63, v2;
	v2 =	vmax.f32 v13, v3;
	v3 =	vld.idx.msk [tilespmem:v27+s2+$0x0], $0xffff  }
.LBB2_48:
0xa7a: {  	s15 =	sshra.s32 s14, $0x2;
	v1 =	vmax.f32 v8, v1;
	v0 =	vld.idx.msk [tilespmem:v0+s2+$0x0], $0xffff  }
0xa7b: {  	s13 =	sadd.s32 $0x70, s13;
	v4 =	vmax.f32 v12, v4;
	v8 =	vld [tilespmem:s15+$0xABE0]  }
0xa7c: {  	p0 =	slt.u32 s13, $0x5B0;
	v4 =	vsub.f32 $1.000000000e+00, v4;
	v5 =	vmax.f32 v10, v5;
	v12 =	vld [tilespmem:s15+$0xB200]  }
0xa7d: {  	v5 =	vsub.f32 $1.000000000e+00, v5;
	v7 =	vmax.f32 v11, v7;
	v10 =	vld [tilespmem:s15+$0xB820]  }
0xa7e: {  	v6 =	vmax.f32 v9, v6;
	v11 =	vld [tilespmem:s15+$0xBE40];
	[tilespmem:s12+$0xD660] =	vst v4;
	v4 =	vsub.f32 $1.000000000e+00, v7  }
0xa7f: {  	v2 =	vmax.f32 v2, v3;
	v7 =	vld [tilespmem:s15+$0xAB80];
	[tilespmem:s12+$0xD670] =	vst v5;
	v5 =	vsub.f32 $1.000000000e+00, v6  }
0xa80: {  	v2 =	vsub.f32 $1.000000000e+00, v2;
	v0 =	vmax.f32 v1, v0;
	v3 =	vld [tilespmem:s15+$0xB1A0];
	[tilespmem:s12+$0xD680] =	vst v4  }
0xa81: {  	v0 =	vsub.f32 $1.000000000e+00, v0;
	v1 =	vld [tilespmem:s15+$0xAB90];
	[tilespmem:s12+$0xD690] =	vst v5  }
0xa82: {  	v4 =	vld [tilespmem:s15+$0xB1B0];
	[tilespmem:s12+$0xD6A0] =	vst v2  }
0xa83: {  	v2 =	vld.idx.msk [tilespmem:v8+s2+$0x0], $0xffff;
	[tilespmem:s12+$0xD6B0] =	vst v0;
	s12 =	smov.u32 s15  }
0xa84: {  	v0 =	vld.idx.msk [tilespmem:v12+s2+$0x0], $0xffff  }
0xa85: {  	v5 =	vld.idx.msk [tilespmem:v10+s2+$0x0], $0xffff  }
0xa86: {  	v6 =	vld.idx.msk [tilespmem:v11+s2+$0x0], $0xffff  }
0xa87: {  	v8 =	vld [tilespmem:s12+$0xABA0]  }
0xa88: {  	v9 =	vld [tilespmem:s12+$0xB1C0]  }
0xa89: {  	v10 =	vld [tilespmem:s12+$0xABB0]  }
0xa8a: {  	v0 =	vmax.f32 v2, v0;
	v11 =	vld [tilespmem:s12+$0xB1D0]  }
0xa8b: {  	v0 =	vmax.f32 v0, v5;
	v2 =	vld [tilespmem:s12+$0xABC0]  }
0xa8c: {  	v0 =	vmax.f32 v0, v6;
	v5 =	vld [tilespmem:s12+$0xB1E0]  }
0xa8d: {  	v0 =	vsub.f32 $1.000000000e+00, v0;
	v6 =	vld [tilespmem:s12+$0xABD0]  }
0xa8e: {  	v12 =	vld [tilespmem:s12+$0xB1F0]  }
0xa8f: {  	v13 =	vld [tilespmem:s12+$0xB7C0];
	[tilespmem:s12+$0xD6C0] =	vst v0  }
0xa90: {  	v14 =	vld [tilespmem:s12+$0xB7D0]  }
0xa91: {  	v15 =	vld [tilespmem:s12+$0xB7E0]  }
0xa92: {  	v16 =	vld [tilespmem:s12+$0xB7F0]  }
0xa93: {  	v17 =	vld [tilespmem:s12+$0xB800]  }
0xa94: {  	v18 =	vld [tilespmem:s12+$0xB810]  }
0xa95: {  	v19 =	vld [tilespmem:s12+$0xBDE0]  }
0xa96: {  	v20 =	vld [tilespmem:s12+$0xBDF0]  }
0xa97: {  	v21 =	vld [tilespmem:s12+$0xBE00]  }
0xa98: {  	v22 =	vld [tilespmem:s12+$0xBE10]  }
0xa99: {  	v23 =	vld [tilespmem:s12+$0xBE20]  }
0xa9a: {  	v0 =	vld [tilespmem:s12+$0xBE30]  }
0xa9b: {  	v7 =	vld.idx.msk [tilespmem:v7+s2+$0x0], $0xffff  }
0xa9c: {  	v3 =	vld.idx.msk [tilespmem:v3+s2+$0x0], $0xffff  }
0xa9d: {  	v1 =	vld.idx.msk [tilespmem:v1+s2+$0x0], $0xffff  }
0xa9e: {  	v4 =	vld.idx.msk [tilespmem:v4+s2+$0x0], $0xffff  }
0xa9f: {  	v8 =	vld.idx.msk [tilespmem:v8+s2+$0x0], $0xffff  }
0xaa0: {  	v9 =	vld.idx.msk [tilespmem:v9+s2+$0x0], $0xffff  }
0xaa1: {  	v10 =	vld.idx.msk [tilespmem:v10+s2+$0x0], $0xffff  }
0xaa2: {  	v3 =	vmax.f32 v7, v3;
	v7 =	vld.idx.msk [tilespmem:v11+s2+$0x0], $0xffff  }
0xaa3: {  	v2 =	vld.idx.msk [tilespmem:v2+s2+$0x0], $0xffff  }
0xaa4: {  	v11 =	vmax.f32 v1, v4;
	v1 =	vld.idx.msk [tilespmem:v5+s2+$0x0], $0xffff  }
0xaa5: {  	v4 =	vld.idx.msk [tilespmem:v6+s2+$0x0], $0xffff  }
0xaa6: {  	v6 =	vmax.f32 v8, v9;
	v5 =	vld.idx.msk [tilespmem:v12+s2+$0x0], $0xffff  }
0xaa7: {  	v9 =	vld.idx.msk [tilespmem:v13+s2+$0x0], $0xffff  }
0xaa8: {  	v13 =	vld.idx.msk [tilespmem:v14+s2+$0x0], $0xffff;
	v14 =	vmax.f32 v10, v7  }
0xaa9: {  	v7 =	vld.idx.msk [tilespmem:v15+s2+$0x0], $0xffff  }
0xaaa: {  	v2 =	vmax.f32 v2, v1;
	v15 =	vld.idx.msk [tilespmem:v16+s2+$0x0], $0xffff  }
0xaab: {  	v16 =	vld.idx.msk [tilespmem:v17+s2+$0x0], $0xffff  }
0xaac: {  	v8 =	vmax.f32 v4, v5;
	v1 =	vld.idx.msk [tilespmem:v18+s2+$0x0], $0xffff  }
.Ltmp23:
0xaad: {  	v12 =	vmax.f32 v3, v9;
	v4 =	vld.idx.msk [tilespmem:v19+s2+$0x0], $0xffff;
	(pc) =	sbr.rel @p0 .LBB2_48-.Ltmp23, $4  }
0xaae: {  	v10 =	vmax.f32 v11, v13;
	v5 =	vld.idx.msk [tilespmem:v20+s2+$0x0], $0xffff  }
0xaaf: {  	v11 =	vmax.f32 v6, v7;
	v7 =	vld.idx.msk [tilespmem:v21+s2+$0x0], $0xffff  }
0xab0: {  	v9 =	vmax.f32 v14, v15;
	v6 =	vld.idx.msk [tilespmem:v22+s2+$0x0], $0xffff  }
0xab1: {  	s14 =	sadd.s32 $0x1C0, s14;
	v2 =	vmax.f32 v2, v16;
	v3 =	vld.idx.msk [tilespmem:v23+s2+$0x0], $0xffff  }
0xab2: {  	_ =	sdelay $0x3  }
0xab3: {  	v0 =	vld.idx.msk [tilespmem:v0+s2+$0x0], $0xffff;
	v4 =	vmax.f32 v12, v4  }
0xab4: {  	v4 =	vsub.f32 $1.000000000e+00, v4;
	v5 =	vmax.f32 v10, v5  }
0xab5: {  	v5 =	vsub.f32 $1.000000000e+00, v5;
	v7 =	vmax.f32 v11, v7  }
0xab6: {  	[tilespmem:s12+$0xD660] =	vst v4;
	v62 =	vsub.f32 $1.000000000e+00, v7;
	v6 =	vmax.f32 v9, v6  }
0xab7: {  	v1 =	vmax.f32 v8, v1;
	[tilespmem:s12+$0xD670] =	vst v5;
	v63 =	vsub.f32 $1.000000000e+00, v6;
	v2 =	vmax.f32 v2, v3  }
0xab8: {  	[tilespmem:s12+$0xD680] =	vst v62;
	v2 =	vsub.f32 $1.000000000e+00, v2;
	v0 =	vmax.f32 v1, v0  }
0xab9: {  	[tilespmem:s12+$0xD690] =	vst v63;
	v0 =	vsub.f32 $1.000000000e+00, v0  }
0xaba: {  	[tilespmem:s12+$0xD6A0] =	vst v2  }
0xabb: {  	[tilespmem:s12+$0xD6B0] =	vst v0  }
0xabc: {  	s12 =	rddreg [dreg:$0x1c]  }
0xabd: {  	[hbm4b:s12+s2] =	stream.linear.scatter [tilespmem:s9], [sflag:$0x6], $0x620, $0x38;
	[tilespmem:$0xDC80] =	vst v63  }
0xabe: {  	_ =	swait.ge [sflag:s10], $0x620  }
0xabf: {  	[sflag:s10] =	ssyncset.done $0x0  }
0xac0: {  	[sflag:s10] =	ssyncadd.s32 $0xFFFFF9E0  }
0xac1: {  	_ =	swait.ge [sflag:s10], $0x620  }
0xac2: {  	[sflag:s10] =	ssyncset.done $0x0  }
0xac3: {  	[sflag:s10] =	ssyncadd.s32 $0xFFFFF9E0  }
0xac4: {  	_ =	swait.ge [sflag:s10], $0x620  }
0xac5: {  	[sflag:s10] =	ssyncset.done $0x0  }
0xac6: {  	[sflag:s10] =	ssyncadd.s32 $0xFFFFF9E0  }
0xac7: {  	_ =	swait.ge [sflag:s10], $0x620  }
0xac8: {  	s11 =	sadd.s32 $0x1, s11;
	s15 =	rddreg [dreg:$0x1d]  }
0xac9: {  	p0 =	sne.s32 s11, s15  }
.Ltmp24:
0xaca: {  	_ = 	snop;
	(pc) =	sbr.rel @p0 .LBB2_1-.Ltmp24, $3  }
0xacb: {  	_ =	sdelay $0x1  }
0xacc: {  	[sflag:s10] =	ssyncset.done $0x0  }
0xacd: {  	[sflag:s10] =	ssyncadd.s32 $0xFFFFF9E0  }
0xace: {  	_ =	sfence.sel $0x180000  }
0xacf: {  	[bflag:$0x0] =	sbarrier.arrive $0xFFFF  }
0xad0: {  	_ =	strace $0x90000047  }
0xad1: {  	s0 =	stileid.u32;
	[bflag:$0x2] =	sbarrier.arrive $0xFFFF  }
0xad2: {  	p0 =	sne.s32 s0, $0x0;
	s0 =	rddreg [dreg:$0x3]  }
0xad3: {  	s0 =	sadd.s32 @!p0 $0x100000, s0  }
0xad4: {  	[sflag:s0] =	ssyncadd.tile.s32 @!p0 $0x1;
	_ =	shalt  }
.Lfunc_end2:
_tile_overlayer_lowered:
.L_overlay_start_2:
0xad5: {  	(tag) =	ssettag $0x2  }
0xad6: {  	s0 =	rddreg [dreg:$0x0];
	s2 =	stileid.u32  }
0xad7: {  	s1 =	rddreg [dreg:$0x1];
	p0 =	sne.s32 s2, $0x0  }
0xad8: {  	s3 =	rddreg [dreg:$0x2];
	[bflag:$0x3] =	sbarrier.arrive $0xFFFF;
	s2 =	simm.s32 @!p0 $0x1C07  }
0xad9: {  	[timem:s3], [sflag:s2] =	dma.local @!p0 [hbm:s0], s1  }
0xada: {  	s0 =	simm.s32 @!p0 $0x7  }
0xadb: {  	_ =	swait.ge @!p0 [sflag:s0], s1  }
0xadc: {  	s1 =	ssub.s32 @!p0 $0x0, s1;
	[sflag:s0] =	ssyncset.done @!p0 $0x0  }
0xadd: {  	[sflag:s0] =	ssyncadd.s32 @!p0 s1  }
0xade: {  	[bflag:$0x3] =	sbarrier.arrive $0xFFFF  }
0xadf: {  	_ =	shalt  }

</sc_bundles>
